<compile_context>
chip_gen: v7x
topology: tpu7x:2x2x1
jax: 0.10.2.dev20260603
libtpu: 0.0.44.dev20260713+nightly
codegen_flags: <defaults>
</compile_context>

<pallas_src>
import functools

import jax
import jax.numpy as jnp
from jax import lax
from jax.experimental import pallas as pl
from jax.experimental.pallas import tpu as pltpu
from jax.experimental.pallas import tpu_sc as plsc

_L = 16
_CHUNK = 6144


def _edge_loss_partials(vplanes, v0, v1, num_cores, num_subcores):
    C, bs, V = vplanes.shape
    E = v0.shape[0]
    NW = num_cores * num_subcores
    bpw = bs // NW
    n_chunks = -(-E // _CHUNK)
    tail = E - (n_chunks - 1) * _CHUNK
    tail_vec = tail // _L
    tail_rem = tail - tail_vec * _L

    mesh = plsc.VectorSubcoreMesh(core_axis_name="c", subcore_axis_name="s")

    @functools.partial(
        pl.kernel,
        mesh=mesh,
        compiler_params=pltpu.CompilerParams(
            needs_layout_passes=False, use_tc_tiling_on_sc=True
        ),
        out_type=jax.ShapeDtypeStruct((NW, _L), jnp.float32),
        scratch_types=[
            pltpu.VMEM((bpw * C * V,), jnp.float32),
            pltpu.VMEM((_CHUNK,), jnp.int32),
            pltpu.VMEM((_CHUNK,), jnp.int32),
            pltpu.VMEM((_CHUNK,), jnp.int32),
            pltpu.VMEM((_CHUNK,), jnp.int32),
            pltpu.VMEM((_L,), jnp.float32),
            pltpu.SemaphoreType.DMA,
            pltpu.SemaphoreType.DMA,
            pltpu.SemaphoreType.DMA,
        ],
    )
    def edge_loss_sc(
        v_hbm, v0_hbm, v1_hbm, out_hbm,
        vert_v, i0a, i0b, i1a, i1b, acc_v, sem0, sem1, slab_sem
    ):
        i0_bufs = (i0a, i0b)
        i1_bufs = (i1a, i1b)
        wid = lax.axis_index("s") * num_cores + lax.axis_index("c")
        base = wid * bpw
        sems = (sem0, sem1)

        split = min(2, n_chunks // 2)
        if bpw == 2:
            sched = (
                [(k, (0,)) for k in range(split)]
                + [(k, tuple(range(bpw))) for k in range(split, n_chunks)]
                + [(k, (1,)) for k in range(split)]
            )
        else:
            sched = [(k, (b,)) for b in range(bpw) for k in range(n_chunks)]
        n_steps = len(sched)

        def issue(s):
            k = sched[s][0]
            p = s % 2
            n = _CHUNK if k < n_chunks - 1 else tail
            h0 = pltpu.async_copy(
                v0_hbm.at[pl.ds(k * _CHUNK, n)],
                i0_bufs[p].at[pl.ds(0, n)],
                sems[p],
            )
            h1 = pltpu.async_copy(
                v1_hbm.at[pl.ds(k * _CHUNK, n)],
                i1_bufs[p].at[pl.ds(0, n)],
                sems[p],
            )
            return h0, h1

        pending = {0: issue(0)}
        slabs = []
        for b in range(bpw):
            slabs.append([
                pltpu.async_copy(
                    v_hbm.at[c, base + b],
                    vert_v.at[pl.ds((b * C + c) * V, V)],
                    slab_sem,
                )
                for c in range(C)
            ])

        accs = [jnp.zeros((_L,), jnp.float32)] * (bpw * 3)
        waited = [False] * bpw
        for s in range(n_steps):
            k, bats = sched[s]
            p = s % 2
            for b in bats:
                if not waited[b]:
                    for h in slabs[b]:
                        h.wait()
                    waited[b] = True
            h0, h1 = pending.pop(s)
            h0.wait()
            h1.wait()
            if s + 1 < n_steps:
                pending[s + 1] = issue(s + 1)

            def body(j, accs):
                accs = list(accs)
                i0 = i0_bufs[p][pl.ds(j * _L, _L)]
                i1 = i1_bufs[p][pl.ds(j * _L, _L)]
                for b in bats:
                    for c in range(3):
                        off = (b * C + c) * V
                        a = plsc.load_gather(vert_v, [i0 + off])
                        bb = plsc.load_gather(vert_v, [i1 + off])
                        d = a - bb
                        accs[b * 3 + c] = accs[b * 3 + c] + d * d
                return tuple(accs)

            is_tail = k == n_chunks - 1
            n_vec = tail_vec if is_tail else _CHUNK // _L
            accs = lax.fori_loop(0, n_vec, body, tuple(accs), unroll=4)

            if is_tail and tail_rem:
                accs = list(accs)
                msk = lax.iota(jnp.int32, _L) < tail_rem
                i0 = jnp.where(msk, i0_bufs[p][pl.ds(tail_vec * _L, _L)], 0)
                i1 = jnp.where(msk, i1_bufs[p][pl.ds(tail_vec * _L, _L)], 0)
                for b in bats:
                    for c in range(3):
                        off = (b * C + c) * V
                        a = plsc.load_gather(vert_v, [i0 + off])
                        bb = plsc.load_gather(vert_v, [i1 + off])
                        d = jnp.where(msk, a - bb, 0.0)
                        accs[b * 3 + c] = accs[b * 3 + c] + d * d
                accs = tuple(accs)

        total = accs[0]
        for a in accs[1:]:
            total = total + a
        acc_v[...] = total
        pltpu.sync_copy(acc_v, out_hbm.at[wid])

    return edge_loss_sc(vplanes, v0, v1)


def kernel(vertices, v0, v1):
    bs, V, C = vertices.shape
    E = v0.shape[0]
    info = plsc.get_sparse_core_info()
    partials = _edge_loss_partials(
        jnp.moveaxis(vertices, 2, 0),
        v0.astype(jnp.int32), v1.astype(jnp.int32),
        info.num_cores, info.num_subcores,
    )
    return (partials.sum() / (E * bs)).astype(jnp.float32)

# --- scband reference (transcript-rebuilt; emitter-appended) ---
"""Pipeline reference for scband-edge-loss-66400194396518 (READ-ONLY COPY).

The authoritative reference and input builder live on the scoring server;
editing this copy changes nothing except your own understanding.
"""

import jax, jax.numpy as jnp
import numpy as np

PATCH = 128


def make_faces(h, w):
    idx = np.arange(h * w).reshape(h, w)
    f1 = np.stack([idx[:-1, :-1], idx[1:, :-1], idx[:-1, 1:]], axis=-1).reshape(-1, 3)
    f2 = np.stack([idx[:-1, 1:], idx[1:, :-1], idx[1:, 1:]], axis=-1).reshape(-1, 3)
    return np.concatenate([f1, f2], axis=0)


def _grid_edges(p):
    faces = make_faces(p, p)
    e = np.concatenate([faces[:, [0, 1]], faces[:, [1, 2]], faces[:, [0, 2]]], axis=0)
    e = np.sort(e, axis=1)
    e = np.unique(e, axis=0)
    return e[:, 0].astype(np.int32), e[:, 1].astype(np.int32)


def setup_inputs(seed: int = 0) -> dict:
    key = jax.random.key(seed)
    v0, v1 = _grid_edges(PATCH)
    vertices = jax.random.normal(key, (64, PATCH * PATCH, 3), dtype=jnp.float32)
    return {"vertices": vertices, "v0": jnp.asarray(v0), "v1": jnp.asarray(v1)}


def reference(vertices, v0, v1):
    # faithful translation of EdgeLoss.forward (target_length=0)
    bs = vertices.shape[0]
    no_edges = v0.shape[0] * bs
    a = jnp.take(vertices, v0, axis=1)
    b = jnp.take(vertices, v1, axis=1)
    # NOTE: original torch code takes the norm over dim=1 (the edge dimension),
    # producing a [bs, 3] tensor; we reproduce that exactly.
    loss = (jnp.linalg.norm(a - b, ord=2, axis=1) - 0.0) ** 2.0
    return loss.sum() / no_edges

if __name__ == "__main__":
    import jax
    _d = setup_inputs()
    print(jax.jit(kernel)(*tuple(_d.values())))

</pallas_src>

<mosaic_0001>
#map = affine_map<(d0, d1) -> (0, 0, 0)>
#map1 = affine_map<(d0, d1) -> (0)>
#map2 = affine_map<(d0, d1) -> (0, 0)>
module attributes {stable_mosaic.version = 14 : i64} {
  func.func @edge_loss_sc(%arg0: i32, %arg1: i32, %arg2: memref<3x64x16384xf32, #tpu.memory_space<hbm>>, %arg3: memref<48641xi32, #tpu.memory_space<hbm>>, %arg4: memref<48641xi32, #tpu.memory_space<hbm>>, %arg5: memref<32x16xf32, #tpu.memory_space<hbm>>, %arg6: memref<98304xf32, #tpu.memory_space<vmem>>, %arg7: memref<6144xi32, #tpu.memory_space<vmem>>, %arg8: memref<6144xi32, #tpu.memory_space<vmem>>, %arg9: memref<6144xi32, #tpu.memory_space<vmem>>, %arg10: memref<6144xi32, #tpu.memory_space<vmem>>, %arg11: memref<16xf32, #tpu.memory_space<vmem>>, %arg12: memref<!tpu.dma_semaphore, #tpu.memory_space<semaphore_mem>>, %arg13: memref<!tpu.dma_semaphore, #tpu.memory_space<semaphore_mem>>, %arg14: memref<!tpu.dma_semaphore, #tpu.memory_space<semaphore_mem>>) attributes {dimension_semantics = [#tpu.dimension_semantics<core_parallel>, #tpu.dimension_semantics<subcore_parallel>], iteration_bounds = array<i64: 2, 16>, scalar_prefetch = 0 : i64, scratch_operands = 9 : i64, tpu.core_type = #tpu.core_type<sc_vector_subcore>, window_params = [{transform_indices = #map}, {transform_indices = #map1}, {transform_indices = #map1}, {transform_indices = #map2}]} {
    %mul3A = arith.constant 2 : i32
    %mul3A_0 = arith.muli %arg1, %mul3A : i32
    %add3A = arith.addi %mul3A_0, %arg0 : i32
    %mul3A_1 = arith.constant 2 : i32
    %mul3A_2 = arith.muli %add3A, %mul3A_1 : i32
    %dma_start3A = arith.constant 0 : i32
    %dma_start3A_3 = tpu.memref_slice %arg7[%dma_start3A] : memref<6144xi32, #tpu.memory_space<vmem>> -> memref<6144xi32, #tpu.memory_space<vmem>>
    %dma_start3A_4 = arith.constant 0 : i32
    %dma_start3A_5 = tpu.memref_slice %arg3[%dma_start3A_4] : memref<48641xi32, #tpu.memory_space<hbm>> -> memref<6144xi32, #tpu.memory_space<hbm>>
    %dma_start3A_6 = arith.constant 0 : i32
    %dma_start3A_7 = tpu.memref_slice %arg7[%dma_start3A_6] : memref<6144xi32, #tpu.memory_space<vmem>> -> memref<6144xi32, #tpu.memory_space<vmem>>
    %dma_start3A_8 = arith.constant 0 : i32
    %dma_start3A_9 = tpu.memref_slice %arg3[%dma_start3A_8] : memref<48641xi32, #tpu.memory_space<hbm>> -> memref<6144xi32, #tpu.memory_space<hbm>>
    tpu.enqueue_dma source(%dma_start3A_9 : memref<6144xi32, #tpu.memory_space<hbm>>) target(%dma_start3A_7 : memref<6144xi32, #tpu.memory_space<vmem>>) target_semaphore(%arg12 : memref<!tpu.dma_semaphore, #tpu.memory_space<semaphore_mem>>)
    %dma_start3A_10 = arith.constant 0 : i32
    %dma_start3A_11 = tpu.memref_slice %arg9[%dma_start3A_10] : memref<6144xi32, #tpu.memory_space<vmem>> -> memref<6144xi32, #tpu.memory_space<vmem>>
    %dma_start3A_12 = arith.constant 0 : i32
    %dma_start3A_13 = tpu.memref_slice %arg4[%dma_start3A_12] : memref<48641xi32, #tpu.memory_space<hbm>> -> memref<6144xi32, #tpu.memory_space<hbm>>
    %dma_start3A_14 = arith.constant 0 : i32
    %dma_start3A_15 = tpu.memref_slice %arg9[%dma_start3A_14] : memref<6144xi32, #tpu.memory_space<vmem>> -> memref<6144xi32, #tpu.memory_space<vmem>>
    %dma_start3A_16 = arith.constant 0 : i32
    %dma_start3A_17 = tpu.memref_slice %arg4[%dma_start3A_16] : memref<48641xi32, #tpu.memory_space<hbm>> -> memref<6144xi32, #tpu.memory_space<hbm>>
    tpu.enqueue_dma source(%dma_start3A_17 : memref<6144xi32, #tpu.memory_space<hbm>>) target(%dma_start3A_15 : memref<6144xi32, #tpu.memory_space<vmem>>) target_semaphore(%arg12 : memref<!tpu.dma_semaphore, #tpu.memory_space<semaphore_mem>>)
    %add3A_18 = arith.constant 0 : i32
    %add3A_19 = arith.addi %mul3A_2, %add3A_18 : i32
    %dma_start3A_20 = arith.constant 0 : i32
    %dma_start3A_21 = arith.constant 0 : i32
    %dma_start3A_22 = tpu.memref_slice %arg6[%dma_start3A_21] : memref<98304xf32, #tpu.memory_space<vmem>> -> memref<16384xf32, #tpu.memory_space<vmem>>
    %dma_start3A_23 = arith.constant 0 : i32
    %dma_start3A_24 = tpu.memref_slice %arg2[%dma_start3A_20, %add3A_19, %dma_start3A_23] : memref<3x64x16384xf32, #tpu.memory_space<hbm>> -> memref<1x1x16384xf32, #tpu.memory_space<hbm>>
    %dma_start3A_25 = tpu.memref_squeeze %dma_start3A_24 : memref<1x1x16384xf32, #tpu.memory_space<hbm>> -> memref<16384xf32, #tpu.memory_space<hbm>>
    %dma_start3A_26 = arith.constant 0 : i32
    %dma_start3A_27 = tpu.memref_slice %arg6[%dma_start3A_26] : memref<98304xf32, #tpu.memory_space<vmem>> -> memref<16384xf32, #tpu.memory_space<vmem>>
    %dma_start3A_28 = arith.constant 0 : i32
    %dma_start3A_29 = tpu.memref_slice %arg2[%dma_start3A_20, %add3A_19, %dma_start3A_28] : memref<3x64x16384xf32, #tpu.memory_space<hbm>> -> memref<1x1x16384xf32, #tpu.memory_space<hbm>>
    %dma_start3A_30 = tpu.memref_squeeze %dma_start3A_29 : memref<1x1x16384xf32, #tpu.memory_space<hbm>> -> memref<16384xf32, #tpu.memory_space<hbm>>
    tpu.enqueue_dma source(%dma_start3A_30 : memref<16384xf32, #tpu.memory_space<hbm>>) target(%dma_start3A_27 : memref<16384xf32, #tpu.memory_space<vmem>>) target_semaphore(%arg14 : memref<!tpu.dma_semaphore, #tpu.memory_space<semaphore_mem>>)
    %add3A_31 = arith.constant 0 : i32
    %add3A_32 = arith.addi %mul3A_2, %add3A_31 : i32
    %dma_start3A_33 = arith.constant 1 : i32
    %dma_start3A_34 = arith.constant 16384 : i32
    %dma_start3A_35 = tpu.memref_slice %arg6[%dma_start3A_34] : memref<98304xf32, #tpu.memory_space<vmem>> -> memref<16384xf32, #tpu.memory_space<vmem>>
    %dma_start3A_36 = arith.constant 0 : i32
    %dma_start3A_37 = tpu.memref_slice %arg2[%dma_start3A_33, %add3A_32, %dma_start3A_36] : memref<3x64x16384xf32, #tpu.memory_space<hbm>> -> memref<1x1x16384xf32, #tpu.memory_space<hbm>>
    %dma_start3A_38 = tpu.memref_squeeze %dma_start3A_37 : memref<1x1x16384xf32, #tpu.memory_space<hbm>> -> memref<16384xf32, #tpu.memory_space<hbm>>
    %dma_start3A_39 = arith.constant 16384 : i32
    %dma_start3A_40 = tpu.memref_slice %arg6[%dma_start3A_39] : memref<98304xf32, #tpu.memory_space<vmem>> -> memref<16384xf32, #tpu.memory_space<vmem>>
    %dma_start3A_41 = arith.constant 0 : i32
    %dma_start3A_42 = tpu.memref_slice %arg2[%dma_start3A_33, %add3A_32, %dma_start3A_41] : memref<3x64x16384xf32, #tpu.memory_space<hbm>> -> memref<1x1x16384xf32, #tpu.memory_space<hbm>>
    %dma_start3A_43 = tpu.memref_squeeze %dma_start3A_42 : memref<1x1x16384xf32, #tpu.memory_space<hbm>> -> memref<16384xf32, #tpu.memory_space<hbm>>
    tpu.enqueue_dma source(%dma_start3A_43 : memref<16384xf32, #tpu.memory_space<hbm>>) target(%dma_start3A_40 : memref<16384xf32, #tpu.memory_space<vmem>>) target_semaphore(%arg14 : memref<!tpu.dma_semaphore, #tpu.memory_space<semaphore_mem>>)
    %add3A_44 = arith.constant 0 : i32
    %add3A_45 = arith.addi %mul3A_2, %add3A_44 : i32
    %dma_start3A_46 = arith.constant 2 : i32
    %dma_start3A_47 = arith.constant 32768 : i32
    %dma_start3A_48 = tpu.memref_slice %arg6[%dma_start3A_47] : memref<98304xf32, #tpu.memory_space<vmem>> -> memref<16384xf32, #tpu.memory_space<vmem>>
    %dma_start3A_49 = arith.constant 0 : i32
    %dma_start3A_50 = tpu.memref_slice %arg2[%dma_start3A_46, %add3A_45, %dma_start3A_49] : memref<3x64x16384xf32, #tpu.memory_space<hbm>> -> memref<1x1x16384xf32, #tpu.memory_space<hbm>>
    %dma_start3A_51 = tpu.memref_squeeze %dma_start3A_50 : memref<1x1x16384xf32, #tpu.memory_space<hbm>> -> memref<16384xf32, #tpu.memory_space<hbm>>
    %dma_start3A_52 = arith.constant 32768 : i32
    %dma_start3A_53 = tpu.memref_slice %arg6[%dma_start3A_52] : memref<98304xf32, #tpu.memory_space<vmem>> -> memref<16384xf32, #tpu.memory_space<vmem>>
    %dma_start3A_54 = arith.constant 0 : i32
    %dma_start3A_55 = tpu.memref_slice %arg2[%dma_start3A_46, %add3A_45, %dma_start3A_54] : memref<3x64x16384xf32, #tpu.memory_space<hbm>> -> memref<1x1x16384xf32, #tpu.memory_space<hbm>>
    %dma_start3A_56 = tpu.memref_squeeze %dma_start3A_55 : memref<1x1x16384xf32, #tpu.memory_space<hbm>> -> memref<16384xf32, #tpu.memory_space<hbm>>
    tpu.enqueue_dma source(%dma_start3A_56 : memref<16384xf32, #tpu.memory_space<hbm>>) target(%dma_start3A_53 : memref<16384xf32, #tpu.memory_space<vmem>>) target_semaphore(%arg14 : memref<!tpu.dma_semaphore, #tpu.memory_space<semaphore_mem>>)
    %add3A_57 = arith.constant 1 : i32
    %add3A_58 = arith.addi %mul3A_2, %add3A_57 : i32
    %dma_start3A_59 = arith.constant 0 : i32
    %dma_start3A_60 = arith.constant 49152 : i32
    %dma_start3A_61 = tpu.memref_slice %arg6[%dma_start3A_60] : memref<98304xf32, #tpu.memory_space<vmem>> -> memref<16384xf32, #tpu.memory_space<vmem>>
    %dma_start3A_62 = arith.constant 0 : i32
    %dma_start3A_63 = tpu.memref_slice %arg2[%dma_start3A_59, %add3A_58, %dma_start3A_62] : memref<3x64x16384xf32, #tpu.memory_space<hbm>> -> memref<1x1x16384xf32, #tpu.memory_space<hbm>>
    %dma_start3A_64 = tpu.memref_squeeze %dma_start3A_63 : memref<1x1x16384xf32, #tpu.memory_space<hbm>> -> memref<16384xf32, #tpu.memory_space<hbm>>
    %dma_start3A_65 = arith.constant 49152 : i32
    %dma_start3A_66 = tpu.memref_slice %arg6[%dma_start3A_65] : memref<98304xf32, #tpu.memory_space<vmem>> -> memref<16384xf32, #tpu.memory_space<vmem>>
    %dma_start3A_67 = arith.constant 0 : i32
    %dma_start3A_68 = tpu.memref_slice %arg2[%dma_start3A_59, %add3A_58, %dma_start3A_67] : memref<3x64x16384xf32, #tpu.memory_space<hbm>> -> memref<1x1x16384xf32, #tpu.memory_space<hbm>>
    %dma_start3A_69 = tpu.memref_squeeze %dma_start3A_68 : memref<1x1x16384xf32, #tpu.memory_space<hbm>> -> memref<16384xf32, #tpu.memory_space<hbm>>
    tpu.enqueue_dma source(%dma_start3A_69 : memref<16384xf32, #tpu.memory_space<hbm>>) target(%dma_start3A_66 : memref<16384xf32, #tpu.memory_space<vmem>>) target_semaphore(%arg14 : memref<!tpu.dma_semaphore, #tpu.memory_space<semaphore_mem>>)
    %add3A_70 = arith.constant 1 : i32
    %add3A_71 = arith.addi %mul3A_2, %add3A_70 : i32
    %dma_start3A_72 = arith.constant 1 : i32
    %dma_start3A_73 = arith.constant 65536 : i32
    %dma_start3A_74 = tpu.memref_slice %arg6[%dma_start3A_73] : memref<98304xf32, #tpu.memory_space<vmem>> -> memref<16384xf32, #tpu.memory_space<vmem>>
    %dma_start3A_75 = arith.constant 0 : i32
    %dma_start3A_76 = tpu.memref_slice %arg2[%dma_start3A_72, %add3A_71, %dma_start3A_75] : memref<3x64x16384xf32, #tpu.memory_space<hbm>> -> memref<1x1x16384xf32, #tpu.memory_space<hbm>>
    %dma_start3A_77 = tpu.memref_squeeze %dma_start3A_76 : memref<1x1x16384xf32, #tpu.memory_space<hbm>> -> memref<16384xf32, #tpu.memory_space<hbm>>
    %dma_start3A_78 = arith.constant 65536 : i32
    %dma_start3A_79 = tpu.memref_slice %arg6[%dma_start3A_78] : memref<98304xf32, #tpu.memory_space<vmem>> -> memref<16384xf32, #tpu.memory_space<vmem>>
    %dma_start3A_80 = arith.constant 0 : i32
    %dma_start3A_81 = tpu.memref_slice %arg2[%dma_start3A_72, %add3A_71, %dma_start3A_80] : memref<3x64x16384xf32, #tpu.memory_space<hbm>> -> memref<1x1x16384xf32, #tpu.memory_space<hbm>>
    %dma_start3A_82 = tpu.memref_squeeze %dma_start3A_81 : memref<1x1x16384xf32, #tpu.memory_space<hbm>> -> memref<16384xf32, #tpu.memory_space<hbm>>
    tpu.enqueue_dma source(%dma_start3A_82 : memref<16384xf32, #tpu.memory_space<hbm>>) target(%dma_start3A_79 : memref<16384xf32, #tpu.memory_space<vmem>>) target_semaphore(%arg14 : memref<!tpu.dma_semaphore, #tpu.memory_space<semaphore_mem>>)
    %add3A_83 = arith.constant 1 : i32
    %add3A_84 = arith.addi %mul3A_2, %add3A_83 : i32
    %dma_start3A_85 = arith.constant 2 : i32
    %dma_start3A_86 = arith.constant 81920 : i32
    %dma_start3A_87 = tpu.memref_slice %arg6[%dma_start3A_86] : memref<98304xf32, #tpu.memory_space<vmem>> -> memref<16384xf32, #tpu.memory_space<vmem>>
    %dma_start3A_88 = arith.constant 0 : i32
    %dma_start3A_89 = tpu.memref_slice %arg2[%dma_start3A_85, %add3A_84, %dma_start3A_88] : memref<3x64x16384xf32, #tpu.memory_space<hbm>> -> memref<1x1x16384xf32, #tpu.memory_space<hbm>>
    %dma_start3A_90 = tpu.memref_squeeze %dma_start3A_89 : memref<1x1x16384xf32, #tpu.memory_space<hbm>> -> memref<16384xf32, #tpu.memory_space<hbm>>
    %dma_start3A_91 = arith.constant 81920 : i32
    %dma_start3A_92 = tpu.memref_slice %arg6[%dma_start3A_91] : memref<98304xf32, #tpu.memory_space<vmem>> -> memref<16384xf32, #tpu.memory_space<vmem>>
    %dma_start3A_93 = arith.constant 0 : i32
    %dma_start3A_94 = tpu.memref_slice %arg2[%dma_start3A_85, %add3A_84, %dma_start3A_93] : memref<3x64x16384xf32, #tpu.memory_space<hbm>> -> memref<1x1x16384xf32, #tpu.memory_space<hbm>>
    %dma_start3A_95 = tpu.memref_squeeze %dma_start3A_94 : memref<1x1x16384xf32, #tpu.memory_space<hbm>> -> memref<16384xf32, #tpu.memory_space<hbm>>
    tpu.enqueue_dma source(%dma_start3A_95 : memref<16384xf32, #tpu.memory_space<hbm>>) target(%dma_start3A_92 : memref<16384xf32, #tpu.memory_space<vmem>>) target_semaphore(%arg14 : memref<!tpu.dma_semaphore, #tpu.memory_space<semaphore_mem>>)
    %broadcast_in_dim3A = arith.constant 0.000000e+00 : f32
    %broadcast_in_dim3A_96 = vector.broadcast %broadcast_in_dim3A : f32 to vector<16xf32>
    %dma_wait3A = arith.constant 0 : i32
    %dma_wait3A_97 = arith.constant 0 : i32
    %dma_wait3A_98 = tpu.memref_slice %arg6[%dma_wait3A_97] : memref<98304xf32, #tpu.memory_space<vmem>> -> memref<16384xf32, #tpu.memory_space<vmem>>
    %dma_wait3A_99 = arith.constant 0 : i32
    %dma_wait3A_100 = tpu.memref_slice %arg2[%dma_wait3A, %add3A_19, %dma_wait3A_99] : memref<3x64x16384xf32, #tpu.memory_space<hbm>> -> memref<1x1x16384xf32, #tpu.memory_space<hbm>>
    %dma_wait3A_101 = tpu.memref_squeeze %dma_wait3A_100 : memref<1x1x16384xf32, #tpu.memory_space<hbm>> -> memref<16384xf32, #tpu.memory_space<hbm>>
    %dma_wait3A_102 = arith.constant 0 : i32
    %dma_wait3A_103 = tpu.memref_slice %arg6[%dma_wait3A_102] : memref<98304xf32, #tpu.memory_space<vmem>> -> memref<16384xf32, #tpu.memory_space<vmem>>
    %dma_wait3A_104 = arith.constant 0 : i32
    %dma_wait3A_105 = tpu.memref_slice %arg2[%dma_wait3A, %add3A_19, %dma_wait3A_104] : memref<3x64x16384xf32, #tpu.memory_space<hbm>> -> memref<1x1x16384xf32, #tpu.memory_space<hbm>>
    %dma_wait3A_106 = tpu.memref_squeeze %dma_wait3A_105 : memref<1x1x16384xf32, #tpu.memory_space<hbm>> -> memref<16384xf32, #tpu.memory_space<hbm>>
    tpu.wait_dma2 semaphore(%arg14 : memref<!tpu.dma_semaphore, #tpu.memory_space<semaphore_mem>>) src(%dma_wait3A_106 : memref<16384xf32, #tpu.memory_space<hbm>>) dst(%dma_wait3A_103 : memref<16384xf32, #tpu.memory_space<vmem>>)
    %dma_wait3A_107 = arith.constant 1 : i32
    %dma_wait3A_108 = arith.constant 16384 : i32
    %dma_wait3A_109 = tpu.memref_slice %arg6[%dma_wait3A_108] : memref<98304xf32, #tpu.memory_space<vmem>> -> memref<16384xf32, #tpu.memory_space<vmem>>
    %dma_wait3A_110 = arith.constant 0 : i32
    %dma_wait3A_111 = tpu.memref_slice %arg2[%dma_wait3A_107, %add3A_32, %dma_wait3A_110] : memref<3x64x16384xf32, #tpu.memory_space<hbm>> -> memref<1x1x16384xf32, #tpu.memory_space<hbm>>
    %dma_wait3A_112 = tpu.memref_squeeze %dma_wait3A_111 : memref<1x1x16384xf32, #tpu.memory_space<hbm>> -> memref<16384xf32, #tpu.memory_space<hbm>>
    %dma_wait3A_113 = arith.constant 16384 : i32
    %dma_wait3A_114 = tpu.memref_slice %arg6[%dma_wait3A_113] : memref<98304xf32, #tpu.memory_space<vmem>> -> memref<16384xf32, #tpu.memory_space<vmem>>
    %dma_wait3A_115 = arith.constant 0 : i32
    %dma_wait3A_116 = tpu.memref_slice %arg2[%dma_wait3A_107, %add3A_32, %dma_wait3A_115] : memref<3x64x16384xf32, #tpu.memory_space<hbm>> -> memref<1x1x16384xf32, #tpu.memory_space<hbm>>
    %dma_wait3A_117 = tpu.memref_squeeze %dma_wait3A_116 : memref<1x1x16384xf32, #tpu.memory_space<hbm>> -> memref<16384xf32, #tpu.memory_space<hbm>>
    tpu.wait_dma2 semaphore(%arg14 : memref<!tpu.dma_semaphore, #tpu.memory_space<semaphore_mem>>) src(%dma_wait3A_117 : memref<16384xf32, #tpu.memory_space<hbm>>) dst(%dma_wait3A_114 : memref<16384xf32, #tpu.memory_space<vmem>>)
    %dma_wait3A_118 = arith.constant 2 : i32
    %dma_wait3A_119 = arith.constant 32768 : i32
    %dma_wait3A_120 = tpu.memref_slice %arg6[%dma_wait3A_119] : memref<98304xf32, #tpu.memory_space<vmem>> -> memref<16384xf32, #tpu.memory_space<vmem>>
    %dma_wait3A_121 = arith.constant 0 : i32
    %dma_wait3A_122 = tpu.memref_slice %arg2[%dma_wait3A_118, %add3A_45, %dma_wait3A_121] : memref<3x64x16384xf32, #tpu.memory_space<hbm>> -> memref<1x1x16384xf32, #tpu.memory_space<hbm>>
    %dma_wait3A_123 = tpu.memref_squeeze %dma_wait3A_122 : memref<1x1x16384xf32, #tpu.memory_space<hbm>> -> memref<16384xf32, #tpu.memory_space<hbm>>
    %dma_wait3A_124 = arith.constant 32768 : i32
    %dma_wait3A_125 = tpu.memref_slice %arg6[%dma_wait3A_124] : memref<98304xf32, #tpu.memory_space<vmem>> -> memref<16384xf32, #tpu.memory_space<vmem>>
    %dma_wait3A_126 = arith.constant 0 : i32
    %dma_wait3A_127 = tpu.memref_slice %arg2[%dma_wait3A_118, %add3A_45, %dma_wait3A_126] : memref<3x64x16384xf32, #tpu.memory_space<hbm>> -> memref<1x1x16384xf32, #tpu.memory_space<hbm>>
    %dma_wait3A_128 = tpu.memref_squeeze %dma_wait3A_127 : memref<1x1x16384xf32, #tpu.memory_space<hbm>> -> memref<16384xf32, #tpu.memory_space<hbm>>
    tpu.wait_dma2 semaphore(%arg14 : memref<!tpu.dma_semaphore, #tpu.memory_space<semaphore_mem>>) src(%dma_wait3A_128 : memref<16384xf32, #tpu.memory_space<hbm>>) dst(%dma_wait3A_125 : memref<16384xf32, #tpu.memory_space<vmem>>)
    %dma_wait3A_129 = arith.constant 0 : i32
    %dma_wait3A_130 = tpu.memref_slice %arg7[%dma_wait3A_129] : memref<6144xi32, #tpu.memory_space<vmem>> -> memref<6144xi32, #tpu.memory_space<vmem>>
    %dma_wait3A_131 = arith.constant 0 : i32
    %dma_wait3A_132 = tpu.memref_slice %arg3[%dma_wait3A_131] : memref<48641xi32, #tpu.memory_space<hbm>> -> memref<6144xi32, #tpu.memory_space<hbm>>
    %dma_wait3A_133 = arith.constant 0 : i32
    %dma_wait3A_134 = tpu.memref_slice %arg7[%dma_wait3A_133] : memref<6144xi32, #tpu.memory_space<vmem>> -> memref<6144xi32, #tpu.memory_space<vmem>>
    %dma_wait3A_135 = arith.constant 0 : i32
    %dma_wait3A_136 = tpu.memref_slice %arg3[%dma_wait3A_135] : memref<48641xi32, #tpu.memory_space<hbm>> -> memref<6144xi32, #tpu.memory_space<hbm>>
    tpu.wait_dma2 semaphore(%arg12 : memref<!tpu.dma_semaphore, #tpu.memory_space<semaphore_mem>>) src(%dma_wait3A_136 : memref<6144xi32, #tpu.memory_space<hbm>>) dst(%dma_wait3A_134 : memref<6144xi32, #tpu.memory_space<vmem>>)
    %dma_wait3A_137 = arith.constant 0 : i32
    %dma_wait3A_138 = tpu.memref_slice %arg9[%dma_wait3A_137] : memref<6144xi32, #tpu.memory_space<vmem>> -> memref<6144xi32, #tpu.memory_space<vmem>>
    %dma_wait3A_139 = arith.constant 0 : i32
    %dma_wait3A_140 = tpu.memref_slice %arg4[%dma_wait3A_139] : memref<48641xi32, #tpu.memory_space<hbm>> -> memref<6144xi32, #tpu.memory_space<hbm>>
    %dma_wait3A_141 = arith.constant 0 : i32
    %dma_wait3A_142 = tpu.memref_slice %arg9[%dma_wait3A_141] : memref<6144xi32, #tpu.memory_space<vmem>> -> memref<6144xi32, #tpu.memory_space<vmem>>
    %dma_wait3A_143 = arith.constant 0 : i32
    %dma_wait3A_144 = tpu.memref_slice %arg4[%dma_wait3A_143] : memref<48641xi32, #tpu.memory_space<hbm>> -> memref<6144xi32, #tpu.memory_space<hbm>>
    tpu.wait_dma2 semaphore(%arg12 : memref<!tpu.dma_semaphore, #tpu.memory_space<semaphore_mem>>) src(%dma_wait3A_144 : memref<6144xi32, #tpu.memory_space<hbm>>) dst(%dma_wait3A_142 : memref<6144xi32, #tpu.memory_space<vmem>>)
    %dma_start3A_145 = arith.constant 0 : i32
    %dma_start3A_146 = tpu.memref_slice %arg8[%dma_start3A_145] : memref<6144xi32, #tpu.memory_space<vmem>> -> memref<6144xi32, #tpu.memory_space<vmem>>
    %dma_start3A_147 = arith.constant 6144 : i32
    %dma_start3A_148 = tpu.memref_slice %arg3[%dma_start3A_147] : memref<48641xi32, #tpu.memory_space<hbm>> -> memref<6144xi32, #tpu.memory_space<hbm>>
    %dma_start3A_149 = arith.constant 0 : i32
    %dma_start3A_150 = tpu.memref_slice %arg8[%dma_start3A_149] : memref<6144xi32, #tpu.memory_space<vmem>> -> memref<6144xi32, #tpu.memory_space<vmem>>
    %dma_start3A_151 = arith.constant 6144 : i32
    %dma_start3A_152 = tpu.memref_slice %arg3[%dma_start3A_151] : memref<48641xi32, #tpu.memory_space<hbm>> -> memref<6144xi32, #tpu.memory_space<hbm>>
    tpu.enqueue_dma source(%dma_start3A_152 : memref<6144xi32, #tpu.memory_space<hbm>>) target(%dma_start3A_150 : memref<6144xi32, #tpu.memory_space<vmem>>) target_semaphore(%arg13 : memref<!tpu.dma_semaphore, #tpu.memory_space<semaphore_mem>>)
    %dma_start3A_153 = arith.constant 0 : i32
    %dma_start3A_154 = tpu.memref_slice %arg10[%dma_start3A_153] : memref<6144xi32, #tpu.memory_space<vmem>> -> memref<6144xi32, #tpu.memory_space<vmem>>
    %dma_start3A_155 = arith.constant 6144 : i32
    %dma_start3A_156 = tpu.memref_slice %arg4[%dma_start3A_155] : memref<48641xi32, #tpu.memory_space<hbm>> -> memref<6144xi32, #tpu.memory_space<hbm>>
    %dma_start3A_157 = arith.constant 0 : i32
    %dma_start3A_158 = tpu.memref_slice %arg10[%dma_start3A_157] : memref<6144xi32, #tpu.memory_space<vmem>> -> memref<6144xi32, #tpu.memory_space<vmem>>
    %dma_start3A_159 = arith.constant 6144 : i32
    %dma_start3A_160 = tpu.memref_slice %arg4[%dma_start3A_159] : memref<48641xi32, #tpu.memory_space<hbm>> -> memref<6144xi32, #tpu.memory_space<hbm>>
    tpu.enqueue_dma source(%dma_start3A_160 : memref<6144xi32, #tpu.memory_space<hbm>>) target(%dma_start3A_158 : memref<6144xi32, #tpu.memory_space<vmem>>) target_semaphore(%arg13 : memref<!tpu.dma_semaphore, #tpu.memory_space<semaphore_mem>>)
    %scan3A = arith.constant 0 : i32
    %scan3A_161 = arith.constant 384 : i32
    %scan3A_162 = arith.addi %scan3A, %scan3A_161 : i32
    %scan3A_163 = arith.constant 4 : i32
    %scan3A_164:3 = scf.for %scan3A_622 = %scan3A to %scan3A_162 step %scan3A_163 iter_args(%scan3A_623 = %broadcast_in_dim3A_96, %scan3A_624 = %broadcast_in_dim3A_96, %scan3A_625 = %broadcast_in_dim3A_96) -> (vector<16xf32>, vector<16xf32>, vector<16xf32>)  : i32 {
      %mul3A_626 = arith.constant 16 : i32
      %mul3A_627 = arith.muli %scan3A_622, %mul3A_626 : i32
      %get3A_628 = arith.index_cast %mul3A_627 : i32 to index
      %get3A_629 = tpu.vector_load %arg7[%get3A_628] {strides = array<i32>} : memref<6144xi32, #tpu.memory_space<vmem>>, vector<16xi32>,
      %mul3A_630 = arith.constant 16 : i32
      %mul3A_631 = arith.muli %scan3A_622, %mul3A_630 : i32
      %get3A_632 = arith.index_cast %mul3A_631 : i32 to index
      %get3A_633 = tpu.vector_load %arg9[%get3A_632] {strides = array<i32>} : memref<6144xi32, #tpu.memory_space<vmem>>, vector<16xi32>,
      %add3A_634 = arith.constant 0 : i32
      %add3A_635 = vector.broadcast %add3A_634 : i32 to vector<16xi32>
      %add3A_636 = arith.addi %get3A_629, %add3A_635 : vector<16xi32>
      %gather3A_637 = tpu.vector_load_idx %arg6[%add3A_636] : memref<98304xf32, #tpu.memory_space<vmem>>[vector<16xi32>], vector<16xf32>,
      %add3A_638 = arith.constant 0 : i32
      %add3A_639 = vector.broadcast %add3A_638 : i32 to vector<16xi32>
      %add3A_640 = arith.addi %get3A_633, %add3A_639 : vector<16xi32>
      %gather3A_641 = tpu.vector_load_idx %arg6[%add3A_640] : memref<98304xf32, #tpu.memory_space<vmem>>[vector<16xi32>], vector<16xf32>,
      %sub3A_642 = arith.subf %gather3A_637, %gather3A_641 : vector<16xf32>
      %mul3A_643 = arith.mulf %sub3A_642, %sub3A_642 : vector<16xf32>
      %add3A_644 = arith.addf %scan3A_623, %mul3A_643 : vector<16xf32>
      %add3A_645 = arith.constant 16384 : i32
      %add3A_646 = vector.broadcast %add3A_645 : i32 to vector<16xi32>
      %add3A_647 = arith.addi %get3A_629, %add3A_646 : vector<16xi32>
      %gather3A_648 = tpu.vector_load_idx %arg6[%add3A_647] : memref<98304xf32, #tpu.memory_space<vmem>>[vector<16xi32>], vector<16xf32>,
      %add3A_649 = arith.constant 16384 : i32
      %add3A_650 = vector.broadcast %add3A_649 : i32 to vector<16xi32>
      %add3A_651 = arith.addi %get3A_633, %add3A_650 : vector<16xi32>
      %gather3A_652 = tpu.vector_load_idx %arg6[%add3A_651] : memref<98304xf32, #tpu.memory_space<vmem>>[vector<16xi32>], vector<16xf32>,
      %sub3A_653 = arith.subf %gather3A_648, %gather3A_652 : vector<16xf32>
      %mul3A_654 = arith.mulf %sub3A_653, %sub3A_653 : vector<16xf32>
      %add3A_655 = arith.addf %scan3A_624, %mul3A_654 : vector<16xf32>
      %add3A_656 = arith.constant 32768 : i32
      %add3A_657 = vector.broadcast %add3A_656 : i32 to vector<16xi32>
      %add3A_658 = arith.addi %get3A_629, %add3A_657 : vector<16xi32>
      %gather3A_659 = tpu.vector_load_idx %arg6[%add3A_658] : memref<98304xf32, #tpu.memory_space<vmem>>[vector<16xi32>], vector<16xf32>,
      %add3A_660 = arith.constant 32768 : i32
      %add3A_661 = vector.broadcast %add3A_660 : i32 to vector<16xi32>
      %add3A_662 = arith.addi %get3A_633, %add3A_661 : vector<16xi32>
      %gather3A_663 = tpu.vector_load_idx %arg6[%add3A_662] : memref<98304xf32, #tpu.memory_space<vmem>>[vector<16xi32>], vector<16xf32>,
      %sub3A_664 = arith.subf %gather3A_659, %gather3A_663 : vector<16xf32>
      %mul3A_665 = arith.mulf %sub3A_664, %sub3A_664 : vector<16xf32>
      %add3A_666 = arith.addf %scan3A_625, %mul3A_665 : vector<16xf32>
      %scan3A_667 = arith.constant 1 : i32
      %scan3A_668 = arith.addi %scan3A_622, %scan3A_667 : i32
      %mul3A_669 = arith.constant 16 : i32
      %mul3A_670 = arith.muli %scan3A_668, %mul3A_669 : i32
      %get3A_671 = arith.index_cast %mul3A_670 : i32 to index
      %get3A_672 = tpu.vector_load %arg7[%get3A_671] {strides = array<i32>} : memref<6144xi32, #tpu.memory_space<vmem>>, vector<16xi32>,
      %mul3A_673 = arith.constant 16 : i32
      %mul3A_674 = arith.muli %scan3A_668, %mul3A_673 : i32
      %get3A_675 = arith.index_cast %mul3A_674 : i32 to index
      %get3A_676 = tpu.vector_load %arg9[%get3A_675] {strides = array<i32>} : memref<6144xi32, #tpu.memory_space<vmem>>, vector<16xi32>,
      %add3A_677 = arith.constant 0 : i32
      %add3A_678 = vector.broadcast %add3A_677 : i32 to vector<16xi32>
      %add3A_679 = arith.addi %get3A_672, %add3A_678 : vector<16xi32>
      %gather3A_680 = tpu.vector_load_idx %arg6[%add3A_679] : memref<98304xf32, #tpu.memory_space<vmem>>[vector<16xi32>], vector<16xf32>,
      %add3A_681 = arith.constant 0 : i32
      %add3A_682 = vector.broadcast %add3A_681 : i32 to vector<16xi32>
      %add3A_683 = arith.addi %get3A_676, %add3A_682 : vector<16xi32>
      %gather3A_684 = tpu.vector_load_idx %arg6[%add3A_683] : memref<98304xf32, #tpu.memory_space<vmem>>[vector<16xi32>], vector<16xf32>,
      %sub3A_685 = arith.subf %gather3A_680, %gather3A_684 : vector<16xf32>
      %mul3A_686 = arith.mulf %sub3A_685, %sub3A_685 : vector<16xf32>
      %add3A_687 = arith.addf %add3A_644, %mul3A_686 : vector<16xf32>
      %add3A_688 = arith.constant 16384 : i32
      %add3A_689 = vector.broadcast %add3A_688 : i32 to vector<16xi32>
      %add3A_690 = arith.addi %get3A_672, %add3A_689 : vector<16xi32>
      %gather3A_691 = tpu.vector_load_idx %arg6[%add3A_690] : memref<98304xf32, #tpu.memory_space<vmem>>[vector<16xi32>], vector<16xf32>,
      %add3A_692 = arith.constant 16384 : i32
      %add3A_693 = vector.broadcast %add3A_692 : i32 to vector<16xi32>
      %add3A_694 = arith.addi %get3A_676, %add3A_693 : vector<16xi32>
      %gather3A_695 = tpu.vector_load_idx %arg6[%add3A_694] : memref<98304xf32, #tpu.memory_space<vmem>>[vector<16xi32>], vector<16xf32>,
      %sub3A_696 = arith.subf %gather3A_691, %gather3A_695 : vector<16xf32>
      %mul3A_697 = arith.mulf %sub3A_696, %sub3A_696 : vector<16xf32>
      %add3A_698 = arith.addf %add3A_655, %mul3A_697 : vector<16xf32>
      %add3A_699 = arith.constant 32768 : i32
      %add3A_700 = vector.broadcast %add3A_699 : i32 to vector<16xi32>
      %add3A_701 = arith.addi %get3A_672, %add3A_700 : vector<16xi32>
      %gather3A_702 = tpu.vector_load_idx %arg6[%add3A_701] : memref<98304xf32, #tpu.memory_space<vmem>>[vector<16xi32>], vector<16xf32>,
      %add3A_703 = arith.constant 32768 : i32
      %add3A_704 = vector.broadcast %add3A_703 : i32 to vector<16xi32>
      %add3A_705 = arith.addi %get3A_676, %add3A_704 : vector<16xi32>
      %gather3A_706 = tpu.vector_load_idx %arg6[%add3A_705] : memref<98304xf32, #tpu.memory_space<vmem>>[vector<16xi32>], vector<16xf32>,
      %sub3A_707 = arith.subf %gather3A_702, %gather3A_706 : vector<16xf32>
      %mul3A_708 = arith.mulf %sub3A_707, %sub3A_707 : vector<16xf32>
      %add3A_709 = arith.addf %add3A_666, %mul3A_708 : vector<16xf32>
      %scan3A_710 = arith.constant 2 : i32
      %scan3A_711 = arith.addi %scan3A_622, %scan3A_710 : i32
      %mul3A_712 = arith.constant 16 : i32
      %mul3A_713 = arith.muli %scan3A_711, %mul3A_712 : i32
      %get3A_714 = arith.index_cast %mul3A_713 : i32 to index
      %get3A_715 = tpu.vector_load %arg7[%get3A_714] {strides = array<i32>} : memref<6144xi32, #tpu.memory_space<vmem>>, vector<16xi32>,
      %mul3A_716 = arith.constant 16 : i32
      %mul3A_717 = arith.muli %scan3A_711, %mul3A_716 : i32
      %get3A_718 = arith.index_cast %mul3A_717 : i32 to index
      %get3A_719 = tpu.vector_load %arg9[%get3A_718] {strides = array<i32>} : memref<6144xi32, #tpu.memory_space<vmem>>, vector<16xi32>,
      %add3A_720 = arith.constant 0 : i32
      %add3A_721 = vector.broadcast %add3A_720 : i32 to vector<16xi32>
      %add3A_722 = arith.addi %get3A_715, %add3A_721 : vector<16xi32>
      %gather3A_723 = tpu.vector_load_idx %arg6[%add3A_722] : memref<98304xf32, #tpu.memory_space<vmem>>[vector<16xi32>], vector<16xf32>,
      %add3A_724 = arith.constant 0 : i32
      %add3A_725 = vector.broadcast %add3A_724 : i32 to vector<16xi32>
      %add3A_726 = arith.addi %get3A_719, %add3A_725 : vector<16xi32>
      %gather3A_727 = tpu.vector_load_idx %arg6[%add3A_726] : memref<98304xf32, #tpu.memory_space<vmem>>[vector<16xi32>], vector<16xf32>,
      %sub3A_728 = arith.subf %gather3A_723, %gather3A_727 : vector<16xf32>
      %mul3A_729 = arith.mulf %sub3A_728, %sub3A_728 : vector<16xf32>
      %add3A_730 = arith.addf %add3A_687, %mul3A_729 : vector<16xf32>
      %add3A_731 = arith.constant 16384 : i32
      %add3A_732 = vector.broadcast %add3A_731 : i32 to vector<16xi32>
      %add3A_733 = arith.addi %get3A_715, %add3A_732 : vector<16xi32>
      %gather3A_734 = tpu.vector_load_idx %arg6[%add3A_733] : memref<98304xf32, #tpu.memory_space<vmem>>[vector<16xi32>], vector<16xf32>,
      %add3A_735 = arith.constant 16384 : i32
      %add3A_736 = vector.broadcast %add3A_735 : i32 to vector<16xi32>
      %add3A_737 = arith.addi %get3A_719, %add3A_736 : vector<16xi32>
      %gather3A_738 = tpu.vector_load_idx %arg6[%add3A_737] : memref<98304xf32, #tpu.memory_space<vmem>>[vector<16xi32>], vector<16xf32>,
      %sub3A_739 = arith.subf %gather3A_734, %gather3A_738 : vector<16xf32>
      %mul3A_740 = arith.mulf %sub3A_739, %sub3A_739 : vector<16xf32>
      %add3A_741 = arith.addf %add3A_698, %mul3A_740 : vector<16xf32>
      %add3A_742 = arith.constant 32768 : i32
      %add3A_743 = vector.broadcast %add3A_742 : i32 to vector<16xi32>
      %add3A_744 = arith.addi %get3A_715, %add3A_743 : vector<16xi32>
      %gather3A_745 = tpu.vector_load_idx %arg6[%add3A_744] : memref<98304xf32, #tpu.memory_space<vmem>>[vector<16xi32>], vector<16xf32>,
      %add3A_746 = arith.constant 32768 : i32
      %add3A_747 = vector.broadcast %add3A_746 : i32 to vector<16xi32>
      %add3A_748 = arith.addi %get3A_719, %add3A_747 : vector<16xi32>
      %gather3A_749 = tpu.vector_load_idx %arg6[%add3A_748] : memref<98304xf32, #tpu.memory_space<vmem>>[vector<16xi32>], vector<16xf32>,
      %sub3A_750 = arith.subf %gather3A_745, %gather3A_749 : vector<16xf32>
      %mul3A_751 = arith.mulf %sub3A_750, %sub3A_750 : vector<16xf32>
      %add3A_752 = arith.addf %add3A_709, %mul3A_751 : vector<16xf32>
      %scan3A_753 = arith.constant 3 : i32
      %scan3A_754 = arith.addi %scan3A_622, %scan3A_753 : i32
      %mul3A_755 = arith.constant 16 : i32
      %mul3A_756 = arith.muli %scan3A_754, %mul3A_755 : i32
      %get3A_757 = arith.index_cast %mul3A_756 : i32 to index
      %get3A_758 = tpu.vector_load %arg7[%get3A_757] {strides = array<i32>} : memref<6144xi32, #tpu.memory_space<vmem>>, vector<16xi32>,
      %mul3A_759 = arith.constant 16 : i32
      %mul3A_760 = arith.muli %scan3A_754, %mul3A_759 : i32
      %get3A_761 = arith.index_cast %mul3A_760 : i32 to index
      %get3A_762 = tpu.vector_load %arg9[%get3A_761] {strides = array<i32>} : memref<6144xi32, #tpu.memory_space<vmem>>, vector<16xi32>,
      %add3A_763 = arith.constant 0 : i32
      %add3A_764 = vector.broadcast %add3A_763 : i32 to vector<16xi32>
      %add3A_765 = arith.addi %get3A_758, %add3A_764 : vector<16xi32>
      %gather3A_766 = tpu.vector_load_idx %arg6[%add3A_765] : memref<98304xf32, #tpu.memory_space<vmem>>[vector<16xi32>], vector<16xf32>,
      %add3A_767 = arith.constant 0 : i32
      %add3A_768 = vector.broadcast %add3A_767 : i32 to vector<16xi32>
      %add3A_769 = arith.addi %get3A_762, %add3A_768 : vector<16xi32>
      %gather3A_770 = tpu.vector_load_idx %arg6[%add3A_769] : memref<98304xf32, #tpu.memory_space<vmem>>[vector<16xi32>], vector<16xf32>,
      %sub3A_771 = arith.subf %gather3A_766, %gather3A_770 : vector<16xf32>
      %mul3A_772 = arith.mulf %sub3A_771, %sub3A_771 : vector<16xf32>
      %add3A_773 = arith.addf %add3A_730, %mul3A_772 : vector<16xf32>
      %add3A_774 = arith.constant 16384 : i32
      %add3A_775 = vector.broadcast %add3A_774 : i32 to vector<16xi32>
      %add3A_776 = arith.addi %get3A_758, %add3A_775 : vector<16xi32>
      %gather3A_777 = tpu.vector_load_idx %arg6[%add3A_776] : memref<98304xf32, #tpu.memory_space<vmem>>[vector<16xi32>], vector<16xf32>,
      %add3A_778 = arith.constant 16384 : i32
      %add3A_779 = vector.broadcast %add3A_778 : i32 to vector<16xi32>
      %add3A_780 = arith.addi %get3A_762, %add3A_779 : vector<16xi32>
      %gather3A_781 = tpu.vector_load_idx %arg6[%add3A_780] : memref<98304xf32, #tpu.memory_space<vmem>>[vector<16xi32>], vector<16xf32>,
      %sub3A_782 = arith.subf %gather3A_777, %gather3A_781 : vector<16xf32>
      %mul3A_783 = arith.mulf %sub3A_782, %sub3A_782 : vector<16xf32>
      %add3A_784 = arith.addf %add3A_741, %mul3A_783 : vector<16xf32>
      %add3A_785 = arith.constant 32768 : i32
      %add3A_786 = vector.broadcast %add3A_785 : i32 to vector<16xi32>
      %add3A_787 = arith.addi %get3A_758, %add3A_786 : vector<16xi32>
      %gather3A_788 = tpu.vector_load_idx %arg6[%add3A_787] : memref<98304xf32, #tpu.memory_space<vmem>>[vector<16xi32>], vector<16xf32>,
      %add3A_789 = arith.constant 32768 : i32
      %add3A_790 = vector.broadcast %add3A_789 : i32 to vector<16xi32>
      %add3A_791 = arith.addi %get3A_762, %add3A_790 : vector<16xi32>
      %gather3A_792 = tpu.vector_load_idx %arg6[%add3A_791] : memref<98304xf32, #tpu.memory_space<vmem>>[vector<16xi32>], vector<16xf32>,
      %sub3A_793 = arith.subf %gather3A_788, %gather3A_792 : vector<16xf32>
      %mul3A_794 = arith.mulf %sub3A_793, %sub3A_793 : vector<16xf32>
      %add3A_795 = arith.addf %add3A_752, %mul3A_794 : vector<16xf32>
      scf.yield %add3A_773, %add3A_784, %add3A_795 : vector<16xf32>, vector<16xf32>, vector<16xf32>
    }
    %scan3A_165 = arith.constant 384 : i32
    %dma_wait3A_166 = arith.constant 0 : i32
    %dma_wait3A_167 = tpu.memref_slice %arg8[%dma_wait3A_166] : memref<6144xi32, #tpu.memory_space<vmem>> -> memref<6144xi32, #tpu.memory_space<vmem>>
    %dma_wait3A_168 = arith.constant 6144 : i32
    %dma_wait3A_169 = tpu.memref_slice %arg3[%dma_wait3A_168] : memref<48641xi32, #tpu.memory_space<hbm>> -> memref<6144xi32, #tpu.memory_space<hbm>>
    %dma_wait3A_170 = arith.constant 0 : i32
    %dma_wait3A_171 = tpu.memref_slice %arg8[%dma_wait3A_170] : memref<6144xi32, #tpu.memory_space<vmem>> -> memref<6144xi32, #tpu.memory_space<vmem>>
    %dma_wait3A_172 = arith.constant 6144 : i32
    %dma_wait3A_173 = tpu.memref_slice %arg3[%dma_wait3A_172] : memref<48641xi32, #tpu.memory_space<hbm>> -> memref<6144xi32, #tpu.memory_space<hbm>>
    tpu.wait_dma2 semaphore(%arg13 : memref<!tpu.dma_semaphore, #tpu.memory_space<semaphore_mem>>) src(%dma_wait3A_173 : memref<6144xi32, #tpu.memory_space<hbm>>) dst(%dma_wait3A_171 : memref<6144xi32, #tpu.memory_space<vmem>>)
    %dma_wait3A_174 = arith.constant 0 : i32
    %dma_wait3A_175 = tpu.memref_slice %arg10[%dma_wait3A_174] : memref<6144xi32, #tpu.memory_space<vmem>> -> memref<6144xi32, #tpu.memory_space<vmem>>
    %dma_wait3A_176 = arith.constant 6144 : i32
    %dma_wait3A_177 = tpu.memref_slice %arg4[%dma_wait3A_176] : memref<48641xi32, #tpu.memory_space<hbm>> -> memref<6144xi32, #tpu.memory_space<hbm>>
    %dma_wait3A_178 = arith.constant 0 : i32
    %dma_wait3A_179 = tpu.memref_slice %arg10[%dma_wait3A_178] : memref<6144xi32, #tpu.memory_space<vmem>> -> memref<6144xi32, #tpu.memory_space<vmem>>
    %dma_wait3A_180 = arith.constant 6144 : i32
    %dma_wait3A_181 = tpu.memref_slice %arg4[%dma_wait3A_180] : memref<48641xi32, #tpu.memory_space<hbm>> -> memref<6144xi32, #tpu.memory_space<hbm>>
    tpu.wait_dma2 semaphore(%arg13 : memref<!tpu.dma_semaphore, #tpu.memory_space<semaphore_mem>>) src(%dma_wait3A_181 : memref<6144xi32, #tpu.memory_space<hbm>>) dst(%dma_wait3A_179 : memref<6144xi32, #tpu.memory_space<vmem>>)
    %dma_start3A_182 = arith.constant 0 : i32
    %dma_start3A_183 = tpu.memref_slice %arg7[%dma_start3A_182] : memref<6144xi32, #tpu.memory_space<vmem>> -> memref<6144xi32, #tpu.memory_space<vmem>>
    %dma_start3A_184 = arith.constant 12288 : i32
    %dma_start3A_185 = tpu.memref_slice %arg3[%dma_start3A_184] : memref<48641xi32, #tpu.memory_space<hbm>> -> memref<6144xi32, #tpu.memory_space<hbm>>
    %dma_start3A_186 = arith.constant 0 : i32
    %dma_start3A_187 = tpu.memref_slice %arg7[%dma_start3A_186] : memref<6144xi32, #tpu.memory_space<vmem>> -> memref<6144xi32, #tpu.memory_space<vmem>>
    %dma_start3A_188 = arith.constant 12288 : i32
    %dma_start3A_189 = tpu.memref_slice %arg3[%dma_start3A_188] : memref<48641xi32, #tpu.memory_space<hbm>> -> memref<6144xi32, #tpu.memory_space<hbm>>
    tpu.enqueue_dma source(%dma_start3A_189 : memref<6144xi32, #tpu.memory_space<hbm>>) target(%dma_start3A_187 : memref<6144xi32, #tpu.memory_space<vmem>>) target_semaphore(%arg12 : memref<!tpu.dma_semaphore, #tpu.memory_space<semaphore_mem>>)
    %dma_start3A_190 = arith.constant 0 : i32
    %dma_start3A_191 = tpu.memref_slice %arg9[%dma_start3A_190] : memref<6144xi32, #tpu.memory_space<vmem>> -> memref<6144xi32, #tpu.memory_space<vmem>>
    %dma_start3A_192 = arith.constant 12288 : i32
    %dma_start3A_193 = tpu.memref_slice %arg4[%dma_start3A_192] : memref<48641xi32, #tpu.memory_space<hbm>> -> memref<6144xi32, #tpu.memory_space<hbm>>
    %dma_start3A_194 = arith.constant 0 : i32
    %dma_start3A_195 = tpu.memref_slice %arg9[%dma_start3A_194] : memref<6144xi32, #tpu.memory_space<vmem>> -> memref<6144xi32, #tpu.memory_space<vmem>>
    %dma_start3A_196 = arith.constant 12288 : i32
    %dma_start3A_197 = tpu.memref_slice %arg4[%dma_start3A_196] : memref<48641xi32, #tpu.memory_space<hbm>> -> memref<6144xi32, #tpu.memory_space<hbm>>
    tpu.enqueue_dma source(%dma_start3A_197 : memref<6144xi32, #tpu.memory_space<hbm>>) target(%dma_start3A_195 : memref<6144xi32, #tpu.memory_space<vmem>>) target_semaphore(%arg12 : memref<!tpu.dma_semaphore, #tpu.memory_space<semaphore_mem>>)
    %scan3A_198 = arith.constant 0 : i32
    %scan3A_199 = arith.constant 384 : i32
    %scan3A_200 = arith.addi %scan3A_198, %scan3A_199 : i32
    %scan3A_201 = arith.constant 4 : i32
    %scan3A_202:3 = scf.for %scan3A_622 = %scan3A_198 to %scan3A_200 step %scan3A_201 iter_args(%scan3A_623 = %scan3A_164#0, %scan3A_624 = %scan3A_164#1, %scan3A_625 = %scan3A_164#2) -> (vector<16xf32>, vector<16xf32>, vector<16xf32>)  : i32 {
      %mul3A_626 = arith.constant 16 : i32
      %mul3A_627 = arith.muli %scan3A_622, %mul3A_626 : i32
      %get3A_628 = arith.index_cast %mul3A_627 : i32 to index
      %get3A_629 = tpu.vector_load %arg8[%get3A_628] {strides = array<i32>} : memref<6144xi32, #tpu.memory_space<vmem>>, vector<16xi32>,
      %mul3A_630 = arith.constant 16 : i32
      %mul3A_631 = arith.muli %scan3A_622, %mul3A_630 : i32
      %get3A_632 = arith.index_cast %mul3A_631 : i32 to index
      %get3A_633 = tpu.vector_load %arg10[%get3A_632] {strides = array<i32>} : memref<6144xi32, #tpu.memory_space<vmem>>, vector<16xi32>,
      %add3A_634 = arith.constant 0 : i32
      %add3A_635 = vector.broadcast %add3A_634 : i32 to vector<16xi32>
      %add3A_636 = arith.addi %get3A_629, %add3A_635 : vector<16xi32>
      %gather3A_637 = tpu.vector_load_idx %arg6[%add3A_636] : memref<98304xf32, #tpu.memory_space<vmem>>[vector<16xi32>], vector<16xf32>,
      %add3A_638 = arith.constant 0 : i32
      %add3A_639 = vector.broadcast %add3A_638 : i32 to vector<16xi32>
      %add3A_640 = arith.addi %get3A_633, %add3A_639 : vector<16xi32>
      %gather3A_641 = tpu.vector_load_idx %arg6[%add3A_640] : memref<98304xf32, #tpu.memory_space<vmem>>[vector<16xi32>], vector<16xf32>,
      %sub3A_642 = arith.subf %gather3A_637, %gather3A_641 : vector<16xf32>
      %mul3A_643 = arith.mulf %sub3A_642, %sub3A_642 : vector<16xf32>
      %add3A_644 = arith.addf %scan3A_623, %mul3A_643 : vector<16xf32>
      %add3A_645 = arith.constant 16384 : i32
      %add3A_646 = vector.broadcast %add3A_645 : i32 to vector<16xi32>
      %add3A_647 = arith.addi %get3A_629, %add3A_646 : vector<16xi32>
      %gather3A_648 = tpu.vector_load_idx %arg6[%add3A_647] : memref<98304xf32, #tpu.memory_space<vmem>>[vector<16xi32>], vector<16xf32>,
      %add3A_649 = arith.constant 16384 : i32
      %add3A_650 = vector.broadcast %add3A_649 : i32 to vector<16xi32>
      %add3A_651 = arith.addi %get3A_633, %add3A_650 : vector<16xi32>
      %gather3A_652 = tpu.vector_load_idx %arg6[%add3A_651] : memref<98304xf32, #tpu.memory_space<vmem>>[vector<16xi32>], vector<16xf32>,
      %sub3A_653 = arith.subf %gather3A_648, %gather3A_652 : vector<16xf32>
      %mul3A_654 = arith.mulf %sub3A_653, %sub3A_653 : vector<16xf32>
      %add3A_655 = arith.addf %scan3A_624, %mul3A_654 : vector<16xf32>
      %add3A_656 = arith.constant 32768 : i32
      %add3A_657 = vector.broadcast %add3A_656 : i32 to vector<16xi32>
      %add3A_658 = arith.addi %get3A_629, %add3A_657 : vector<16xi32>
      %gather3A_659 = tpu.vector_load_idx %arg6[%add3A_658] : memref<98304xf32, #tpu.memory_space<vmem>>[vector<16xi32>], vector<16xf32>,
      %add3A_660 = arith.constant 32768 : i32
      %add3A_661 = vector.broadcast %add3A_660 : i32 to vector<16xi32>
      %add3A_662 = arith.addi %get3A_633, %add3A_661 : vector<16xi32>
      %gather3A_663 = tpu.vector_load_idx %arg6[%add3A_662] : memref<98304xf32, #tpu.memory_space<vmem>>[vector<16xi32>], vector<16xf32>,
      %sub3A_664 = arith.subf %gather3A_659, %gather3A_663 : vector<16xf32>
      %mul3A_665 = arith.mulf %sub3A_664, %sub3A_664 : vector<16xf32>
      %add3A_666 = arith.addf %scan3A_625, %mul3A_665 : vector<16xf32>
      %scan3A_667 = arith.constant 1 : i32
      %scan3A_668 = arith.addi %scan3A_622, %scan3A_667 : i32
      %mul3A_669 = arith.constant 16 : i32
      %mul3A_670 = arith.muli %scan3A_668, %mul3A_669 : i32
      %get3A_671 = arith.index_cast %mul3A_670 : i32 to index
      %get3A_672 = tpu.vector_load %arg8[%get3A_671] {strides = array<i32>} : memref<6144xi32, #tpu.memory_space<vmem>>, vector<16xi32>,
      %mul3A_673 = arith.constant 16 : i32
      %mul3A_674 = arith.muli %scan3A_668, %mul3A_673 : i32
      %get3A_675 = arith.index_cast %mul3A_674 : i32 to index
      %get3A_676 = tpu.vector_load %arg10[%get3A_675] {strides = array<i32>} : memref<6144xi32, #tpu.memory_space<vmem>>, vector<16xi32>,
      %add3A_677 = arith.constant 0 : i32
      %add3A_678 = vector.broadcast %add3A_677 : i32 to vector<16xi32>
      %add3A_679 = arith.addi %get3A_672, %add3A_678 : vector<16xi32>
      %gather3A_680 = tpu.vector_load_idx %arg6[%add3A_679] : memref<98304xf32, #tpu.memory_space<vmem>>[vector<16xi32>], vector<16xf32>,
      %add3A_681 = arith.constant 0 : i32
      %add3A_682 = vector.broadcast %add3A_681 : i32 to vector<16xi32>
      %add3A_683 = arith.addi %get3A_676, %add3A_682 : vector<16xi32>
      %gather3A_684 = tpu.vector_load_idx %arg6[%add3A_683] : memref<98304xf32, #tpu.memory_space<vmem>>[vector<16xi32>], vector<16xf32>,
      %sub3A_685 = arith.subf %gather3A_680, %gather3A_684 : vector<16xf32>
      %mul3A_686 = arith.mulf %sub3A_685, %sub3A_685 : vector<16xf32>
      %add3A_687 = arith.addf %add3A_644, %mul3A_686 : vector<16xf32>
      %add3A_688 = arith.constant 16384 : i32
      %add3A_689 = vector.broadcast %add3A_688 : i32 to vector<16xi32>
      %add3A_690 = arith.addi %get3A_672, %add3A_689 : vector<16xi32>
      %gather3A_691 = tpu.vector_load_idx %arg6[%add3A_690] : memref<98304xf32, #tpu.memory_space<vmem>>[vector<16xi32>], vector<16xf32>,
      %add3A_692 = arith.constant 16384 : i32
      %add3A_693 = vector.broadcast %add3A_692 : i32 to vector<16xi32>
      %add3A_694 = arith.addi %get3A_676, %add3A_693 : vector<16xi32>
      %gather3A_695 = tpu.vector_load_idx %arg6[%add3A_694] : memref<98304xf32, #tpu.memory_space<vmem>>[vector<16xi32>], vector<16xf32>,
      %sub3A_696 = arith.subf %gather3A_691, %gather3A_695 : vector<16xf32>
      %mul3A_697 = arith.mulf %sub3A_696, %sub3A_696 : vector<16xf32>
      %add3A_698 = arith.addf %add3A_655, %mul3A_697 : vector<16xf32>
      %add3A_699 = arith.constant 32768 : i32
      %add3A_700 = vector.broadcast %add3A_699 : i32 to vector<16xi32>
      %add3A_701 = arith.addi %get3A_672, %add3A_700 : vector<16xi32>
      %gather3A_702 = tpu.vector_load_idx %arg6[%add3A_701] : memref<98304xf32, #tpu.memory_space<vmem>>[vector<16xi32>], vector<16xf32>,
      %add3A_703 = arith.constant 32768 : i32
      %add3A_704 = vector.broadcast %add3A_703 : i32 to vector<16xi32>
      %add3A_705 = arith.addi %get3A_676, %add3A_704 : vector<16xi32>
      %gather3A_706 = tpu.vector_load_idx %arg6[%add3A_705] : memref<98304xf32, #tpu.memory_space<vmem>>[vector<16xi32>], vector<16xf32>,
      %sub3A_707 = arith.subf %gather3A_702, %gather3A_706 : vector<16xf32>
      %mul3A_708 = arith.mulf %sub3A_707, %sub3A_707 : vector<16xf32>
      %add3A_709 = arith.addf %add3A_666, %mul3A_708 : vector<16xf32>
      %scan3A_710 = arith.constant 2 : i32
      %scan3A_711 = arith.addi %scan3A_622, %scan3A_710 : i32
      %mul3A_712 = arith.constant 16 : i32
      %mul3A_713 = arith.muli %scan3A_711, %mul3A_712 : i32
      %get3A_714 = arith.index_cast %mul3A_713 : i32 to index
      %get3A_715 = tpu.vector_load %arg8[%get3A_714] {strides = array<i32>} : memref<6144xi32, #tpu.memory_space<vmem>>, vector<16xi32>,
      %mul3A_716 = arith.constant 16 : i32
      %mul3A_717 = arith.muli %scan3A_711, %mul3A_716 : i32
      %get3A_718 = arith.index_cast %mul3A_717 : i32 to index
      %get3A_719 = tpu.vector_load %arg10[%get3A_718] {strides = array<i32>} : memref<6144xi32, #tpu.memory_space<vmem>>, vector<16xi32>,
      %add3A_720 = arith.constant 0 : i32
      %add3A_721 = vector.broadcast %add3A_720 : i32 to vector<16xi32>
      %add3A_722 = arith.addi %get3A_715, %add3A_721 : vector<16xi32>
      %gather3A_723 = tpu.vector_load_idx %arg6[%add3A_722] : memref<98304xf32, #tpu.memory_space<vmem>>[vector<16xi32>], vector<16xf32>,
      %add3A_724 = arith.constant 0 : i32
      %add3A_725 = vector.broadcast %add3A_724 : i32 to vector<16xi32>
      %add3A_726 = arith.addi %get3A_719, %add3A_725 : vector<16xi32>
      %gather3A_727 = tpu.vector_load_idx %arg6[%add3A_726] : memref<98304xf32, #tpu.memory_space<vmem>>[vector<16xi32>], vector<16xf32>,
      %sub3A_728 = arith.subf %gather3A_723, %gather3A_727 : vector<16xf32>
      %mul3A_729 = arith.mulf %sub3A_728, %sub3A_728 : vector<16xf32>
      %add3A_730 = arith.addf %add3A_687, %mul3A_729 : vector<16xf32>
      %add3A_731 = arith.constant 16384 : i32
      %add3A_732 = vector.broadcast %add3A_731 : i32 to vector<16xi32>
      %add3A_733 = arith.addi %get3A_715, %add3A_732 : vector<16xi32>
      %gather3A_734 = tpu.vector_load_idx %arg6[%add3A_733] : memref<98304xf32, #tpu.memory_space<vmem>>[vector<16xi32>], vector<16xf32>,
      %add3A_735 = arith.constant 16384 : i32
      %add3A_736 = vector.broadcast %add3A_735 : i32 to vector<16xi32>
      %add3A_737 = arith.addi %get3A_719, %add3A_736 : vector<16xi32>
      %gather3A_738 = tpu.vector_load_idx %arg6[%add3A_737] : memref<98304xf32, #tpu.memory_space<vmem>>[vector<16xi32>], vector<16xf32>,
      %sub3A_739 = arith.subf %gather3A_734, %gather3A_738 : vector<16xf32>
      %mul3A_740 = arith.mulf %sub3A_739, %sub3A_739 : vector<16xf32>
      %add3A_741 = arith.addf %add3A_698, %mul3A_740 : vector<16xf32>
      %add3A_742 = arith.constant 32768 : i32
      %add3A_743 = vector.broadcast %add3A_742 : i32 to vector<16xi32>
      %add3A_744 = arith.addi %get3A_715, %add3A_743 : vector<16xi32>
      %gather3A_745 = tpu.vector_load_idx %arg6[%add3A_744] : memref<98304xf32, #tpu.memory_space<vmem>>[vector<16xi32>], vector<16xf32>,
      %add3A_746 = arith.constant 32768 : i32
      %add3A_747 = vector.broadcast %add3A_746 : i32 to vector<16xi32>
      %add3A_748 = arith.addi %get3A_719, %add3A_747 : vector<16xi32>
      %gather3A_749 = tpu.vector_load_idx %arg6[%add3A_748] : memref<98304xf32, #tpu.memory_space<vmem>>[vector<16xi32>], vector<16xf32>,
      %sub3A_750 = arith.subf %gather3A_745, %gather3A_749 : vector<16xf32>
      %mul3A_751 = arith.mulf %sub3A_750, %sub3A_750 : vector<16xf32>
      %add3A_752 = arith.addf %add3A_709, %mul3A_751 : vector<16xf32>
      %scan3A_753 = arith.constant 3 : i32
      %scan3A_754 = arith.addi %scan3A_622, %scan3A_753 : i32
      %mul3A_755 = arith.constant 16 : i32
      %mul3A_756 = arith.muli %scan3A_754, %mul3A_755 : i32
      %get3A_757 = arith.index_cast %mul3A_756 : i32 to index
      %get3A_758 = tpu.vector_load %arg8[%get3A_757] {strides = array<i32>} : memref<6144xi32, #tpu.memory_space<vmem>>, vector<16xi32>,
      %mul3A_759 = arith.constant 16 : i32
      %mul3A_760 = arith.muli %scan3A_754, %mul3A_759 : i32
      %get3A_761 = arith.index_cast %mul3A_760 : i32 to index
      %get3A_762 = tpu.vector_load %arg10[%get3A_761] {strides = array<i32>} : memref<6144xi32, #tpu.memory_space<vmem>>, vector<16xi32>,
      %add3A_763 = arith.constant 0 : i32
      %add3A_764 = vector.broadcast %add3A_763 : i32 to vector<16xi32>
      %add3A_765 = arith.addi %get3A_758, %add3A_764 : vector<16xi32>
      %gather3A_766 = tpu.vector_load_idx %arg6[%add3A_765] : memref<98304xf32, #tpu.memory_space<vmem>>[vector<16xi32>], vector<16xf32>,
      %add3A_767 = arith.constant 0 : i32
      %add3A_768 = vector.broadcast %add3A_767 : i32 to vector<16xi32>
      %add3A_769 = arith.addi %get3A_762, %add3A_768 : vector<16xi32>
      %gather3A_770 = tpu.vector_load_idx %arg6[%add3A_769] : memref<98304xf32, #tpu.memory_space<vmem>>[vector<16xi32>], vector<16xf32>,
      %sub3A_771 = arith.subf %gather3A_766, %gather3A_770 : vector<16xf32>
      %mul3A_772 = arith.mulf %sub3A_771, %sub3A_771 : vector<16xf32>
      %add3A_773 = arith.addf %add3A_730, %mul3A_772 : vector<16xf32>
      %add3A_774 = arith.constant 16384 : i32
      %add3A_775 = vector.broadcast %add3A_774 : i32 to vector<16xi32>
      %add3A_776 = arith.addi %get3A_758, %add3A_775 : vector<16xi32>
      %gather3A_777 = tpu.vector_load_idx %arg6[%add3A_776] : memref<98304xf32, #tpu.memory_space<vmem>>[vector<16xi32>], vector<16xf32>,
      %add3A_778 = arith.constant 16384 : i32
      %add3A_779 = vector.broadcast %add3A_778 : i32 to vector<16xi32>
      %add3A_780 = arith.addi %get3A_762, %add3A_779 : vector<16xi32>
      %gather3A_781 = tpu.vector_load_idx %arg6[%add3A_780] : memref<98304xf32, #tpu.memory_space<vmem>>[vector<16xi32>], vector<16xf32>,
      %sub3A_782 = arith.subf %gather3A_777, %gather3A_781 : vector<16xf32>
      %mul3A_783 = arith.mulf %sub3A_782, %sub3A_782 : vector<16xf32>
      %add3A_784 = arith.addf %add3A_741, %mul3A_783 : vector<16xf32>
      %add3A_785 = arith.constant 32768 : i32
      %add3A_786 = vector.broadcast %add3A_785 : i32 to vector<16xi32>
      %add3A_787 = arith.addi %get3A_758, %add3A_786 : vector<16xi32>
      %gather3A_788 = tpu.vector_load_idx %arg6[%add3A_787] : memref<98304xf32, #tpu.memory_space<vmem>>[vector<16xi32>], vector<16xf32>,
      %add3A_789 = arith.constant 32768 : i32
      %add3A_790 = vector.broadcast %add3A_789 : i32 to vector<16xi32>
      %add3A_791 = arith.addi %get3A_762, %add3A_790 : vector<16xi32>
      %gather3A_792 = tpu.vector_load_idx %arg6[%add3A_791] : memref<98304xf32, #tpu.memory_space<vmem>>[vector<16xi32>], vector<16xf32>,
      %sub3A_793 = arith.subf %gather3A_788, %gather3A_792 : vector<16xf32>
      %mul3A_794 = arith.mulf %sub3A_793, %sub3A_793 : vector<16xf32>
      %add3A_795 = arith.addf %add3A_752, %mul3A_794 : vector<16xf32>
      scf.yield %add3A_773, %add3A_784, %add3A_795 : vector<16xf32>, vector<16xf32>, vector<16xf32>
    }
    %scan3A_203 = arith.constant 384 : i32
    %dma_wait3A_204 = arith.constant 0 : i32
    %dma_wait3A_205 = arith.constant 49152 : i32
    %dma_wait3A_206 = tpu.memref_slice %arg6[%dma_wait3A_205] : memref<98304xf32, #tpu.memory_space<vmem>> -> memref<16384xf32, #tpu.memory_space<vmem>>
    %dma_wait3A_207 = arith.constant 0 : i32
    %dma_wait3A_208 = tpu.memref_slice %arg2[%dma_wait3A_204, %add3A_58, %dma_wait3A_207] : memref<3x64x16384xf32, #tpu.memory_space<hbm>> -> memref<1x1x16384xf32, #tpu.memory_space<hbm>>
    %dma_wait3A_209 = tpu.memref_squeeze %dma_wait3A_208 : memref<1x1x16384xf32, #tpu.memory_space<hbm>> -> memref<16384xf32, #tpu.memory_space<hbm>>
    %dma_wait3A_210 = arith.constant 49152 : i32
    %dma_wait3A_211 = tpu.memref_slice %arg6[%dma_wait3A_210] : memref<98304xf32, #tpu.memory_space<vmem>> -> memref<16384xf32, #tpu.memory_space<vmem>>
    %dma_wait3A_212 = arith.constant 0 : i32
    %dma_wait3A_213 = tpu.memref_slice %arg2[%dma_wait3A_204, %add3A_58, %dma_wait3A_212] : memref<3x64x16384xf32, #tpu.memory_space<hbm>> -> memref<1x1x16384xf32, #tpu.memory_space<hbm>>
    %dma_wait3A_214 = tpu.memref_squeeze %dma_wait3A_213 : memref<1x1x16384xf32, #tpu.memory_space<hbm>> -> memref<16384xf32, #tpu.memory_space<hbm>>
    tpu.wait_dma2 semaphore(%arg14 : memref<!tpu.dma_semaphore, #tpu.memory_space<semaphore_mem>>) src(%dma_wait3A_214 : memref<16384xf32, #tpu.memory_space<hbm>>) dst(%dma_wait3A_211 : memref<16384xf32, #tpu.memory_space<vmem>>)
    %dma_wait3A_215 = arith.constant 1 : i32
    %dma_wait3A_216 = arith.constant 65536 : i32
    %dma_wait3A_217 = tpu.memref_slice %arg6[%dma_wait3A_216] : memref<98304xf32, #tpu.memory_space<vmem>> -> memref<16384xf32, #tpu.memory_space<vmem>>
    %dma_wait3A_218 = arith.constant 0 : i32
    %dma_wait3A_219 = tpu.memref_slice %arg2[%dma_wait3A_215, %add3A_71, %dma_wait3A_218] : memref<3x64x16384xf32, #tpu.memory_space<hbm>> -> memref<1x1x16384xf32, #tpu.memory_space<hbm>>
    %dma_wait3A_220 = tpu.memref_squeeze %dma_wait3A_219 : memref<1x1x16384xf32, #tpu.memory_space<hbm>> -> memref<16384xf32, #tpu.memory_space<hbm>>
    %dma_wait3A_221 = arith.constant 65536 : i32
    %dma_wait3A_222 = tpu.memref_slice %arg6[%dma_wait3A_221] : memref<98304xf32, #tpu.memory_space<vmem>> -> memref<16384xf32, #tpu.memory_space<vmem>>
    %dma_wait3A_223 = arith.constant 0 : i32
    %dma_wait3A_224 = tpu.memref_slice %arg2[%dma_wait3A_215, %add3A_71, %dma_wait3A_223] : memref<3x64x16384xf32, #tpu.memory_space<hbm>> -> memref<1x1x16384xf32, #tpu.memory_space<hbm>>
    %dma_wait3A_225 = tpu.memref_squeeze %dma_wait3A_224 : memref<1x1x16384xf32, #tpu.memory_space<hbm>> -> memref<16384xf32, #tpu.memory_space<hbm>>
    tpu.wait_dma2 semaphore(%arg14 : memref<!tpu.dma_semaphore, #tpu.memory_space<semaphore_mem>>) src(%dma_wait3A_225 : memref<16384xf32, #tpu.memory_space<hbm>>) dst(%dma_wait3A_222 : memref<16384xf32, #tpu.memory_space<vmem>>)
    %dma_wait3A_226 = arith.constant 2 : i32
    %dma_wait3A_227 = arith.constant 81920 : i32
    %dma_wait3A_228 = tpu.memref_slice %arg6[%dma_wait3A_227] : memref<98304xf32, #tpu.memory_space<vmem>> -> memref<16384xf32, #tpu.memory_space<vmem>>
    %dma_wait3A_229 = arith.constant 0 : i32
    %dma_wait3A_230 = tpu.memref_slice %arg2[%dma_wait3A_226, %add3A_84, %dma_wait3A_229] : memref<3x64x16384xf32, #tpu.memory_space<hbm>> -> memref<1x1x16384xf32, #tpu.memory_space<hbm>>
    %dma_wait3A_231 = tpu.memref_squeeze %dma_wait3A_230 : memref<1x1x16384xf32, #tpu.memory_space<hbm>> -> memref<16384xf32, #tpu.memory_space<hbm>>
    %dma_wait3A_232 = arith.constant 81920 : i32
    %dma_wait3A_233 = tpu.memref_slice %arg6[%dma_wait3A_232] : memref<98304xf32, #tpu.memory_space<vmem>> -> memref<16384xf32, #tpu.memory_space<vmem>>
    %dma_wait3A_234 = arith.constant 0 : i32
    %dma_wait3A_235 = tpu.memref_slice %arg2[%dma_wait3A_226, %add3A_84, %dma_wait3A_234] : memref<3x64x16384xf32, #tpu.memory_space<hbm>> -> memref<1x1x16384xf32, #tpu.memory_space<hbm>>
    %dma_wait3A_236 = tpu.memref_squeeze %dma_wait3A_235 : memref<1x1x16384xf32, #tpu.memory_space<hbm>> -> memref<16384xf32, #tpu.memory_space<hbm>>
    tpu.wait_dma2 semaphore(%arg14 : memref<!tpu.dma_semaphore, #tpu.memory_space<semaphore_mem>>) src(%dma_wait3A_236 : memref<16384xf32, #tpu.memory_space<hbm>>) dst(%dma_wait3A_233 : memref<16384xf32, #tpu.memory_space<vmem>>)
    %dma_wait3A_237 = arith.constant 0 : i32
    %dma_wait3A_238 = tpu.memref_slice %arg7[%dma_wait3A_237] : memref<6144xi32, #tpu.memory_space<vmem>> -> memref<6144xi32, #tpu.memory_space<vmem>>
    %dma_wait3A_239 = arith.constant 12288 : i32
    %dma_wait3A_240 = tpu.memref_slice %arg3[%dma_wait3A_239] : memref<48641xi32, #tpu.memory_space<hbm>> -> memref<6144xi32, #tpu.memory_space<hbm>>
    %dma_wait3A_241 = arith.constant 0 : i32
    %dma_wait3A_242 = tpu.memref_slice %arg7[%dma_wait3A_241] : memref<6144xi32, #tpu.memory_space<vmem>> -> memref<6144xi32, #tpu.memory_space<vmem>>
    %dma_wait3A_243 = arith.constant 12288 : i32
    %dma_wait3A_244 = tpu.memref_slice %arg3[%dma_wait3A_243] : memref<48641xi32, #tpu.memory_space<hbm>> -> memref<6144xi32, #tpu.memory_space<hbm>>
    tpu.wait_dma2 semaphore(%arg12 : memref<!tpu.dma_semaphore, #tpu.memory_space<semaphore_mem>>) src(%dma_wait3A_244 : memref<6144xi32, #tpu.memory_space<hbm>>) dst(%dma_wait3A_242 : memref<6144xi32, #tpu.memory_space<vmem>>)
    %dma_wait3A_245 = arith.constant 0 : i32
    %dma_wait3A_246 = tpu.memref_slice %arg9[%dma_wait3A_245] : memref<6144xi32, #tpu.memory_space<vmem>> -> memref<6144xi32, #tpu.memory_space<vmem>>
    %dma_wait3A_247 = arith.constant 12288 : i32
    %dma_wait3A_248 = tpu.memref_slice %arg4[%dma_wait3A_247] : memref<48641xi32, #tpu.memory_space<hbm>> -> memref<6144xi32, #tpu.memory_space<hbm>>
    %dma_wait3A_249 = arith.constant 0 : i32
    %dma_wait3A_250 = tpu.memref_slice %arg9[%dma_wait3A_249] : memref<6144xi32, #tpu.memory_space<vmem>> -> memref<6144xi32, #tpu.memory_space<vmem>>
    %dma_wait3A_251 = arith.constant 12288 : i32
    %dma_wait3A_252 = tpu.memref_slice %arg4[%dma_wait3A_251] : memref<48641xi32, #tpu.memory_space<hbm>> -> memref<6144xi32, #tpu.memory_space<hbm>>
    tpu.wait_dma2 semaphore(%arg12 : memref<!tpu.dma_semaphore, #tpu.memory_space<semaphore_mem>>) src(%dma_wait3A_252 : memref<6144xi32, #tpu.memory_space<hbm>>) dst(%dma_wait3A_250 : memref<6144xi32, #tpu.memory_space<vmem>>)
    %dma_start3A_253 = arith.constant 0 : i32
    %dma_start3A_254 = tpu.memref_slice %arg8[%dma_start3A_253] : memref<6144xi32, #tpu.memory_space<vmem>> -> memref<6144xi32, #tpu.memory_space<vmem>>
    %dma_start3A_255 = arith.constant 18432 : i32
    %dma_start3A_256 = tpu.memref_slice %arg3[%dma_start3A_255] : memref<48641xi32, #tpu.memory_space<hbm>> -> memref<6144xi32, #tpu.memory_space<hbm>>
    %dma_start3A_257 = arith.constant 0 : i32
    %dma_start3A_258 = tpu.memref_slice %arg8[%dma_start3A_257] : memref<6144xi32, #tpu.memory_space<vmem>> -> memref<6144xi32, #tpu.memory_space<vmem>>
    %dma_start3A_259 = arith.constant 18432 : i32
    %dma_start3A_260 = tpu.memref_slice %arg3[%dma_start3A_259] : memref<48641xi32, #tpu.memory_space<hbm>> -> memref<6144xi32, #tpu.memory_space<hbm>>
    tpu.enqueue_dma source(%dma_start3A_260 : memref<6144xi32, #tpu.memory_space<hbm>>) target(%dma_start3A_258 : memref<6144xi32, #tpu.memory_space<vmem>>) target_semaphore(%arg13 : memref<!tpu.dma_semaphore, #tpu.memory_space<semaphore_mem>>)
    %dma_start3A_261 = arith.constant 0 : i32
    %dma_start3A_262 = tpu.memref_slice %arg10[%dma_start3A_261] : memref<6144xi32, #tpu.memory_space<vmem>> -> memref<6144xi32, #tpu.memory_space<vmem>>
    %dma_start3A_263 = arith.constant 18432 : i32
    %dma_start3A_264 = tpu.memref_slice %arg4[%dma_start3A_263] : memref<48641xi32, #tpu.memory_space<hbm>> -> memref<6144xi32, #tpu.memory_space<hbm>>
    %dma_start3A_265 = arith.constant 0 : i32
    %dma_start3A_266 = tpu.memref_slice %arg10[%dma_start3A_265] : memref<6144xi32, #tpu.memory_space<vmem>> -> memref<6144xi32, #tpu.memory_space<vmem>>
    %dma_start3A_267 = arith.constant 18432 : i32
    %dma_start3A_268 = tpu.memref_slice %arg4[%dma_start3A_267] : memref<48641xi32, #tpu.memory_space<hbm>> -> memref<6144xi32, #tpu.memory_space<hbm>>
    tpu.enqueue_dma source(%dma_start3A_268 : memref<6144xi32, #tpu.memory_space<hbm>>) target(%dma_start3A_266 : memref<6144xi32, #tpu.memory_space<vmem>>) target_semaphore(%arg13 : memref<!tpu.dma_semaphore, #tpu.memory_space<semaphore_mem>>)
    %scan3A_269 = arith.constant 0 : i32
    %scan3A_270 = arith.constant 384 : i32
    %scan3A_271 = arith.addi %scan3A_269, %scan3A_270 : i32
    %scan3A_272 = arith.constant 4 : i32
    %scan3A_273:6 = scf.for %scan3A_622 = %scan3A_269 to %scan3A_271 step %scan3A_272 iter_args(%scan3A_623 = %scan3A_202#0, %scan3A_624 = %scan3A_202#1, %scan3A_625 = %scan3A_202#2, %scan3A_626 = %broadcast_in_dim3A_96, %scan3A_627 = %broadcast_in_dim3A_96, %scan3A_628 = %broadcast_in_dim3A_96) -> (vector<16xf32>, vector<16xf32>, vector<16xf32>, vector<16xf32>, vector<16xf32>, vector<16xf32>)  : i32 {
      %mul3A_629 = arith.constant 16 : i32
      %mul3A_630 = arith.muli %scan3A_622, %mul3A_629 : i32
      %get3A_631 = arith.index_cast %mul3A_630 : i32 to index
      %get3A_632 = tpu.vector_load %arg7[%get3A_631] {strides = array<i32>} : memref<6144xi32, #tpu.memory_space<vmem>>, vector<16xi32>,
      %mul3A_633 = arith.constant 16 : i32
      %mul3A_634 = arith.muli %scan3A_622, %mul3A_633 : i32
      %get3A_635 = arith.index_cast %mul3A_634 : i32 to index
      %get3A_636 = tpu.vector_load %arg9[%get3A_635] {strides = array<i32>} : memref<6144xi32, #tpu.memory_space<vmem>>, vector<16xi32>,
      %add3A_637 = arith.constant 0 : i32
      %add3A_638 = vector.broadcast %add3A_637 : i32 to vector<16xi32>
      %add3A_639 = arith.addi %get3A_632, %add3A_638 : vector<16xi32>
      %gather3A_640 = tpu.vector_load_idx %arg6[%add3A_639] : memref<98304xf32, #tpu.memory_space<vmem>>[vector<16xi32>], vector<16xf32>,
      %add3A_641 = arith.constant 0 : i32
      %add3A_642 = vector.broadcast %add3A_641 : i32 to vector<16xi32>
      %add3A_643 = arith.addi %get3A_636, %add3A_642 : vector<16xi32>
      %gather3A_644 = tpu.vector_load_idx %arg6[%add3A_643] : memref<98304xf32, #tpu.memory_space<vmem>>[vector<16xi32>], vector<16xf32>,
      %sub3A_645 = arith.subf %gather3A_640, %gather3A_644 : vector<16xf32>
      %mul3A_646 = arith.mulf %sub3A_645, %sub3A_645 : vector<16xf32>
      %add3A_647 = arith.addf %scan3A_623, %mul3A_646 : vector<16xf32>
      %add3A_648 = arith.constant 16384 : i32
      %add3A_649 = vector.broadcast %add3A_648 : i32 to vector<16xi32>
      %add3A_650 = arith.addi %get3A_632, %add3A_649 : vector<16xi32>
      %gather3A_651 = tpu.vector_load_idx %arg6[%add3A_650] : memref<98304xf32, #tpu.memory_space<vmem>>[vector<16xi32>], vector<16xf32>,
      %add3A_652 = arith.constant 16384 : i32
      %add3A_653 = vector.broadcast %add3A_652 : i32 to vector<16xi32>
      %add3A_654 = arith.addi %get3A_636, %add3A_653 : vector<16xi32>
      %gather3A_655 = tpu.vector_load_idx %arg6[%add3A_654] : memref<98304xf32, #tpu.memory_space<vmem>>[vector<16xi32>], vector<16xf32>,
      %sub3A_656 = arith.subf %gather3A_651, %gather3A_655 : vector<16xf32>
      %mul3A_657 = arith.mulf %sub3A_656, %sub3A_656 : vector<16xf32>
      %add3A_658 = arith.addf %scan3A_624, %mul3A_657 : vector<16xf32>
      %add3A_659 = arith.constant 32768 : i32
      %add3A_660 = vector.broadcast %add3A_659 : i32 to vector<16xi32>
      %add3A_661 = arith.addi %get3A_632, %add3A_660 : vector<16xi32>
      %gather3A_662 = tpu.vector_load_idx %arg6[%add3A_661] : memref<98304xf32, #tpu.memory_space<vmem>>[vector<16xi32>], vector<16xf32>,
      %add3A_663 = arith.constant 32768 : i32
      %add3A_664 = vector.broadcast %add3A_663 : i32 to vector<16xi32>
      %add3A_665 = arith.addi %get3A_636, %add3A_664 : vector<16xi32>
      %gather3A_666 = tpu.vector_load_idx %arg6[%add3A_665] : memref<98304xf32, #tpu.memory_space<vmem>>[vector<16xi32>], vector<16xf32>,
      %sub3A_667 = arith.subf %gather3A_662, %gather3A_666 : vector<16xf32>
      %mul3A_668 = arith.mulf %sub3A_667, %sub3A_667 : vector<16xf32>
      %add3A_669 = arith.addf %scan3A_625, %mul3A_668 : vector<16xf32>
      %add3A_670 = arith.constant 49152 : i32
      %add3A_671 = vector.broadcast %add3A_670 : i32 to vector<16xi32>
      %add3A_672 = arith.addi %get3A_632, %add3A_671 : vector<16xi32>
      %gather3A_673 = tpu.vector_load_idx %arg6[%add3A_672] : memref<98304xf32, #tpu.memory_space<vmem>>[vector<16xi32>], vector<16xf32>,
      %add3A_674 = arith.constant 49152 : i32
      %add3A_675 = vector.broadcast %add3A_674 : i32 to vector<16xi32>
      %add3A_676 = arith.addi %get3A_636, %add3A_675 : vector<16xi32>
      %gather3A_677 = tpu.vector_load_idx %arg6[%add3A_676] : memref<98304xf32, #tpu.memory_space<vmem>>[vector<16xi32>], vector<16xf32>,
      %sub3A_678 = arith.subf %gather3A_673, %gather3A_677 : vector<16xf32>
      %mul3A_679 = arith.mulf %sub3A_678, %sub3A_678 : vector<16xf32>
      %add3A_680 = arith.addf %scan3A_626, %mul3A_679 : vector<16xf32>
      %add3A_681 = arith.constant 65536 : i32
      %add3A_682 = vector.broadcast %add3A_681 : i32 to vector<16xi32>
      %add3A_683 = arith.addi %get3A_632, %add3A_682 : vector<16xi32>
      %gather3A_684 = tpu.vector_load_idx %arg6[%add3A_683] : memref<98304xf32, #tpu.memory_space<vmem>>[vector<16xi32>], vector<16xf32>,
      %add3A_685 = arith.constant 65536 : i32
      %add3A_686 = vector.broadcast %add3A_685 : i32 to vector<16xi32>
      %add3A_687 = arith.addi %get3A_636, %add3A_686 : vector<16xi32>
      %gather3A_688 = tpu.vector_load_idx %arg6[%add3A_687] : memref<98304xf32, #tpu.memory_space<vmem>>[vector<16xi32>], vector<16xf32>,
      %sub3A_689 = arith.subf %gather3A_684, %gather3A_688 : vector<16xf32>
      %mul3A_690 = arith.mulf %sub3A_689, %sub3A_689 : vector<16xf32>
      %add3A_691 = arith.addf %scan3A_627, %mul3A_690 : vector<16xf32>
      %add3A_692 = arith.constant 81920 : i32
      %add3A_693 = vector.broadcast %add3A_692 : i32 to vector<16xi32>
      %add3A_694 = arith.addi %get3A_632, %add3A_693 : vector<16xi32>
      %gather3A_695 = tpu.vector_load_idx %arg6[%add3A_694] : memref<98304xf32, #tpu.memory_space<vmem>>[vector<16xi32>], vector<16xf32>,
      %add3A_696 = arith.constant 81920 : i32
      %add3A_697 = vector.broadcast %add3A_696 : i32 to vector<16xi32>
      %add3A_698 = arith.addi %get3A_636, %add3A_697 : vector<16xi32>
      %gather3A_699 = tpu.vector_load_idx %arg6[%add3A_698] : memref<98304xf32, #tpu.memory_space<vmem>>[vector<16xi32>], vector<16xf32>,
      %sub3A_700 = arith.subf %gather3A_695, %gather3A_699 : vector<16xf32>
      %mul3A_701 = arith.mulf %sub3A_700, %sub3A_700 : vector<16xf32>
      %add3A_702 = arith.addf %scan3A_628, %mul3A_701 : vector<16xf32>
      %scan3A_703 = arith.constant 1 : i32
      %scan3A_704 = arith.addi %scan3A_622, %scan3A_703 : i32
      %mul3A_705 = arith.constant 16 : i32
      %mul3A_706 = arith.muli %scan3A_704, %mul3A_705 : i32
      %get3A_707 = arith.index_cast %mul3A_706 : i32 to index
      %get3A_708 = tpu.vector_load %arg7[%get3A_707] {strides = array<i32>} : memref<6144xi32, #tpu.memory_space<vmem>>, vector<16xi32>,
      %mul3A_709 = arith.constant 16 : i32
      %mul3A_710 = arith.muli %scan3A_704, %mul3A_709 : i32
      %get3A_711 = arith.index_cast %mul3A_710 : i32 to index
      %get3A_712 = tpu.vector_load %arg9[%get3A_711] {strides = array<i32>} : memref<6144xi32, #tpu.memory_space<vmem>>, vector<16xi32>,
      %add3A_713 = arith.constant 0 : i32
      %add3A_714 = vector.broadcast %add3A_713 : i32 to vector<16xi32>
      %add3A_715 = arith.addi %get3A_708, %add3A_714 : vector<16xi32>
      %gather3A_716 = tpu.vector_load_idx %arg6[%add3A_715] : memref<98304xf32, #tpu.memory_space<vmem>>[vector<16xi32>], vector<16xf32>,
      %add3A_717 = arith.constant 0 : i32
      %add3A_718 = vector.broadcast %add3A_717 : i32 to vector<16xi32>
      %add3A_719 = arith.addi %get3A_712, %add3A_718 : vector<16xi32>
      %gather3A_720 = tpu.vector_load_idx %arg6[%add3A_719] : memref<98304xf32, #tpu.memory_space<vmem>>[vector<16xi32>], vector<16xf32>,
      %sub3A_721 = arith.subf %gather3A_716, %gather3A_720 : vector<16xf32>
      %mul3A_722 = arith.mulf %sub3A_721, %sub3A_721 : vector<16xf32>
      %add3A_723 = arith.addf %add3A_647, %mul3A_722 : vector<16xf32>
      %add3A_724 = arith.constant 16384 : i32
      %add3A_725 = vector.broadcast %add3A_724 : i32 to vector<16xi32>
      %add3A_726 = arith.addi %get3A_708, %add3A_725 : vector<16xi32>
      %gather3A_727 = tpu.vector_load_idx %arg6[%add3A_726] : memref<98304xf32, #tpu.memory_space<vmem>>[vector<16xi32>], vector<16xf32>,
      %add3A_728 = arith.constant 16384 : i32
      %add3A_729 = vector.broadcast %add3A_728 : i32 to vector<16xi32>
      %add3A_730 = arith.addi %get3A_712, %add3A_729 : vector<16xi32>
      %gather3A_731 = tpu.vector_load_idx %arg6[%add3A_730] : memref<98304xf32, #tpu.memory_space<vmem>>[vector<16xi32>], vector<16xf32>,
      %sub3A_732 = arith.subf %gather3A_727, %gather3A_731 : vector<16xf32>
      %mul3A_733 = arith.mulf %sub3A_732, %sub3A_732 : vector<16xf32>
      %add3A_734 = arith.addf %add3A_658, %mul3A_733 : vector<16xf32>
      %add3A_735 = arith.constant 32768 : i32
      %add3A_736 = vector.broadcast %add3A_735 : i32 to vector<16xi32>
      %add3A_737 = arith.addi %get3A_708, %add3A_736 : vector<16xi32>
      %gather3A_738 = tpu.vector_load_idx %arg6[%add3A_737] : memref<98304xf32, #tpu.memory_space<vmem>>[vector<16xi32>], vector<16xf32>,
      %add3A_739 = arith.constant 32768 : i32
      %add3A_740 = vector.broadcast %add3A_739 : i32 to vector<16xi32>
      %add3A_741 = arith.addi %get3A_712, %add3A_740 : vector<16xi32>
      %gather3A_742 = tpu.vector_load_idx %arg6[%add3A_741] : memref<98304xf32, #tpu.memory_space<vmem>>[vector<16xi32>], vector<16xf32>,
      %sub3A_743 = arith.subf %gather3A_738, %gather3A_742 : vector<16xf32>
      %mul3A_744 = arith.mulf %sub3A_743, %sub3A_743 : vector<16xf32>
      %add3A_745 = arith.addf %add3A_669, %mul3A_744 : vector<16xf32>
      %add3A_746 = arith.constant 49152 : i32
      %add3A_747 = vector.broadcast %add3A_746 : i32 to vector<16xi32>
      %add3A_748 = arith.addi %get3A_708, %add3A_747 : vector<16xi32>
      %gather3A_749 = tpu.vector_load_idx %arg6[%add3A_748] : memref<98304xf32, #tpu.memory_space<vmem>>[vector<16xi32>], vector<16xf32>,
      %add3A_750 = arith.constant 49152 : i32
      %add3A_751 = vector.broadcast %add3A_750 : i32 to vector<16xi32>
      %add3A_752 = arith.addi %get3A_712, %add3A_751 : vector<16xi32>
      %gather3A_753 = tpu.vector_load_idx %arg6[%add3A_752] : memref<98304xf32, #tpu.memory_space<vmem>>[vector<16xi32>], vector<16xf32>,
      %sub3A_754 = arith.subf %gather3A_749, %gather3A_753 : vector<16xf32>
      %mul3A_755 = arith.mulf %sub3A_754, %sub3A_754 : vector<16xf32>
      %add3A_756 = arith.addf %add3A_680, %mul3A_755 : vector<16xf32>
      %add3A_757 = arith.constant 65536 : i32
      %add3A_758 = vector.broadcast %add3A_757 : i32 to vector<16xi32>
      %add3A_759 = arith.addi %get3A_708, %add3A_758 : vector<16xi32>
      %gather3A_760 = tpu.vector_load_idx %arg6[%add3A_759] : memref<98304xf32, #tpu.memory_space<vmem>>[vector<16xi32>], vector<16xf32>,
      %add3A_761 = arith.constant 65536 : i32
      %add3A_762 = vector.broadcast %add3A_761 : i32 to vector<16xi32>
      %add3A_763 = arith.addi %get3A_712, %add3A_762 : vector<16xi32>
      %gather3A_764 = tpu.vector_load_idx %arg6[%add3A_763] : memref<98304xf32, #tpu.memory_space<vmem>>[vector<16xi32>], vector<16xf32>,
      %sub3A_765 = arith.subf %gather3A_760, %gather3A_764 : vector<16xf32>
      %mul3A_766 = arith.mulf %sub3A_765, %sub3A_765 : vector<16xf32>
      %add3A_767 = arith.addf %add3A_691, %mul3A_766 : vector<16xf32>
      %add3A_768 = arith.constant 81920 : i32
      %add3A_769 = vector.broadcast %add3A_768 : i32 to vector<16xi32>
      %add3A_770 = arith.addi %get3A_708, %add3A_769 : vector<16xi32>
      %gather3A_771 = tpu.vector_load_idx %arg6[%add3A_770] : memref<98304xf32, #tpu.memory_space<vmem>>[vector<16xi32>], vector<16xf32>,
      %add3A_772 = arith.constant 81920 : i32
      %add3A_773 = vector.broadcast %add3A_772 : i32 to vector<16xi32>
      %add3A_774 = arith.addi %get3A_712, %add3A_773 : vector<16xi32>
      %gather3A_775 = tpu.vector_load_idx %arg6[%add3A_774] : memref<98304xf32, #tpu.memory_space<vmem>>[vector<16xi32>], vector<16xf32>,
      %sub3A_776 = arith.subf %gather3A_771, %gather3A_775 : vector<16xf32>
      %mul3A_777 = arith.mulf %sub3A_776, %sub3A_776 : vector<16xf32>
      %add3A_778 = arith.addf %add3A_702, %mul3A_777 : vector<16xf32>
      %scan3A_779 = arith.constant 2 : i32
      %scan3A_780 = arith.addi %scan3A_622, %scan3A_779 : i32
      %mul3A_781 = arith.constant 16 : i32
      %mul3A_782 = arith.muli %scan3A_780, %mul3A_781 : i32
      %get3A_783 = arith.index_cast %mul3A_782 : i32 to index
      %get3A_784 = tpu.vector_load %arg7[%get3A_783] {strides = array<i32>} : memref<6144xi32, #tpu.memory_space<vmem>>, vector<16xi32>,
      %mul3A_785 = arith.constant 16 : i32
      %mul3A_786 = arith.muli %scan3A_780, %mul3A_785 : i32
      %get3A_787 = arith.index_cast %mul3A_786 : i32 to index
      %get3A_788 = tpu.vector_load %arg9[%get3A_787] {strides = array<i32>} : memref<6144xi32, #tpu.memory_space<vmem>>, vector<16xi32>,
      %add3A_789 = arith.constant 0 : i32
      %add3A_790 = vector.broadcast %add3A_789 : i32 to vector<16xi32>
      %add3A_791 = arith.addi %get3A_784, %add3A_790 : vector<16xi32>
      %gather3A_792 = tpu.vector_load_idx %arg6[%add3A_791] : memref<98304xf32, #tpu.memory_space<vmem>>[vector<16xi32>], vector<16xf32>,
      %add3A_793 = arith.constant 0 : i32
      %add3A_794 = vector.broadcast %add3A_793 : i32 to vector<16xi32>
      %add3A_795 = arith.addi %get3A_788, %add3A_794 : vector<16xi32>
      %gather3A_796 = tpu.vector_load_idx %arg6[%add3A_795] : memref<98304xf32, #tpu.memory_space<vmem>>[vector<16xi32>], vector<16xf32>,
      %sub3A_797 = arith.subf %gather3A_792, %gather3A_796 : vector<16xf32>
      %mul3A_798 = arith.mulf %sub3A_797, %sub3A_797 : vector<16xf32>
      %add3A_799 = arith.addf %add3A_723, %mul3A_798 : vector<16xf32>
      %add3A_800 = arith.constant 16384 : i32
      %add3A_801 = vector.broadcast %add3A_800 : i32 to vector<16xi32>
      %add3A_802 = arith.addi %get3A_784, %add3A_801 : vector<16xi32>
      %gather3A_803 = tpu.vector_load_idx %arg6[%add3A_802] : memref<98304xf32, #tpu.memory_space<vmem>>[vector<16xi32>], vector<16xf32>,
      %add3A_804 = arith.constant 16384 : i32
      %add3A_805 = vector.broadcast %add3A_804 : i32 to vector<16xi32>
      %add3A_806 = arith.addi %get3A_788, %add3A_805 : vector<16xi32>
      %gather3A_807 = tpu.vector_load_idx %arg6[%add3A_806] : memref<98304xf32, #tpu.memory_space<vmem>>[vector<16xi32>], vector<16xf32>,
      %sub3A_808 = arith.subf %gather3A_803, %gather3A_807 : vector<16xf32>
      %mul3A_809 = arith.mulf %sub3A_808, %sub3A_808 : vector<16xf32>
      %add3A_810 = arith.addf %add3A_734, %mul3A_809 : vector<16xf32>
      %add3A_811 = arith.constant 32768 : i32
      %add3A_812 = vector.broadcast %add3A_811 : i32 to vector<16xi32>
      %add3A_813 = arith.addi %get3A_784, %add3A_812 : vector<16xi32>
      %gather3A_814 = tpu.vector_load_idx %arg6[%add3A_813] : memref<98304xf32, #tpu.memory_space<vmem>>[vector<16xi32>], vector<16xf32>,
      %add3A_815 = arith.constant 32768 : i32
      %add3A_816 = vector.broadcast %add3A_815 : i32 to vector<16xi32>
      %add3A_817 = arith.addi %get3A_788, %add3A_816 : vector<16xi32>
      %gather3A_818 = tpu.vector_load_idx %arg6[%add3A_817] : memref<98304xf32, #tpu.memory_space<vmem>>[vector<16xi32>], vector<16xf32>,
      %sub3A_819 = arith.subf %gather3A_814, %gather3A_818 : vector<16xf32>
      %mul3A_820 = arith.mulf %sub3A_819, %sub3A_819 : vector<16xf32>
      %add3A_821 = arith.addf %add3A_745, %mul3A_820 : vector<16xf32>
      %add3A_822 = arith.constant 49152 : i32
      %add3A_823 = vector.broadcast %add3A_822 : i32 to vector<16xi32>
      %add3A_824 = arith.addi %get3A_784, %add3A_823 : vector<16xi32>
      %gather3A_825 = tpu.vector_load_idx %arg6[%add3A_824] : memref<98304xf32, #tpu.memory_space<vmem>>[vector<16xi32>], vector<16xf32>,
      %add3A_826 = arith.constant 49152 : i32
      %add3A_827 = vector.broadcast %add3A_826 : i32 to vector<16xi32>
      %add3A_828 = arith.addi %get3A_788, %add3A_827 : vector<16xi32>
      %gather3A_829 = tpu.vector_load_idx %arg6[%add3A_828] : memref<98304xf32, #tpu.memory_space<vmem>>[vector<16xi32>], vector<16xf32>,
      %sub3A_830 = arith.subf %gather3A_825, %gather3A_829 : vector<16xf32>
      %mul3A_831 = arith.mulf %sub3A_830, %sub3A_830 : vector<16xf32>
      %add3A_832 = arith.addf %add3A_756, %mul3A_831 : vector<16xf32>
      %add3A_833 = arith.constant 65536 : i32
      %add3A_834 = vector.broadcast %add3A_833 : i32 to vector<16xi32>
      %add3A_835 = arith.addi %get3A_784, %add3A_834 : vector<16xi32>
      %gather3A_836 = tpu.vector_load_idx %arg6[%add3A_835] : memref<98304xf32, #tpu.memory_space<vmem>>[vector<16xi32>], vector<16xf32>,
      %add3A_837 = arith.constant 65536 : i32
      %add3A_838 = vector.broadcast %add3A_837 : i32 to vector<16xi32>
      %add3A_839 = arith.addi %get3A_788, %add3A_838 : vector<16xi32>
      %gather3A_840 = tpu.vector_load_idx %arg6[%add3A_839] : memref<98304xf32, #tpu.memory_space<vmem>>[vector<16xi32>], vector<16xf32>,
      %sub3A_841 = arith.subf %gather3A_836, %gather3A_840 : vector<16xf32>
      %mul3A_842 = arith.mulf %sub3A_841, %sub3A_841 : vector<16xf32>
      %add3A_843 = arith.addf %add3A_767, %mul3A_842 : vector<16xf32>
      %add3A_844 = arith.constant 81920 : i32
      %add3A_845 = vector.broadcast %add3A_844 : i32 to vector<16xi32>
      %add3A_846 = arith.addi %get3A_784, %add3A_845 : vector<16xi32>
      %gather3A_847 = tpu.vector_load_idx %arg6[%add3A_846] : memref<98304xf32, #tpu.memory_space<vmem>>[vector<16xi32>], vector<16xf32>,
      %add3A_848 = arith.constant 81920 : i32
      %add3A_849 = vector.broadcast %add3A_848 : i32 to vector<16xi32>
      %add3A_850 = arith.addi %get3A_788, %add3A_849 : vector<16xi32>
      %gather3A_851 = tpu.vector_load_idx %arg6[%add3A_850] : memref<98304xf32, #tpu.memory_space<vmem>>[vector<16xi32>], vector<16xf32>,
      %sub3A_852 = arith.subf %gather3A_847, %gather3A_851 : vector<16xf32>
      %mul3A_853 = arith.mulf %sub3A_852, %sub3A_852 : vector<16xf32>
      %add3A_854 = arith.addf %add3A_778, %mul3A_853 : vector<16xf32>
      %scan3A_855 = arith.constant 3 : i32
      %scan3A_856 = arith.addi %scan3A_622, %scan3A_855 : i32
      %mul3A_857 = arith.constant 16 : i32
      %mul3A_858 = arith.muli %scan3A_856, %mul3A_857 : i32
      %get3A_859 = arith.index_cast %mul3A_858 : i32 to index
      %get3A_860 = tpu.vector_load %arg7[%get3A_859] {strides = array<i32>} : memref<6144xi32, #tpu.memory_space<vmem>>, vector<16xi32>,
      %mul3A_861 = arith.constant 16 : i32
      %mul3A_862 = arith.muli %scan3A_856, %mul3A_861 : i32
      %get3A_863 = arith.index_cast %mul3A_862 : i32 to index
      %get3A_864 = tpu.vector_load %arg9[%get3A_863] {strides = array<i32>} : memref<6144xi32, #tpu.memory_space<vmem>>, vector<16xi32>,
      %add3A_865 = arith.constant 0 : i32
      %add3A_866 = vector.broadcast %add3A_865 : i32 to vector<16xi32>
      %add3A_867 = arith.addi %get3A_860, %add3A_866 : vector<16xi32>
      %gather3A_868 = tpu.vector_load_idx %arg6[%add3A_867] : memref<98304xf32, #tpu.memory_space<vmem>>[vector<16xi32>], vector<16xf32>,
      %add3A_869 = arith.constant 0 : i32
      %add3A_870 = vector.broadcast %add3A_869 : i32 to vector<16xi32>
      %add3A_871 = arith.addi %get3A_864, %add3A_870 : vector<16xi32>
      %gather3A_872 = tpu.vector_load_idx %arg6[%add3A_871] : memref<98304xf32, #tpu.memory_space<vmem>>[vector<16xi32>], vector<16xf32>,
      %sub3A_873 = arith.subf %gather3A_868, %gather3A_872 : vector<16xf32>
      %mul3A_874 = arith.mulf %sub3A_873, %sub3A_873 : vector<16xf32>
      %add3A_875 = arith.addf %add3A_799, %mul3A_874 : vector<16xf32>
      %add3A_876 = arith.constant 16384 : i32
      %add3A_877 = vector.broadcast %add3A_876 : i32 to vector<16xi32>
      %add3A_878 = arith.addi %get3A_860, %add3A_877 : vector<16xi32>
      %gather3A_879 = tpu.vector_load_idx %arg6[%add3A_878] : memref<98304xf32, #tpu.memory_space<vmem>>[vector<16xi32>], vector<16xf32>,
      %add3A_880 = arith.constant 16384 : i32
      %add3A_881 = vector.broadcast %add3A_880 : i32 to vector<16xi32>
      %add3A_882 = arith.addi %get3A_864, %add3A_881 : vector<16xi32>
      %gather3A_883 = tpu.vector_load_idx %arg6[%add3A_882] : memref<98304xf32, #tpu.memory_space<vmem>>[vector<16xi32>], vector<16xf32>,
      %sub3A_884 = arith.subf %gather3A_879, %gather3A_883 : vector<16xf32>
      %mul3A_885 = arith.mulf %sub3A_884, %sub3A_884 : vector<16xf32>
      %add3A_886 = arith.addf %add3A_810, %mul3A_885 : vector<16xf32>
      %add3A_887 = arith.constant 32768 : i32
      %add3A_888 = vector.broadcast %add3A_887 : i32 to vector<16xi32>
      %add3A_889 = arith.addi %get3A_860, %add3A_888 : vector<16xi32>
      %gather3A_890 = tpu.vector_load_idx %arg6[%add3A_889] : memref<98304xf32, #tpu.memory_space<vmem>>[vector<16xi32>], vector<16xf32>,
      %add3A_891 = arith.constant 32768 : i32
      %add3A_892 = vector.broadcast %add3A_891 : i32 to vector<16xi32>
      %add3A_893 = arith.addi %get3A_864, %add3A_892 : vector<16xi32>
      %gather3A_894 = tpu.vector_load_idx %arg6[%add3A_893] : memref<98304xf32, #tpu.memory_space<vmem>>[vector<16xi32>], vector<16xf32>,
      %sub3A_895 = arith.subf %gather3A_890, %gather3A_894 : vector<16xf32>
      %mul3A_896 = arith.mulf %sub3A_895, %sub3A_895 : vector<16xf32>
      %add3A_897 = arith.addf %add3A_821, %mul3A_896 : vector<16xf32>
      %add3A_898 = arith.constant 49152 : i32
      %add3A_899 = vector.broadcast %add3A_898 : i32 to vector<16xi32>
      %add3A_900 = arith.addi %get3A_860, %add3A_899 : vector<16xi32>
      %gather3A_901 = tpu.vector_load_idx %arg6[%add3A_900] : memref<98304xf32, #tpu.memory_space<vmem>>[vector<16xi32>], vector<16xf32>,
      %add3A_902 = arith.constant 49152 : i32
      %add3A_903 = vector.broadcast %add3A_902 : i32 to vector<16xi32>
      %add3A_904 = arith.addi %get3A_864, %add3A_903 : vector<16xi32>
      %gather3A_905 = tpu.vector_load_idx %arg6[%add3A_904] : memref<98304xf32, #tpu.memory_space<vmem>>[vector<16xi32>], vector<16xf32>,
      %sub3A_906 = arith.subf %gather3A_901, %gather3A_905 : vector<16xf32>
      %mul3A_907 = arith.mulf %sub3A_906, %sub3A_906 : vector<16xf32>
      %add3A_908 = arith.addf %add3A_832, %mul3A_907 : vector<16xf32>
      %add3A_909 = arith.constant 65536 : i32
      %add3A_910 = vector.broadcast %add3A_909 : i32 to vector<16xi32>
      %add3A_911 = arith.addi %get3A_860, %add3A_910 : vector<16xi32>
      %gather3A_912 = tpu.vector_load_idx %arg6[%add3A_911] : memref<98304xf32, #tpu.memory_space<vmem>>[vector<16xi32>], vector<16xf32>,
      %add3A_913 = arith.constant 65536 : i32
      %add3A_914 = vector.broadcast %add3A_913 : i32 to vector<16xi32>
      %add3A_915 = arith.addi %get3A_864, %add3A_914 : vector<16xi32>
      %gather3A_916 = tpu.vector_load_idx %arg6[%add3A_915] : memref<98304xf32, #tpu.memory_space<vmem>>[vector<16xi32>], vector<16xf32>,
      %sub3A_917 = arith.subf %gather3A_912, %gather3A_916 : vector<16xf32>
      %mul3A_918 = arith.mulf %sub3A_917, %sub3A_917 : vector<16xf32>
      %add3A_919 = arith.addf %add3A_843, %mul3A_918 : vector<16xf32>
      %add3A_920 = arith.constant 81920 : i32
      %add3A_921 = vector.broadcast %add3A_920 : i32 to vector<16xi32>
      %add3A_922 = arith.addi %get3A_860, %add3A_921 : vector<16xi32>
      %gather3A_923 = tpu.vector_load_idx %arg6[%add3A_922] : memref<98304xf32, #tpu.memory_space<vmem>>[vector<16xi32>], vector<16xf32>,
      %add3A_924 = arith.constant 81920 : i32
      %add3A_925 = vector.broadcast %add3A_924 : i32 to vector<16xi32>
      %add3A_926 = arith.addi %get3A_864, %add3A_925 : vector<16xi32>
      %gather3A_927 = tpu.vector_load_idx %arg6[%add3A_926] : memref<98304xf32, #tpu.memory_space<vmem>>[vector<16xi32>], vector<16xf32>,
      %sub3A_928 = arith.subf %gather3A_923, %gather3A_927 : vector<16xf32>
      %mul3A_929 = arith.mulf %sub3A_928, %sub3A_928 : vector<16xf32>
      %add3A_930 = arith.addf %add3A_854, %mul3A_929 : vector<16xf32>
      scf.yield %add3A_875, %add3A_886, %add3A_897, %add3A_908, %add3A_919, %add3A_930 : vector<16xf32>, vector<16xf32>, vector<16xf32>, vector<16xf32>, vector<16xf32>, vector<16xf32>
    }
    %scan3A_274 = arith.constant 384 : i32
    %dma_wait3A_275 = arith.constant 0 : i32
    %dma_wait3A_276 = tpu.memref_slice %arg8[%dma_wait3A_275] : memref<6144xi32, #tpu.memory_space<vmem>> -> memref<6144xi32, #tpu.memory_space<vmem>>
    %dma_wait3A_277 = arith.constant 18432 : i32
    %dma_wait3A_278 = tpu.memref_slice %arg3[%dma_wait3A_277] : memref<48641xi32, #tpu.memory_space<hbm>> -> memref<6144xi32, #tpu.memory_space<hbm>>
    %dma_wait3A_279 = arith.constant 0 : i32
    %dma_wait3A_280 = tpu.memref_slice %arg8[%dma_wait3A_279] : memref<6144xi32, #tpu.memory_space<vmem>> -> memref<6144xi32, #tpu.memory_space<vmem>>
    %dma_wait3A_281 = arith.constant 18432 : i32
    %dma_wait3A_282 = tpu.memref_slice %arg3[%dma_wait3A_281] : memref<48641xi32, #tpu.memory_space<hbm>> -> memref<6144xi32, #tpu.memory_space<hbm>>
    tpu.wait_dma2 semaphore(%arg13 : memref<!tpu.dma_semaphore, #tpu.memory_space<semaphore_mem>>) src(%dma_wait3A_282 : memref<6144xi32, #tpu.memory_space<hbm>>) dst(%dma_wait3A_280 : memref<6144xi32, #tpu.memory_space<vmem>>)
    %dma_wait3A_283 = arith.constant 0 : i32
    %dma_wait3A_284 = tpu.memref_slice %arg10[%dma_wait3A_283] : memref<6144xi32, #tpu.memory_space<vmem>> -> memref<6144xi32, #tpu.memory_space<vmem>>
    %dma_wait3A_285 = arith.constant 18432 : i32
    %dma_wait3A_286 = tpu.memref_slice %arg4[%dma_wait3A_285] : memref<48641xi32, #tpu.memory_space<hbm>> -> memref<6144xi32, #tpu.memory_space<hbm>>
    %dma_wait3A_287 = arith.constant 0 : i32
    %dma_wait3A_288 = tpu.memref_slice %arg10[%dma_wait3A_287] : memref<6144xi32, #tpu.memory_space<vmem>> -> memref<6144xi32, #tpu.memory_space<vmem>>
    %dma_wait3A_289 = arith.constant 18432 : i32
    %dma_wait3A_290 = tpu.memref_slice %arg4[%dma_wait3A_289] : memref<48641xi32, #tpu.memory_space<hbm>> -> memref<6144xi32, #tpu.memory_space<hbm>>
    tpu.wait_dma2 semaphore(%arg13 : memref<!tpu.dma_semaphore, #tpu.memory_space<semaphore_mem>>) src(%dma_wait3A_290 : memref<6144xi32, #tpu.memory_space<hbm>>) dst(%dma_wait3A_288 : memref<6144xi32, #tpu.memory_space<vmem>>)
    %dma_start3A_291 = arith.constant 0 : i32
    %dma_start3A_292 = tpu.memref_slice %arg7[%dma_start3A_291] : memref<6144xi32, #tpu.memory_space<vmem>> -> memref<6144xi32, #tpu.memory_space<vmem>>
    %dma_start3A_293 = arith.constant 24576 : i32
    %dma_start3A_294 = tpu.memref_slice %arg3[%dma_start3A_293] : memref<48641xi32, #tpu.memory_space<hbm>> -> memref<6144xi32, #tpu.memory_space<hbm>>
    %dma_start3A_295 = arith.constant 0 : i32
    %dma_start3A_296 = tpu.memref_slice %arg7[%dma_start3A_295] : memref<6144xi32, #tpu.memory_space<vmem>> -> memref<6144xi32, #tpu.memory_space<vmem>>
    %dma_start3A_297 = arith.constant 24576 : i32
    %dma_start3A_298 = tpu.memref_slice %arg3[%dma_start3A_297] : memref<48641xi32, #tpu.memory_space<hbm>> -> memref<6144xi32, #tpu.memory_space<hbm>>
    tpu.enqueue_dma source(%dma_start3A_298 : memref<6144xi32, #tpu.memory_space<hbm>>) target(%dma_start3A_296 : memref<6144xi32, #tpu.memory_space<vmem>>) target_semaphore(%arg12 : memref<!tpu.dma_semaphore, #tpu.memory_space<semaphore_mem>>)
    %dma_start3A_299 = arith.constant 0 : i32
    %dma_start3A_300 = tpu.memref_slice %arg9[%dma_start3A_299] : memref<6144xi32, #tpu.memory_space<vmem>> -> memref<6144xi32, #tpu.memory_space<vmem>>
    %dma_start3A_301 = arith.constant 24576 : i32
    %dma_start3A_302 = tpu.memref_slice %arg4[%dma_start3A_301] : memref<48641xi32, #tpu.memory_space<hbm>> -> memref<6144xi32, #tpu.memory_space<hbm>>
    %dma_start3A_303 = arith.constant 0 : i32
    %dma_start3A_304 = tpu.memref_slice %arg9[%dma_start3A_303] : memref<6144xi32, #tpu.memory_space<vmem>> -> memref<6144xi32, #tpu.memory_space<vmem>>
    %dma_start3A_305 = arith.constant 24576 : i32
    %dma_start3A_306 = tpu.memref_slice %arg4[%dma_start3A_305] : memref<48641xi32, #tpu.memory_space<hbm>> -> memref<6144xi32, #tpu.memory_space<hbm>>
    tpu.enqueue_dma source(%dma_start3A_306 : memref<6144xi32, #tpu.memory_space<hbm>>) target(%dma_start3A_304 : memref<6144xi32, #tpu.memory_space<vmem>>) target_semaphore(%arg12 : memref<!tpu.dma_semaphore, #tpu.memory_space<semaphore_mem>>)
    %scan3A_307 = arith.constant 0 : i32
    %scan3A_308 = arith.constant 384 : i32
    %scan3A_309 = arith.addi %scan3A_307, %scan3A_308 : i32
    %scan3A_310 = arith.constant 4 : i32
    %scan3A_311:6 = scf.for %scan3A_622 = %scan3A_307 to %scan3A_309 step %scan3A_310 iter_args(%scan3A_623 = %scan3A_273#0, %scan3A_624 = %scan3A_273#1, %scan3A_625 = %scan3A_273#2, %scan3A_626 = %scan3A_273#3, %scan3A_627 = %scan3A_273#4, %scan3A_628 = %scan3A_273#5) -> (vector<16xf32>, vector<16xf32>, vector<16xf32>, vector<16xf32>, vector<16xf32>, vector<16xf32>)  : i32 {
      %mul3A_629 = arith.constant 16 : i32
      %mul3A_630 = arith.muli %scan3A_622, %mul3A_629 : i32
      %get3A_631 = arith.index_cast %mul3A_630 : i32 to index
      %get3A_632 = tpu.vector_load %arg8[%get3A_631] {strides = array<i32>} : memref<6144xi32, #tpu.memory_space<vmem>>, vector<16xi32>,
      %mul3A_633 = arith.constant 16 : i32
      %mul3A_634 = arith.muli %scan3A_622, %mul3A_633 : i32
      %get3A_635 = arith.index_cast %mul3A_634 : i32 to index
      %get3A_636 = tpu.vector_load %arg10[%get3A_635] {strides = array<i32>} : memref<6144xi32, #tpu.memory_space<vmem>>, vector<16xi32>,
      %add3A_637 = arith.constant 0 : i32
      %add3A_638 = vector.broadcast %add3A_637 : i32 to vector<16xi32>
      %add3A_639 = arith.addi %get3A_632, %add3A_638 : vector<16xi32>
      %gather3A_640 = tpu.vector_load_idx %arg6[%add3A_639] : memref<98304xf32, #tpu.memory_space<vmem>>[vector<16xi32>], vector<16xf32>,
      %add3A_641 = arith.constant 0 : i32
      %add3A_642 = vector.broadcast %add3A_641 : i32 to vector<16xi32>
      %add3A_643 = arith.addi %get3A_636, %add3A_642 : vector<16xi32>
      %gather3A_644 = tpu.vector_load_idx %arg6[%add3A_643] : memref<98304xf32, #tpu.memory_space<vmem>>[vector<16xi32>], vector<16xf32>,
      %sub3A_645 = arith.subf %gather3A_640, %gather3A_644 : vector<16xf32>
      %mul3A_646 = arith.mulf %sub3A_645, %sub3A_645 : vector<16xf32>
      %add3A_647 = arith.addf %scan3A_623, %mul3A_646 : vector<16xf32>
      %add3A_648 = arith.constant 16384 : i32
      %add3A_649 = vector.broadcast %add3A_648 : i32 to vector<16xi32>
      %add3A_650 = arith.addi %get3A_632, %add3A_649 : vector<16xi32>
      %gather3A_651 = tpu.vector_load_idx %arg6[%add3A_650] : memref<98304xf32, #tpu.memory_space<vmem>>[vector<16xi32>], vector<16xf32>,
      %add3A_652 = arith.constant 16384 : i32
      %add3A_653 = vector.broadcast %add3A_652 : i32 to vector<16xi32>
      %add3A_654 = arith.addi %get3A_636, %add3A_653 : vector<16xi32>
      %gather3A_655 = tpu.vector_load_idx %arg6[%add3A_654] : memref<98304xf32, #tpu.memory_space<vmem>>[vector<16xi32>], vector<16xf32>,
      %sub3A_656 = arith.subf %gather3A_651, %gather3A_655 : vector<16xf32>
      %mul3A_657 = arith.mulf %sub3A_656, %sub3A_656 : vector<16xf32>
      %add3A_658 = arith.addf %scan3A_624, %mul3A_657 : vector<16xf32>
      %add3A_659 = arith.constant 32768 : i32
      %add3A_660 = vector.broadcast %add3A_659 : i32 to vector<16xi32>
      %add3A_661 = arith.addi %get3A_632, %add3A_660 : vector<16xi32>
      %gather3A_662 = tpu.vector_load_idx %arg6[%add3A_661] : memref<98304xf32, #tpu.memory_space<vmem>>[vector<16xi32>], vector<16xf32>,
      %add3A_663 = arith.constant 32768 : i32
      %add3A_664 = vector.broadcast %add3A_663 : i32 to vector<16xi32>
      %add3A_665 = arith.addi %get3A_636, %add3A_664 : vector<16xi32>
      %gather3A_666 = tpu.vector_load_idx %arg6[%add3A_665] : memref<98304xf32, #tpu.memory_space<vmem>>[vector<16xi32>], vector<16xf32>,
      %sub3A_667 = arith.subf %gather3A_662, %gather3A_666 : vector<16xf32>
      %mul3A_668 = arith.mulf %sub3A_667, %sub3A_667 : vector<16xf32>
      %add3A_669 = arith.addf %scan3A_625, %mul3A_668 : vector<16xf32>
      %add3A_670 = arith.constant 49152 : i32
      %add3A_671 = vector.broadcast %add3A_670 : i32 to vector<16xi32>
      %add3A_672 = arith.addi %get3A_632, %add3A_671 : vector<16xi32>
      %gather3A_673 = tpu.vector_load_idx %arg6[%add3A_672] : memref<98304xf32, #tpu.memory_space<vmem>>[vector<16xi32>], vector<16xf32>,
      %add3A_674 = arith.constant 49152 : i32
      %add3A_675 = vector.broadcast %add3A_674 : i32 to vector<16xi32>
      %add3A_676 = arith.addi %get3A_636, %add3A_675 : vector<16xi32>
      %gather3A_677 = tpu.vector_load_idx %arg6[%add3A_676] : memref<98304xf32, #tpu.memory_space<vmem>>[vector<16xi32>], vector<16xf32>,
      %sub3A_678 = arith.subf %gather3A_673, %gather3A_677 : vector<16xf32>
      %mul3A_679 = arith.mulf %sub3A_678, %sub3A_678 : vector<16xf32>
      %add3A_680 = arith.addf %scan3A_626, %mul3A_679 : vector<16xf32>
      %add3A_681 = arith.constant 65536 : i32
      %add3A_682 = vector.broadcast %add3A_681 : i32 to vector<16xi32>
      %add3A_683 = arith.addi %get3A_632, %add3A_682 : vector<16xi32>
      %gather3A_684 = tpu.vector_load_idx %arg6[%add3A_683] : memref<98304xf32, #tpu.memory_space<vmem>>[vector<16xi32>], vector<16xf32>,
      %add3A_685 = arith.constant 65536 : i32
      %add3A_686 = vector.broadcast %add3A_685 : i32 to vector<16xi32>
      %add3A_687 = arith.addi %get3A_636, %add3A_686 : vector<16xi32>
      %gather3A_688 = tpu.vector_load_idx %arg6[%add3A_687] : memref<98304xf32, #tpu.memory_space<vmem>>[vector<16xi32>], vector<16xf32>,
      %sub3A_689 = arith.subf %gather3A_684, %gather3A_688 : vector<16xf32>
      %mul3A_690 = arith.mulf %sub3A_689, %sub3A_689 : vector<16xf32>
      %add3A_691 = arith.addf %scan3A_627, %mul3A_690 : vector<16xf32>
      %add3A_692 = arith.constant 81920 : i32
      %add3A_693 = vector.broadcast %add3A_692 : i32 to vector<16xi32>
      %add3A_694 = arith.addi %get3A_632, %add3A_693 : vector<16xi32>
      %gather3A_695 = tpu.vector_load_idx %arg6[%add3A_694] : memref<98304xf32, #tpu.memory_space<vmem>>[vector<16xi32>], vector<16xf32>,
      %add3A_696 = arith.constant 81920 : i32
      %add3A_697 = vector.broadcast %add3A_696 : i32 to vector<16xi32>
      %add3A_698 = arith.addi %get3A_636, %add3A_697 : vector<16xi32>
      %gather3A_699 = tpu.vector_load_idx %arg6[%add3A_698] : memref<98304xf32, #tpu.memory_space<vmem>>[vector<16xi32>], vector<16xf32>,
      %sub3A_700 = arith.subf %gather3A_695, %gather3A_699 : vector<16xf32>
      %mul3A_701 = arith.mulf %sub3A_700, %sub3A_700 : vector<16xf32>
      %add3A_702 = arith.addf %scan3A_628, %mul3A_701 : vector<16xf32>
      %scan3A_703 = arith.constant 1 : i32
      %scan3A_704 = arith.addi %scan3A_622, %scan3A_703 : i32
      %mul3A_705 = arith.constant 16 : i32
      %mul3A_706 = arith.muli %scan3A_704, %mul3A_705 : i32
      %get3A_707 = arith.index_cast %mul3A_706 : i32 to index
      %get3A_708 = tpu.vector_load %arg8[%get3A_707] {strides = array<i32>} : memref<6144xi32, #tpu.memory_space<vmem>>, vector<16xi32>,
      %mul3A_709 = arith.constant 16 : i32
      %mul3A_710 = arith.muli %scan3A_704, %mul3A_709 : i32
      %get3A_711 = arith.index_cast %mul3A_710 : i32 to index
      %get3A_712 = tpu.vector_load %arg10[%get3A_711] {strides = array<i32>} : memref<6144xi32, #tpu.memory_space<vmem>>, vector<16xi32>,
      %add3A_713 = arith.constant 0 : i32
      %add3A_714 = vector.broadcast %add3A_713 : i32 to vector<16xi32>
      %add3A_715 = arith.addi %get3A_708, %add3A_714 : vector<16xi32>
      %gather3A_716 = tpu.vector_load_idx %arg6[%add3A_715] : memref<98304xf32, #tpu.memory_space<vmem>>[vector<16xi32>], vector<16xf32>,
      %add3A_717 = arith.constant 0 : i32
      %add3A_718 = vector.broadcast %add3A_717 : i32 to vector<16xi32>
      %add3A_719 = arith.addi %get3A_712, %add3A_718 : vector<16xi32>
      %gather3A_720 = tpu.vector_load_idx %arg6[%add3A_719] : memref<98304xf32, #tpu.memory_space<vmem>>[vector<16xi32>], vector<16xf32>,
      %sub3A_721 = arith.subf %gather3A_716, %gather3A_720 : vector<16xf32>
      %mul3A_722 = arith.mulf %sub3A_721, %sub3A_721 : vector<16xf32>
      %add3A_723 = arith.addf %add3A_647, %mul3A_722 : vector<16xf32>
      %add3A_724 = arith.constant 16384 : i32
      %add3A_725 = vector.broadcast %add3A_724 : i32 to vector<16xi32>
      %add3A_726 = arith.addi %get3A_708, %add3A_725 : vector<16xi32>
      %gather3A_727 = tpu.vector_load_idx %arg6[%add3A_726] : memref<98304xf32, #tpu.memory_space<vmem>>[vector<16xi32>], vector<16xf32>,
      %add3A_728 = arith.constant 16384 : i32
      %add3A_729 = vector.broadcast %add3A_728 : i32 to vector<16xi32>
      %add3A_730 = arith.addi %get3A_712, %add3A_729 : vector<16xi32>
      %gather3A_731 = tpu.vector_load_idx %arg6[%add3A_730] : memref<98304xf32, #tpu.memory_space<vmem>>[vector<16xi32>], vector<16xf32>,
      %sub3A_732 = arith.subf %gather3A_727, %gather3A_731 : vector<16xf32>
      %mul3A_733 = arith.mulf %sub3A_732, %sub3A_732 : vector<16xf32>
      %add3A_734 = arith.addf %add3A_658, %mul3A_733 : vector<16xf32>
      %add3A_735 = arith.constant 32768 : i32
      %add3A_736 = vector.broadcast %add3A_735 : i32 to vector<16xi32>
      %add3A_737 = arith.addi %get3A_708, %add3A_736 : vector<16xi32>
      %gather3A_738 = tpu.vector_load_idx %arg6[%add3A_737] : memref<98304xf32, #tpu.memory_space<vmem>>[vector<16xi32>], vector<16xf32>,
      %add3A_739 = arith.constant 32768 : i32
      %add3A_740 = vector.broadcast %add3A_739 : i32 to vector<16xi32>
      %add3A_741 = arith.addi %get3A_712, %add3A_740 : vector<16xi32>
      %gather3A_742 = tpu.vector_load_idx %arg6[%add3A_741] : memref<98304xf32, #tpu.memory_space<vmem>>[vector<16xi32>], vector<16xf32>,
      %sub3A_743 = arith.subf %gather3A_738, %gather3A_742 : vector<16xf32>
      %mul3A_744 = arith.mulf %sub3A_743, %sub3A_743 : vector<16xf32>
      %add3A_745 = arith.addf %add3A_669, %mul3A_744 : vector<16xf32>
      %add3A_746 = arith.constant 49152 : i32
      %add3A_747 = vector.broadcast %add3A_746 : i32 to vector<16xi32>
      %add3A_748 = arith.addi %get3A_708, %add3A_747 : vector<16xi32>
      %gather3A_749 = tpu.vector_load_idx %arg6[%add3A_748] : memref<98304xf32, #tpu.memory_space<vmem>>[vector<16xi32>], vector<16xf32>,
      %add3A_750 = arith.constant 49152 : i32
      %add3A_751 = vector.broadcast %add3A_750 : i32 to vector<16xi32>
      %add3A_752 = arith.addi %get3A_712, %add3A_751 : vector<16xi32>
      %gather3A_753 = tpu.vector_load_idx %arg6[%add3A_752] : memref<98304xf32, #tpu.memory_space<vmem>>[vector<16xi32>], vector<16xf32>,
      %sub3A_754 = arith.subf %gather3A_749, %gather3A_753 : vector<16xf32>
      %mul3A_755 = arith.mulf %sub3A_754, %sub3A_754 : vector<16xf32>
      %add3A_756 = arith.addf %add3A_680, %mul3A_755 : vector<16xf32>
      %add3A_757 = arith.constant 65536 : i32
      %add3A_758 = vector.broadcast %add3A_757 : i32 to vector<16xi32>
      %add3A_759 = arith.addi %get3A_708, %add3A_758 : vector<16xi32>
      %gather3A_760 = tpu.vector_load_idx %arg6[%add3A_759] : memref<98304xf32, #tpu.memory_space<vmem>>[vector<16xi32>], vector<16xf32>,
      %add3A_761 = arith.constant 65536 : i32
      %add3A_762 = vector.broadcast %add3A_761 : i32 to vector<16xi32>
      %add3A_763 = arith.addi %get3A_712, %add3A_762 : vector<16xi32>
      %gather3A_764 = tpu.vector_load_idx %arg6[%add3A_763] : memref<98304xf32, #tpu.memory_space<vmem>>[vector<16xi32>], vector<16xf32>,
      %sub3A_765 = arith.subf %gather3A_760, %gather3A_764 : vector<16xf32>
      %mul3A_766 = arith.mulf %sub3A_765, %sub3A_765 : vector<16xf32>
      %add3A_767 = arith.addf %add3A_691, %mul3A_766 : vector<16xf32>
      %add3A_768 = arith.constant 81920 : i32
      %add3A_769 = vector.broadcast %add3A_768 : i32 to vector<16xi32>
      %add3A_770 = arith.addi %get3A_708, %add3A_769 : vector<16xi32>
      %gather3A_771 = tpu.vector_load_idx %arg6[%add3A_770] : memref<98304xf32, #tpu.memory_space<vmem>>[vector<16xi32>], vector<16xf32>,
      %add3A_772 = arith.constant 81920 : i32
      %add3A_773 = vector.broadcast %add3A_772 : i32 to vector<16xi32>
      %add3A_774 = arith.addi %get3A_712, %add3A_773 : vector<16xi32>
      %gather3A_775 = tpu.vector_load_idx %arg6[%add3A_774] : memref<98304xf32, #tpu.memory_space<vmem>>[vector<16xi32>], vector<16xf32>,
      %sub3A_776 = arith.subf %gather3A_771, %gather3A_775 : vector<16xf32>
      %mul3A_777 = arith.mulf %sub3A_776, %sub3A_776 : vector<16xf32>
      %add3A_778 = arith.addf %add3A_702, %mul3A_777 : vector<16xf32>
      %scan3A_779 = arith.constant 2 : i32
      %scan3A_780 = arith.addi %scan3A_622, %scan3A_779 : i32
      %mul3A_781 = arith.constant 16 : i32
      %mul3A_782 = arith.muli %scan3A_780, %mul3A_781 : i32
      %get3A_783 = arith.index_cast %mul3A_782 : i32 to index
      %get3A_784 = tpu.vector_load %arg8[%get3A_783] {strides = array<i32>} : memref<6144xi32, #tpu.memory_space<vmem>>, vector<16xi32>,
      %mul3A_785 = arith.constant 16 : i32
      %mul3A_786 = arith.muli %scan3A_780, %mul3A_785 : i32
      %get3A_787 = arith.index_cast %mul3A_786 : i32 to index
      %get3A_788 = tpu.vector_load %arg10[%get3A_787] {strides = array<i32>} : memref<6144xi32, #tpu.memory_space<vmem>>, vector<16xi32>,
      %add3A_789 = arith.constant 0 : i32
      %add3A_790 = vector.broadcast %add3A_789 : i32 to vector<16xi32>
      %add3A_791 = arith.addi %get3A_784, %add3A_790 : vector<16xi32>
      %gather3A_792 = tpu.vector_load_idx %arg6[%add3A_791] : memref<98304xf32, #tpu.memory_space<vmem>>[vector<16xi32>], vector<16xf32>,
      %add3A_793 = arith.constant 0 : i32
      %add3A_794 = vector.broadcast %add3A_793 : i32 to vector<16xi32>
      %add3A_795 = arith.addi %get3A_788, %add3A_794 : vector<16xi32>
      %gather3A_796 = tpu.vector_load_idx %arg6[%add3A_795] : memref<98304xf32, #tpu.memory_space<vmem>>[vector<16xi32>], vector<16xf32>,
      %sub3A_797 = arith.subf %gather3A_792, %gather3A_796 : vector<16xf32>
      %mul3A_798 = arith.mulf %sub3A_797, %sub3A_797 : vector<16xf32>
      %add3A_799 = arith.addf %add3A_723, %mul3A_798 : vector<16xf32>
      %add3A_800 = arith.constant 16384 : i32
      %add3A_801 = vector.broadcast %add3A_800 : i32 to vector<16xi32>
      %add3A_802 = arith.addi %get3A_784, %add3A_801 : vector<16xi32>
      %gather3A_803 = tpu.vector_load_idx %arg6[%add3A_802] : memref<98304xf32, #tpu.memory_space<vmem>>[vector<16xi32>], vector<16xf32>,
      %add3A_804 = arith.constant 16384 : i32
      %add3A_805 = vector.broadcast %add3A_804 : i32 to vector<16xi32>
      %add3A_806 = arith.addi %get3A_788, %add3A_805 : vector<16xi32>
      %gather3A_807 = tpu.vector_load_idx %arg6[%add3A_806] : memref<98304xf32, #tpu.memory_space<vmem>>[vector<16xi32>], vector<16xf32>,
      %sub3A_808 = arith.subf %gather3A_803, %gather3A_807 : vector<16xf32>
      %mul3A_809 = arith.mulf %sub3A_808, %sub3A_808 : vector<16xf32>
      %add3A_810 = arith.addf %add3A_734, %mul3A_809 : vector<16xf32>
      %add3A_811 = arith.constant 32768 : i32
      %add3A_812 = vector.broadcast %add3A_811 : i32 to vector<16xi32>
      %add3A_813 = arith.addi %get3A_784, %add3A_812 : vector<16xi32>
      %gather3A_814 = tpu.vector_load_idx %arg6[%add3A_813] : memref<98304xf32, #tpu.memory_space<vmem>>[vector<16xi32>], vector<16xf32>,
      %add3A_815 = arith.constant 32768 : i32
      %add3A_816 = vector.broadcast %add3A_815 : i32 to vector<16xi32>
      %add3A_817 = arith.addi %get3A_788, %add3A_816 : vector<16xi32>
      %gather3A_818 = tpu.vector_load_idx %arg6[%add3A_817] : memref<98304xf32, #tpu.memory_space<vmem>>[vector<16xi32>], vector<16xf32>,
      %sub3A_819 = arith.subf %gather3A_814, %gather3A_818 : vector<16xf32>
      %mul3A_820 = arith.mulf %sub3A_819, %sub3A_819 : vector<16xf32>
      %add3A_821 = arith.addf %add3A_745, %mul3A_820 : vector<16xf32>
      %add3A_822 = arith.constant 49152 : i32
      %add3A_823 = vector.broadcast %add3A_822 : i32 to vector<16xi32>
      %add3A_824 = arith.addi %get3A_784, %add3A_823 : vector<16xi32>
      %gather3A_825 = tpu.vector_load_idx %arg6[%add3A_824] : memref<98304xf32, #tpu.memory_space<vmem>>[vector<16xi32>], vector<16xf32>,
      %add3A_826 = arith.constant 49152 : i32
      %add3A_827 = vector.broadcast %add3A_826 : i32 to vector<16xi32>
      %add3A_828 = arith.addi %get3A_788, %add3A_827 : vector<16xi32>
      %gather3A_829 = tpu.vector_load_idx %arg6[%add3A_828] : memref<98304xf32, #tpu.memory_space<vmem>>[vector<16xi32>], vector<16xf32>,
      %sub3A_830 = arith.subf %gather3A_825, %gather3A_829 : vector<16xf32>
      %mul3A_831 = arith.mulf %sub3A_830, %sub3A_830 : vector<16xf32>
      %add3A_832 = arith.addf %add3A_756, %mul3A_831 : vector<16xf32>
      %add3A_833 = arith.constant 65536 : i32
      %add3A_834 = vector.broadcast %add3A_833 : i32 to vector<16xi32>
      %add3A_835 = arith.addi %get3A_784, %add3A_834 : vector<16xi32>
      %gather3A_836 = tpu.vector_load_idx %arg6[%add3A_835] : memref<98304xf32, #tpu.memory_space<vmem>>[vector<16xi32>], vector<16xf32>,
      %add3A_837 = arith.constant 65536 : i32
      %add3A_838 = vector.broadcast %add3A_837 : i32 to vector<16xi32>
      %add3A_839 = arith.addi %get3A_788, %add3A_838 : vector<16xi32>
      %gather3A_840 = tpu.vector_load_idx %arg6[%add3A_839] : memref<98304xf32, #tpu.memory_space<vmem>>[vector<16xi32>], vector<16xf32>,
      %sub3A_841 = arith.subf %gather3A_836, %gather3A_840 : vector<16xf32>
      %mul3A_842 = arith.mulf %sub3A_841, %sub3A_841 : vector<16xf32>
      %add3A_843 = arith.addf %add3A_767, %mul3A_842 : vector<16xf32>
      %add3A_844 = arith.constant 81920 : i32
      %add3A_845 = vector.broadcast %add3A_844 : i32 to vector<16xi32>
      %add3A_846 = arith.addi %get3A_784, %add3A_845 : vector<16xi32>
      %gather3A_847 = tpu.vector_load_idx %arg6[%add3A_846] : memref<98304xf32, #tpu.memory_space<vmem>>[vector<16xi32>], vector<16xf32>,
      %add3A_848 = arith.constant 81920 : i32
      %add3A_849 = vector.broadcast %add3A_848 : i32 to vector<16xi32>
      %add3A_850 = arith.addi %get3A_788, %add3A_849 : vector<16xi32>
      %gather3A_851 = tpu.vector_load_idx %arg6[%add3A_850] : memref<98304xf32, #tpu.memory_space<vmem>>[vector<16xi32>], vector<16xf32>,
      %sub3A_852 = arith.subf %gather3A_847, %gather3A_851 : vector<16xf32>
      %mul3A_853 = arith.mulf %sub3A_852, %sub3A_852 : vector<16xf32>
      %add3A_854 = arith.addf %add3A_778, %mul3A_853 : vector<16xf32>
      %scan3A_855 = arith.constant 3 : i32
      %scan3A_856 = arith.addi %scan3A_622, %scan3A_855 : i32
      %mul3A_857 = arith.constant 16 : i32
      %mul3A_858 = arith.muli %scan3A_856, %mul3A_857 : i32
      %get3A_859 = arith.index_cast %mul3A_858 : i32 to index
      %get3A_860 = tpu.vector_load %arg8[%get3A_859] {strides = array<i32>} : memref<6144xi32, #tpu.memory_space<vmem>>, vector<16xi32>,
      %mul3A_861 = arith.constant 16 : i32
      %mul3A_862 = arith.muli %scan3A_856, %mul3A_861 : i32
      %get3A_863 = arith.index_cast %mul3A_862 : i32 to index
      %get3A_864 = tpu.vector_load %arg10[%get3A_863] {strides = array<i32>} : memref<6144xi32, #tpu.memory_space<vmem>>, vector<16xi32>,
      %add3A_865 = arith.constant 0 : i32
      %add3A_866 = vector.broadcast %add3A_865 : i32 to vector<16xi32>
      %add3A_867 = arith.addi %get3A_860, %add3A_866 : vector<16xi32>
      %gather3A_868 = tpu.vector_load_idx %arg6[%add3A_867] : memref<98304xf32, #tpu.memory_space<vmem>>[vector<16xi32>], vector<16xf32>,
      %add3A_869 = arith.constant 0 : i32
      %add3A_870 = vector.broadcast %add3A_869 : i32 to vector<16xi32>
      %add3A_871 = arith.addi %get3A_864, %add3A_870 : vector<16xi32>
      %gather3A_872 = tpu.vector_load_idx %arg6[%add3A_871] : memref<98304xf32, #tpu.memory_space<vmem>>[vector<16xi32>], vector<16xf32>,
      %sub3A_873 = arith.subf %gather3A_868, %gather3A_872 : vector<16xf32>
      %mul3A_874 = arith.mulf %sub3A_873, %sub3A_873 : vector<16xf32>
      %add3A_875 = arith.addf %add3A_799, %mul3A_874 : vector<16xf32>
      %add3A_876 = arith.constant 16384 : i32
      %add3A_877 = vector.broadcast %add3A_876 : i32 to vector<16xi32>
      %add3A_878 = arith.addi %get3A_860, %add3A_877 : vector<16xi32>
      %gather3A_879 = tpu.vector_load_idx %arg6[%add3A_878] : memref<98304xf32, #tpu.memory_space<vmem>>[vector<16xi32>], vector<16xf32>,
      %add3A_880 = arith.constant 16384 : i32
      %add3A_881 = vector.broadcast %add3A_880 : i32 to vector<16xi32>
      %add3A_882 = arith.addi %get3A_864, %add3A_881 : vector<16xi32>
      %gather3A_883 = tpu.vector_load_idx %arg6[%add3A_882] : memref<98304xf32, #tpu.memory_space<vmem>>[vector<16xi32>], vector<16xf32>,
      %sub3A_884 = arith.subf %gather3A_879, %gather3A_883 : vector<16xf32>
      %mul3A_885 = arith.mulf %sub3A_884, %sub3A_884 : vector<16xf32>
      %add3A_886 = arith.addf %add3A_810, %mul3A_885 : vector<16xf32>
      %add3A_887 = arith.constant 32768 : i32
      %add3A_888 = vector.broadcast %add3A_887 : i32 to vector<16xi32>
      %add3A_889 = arith.addi %get3A_860, %add3A_888 : vector<16xi32>
      %gather3A_890 = tpu.vector_load_idx %arg6[%add3A_889] : memref<98304xf32, #tpu.memory_space<vmem>>[vector<16xi32>], vector<16xf32>,
      %add3A_891 = arith.constant 32768 : i32
      %add3A_892 = vector.broadcast %add3A_891 : i32 to vector<16xi32>
      %add3A_893 = arith.addi %get3A_864, %add3A_892 : vector<16xi32>
      %gather3A_894 = tpu.vector_load_idx %arg6[%add3A_893] : memref<98304xf32, #tpu.memory_space<vmem>>[vector<16xi32>], vector<16xf32>,
      %sub3A_895 = arith.subf %gather3A_890, %gather3A_894 : vector<16xf32>
      %mul3A_896 = arith.mulf %sub3A_895, %sub3A_895 : vector<16xf32>
      %add3A_897 = arith.addf %add3A_821, %mul3A_896 : vector<16xf32>
      %add3A_898 = arith.constant 49152 : i32
      %add3A_899 = vector.broadcast %add3A_898 : i32 to vector<16xi32>
      %add3A_900 = arith.addi %get3A_860, %add3A_899 : vector<16xi32>
      %gather3A_901 = tpu.vector_load_idx %arg6[%add3A_900] : memref<98304xf32, #tpu.memory_space<vmem>>[vector<16xi32>], vector<16xf32>,
      %add3A_902 = arith.constant 49152 : i32
      %add3A_903 = vector.broadcast %add3A_902 : i32 to vector<16xi32>
      %add3A_904 = arith.addi %get3A_864, %add3A_903 : vector<16xi32>
      %gather3A_905 = tpu.vector_load_idx %arg6[%add3A_904] : memref<98304xf32, #tpu.memory_space<vmem>>[vector<16xi32>], vector<16xf32>,
      %sub3A_906 = arith.subf %gather3A_901, %gather3A_905 : vector<16xf32>
      %mul3A_907 = arith.mulf %sub3A_906, %sub3A_906 : vector<16xf32>
      %add3A_908 = arith.addf %add3A_832, %mul3A_907 : vector<16xf32>
      %add3A_909 = arith.constant 65536 : i32
      %add3A_910 = vector.broadcast %add3A_909 : i32 to vector<16xi32>
      %add3A_911 = arith.addi %get3A_860, %add3A_910 : vector<16xi32>
      %gather3A_912 = tpu.vector_load_idx %arg6[%add3A_911] : memref<98304xf32, #tpu.memory_space<vmem>>[vector<16xi32>], vector<16xf32>,
      %add3A_913 = arith.constant 65536 : i32
      %add3A_914 = vector.broadcast %add3A_913 : i32 to vector<16xi32>
      %add3A_915 = arith.addi %get3A_864, %add3A_914 : vector<16xi32>
      %gather3A_916 = tpu.vector_load_idx %arg6[%add3A_915] : memref<98304xf32, #tpu.memory_space<vmem>>[vector<16xi32>], vector<16xf32>,
      %sub3A_917 = arith.subf %gather3A_912, %gather3A_916 : vector<16xf32>
      %mul3A_918 = arith.mulf %sub3A_917, %sub3A_917 : vector<16xf32>
      %add3A_919 = arith.addf %add3A_843, %mul3A_918 : vector<16xf32>
      %add3A_920 = arith.constant 81920 : i32
      %add3A_921 = vector.broadcast %add3A_920 : i32 to vector<16xi32>
      %add3A_922 = arith.addi %get3A_860, %add3A_921 : vector<16xi32>
      %gather3A_923 = tpu.vector_load_idx %arg6[%add3A_922] : memref<98304xf32, #tpu.memory_space<vmem>>[vector<16xi32>], vector<16xf32>,
      %add3A_924 = arith.constant 81920 : i32
      %add3A_925 = vector.broadcast %add3A_924 : i32 to vector<16xi32>
      %add3A_926 = arith.addi %get3A_864, %add3A_925 : vector<16xi32>
      %gather3A_927 = tpu.vector_load_idx %arg6[%add3A_926] : memref<98304xf32, #tpu.memory_space<vmem>>[vector<16xi32>], vector<16xf32>,
      %sub3A_928 = arith.subf %gather3A_923, %gather3A_927 : vector<16xf32>
      %mul3A_929 = arith.mulf %sub3A_928, %sub3A_928 : vector<16xf32>
      %add3A_930 = arith.addf %add3A_854, %mul3A_929 : vector<16xf32>
      scf.yield %add3A_875, %add3A_886, %add3A_897, %add3A_908, %add3A_919, %add3A_930 : vector<16xf32>, vector<16xf32>, vector<16xf32>, vector<16xf32>, vector<16xf32>, vector<16xf32>
    }
    %scan3A_312 = arith.constant 384 : i32
    %dma_wait3A_313 = arith.constant 0 : i32
    %dma_wait3A_314 = tpu.memref_slice %arg7[%dma_wait3A_313] : memref<6144xi32, #tpu.memory_space<vmem>> -> memref<6144xi32, #tpu.memory_space<vmem>>
    %dma_wait3A_315 = arith.constant 24576 : i32
    %dma_wait3A_316 = tpu.memref_slice %arg3[%dma_wait3A_315] : memref<48641xi32, #tpu.memory_space<hbm>> -> memref<6144xi32, #tpu.memory_space<hbm>>
    %dma_wait3A_317 = arith.constant 0 : i32
    %dma_wait3A_318 = tpu.memref_slice %arg7[%dma_wait3A_317] : memref<6144xi32, #tpu.memory_space<vmem>> -> memref<6144xi32, #tpu.memory_space<vmem>>
    %dma_wait3A_319 = arith.constant 24576 : i32
    %dma_wait3A_320 = tpu.memref_slice %arg3[%dma_wait3A_319] : memref<48641xi32, #tpu.memory_space<hbm>> -> memref<6144xi32, #tpu.memory_space<hbm>>
    tpu.wait_dma2 semaphore(%arg12 : memref<!tpu.dma_semaphore, #tpu.memory_space<semaphore_mem>>) src(%dma_wait3A_320 : memref<6144xi32, #tpu.memory_space<hbm>>) dst(%dma_wait3A_318 : memref<6144xi32, #tpu.memory_space<vmem>>)
    %dma_wait3A_321 = arith.constant 0 : i32
    %dma_wait3A_322 = tpu.memref_slice %arg9[%dma_wait3A_321] : memref<6144xi32, #tpu.memory_space<vmem>> -> memref<6144xi32, #tpu.memory_space<vmem>>
    %dma_wait3A_323 = arith.constant 24576 : i32
    %dma_wait3A_324 = tpu.memref_slice %arg4[%dma_wait3A_323] : memref<48641xi32, #tpu.memory_space<hbm>> -> memref<6144xi32, #tpu.memory_space<hbm>>
    %dma_wait3A_325 = arith.constant 0 : i32
    %dma_wait3A_326 = tpu.memref_slice %arg9[%dma_wait3A_325] : memref<6144xi32, #tpu.memory_space<vmem>> -> memref<6144xi32, #tpu.memory_space<vmem>>
    %dma_wait3A_327 = arith.constant 24576 : i32
    %dma_wait3A_328 = tpu.memref_slice %arg4[%dma_wait3A_327] : memref<48641xi32, #tpu.memory_space<hbm>> -> memref<6144xi32, #tpu.memory_space<hbm>>
    tpu.wait_dma2 semaphore(%arg12 : memref<!tpu.dma_semaphore, #tpu.memory_space<semaphore_mem>>) src(%dma_wait3A_328 : memref<6144xi32, #tpu.memory_space<hbm>>) dst(%dma_wait3A_326 : memref<6144xi32, #tpu.memory_space<vmem>>)
    %dma_start3A_329 = arith.constant 0 : i32
    %dma_start3A_330 = tpu.memref_slice %arg8[%dma_start3A_329] : memref<6144xi32, #tpu.memory_space<vmem>> -> memref<6144xi32, #tpu.memory_space<vmem>>
    %dma_start3A_331 = arith.constant 30720 : i32
    %dma_start3A_332 = tpu.memref_slice %arg3[%dma_start3A_331] : memref<48641xi32, #tpu.memory_space<hbm>> -> memref<6144xi32, #tpu.memory_space<hbm>>
    %dma_start3A_333 = arith.constant 0 : i32
    %dma_start3A_334 = tpu.memref_slice %arg8[%dma_start3A_333] : memref<6144xi32, #tpu.memory_space<vmem>> -> memref<6144xi32, #tpu.memory_space<vmem>>
    %dma_start3A_335 = arith.constant 30720 : i32
    %dma_start3A_336 = tpu.memref_slice %arg3[%dma_start3A_335] : memref<48641xi32, #tpu.memory_space<hbm>> -> memref<6144xi32, #tpu.memory_space<hbm>>
    tpu.enqueue_dma source(%dma_start3A_336 : memref<6144xi32, #tpu.memory_space<hbm>>) target(%dma_start3A_334 : memref<6144xi32, #tpu.memory_space<vmem>>) target_semaphore(%arg13 : memref<!tpu.dma_semaphore, #tpu.memory_space<semaphore_mem>>)
    %dma_start3A_337 = arith.constant 0 : i32
    %dma_start3A_338 = tpu.memref_slice %arg10[%dma_start3A_337] : memref<6144xi32, #tpu.memory_space<vmem>> -> memref<6144xi32, #tpu.memory_space<vmem>>
    %dma_start3A_339 = arith.constant 30720 : i32
    %dma_start3A_340 = tpu.memref_slice %arg4[%dma_start3A_339] : memref<48641xi32, #tpu.memory_space<hbm>> -> memref<6144xi32, #tpu.memory_space<hbm>>
    %dma_start3A_341 = arith.constant 0 : i32
    %dma_start3A_342 = tpu.memref_slice %arg10[%dma_start3A_341] : memref<6144xi32, #tpu.memory_space<vmem>> -> memref<6144xi32, #tpu.memory_space<vmem>>
    %dma_start3A_343 = arith.constant 30720 : i32
    %dma_start3A_344 = tpu.memref_slice %arg4[%dma_start3A_343] : memref<48641xi32, #tpu.memory_space<hbm>> -> memref<6144xi32, #tpu.memory_space<hbm>>
    tpu.enqueue_dma source(%dma_start3A_344 : memref<6144xi32, #tpu.memory_space<hbm>>) target(%dma_start3A_342 : memref<6144xi32, #tpu.memory_space<vmem>>) target_semaphore(%arg13 : memref<!tpu.dma_semaphore, #tpu.memory_space<semaphore_mem>>)
    %scan3A_345 = arith.constant 0 : i32
    %scan3A_346 = arith.constant 384 : i32
    %scan3A_347 = arith.addi %scan3A_345, %scan3A_346 : i32
    %scan3A_348 = arith.constant 4 : i32
    %scan3A_349:6 = scf.for %scan3A_622 = %scan3A_345 to %scan3A_347 step %scan3A_348 iter_args(%scan3A_623 = %scan3A_311#0, %scan3A_624 = %scan3A_311#1, %scan3A_625 = %scan3A_311#2, %scan3A_626 = %scan3A_311#3, %scan3A_627 = %scan3A_311#4, %scan3A_628 = %scan3A_311#5) -> (vector<16xf32>, vector<16xf32>, vector<16xf32>, vector<16xf32>, vector<16xf32>, vector<16xf32>)  : i32 {
      %mul3A_629 = arith.constant 16 : i32
      %mul3A_630 = arith.muli %scan3A_622, %mul3A_629 : i32
      %get3A_631 = arith.index_cast %mul3A_630 : i32 to index
      %get3A_632 = tpu.vector_load %arg7[%get3A_631] {strides = array<i32>} : memref<6144xi32, #tpu.memory_space<vmem>>, vector<16xi32>,
      %mul3A_633 = arith.constant 16 : i32
      %mul3A_634 = arith.muli %scan3A_622, %mul3A_633 : i32
      %get3A_635 = arith.index_cast %mul3A_634 : i32 to index
      %get3A_636 = tpu.vector_load %arg9[%get3A_635] {strides = array<i32>} : memref<6144xi32, #tpu.memory_space<vmem>>, vector<16xi32>,
      %add3A_637 = arith.constant 0 : i32
      %add3A_638 = vector.broadcast %add3A_637 : i32 to vector<16xi32>
      %add3A_639 = arith.addi %get3A_632, %add3A_638 : vector<16xi32>
      %gather3A_640 = tpu.vector_load_idx %arg6[%add3A_639] : memref<98304xf32, #tpu.memory_space<vmem>>[vector<16xi32>], vector<16xf32>,
      %add3A_641 = arith.constant 0 : i32
      %add3A_642 = vector.broadcast %add3A_641 : i32 to vector<16xi32>
      %add3A_643 = arith.addi %get3A_636, %add3A_642 : vector<16xi32>
      %gather3A_644 = tpu.vector_load_idx %arg6[%add3A_643] : memref<98304xf32, #tpu.memory_space<vmem>>[vector<16xi32>], vector<16xf32>,
      %sub3A_645 = arith.subf %gather3A_640, %gather3A_644 : vector<16xf32>
      %mul3A_646 = arith.mulf %sub3A_645, %sub3A_645 : vector<16xf32>
      %add3A_647 = arith.addf %scan3A_623, %mul3A_646 : vector<16xf32>
      %add3A_648 = arith.constant 16384 : i32
      %add3A_649 = vector.broadcast %add3A_648 : i32 to vector<16xi32>
      %add3A_650 = arith.addi %get3A_632, %add3A_649 : vector<16xi32>
      %gather3A_651 = tpu.vector_load_idx %arg6[%add3A_650] : memref<98304xf32, #tpu.memory_space<vmem>>[vector<16xi32>], vector<16xf32>,
      %add3A_652 = arith.constant 16384 : i32
      %add3A_653 = vector.broadcast %add3A_652 : i32 to vector<16xi32>
      %add3A_654 = arith.addi %get3A_636, %add3A_653 : vector<16xi32>
      %gather3A_655 = tpu.vector_load_idx %arg6[%add3A_654] : memref<98304xf32, #tpu.memory_space<vmem>>[vector<16xi32>], vector<16xf32>,
      %sub3A_656 = arith.subf %gather3A_651, %gather3A_655 : vector<16xf32>
      %mul3A_657 = arith.mulf %sub3A_656, %sub3A_656 : vector<16xf32>
      %add3A_658 = arith.addf %scan3A_624, %mul3A_657 : vector<16xf32>
      %add3A_659 = arith.constant 32768 : i32
      %add3A_660 = vector.broadcast %add3A_659 : i32 to vector<16xi32>
      %add3A_661 = arith.addi %get3A_632, %add3A_660 : vector<16xi32>
      %gather3A_662 = tpu.vector_load_idx %arg6[%add3A_661] : memref<98304xf32, #tpu.memory_space<vmem>>[vector<16xi32>], vector<16xf32>,
      %add3A_663 = arith.constant 32768 : i32
      %add3A_664 = vector.broadcast %add3A_663 : i32 to vector<16xi32>
      %add3A_665 = arith.addi %get3A_636, %add3A_664 : vector<16xi32>
      %gather3A_666 = tpu.vector_load_idx %arg6[%add3A_665] : memref<98304xf32, #tpu.memory_space<vmem>>[vector<16xi32>], vector<16xf32>,
      %sub3A_667 = arith.subf %gather3A_662, %gather3A_666 : vector<16xf32>
      %mul3A_668 = arith.mulf %sub3A_667, %sub3A_667 : vector<16xf32>
      %add3A_669 = arith.addf %scan3A_625, %mul3A_668 : vector<16xf32>
      %add3A_670 = arith.constant 49152 : i32
      %add3A_671 = vector.broadcast %add3A_670 : i32 to vector<16xi32>
      %add3A_672 = arith.addi %get3A_632, %add3A_671 : vector<16xi32>
      %gather3A_673 = tpu.vector_load_idx %arg6[%add3A_672] : memref<98304xf32, #tpu.memory_space<vmem>>[vector<16xi32>], vector<16xf32>,
      %add3A_674 = arith.constant 49152 : i32
      %add3A_675 = vector.broadcast %add3A_674 : i32 to vector<16xi32>
      %add3A_676 = arith.addi %get3A_636, %add3A_675 : vector<16xi32>
      %gather3A_677 = tpu.vector_load_idx %arg6[%add3A_676] : memref<98304xf32, #tpu.memory_space<vmem>>[vector<16xi32>], vector<16xf32>,
      %sub3A_678 = arith.subf %gather3A_673, %gather3A_677 : vector<16xf32>
      %mul3A_679 = arith.mulf %sub3A_678, %sub3A_678 : vector<16xf32>
      %add3A_680 = arith.addf %scan3A_626, %mul3A_679 : vector<16xf32>
      %add3A_681 = arith.constant 65536 : i32
      %add3A_682 = vector.broadcast %add3A_681 : i32 to vector<16xi32>
      %add3A_683 = arith.addi %get3A_632, %add3A_682 : vector<16xi32>
      %gather3A_684 = tpu.vector_load_idx %arg6[%add3A_683] : memref<98304xf32, #tpu.memory_space<vmem>>[vector<16xi32>], vector<16xf32>,
      %add3A_685 = arith.constant 65536 : i32
      %add3A_686 = vector.broadcast %add3A_685 : i32 to vector<16xi32>
      %add3A_687 = arith.addi %get3A_636, %add3A_686 : vector<16xi32>
      %gather3A_688 = tpu.vector_load_idx %arg6[%add3A_687] : memref<98304xf32, #tpu.memory_space<vmem>>[vector<16xi32>], vector<16xf32>,
      %sub3A_689 = arith.subf %gather3A_684, %gather3A_688 : vector<16xf32>
      %mul3A_690 = arith.mulf %sub3A_689, %sub3A_689 : vector<16xf32>
      %add3A_691 = arith.addf %scan3A_627, %mul3A_690 : vector<16xf32>
      %add3A_692 = arith.constant 81920 : i32
      %add3A_693 = vector.broadcast %add3A_692 : i32 to vector<16xi32>
      %add3A_694 = arith.addi %get3A_632, %add3A_693 : vector<16xi32>
      %gather3A_695 = tpu.vector_load_idx %arg6[%add3A_694] : memref<98304xf32, #tpu.memory_space<vmem>>[vector<16xi32>], vector<16xf32>,
      %add3A_696 = arith.constant 81920 : i32
      %add3A_697 = vector.broadcast %add3A_696 : i32 to vector<16xi32>
      %add3A_698 = arith.addi %get3A_636, %add3A_697 : vector<16xi32>
      %gather3A_699 = tpu.vector_load_idx %arg6[%add3A_698] : memref<98304xf32, #tpu.memory_space<vmem>>[vector<16xi32>], vector<16xf32>,
      %sub3A_700 = arith.subf %gather3A_695, %gather3A_699 : vector<16xf32>
      %mul3A_701 = arith.mulf %sub3A_700, %sub3A_700 : vector<16xf32>
      %add3A_702 = arith.addf %scan3A_628, %mul3A_701 : vector<16xf32>
      %scan3A_703 = arith.constant 1 : i32
      %scan3A_704 = arith.addi %scan3A_622, %scan3A_703 : i32
      %mul3A_705 = arith.constant 16 : i32
      %mul3A_706 = arith.muli %scan3A_704, %mul3A_705 : i32
      %get3A_707 = arith.index_cast %mul3A_706 : i32 to index
      %get3A_708 = tpu.vector_load %arg7[%get3A_707] {strides = array<i32>} : memref<6144xi32, #tpu.memory_space<vmem>>, vector<16xi32>,
      %mul3A_709 = arith.constant 16 : i32
      %mul3A_710 = arith.muli %scan3A_704, %mul3A_709 : i32
      %get3A_711 = arith.index_cast %mul3A_710 : i32 to index
      %get3A_712 = tpu.vector_load %arg9[%get3A_711] {strides = array<i32>} : memref<6144xi32, #tpu.memory_space<vmem>>, vector<16xi32>,
      %add3A_713 = arith.constant 0 : i32
      %add3A_714 = vector.broadcast %add3A_713 : i32 to vector<16xi32>
      %add3A_715 = arith.addi %get3A_708, %add3A_714 : vector<16xi32>
      %gather3A_716 = tpu.vector_load_idx %arg6[%add3A_715] : memref<98304xf32, #tpu.memory_space<vmem>>[vector<16xi32>], vector<16xf32>,
      %add3A_717 = arith.constant 0 : i32
      %add3A_718 = vector.broadcast %add3A_717 : i32 to vector<16xi32>
      %add3A_719 = arith.addi %get3A_712, %add3A_718 : vector<16xi32>
      %gather3A_720 = tpu.vector_load_idx %arg6[%add3A_719] : memref<98304xf32, #tpu.memory_space<vmem>>[vector<16xi32>], vector<16xf32>,
      %sub3A_721 = arith.subf %gather3A_716, %gather3A_720 : vector<16xf32>
      %mul3A_722 = arith.mulf %sub3A_721, %sub3A_721 : vector<16xf32>
      %add3A_723 = arith.addf %add3A_647, %mul3A_722 : vector<16xf32>
      %add3A_724 = arith.constant 16384 : i32
      %add3A_725 = vector.broadcast %add3A_724 : i32 to vector<16xi32>
      %add3A_726 = arith.addi %get3A_708, %add3A_725 : vector<16xi32>
      %gather3A_727 = tpu.vector_load_idx %arg6[%add3A_726] : memref<98304xf32, #tpu.memory_space<vmem>>[vector<16xi32>], vector<16xf32>,
      %add3A_728 = arith.constant 16384 : i32
      %add3A_729 = vector.broadcast %add3A_728 : i32 to vector<16xi32>
      %add3A_730 = arith.addi %get3A_712, %add3A_729 : vector<16xi32>
      %gather3A_731 = tpu.vector_load_idx %arg6[%add3A_730] : memref<98304xf32, #tpu.memory_space<vmem>>[vector<16xi32>], vector<16xf32>,
      %sub3A_732 = arith.subf %gather3A_727, %gather3A_731 : vector<16xf32>
      %mul3A_733 = arith.mulf %sub3A_732, %sub3A_732 : vector<16xf32>
      %add3A_734 = arith.addf %add3A_658, %mul3A_733 : vector<16xf32>
      %add3A_735 = arith.constant 32768 : i32
      %add3A_736 = vector.broadcast %add3A_735 : i32 to vector<16xi32>
      %add3A_737 = arith.addi %get3A_708, %add3A_736 : vector<16xi32>
      %gather3A_738 = tpu.vector_load_idx %arg6[%add3A_737] : memref<98304xf32, #tpu.memory_space<vmem>>[vector<16xi32>], vector<16xf32>,
      %add3A_739 = arith.constant 32768 : i32
      %add3A_740 = vector.broadcast %add3A_739 : i32 to vector<16xi32>
      %add3A_741 = arith.addi %get3A_712, %add3A_740 : vector<16xi32>
      %gather3A_742 = tpu.vector_load_idx %arg6[%add3A_741] : memref<98304xf32, #tpu.memory_space<vmem>>[vector<16xi32>], vector<16xf32>,
      %sub3A_743 = arith.subf %gather3A_738, %gather3A_742 : vector<16xf32>
      %mul3A_744 = arith.mulf %sub3A_743, %sub3A_743 : vector<16xf32>
      %add3A_745 = arith.addf %add3A_669, %mul3A_744 : vector<16xf32>
      %add3A_746 = arith.constant 49152 : i32
      %add3A_747 = vector.broadcast %add3A_746 : i32 to vector<16xi32>
      %add3A_748 = arith.addi %get3A_708, %add3A_747 : vector<16xi32>
      %gather3A_749 = tpu.vector_load_idx %arg6[%add3A_748] : memref<98304xf32, #tpu.memory_space<vmem>>[vector<16xi32>], vector<16xf32>,
      %add3A_750 = arith.constant 49152 : i32
      %add3A_751 = vector.broadcast %add3A_750 : i32 to vector<16xi32>
      %add3A_752 = arith.addi %get3A_712, %add3A_751 : vector<16xi32>
      %gather3A_753 = tpu.vector_load_idx %arg6[%add3A_752] : memref<98304xf32, #tpu.memory_space<vmem>>[vector<16xi32>], vector<16xf32>,
      %sub3A_754 = arith.subf %gather3A_749, %gather3A_753 : vector<16xf32>
      %mul3A_755 = arith.mulf %sub3A_754, %sub3A_754 : vector<16xf32>
      %add3A_756 = arith.addf %add3A_680, %mul3A_755 : vector<16xf32>
      %add3A_757 = arith.constant 65536 : i32
      %add3A_758 = vector.broadcast %add3A_757 : i32 to vector<16xi32>
      %add3A_759 = arith.addi %get3A_708, %add3A_758 : vector<16xi32>
      %gather3A_760 = tpu.vector_load_idx %arg6[%add3A_759] : memref<98304xf32, #tpu.memory_space<vmem>>[vector<16xi32>], vector<16xf32>,
      %add3A_761 = arith.constant 65536 : i32
      %add3A_762 = vector.broadcast %add3A_761 : i32 to vector<16xi32>
      %add3A_763 = arith.addi %get3A_712, %add3A_762 : vector<16xi32>
      %gather3A_764 = tpu.vector_load_idx %arg6[%add3A_763] : memref<98304xf32, #tpu.memory_space<vmem>>[vector<16xi32>], vector<16xf32>,
      %sub3A_765 = arith.subf %gather3A_760, %gather3A_764 : vector<16xf32>
      %mul3A_766 = arith.mulf %sub3A_765, %sub3A_765 : vector<16xf32>
      %add3A_767 = arith.addf %add3A_691, %mul3A_766 : vector<16xf32>
      %add3A_768 = arith.constant 81920 : i32
      %add3A_769 = vector.broadcast %add3A_768 : i32 to vector<16xi32>
      %add3A_770 = arith.addi %get3A_708, %add3A_769 : vector<16xi32>
      %gather3A_771 = tpu.vector_load_idx %arg6[%add3A_770] : memref<98304xf32, #tpu.memory_space<vmem>>[vector<16xi32>], vector<16xf32>,
      %add3A_772 = arith.constant 81920 : i32
      %add3A_773 = vector.broadcast %add3A_772 : i32 to vector<16xi32>
      %add3A_774 = arith.addi %get3A_712, %add3A_773 : vector<16xi32>
      %gather3A_775 = tpu.vector_load_idx %arg6[%add3A_774] : memref<98304xf32, #tpu.memory_space<vmem>>[vector<16xi32>], vector<16xf32>,
      %sub3A_776 = arith.subf %gather3A_771, %gather3A_775 : vector<16xf32>
      %mul3A_777 = arith.mulf %sub3A_776, %sub3A_776 : vector<16xf32>
      %add3A_778 = arith.addf %add3A_702, %mul3A_777 : vector<16xf32>
      %scan3A_779 = arith.constant 2 : i32
      %scan3A_780 = arith.addi %scan3A_622, %scan3A_779 : i32
      %mul3A_781 = arith.constant 16 : i32
      %mul3A_782 = arith.muli %scan3A_780, %mul3A_781 : i32
      %get3A_783 = arith.index_cast %mul3A_782 : i32 to index
      %get3A_784 = tpu.vector_load %arg7[%get3A_783] {strides = array<i32>} : memref<6144xi32, #tpu.memory_space<vmem>>, vector<16xi32>,
      %mul3A_785 = arith.constant 16 : i32
      %mul3A_786 = arith.muli %scan3A_780, %mul3A_785 : i32
      %get3A_787 = arith.index_cast %mul3A_786 : i32 to index
      %get3A_788 = tpu.vector_load %arg9[%get3A_787] {strides = array<i32>} : memref<6144xi32, #tpu.memory_space<vmem>>, vector<16xi32>,
      %add3A_789 = arith.constant 0 : i32
      %add3A_790 = vector.broadcast %add3A_789 : i32 to vector<16xi32>
      %add3A_791 = arith.addi %get3A_784, %add3A_790 : vector<16xi32>
      %gather3A_792 = tpu.vector_load_idx %arg6[%add3A_791] : memref<98304xf32, #tpu.memory_space<vmem>>[vector<16xi32>], vector<16xf32>,
      %add3A_793 = arith.constant 0 : i32
      %add3A_794 = vector.broadcast %add3A_793 : i32 to vector<16xi32>
      %add3A_795 = arith.addi %get3A_788, %add3A_794 : vector<16xi32>
      %gather3A_796 = tpu.vector_load_idx %arg6[%add3A_795] : memref<98304xf32, #tpu.memory_space<vmem>>[vector<16xi32>], vector<16xf32>,
      %sub3A_797 = arith.subf %gather3A_792, %gather3A_796 : vector<16xf32>
      %mul3A_798 = arith.mulf %sub3A_797, %sub3A_797 : vector<16xf32>
      %add3A_799 = arith.addf %add3A_723, %mul3A_798 : vector<16xf32>
      %add3A_800 = arith.constant 16384 : i32
      %add3A_801 = vector.broadcast %add3A_800 : i32 to vector<16xi32>
      %add3A_802 = arith.addi %get3A_784, %add3A_801 : vector<16xi32>
      %gather3A_803 = tpu.vector_load_idx %arg6[%add3A_802] : memref<98304xf32, #tpu.memory_space<vmem>>[vector<16xi32>], vector<16xf32>,
      %add3A_804 = arith.constant 16384 : i32
      %add3A_805 = vector.broadcast %add3A_804 : i32 to vector<16xi32>
      %add3A_806 = arith.addi %get3A_788, %add3A_805 : vector<16xi32>
      %gather3A_807 = tpu.vector_load_idx %arg6[%add3A_806] : memref<98304xf32, #tpu.memory_space<vmem>>[vector<16xi32>], vector<16xf32>,
      %sub3A_808 = arith.subf %gather3A_803, %gather3A_807 : vector<16xf32>
      %mul3A_809 = arith.mulf %sub3A_808, %sub3A_808 : vector<16xf32>
      %add3A_810 = arith.addf %add3A_734, %mul3A_809 : vector<16xf32>
      %add3A_811 = arith.constant 32768 : i32
      %add3A_812 = vector.broadcast %add3A_811 : i32 to vector<16xi32>
      %add3A_813 = arith.addi %get3A_784, %add3A_812 : vector<16xi32>
      %gather3A_814 = tpu.vector_load_idx %arg6[%add3A_813] : memref<98304xf32, #tpu.memory_space<vmem>>[vector<16xi32>], vector<16xf32>,
      %add3A_815 = arith.constant 32768 : i32
      %add3A_816 = vector.broadcast %add3A_815 : i32 to vector<16xi32>
      %add3A_817 = arith.addi %get3A_788, %add3A_816 : vector<16xi32>
      %gather3A_818 = tpu.vector_load_idx %arg6[%add3A_817] : memref<98304xf32, #tpu.memory_space<vmem>>[vector<16xi32>], vector<16xf32>,
      %sub3A_819 = arith.subf %gather3A_814, %gather3A_818 : vector<16xf32>
      %mul3A_820 = arith.mulf %sub3A_819, %sub3A_819 : vector<16xf32>
      %add3A_821 = arith.addf %add3A_745, %mul3A_820 : vector<16xf32>
      %add3A_822 = arith.constant 49152 : i32
      %add3A_823 = vector.broadcast %add3A_822 : i32 to vector<16xi32>
      %add3A_824 = arith.addi %get3A_784, %add3A_823 : vector<16xi32>
      %gather3A_825 = tpu.vector_load_idx %arg6[%add3A_824] : memref<98304xf32, #tpu.memory_space<vmem>>[vector<16xi32>], vector<16xf32>,
      %add3A_826 = arith.constant 49152 : i32
      %add3A_827 = vector.broadcast %add3A_826 : i32 to vector<16xi32>
      %add3A_828 = arith.addi %get3A_788, %add3A_827 : vector<16xi32>
      %gather3A_829 = tpu.vector_load_idx %arg6[%add3A_828] : memref<98304xf32, #tpu.memory_space<vmem>>[vector<16xi32>], vector<16xf32>,
      %sub3A_830 = arith.subf %gather3A_825, %gather3A_829 : vector<16xf32>
      %mul3A_831 = arith.mulf %sub3A_830, %sub3A_830 : vector<16xf32>
      %add3A_832 = arith.addf %add3A_756, %mul3A_831 : vector<16xf32>
      %add3A_833 = arith.constant 65536 : i32
      %add3A_834 = vector.broadcast %add3A_833 : i32 to vector<16xi32>
      %add3A_835 = arith.addi %get3A_784, %add3A_834 : vector<16xi32>
      %gather3A_836 = tpu.vector_load_idx %arg6[%add3A_835] : memref<98304xf32, #tpu.memory_space<vmem>>[vector<16xi32>], vector<16xf32>,
      %add3A_837 = arith.constant 65536 : i32
      %add3A_838 = vector.broadcast %add3A_837 : i32 to vector<16xi32>
      %add3A_839 = arith.addi %get3A_788, %add3A_838 : vector<16xi32>
      %gather3A_840 = tpu.vector_load_idx %arg6[%add3A_839] : memref<98304xf32, #tpu.memory_space<vmem>>[vector<16xi32>], vector<16xf32>,
      %sub3A_841 = arith.subf %gather3A_836, %gather3A_840 : vector<16xf32>
      %mul3A_842 = arith.mulf %sub3A_841, %sub3A_841 : vector<16xf32>
      %add3A_843 = arith.addf %add3A_767, %mul3A_842 : vector<16xf32>
      %add3A_844 = arith.constant 81920 : i32
      %add3A_845 = vector.broadcast %add3A_844 : i32 to vector<16xi32>
      %add3A_846 = arith.addi %get3A_784, %add3A_845 : vector<16xi32>
      %gather3A_847 = tpu.vector_load_idx %arg6[%add3A_846] : memref<98304xf32, #tpu.memory_space<vmem>>[vector<16xi32>], vector<16xf32>,
      %add3A_848 = arith.constant 81920 : i32
      %add3A_849 = vector.broadcast %add3A_848 : i32 to vector<16xi32>
      %add3A_850 = arith.addi %get3A_788, %add3A_849 : vector<16xi32>
      %gather3A_851 = tpu.vector_load_idx %arg6[%add3A_850] : memref<98304xf32, #tpu.memory_space<vmem>>[vector<16xi32>], vector<16xf32>,
      %sub3A_852 = arith.subf %gather3A_847, %gather3A_851 : vector<16xf32>
      %mul3A_853 = arith.mulf %sub3A_852, %sub3A_852 : vector<16xf32>
      %add3A_854 = arith.addf %add3A_778, %mul3A_853 : vector<16xf32>
      %scan3A_855 = arith.constant 3 : i32
      %scan3A_856 = arith.addi %scan3A_622, %scan3A_855 : i32
      %mul3A_857 = arith.constant 16 : i32
      %mul3A_858 = arith.muli %scan3A_856, %mul3A_857 : i32
      %get3A_859 = arith.index_cast %mul3A_858 : i32 to index
      %get3A_860 = tpu.vector_load %arg7[%get3A_859] {strides = array<i32>} : memref<6144xi32, #tpu.memory_space<vmem>>, vector<16xi32>,
      %mul3A_861 = arith.constant 16 : i32
      %mul3A_862 = arith.muli %scan3A_856, %mul3A_861 : i32
      %get3A_863 = arith.index_cast %mul3A_862 : i32 to index
      %get3A_864 = tpu.vector_load %arg9[%get3A_863] {strides = array<i32>} : memref<6144xi32, #tpu.memory_space<vmem>>, vector<16xi32>,
      %add3A_865 = arith.constant 0 : i32
      %add3A_866 = vector.broadcast %add3A_865 : i32 to vector<16xi32>
      %add3A_867 = arith.addi %get3A_860, %add3A_866 : vector<16xi32>
      %gather3A_868 = tpu.vector_load_idx %arg6[%add3A_867] : memref<98304xf32, #tpu.memory_space<vmem>>[vector<16xi32>], vector<16xf32>,
      %add3A_869 = arith.constant 0 : i32
      %add3A_870 = vector.broadcast %add3A_869 : i32 to vector<16xi32>
      %add3A_871 = arith.addi %get3A_864, %add3A_870 : vector<16xi32>
      %gather3A_872 = tpu.vector_load_idx %arg6[%add3A_871] : memref<98304xf32, #tpu.memory_space<vmem>>[vector<16xi32>], vector<16xf32>,
      %sub3A_873 = arith.subf %gather3A_868, %gather3A_872 : vector<16xf32>
      %mul3A_874 = arith.mulf %sub3A_873, %sub3A_873 : vector<16xf32>
      %add3A_875 = arith.addf %add3A_799, %mul3A_874 : vector<16xf32>
      %add3A_876 = arith.constant 16384 : i32
      %add3A_877 = vector.broadcast %add3A_876 : i32 to vector<16xi32>
      %add3A_878 = arith.addi %get3A_860, %add3A_877 : vector<16xi32>
      %gather3A_879 = tpu.vector_load_idx %arg6[%add3A_878] : memref<98304xf32, #tpu.memory_space<vmem>>[vector<16xi32>], vector<16xf32>,
      %add3A_880 = arith.constant 16384 : i32
      %add3A_881 = vector.broadcast %add3A_880 : i32 to vector<16xi32>
      %add3A_882 = arith.addi %get3A_864, %add3A_881 : vector<16xi32>
      %gather3A_883 = tpu.vector_load_idx %arg6[%add3A_882] : memref<98304xf32, #tpu.memory_space<vmem>>[vector<16xi32>], vector<16xf32>,
      %sub3A_884 = arith.subf %gather3A_879, %gather3A_883 : vector<16xf32>
      %mul3A_885 = arith.mulf %sub3A_884, %sub3A_884 : vector<16xf32>
      %add3A_886 = arith.addf %add3A_810, %mul3A_885 : vector<16xf32>
      %add3A_887 = arith.constant 32768 : i32
      %add3A_888 = vector.broadcast %add3A_887 : i32 to vector<16xi32>
      %add3A_889 = arith.addi %get3A_860, %add3A_888 : vector<16xi32>
      %gather3A_890 = tpu.vector_load_idx %arg6[%add3A_889] : memref<98304xf32, #tpu.memory_space<vmem>>[vector<16xi32>], vector<16xf32>,
      %add3A_891 = arith.constant 32768 : i32
      %add3A_892 = vector.broadcast %add3A_891 : i32 to vector<16xi32>
      %add3A_893 = arith.addi %get3A_864, %add3A_892 : vector<16xi32>
      %gather3A_894 = tpu.vector_load_idx %arg6[%add3A_893] : memref<98304xf32, #tpu.memory_space<vmem>>[vector<16xi32>], vector<16xf32>,
      %sub3A_895 = arith.subf %gather3A_890, %gather3A_894 : vector<16xf32>
      %mul3A_896 = arith.mulf %sub3A_895, %sub3A_895 : vector<16xf32>
      %add3A_897 = arith.addf %add3A_821, %mul3A_896 : vector<16xf32>
      %add3A_898 = arith.constant 49152 : i32
      %add3A_899 = vector.broadcast %add3A_898 : i32 to vector<16xi32>
      %add3A_900 = arith.addi %get3A_860, %add3A_899 : vector<16xi32>
      %gather3A_901 = tpu.vector_load_idx %arg6[%add3A_900] : memref<98304xf32, #tpu.memory_space<vmem>>[vector<16xi32>], vector<16xf32>,
      %add3A_902 = arith.constant 49152 : i32
      %add3A_903 = vector.broadcast %add3A_902 : i32 to vector<16xi32>
      %add3A_904 = arith.addi %get3A_864, %add3A_903 : vector<16xi32>
      %gather3A_905 = tpu.vector_load_idx %arg6[%add3A_904] : memref<98304xf32, #tpu.memory_space<vmem>>[vector<16xi32>], vector<16xf32>,
      %sub3A_906 = arith.subf %gather3A_901, %gather3A_905 : vector<16xf32>
      %mul3A_907 = arith.mulf %sub3A_906, %sub3A_906 : vector<16xf32>
      %add3A_908 = arith.addf %add3A_832, %mul3A_907 : vector<16xf32>
      %add3A_909 = arith.constant 65536 : i32
      %add3A_910 = vector.broadcast %add3A_909 : i32 to vector<16xi32>
      %add3A_911 = arith.addi %get3A_860, %add3A_910 : vector<16xi32>
      %gather3A_912 = tpu.vector_load_idx %arg6[%add3A_911] : memref<98304xf32, #tpu.memory_space<vmem>>[vector<16xi32>], vector<16xf32>,
      %add3A_913 = arith.constant 65536 : i32
      %add3A_914 = vector.broadcast %add3A_913 : i32 to vector<16xi32>
      %add3A_915 = arith.addi %get3A_864, %add3A_914 : vector<16xi32>
      %gather3A_916 = tpu.vector_load_idx %arg6[%add3A_915] : memref<98304xf32, #tpu.memory_space<vmem>>[vector<16xi32>], vector<16xf32>,
      %sub3A_917 = arith.subf %gather3A_912, %gather3A_916 : vector<16xf32>
      %mul3A_918 = arith.mulf %sub3A_917, %sub3A_917 : vector<16xf32>
      %add3A_919 = arith.addf %add3A_843, %mul3A_918 : vector<16xf32>
      %add3A_920 = arith.constant 81920 : i32
      %add3A_921 = vector.broadcast %add3A_920 : i32 to vector<16xi32>
      %add3A_922 = arith.addi %get3A_860, %add3A_921 : vector<16xi32>
      %gather3A_923 = tpu.vector_load_idx %arg6[%add3A_922] : memref<98304xf32, #tpu.memory_space<vmem>>[vector<16xi32>], vector<16xf32>,
      %add3A_924 = arith.constant 81920 : i32
      %add3A_925 = vector.broadcast %add3A_924 : i32 to vector<16xi32>
      %add3A_926 = arith.addi %get3A_864, %add3A_925 : vector<16xi32>
      %gather3A_927 = tpu.vector_load_idx %arg6[%add3A_926] : memref<98304xf32, #tpu.memory_space<vmem>>[vector<16xi32>], vector<16xf32>,
      %sub3A_928 = arith.subf %gather3A_923, %gather3A_927 : vector<16xf32>
      %mul3A_929 = arith.mulf %sub3A_928, %sub3A_928 : vector<16xf32>
      %add3A_930 = arith.addf %add3A_854, %mul3A_929 : vector<16xf32>
      scf.yield %add3A_875, %add3A_886, %add3A_897, %add3A_908, %add3A_919, %add3A_930 : vector<16xf32>, vector<16xf32>, vector<16xf32>, vector<16xf32>, vector<16xf32>, vector<16xf32>
    }
    %scan3A_350 = arith.constant 384 : i32
    %dma_wait3A_351 = arith.constant 0 : i32
    %dma_wait3A_352 = tpu.memref_slice %arg8[%dma_wait3A_351] : memref<6144xi32, #tpu.memory_space<vmem>> -> memref<6144xi32, #tpu.memory_space<vmem>>
    %dma_wait3A_353 = arith.constant 30720 : i32
    %dma_wait3A_354 = tpu.memref_slice %arg3[%dma_wait3A_353] : memref<48641xi32, #tpu.memory_space<hbm>> -> memref<6144xi32, #tpu.memory_space<hbm>>
    %dma_wait3A_355 = arith.constant 0 : i32
    %dma_wait3A_356 = tpu.memref_slice %arg8[%dma_wait3A_355] : memref<6144xi32, #tpu.memory_space<vmem>> -> memref<6144xi32, #tpu.memory_space<vmem>>
    %dma_wait3A_357 = arith.constant 30720 : i32
    %dma_wait3A_358 = tpu.memref_slice %arg3[%dma_wait3A_357] : memref<48641xi32, #tpu.memory_space<hbm>> -> memref<6144xi32, #tpu.memory_space<hbm>>
    tpu.wait_dma2 semaphore(%arg13 : memref<!tpu.dma_semaphore, #tpu.memory_space<semaphore_mem>>) src(%dma_wait3A_358 : memref<6144xi32, #tpu.memory_space<hbm>>) dst(%dma_wait3A_356 : memref<6144xi32, #tpu.memory_space<vmem>>)
    %dma_wait3A_359 = arith.constant 0 : i32
    %dma_wait3A_360 = tpu.memref_slice %arg10[%dma_wait3A_359] : memref<6144xi32, #tpu.memory_space<vmem>> -> memref<6144xi32, #tpu.memory_space<vmem>>
    %dma_wait3A_361 = arith.constant 30720 : i32
    %dma_wait3A_362 = tpu.memref_slice %arg4[%dma_wait3A_361] : memref<48641xi32, #tpu.memory_space<hbm>> -> memref<6144xi32, #tpu.memory_space<hbm>>
    %dma_wait3A_363 = arith.constant 0 : i32
    %dma_wait3A_364 = tpu.memref_slice %arg10[%dma_wait3A_363] : memref<6144xi32, #tpu.memory_space<vmem>> -> memref<6144xi32, #tpu.memory_space<vmem>>
    %dma_wait3A_365 = arith.constant 30720 : i32
    %dma_wait3A_366 = tpu.memref_slice %arg4[%dma_wait3A_365] : memref<48641xi32, #tpu.memory_space<hbm>> -> memref<6144xi32, #tpu.memory_space<hbm>>
    tpu.wait_dma2 semaphore(%arg13 : memref<!tpu.dma_semaphore, #tpu.memory_space<semaphore_mem>>) src(%dma_wait3A_366 : memref<6144xi32, #tpu.memory_space<hbm>>) dst(%dma_wait3A_364 : memref<6144xi32, #tpu.memory_space<vmem>>)
    %dma_start3A_367 = arith.constant 0 : i32
    %dma_start3A_368 = tpu.memref_slice %arg7[%dma_start3A_367] : memref<6144xi32, #tpu.memory_space<vmem>> -> memref<6144xi32, #tpu.memory_space<vmem>>
    %dma_start3A_369 = arith.constant 36864 : i32
    %dma_start3A_370 = tpu.memref_slice %arg3[%dma_start3A_369] : memref<48641xi32, #tpu.memory_space<hbm>> -> memref<6144xi32, #tpu.memory_space<hbm>>
    %dma_start3A_371 = arith.constant 0 : i32
    %dma_start3A_372 = tpu.memref_slice %arg7[%dma_start3A_371] : memref<6144xi32, #tpu.memory_space<vmem>> -> memref<6144xi32, #tpu.memory_space<vmem>>
    %dma_start3A_373 = arith.constant 36864 : i32
    %dma_start3A_374 = tpu.memref_slice %arg3[%dma_start3A_373] : memref<48641xi32, #tpu.memory_space<hbm>> -> memref<6144xi32, #tpu.memory_space<hbm>>
    tpu.enqueue_dma source(%dma_start3A_374 : memref<6144xi32, #tpu.memory_space<hbm>>) target(%dma_start3A_372 : memref<6144xi32, #tpu.memory_space<vmem>>) target_semaphore(%arg12 : memref<!tpu.dma_semaphore, #tpu.memory_space<semaphore_mem>>)
    %dma_start3A_375 = arith.constant 0 : i32
    %dma_start3A_376 = tpu.memref_slice %arg9[%dma_start3A_375] : memref<6144xi32, #tpu.memory_space<vmem>> -> memref<6144xi32, #tpu.memory_space<vmem>>
    %dma_start3A_377 = arith.constant 36864 : i32
    %dma_start3A_378 = tpu.memref_slice %arg4[%dma_start3A_377] : memref<48641xi32, #tpu.memory_space<hbm>> -> memref<6144xi32, #tpu.memory_space<hbm>>
    %dma_start3A_379 = arith.constant 0 : i32
    %dma_start3A_380 = tpu.memref_slice %arg9[%dma_start3A_379] : memref<6144xi32, #tpu.memory_space<vmem>> -> memref<6144xi32, #tpu.memory_space<vmem>>
    %dma_start3A_381 = arith.constant 36864 : i32
    %dma_start3A_382 = tpu.memref_slice %arg4[%dma_start3A_381] : memref<48641xi32, #tpu.memory_space<hbm>> -> memref<6144xi32, #tpu.memory_space<hbm>>
    tpu.enqueue_dma source(%dma_start3A_382 : memref<6144xi32, #tpu.memory_space<hbm>>) target(%dma_start3A_380 : memref<6144xi32, #tpu.memory_space<vmem>>) target_semaphore(%arg12 : memref<!tpu.dma_semaphore, #tpu.memory_space<semaphore_mem>>)
    %scan3A_383 = arith.constant 0 : i32
    %scan3A_384 = arith.constant 384 : i32
    %scan3A_385 = arith.addi %scan3A_383, %scan3A_384 : i32
    %scan3A_386 = arith.constant 4 : i32
    %scan3A_387:6 = scf.for %scan3A_622 = %scan3A_383 to %scan3A_385 step %scan3A_386 iter_args(%scan3A_623 = %scan3A_349#0, %scan3A_624 = %scan3A_349#1, %scan3A_625 = %scan3A_349#2, %scan3A_626 = %scan3A_349#3, %scan3A_627 = %scan3A_349#4, %scan3A_628 = %scan3A_349#5) -> (vector<16xf32>, vector<16xf32>, vector<16xf32>, vector<16xf32>, vector<16xf32>, vector<16xf32>)  : i32 {
      %mul3A_629 = arith.constant 16 : i32
      %mul3A_630 = arith.muli %scan3A_622, %mul3A_629 : i32
      %get3A_631 = arith.index_cast %mul3A_630 : i32 to index
      %get3A_632 = tpu.vector_load %arg8[%get3A_631] {strides = array<i32>} : memref<6144xi32, #tpu.memory_space<vmem>>, vector<16xi32>,
      %mul3A_633 = arith.constant 16 : i32
      %mul3A_634 = arith.muli %scan3A_622, %mul3A_633 : i32
      %get3A_635 = arith.index_cast %mul3A_634 : i32 to index
      %get3A_636 = tpu.vector_load %arg10[%get3A_635] {strides = array<i32>} : memref<6144xi32, #tpu.memory_space<vmem>>, vector<16xi32>,
      %add3A_637 = arith.constant 0 : i32
      %add3A_638 = vector.broadcast %add3A_637 : i32 to vector<16xi32>
      %add3A_639 = arith.addi %get3A_632, %add3A_638 : vector<16xi32>
      %gather3A_640 = tpu.vector_load_idx %arg6[%add3A_639] : memref<98304xf32, #tpu.memory_space<vmem>>[vector<16xi32>], vector<16xf32>,
      %add3A_641 = arith.constant 0 : i32
      %add3A_642 = vector.broadcast %add3A_641 : i32 to vector<16xi32>
      %add3A_643 = arith.addi %get3A_636, %add3A_642 : vector<16xi32>
      %gather3A_644 = tpu.vector_load_idx %arg6[%add3A_643] : memref<98304xf32, #tpu.memory_space<vmem>>[vector<16xi32>], vector<16xf32>,
      %sub3A_645 = arith.subf %gather3A_640, %gather3A_644 : vector<16xf32>
      %mul3A_646 = arith.mulf %sub3A_645, %sub3A_645 : vector<16xf32>
      %add3A_647 = arith.addf %scan3A_623, %mul3A_646 : vector<16xf32>
      %add3A_648 = arith.constant 16384 : i32
      %add3A_649 = vector.broadcast %add3A_648 : i32 to vector<16xi32>
      %add3A_650 = arith.addi %get3A_632, %add3A_649 : vector<16xi32>
      %gather3A_651 = tpu.vector_load_idx %arg6[%add3A_650] : memref<98304xf32, #tpu.memory_space<vmem>>[vector<16xi32>], vector<16xf32>,
      %add3A_652 = arith.constant 16384 : i32
      %add3A_653 = vector.broadcast %add3A_652 : i32 to vector<16xi32>
      %add3A_654 = arith.addi %get3A_636, %add3A_653 : vector<16xi32>
      %gather3A_655 = tpu.vector_load_idx %arg6[%add3A_654] : memref<98304xf32, #tpu.memory_space<vmem>>[vector<16xi32>], vector<16xf32>,
      %sub3A_656 = arith.subf %gather3A_651, %gather3A_655 : vector<16xf32>
      %mul3A_657 = arith.mulf %sub3A_656, %sub3A_656 : vector<16xf32>
      %add3A_658 = arith.addf %scan3A_624, %mul3A_657 : vector<16xf32>
      %add3A_659 = arith.constant 32768 : i32
      %add3A_660 = vector.broadcast %add3A_659 : i32 to vector<16xi32>
      %add3A_661 = arith.addi %get3A_632, %add3A_660 : vector<16xi32>
      %gather3A_662 = tpu.vector_load_idx %arg6[%add3A_661] : memref<98304xf32, #tpu.memory_space<vmem>>[vector<16xi32>], vector<16xf32>,
      %add3A_663 = arith.constant 32768 : i32
      %add3A_664 = vector.broadcast %add3A_663 : i32 to vector<16xi32>
      %add3A_665 = arith.addi %get3A_636, %add3A_664 : vector<16xi32>
      %gather3A_666 = tpu.vector_load_idx %arg6[%add3A_665] : memref<98304xf32, #tpu.memory_space<vmem>>[vector<16xi32>], vector<16xf32>,
      %sub3A_667 = arith.subf %gather3A_662, %gather3A_666 : vector<16xf32>
      %mul3A_668 = arith.mulf %sub3A_667, %sub3A_667 : vector<16xf32>
      %add3A_669 = arith.addf %scan3A_625, %mul3A_668 : vector<16xf32>
      %add3A_670 = arith.constant 49152 : i32
      %add3A_671 = vector.broadcast %add3A_670 : i32 to vector<16xi32>
      %add3A_672 = arith.addi %get3A_632, %add3A_671 : vector<16xi32>
      %gather3A_673 = tpu.vector_load_idx %arg6[%add3A_672] : memref<98304xf32, #tpu.memory_space<vmem>>[vector<16xi32>], vector<16xf32>,
      %add3A_674 = arith.constant 49152 : i32
      %add3A_675 = vector.broadcast %add3A_674 : i32 to vector<16xi32>
      %add3A_676 = arith.addi %get3A_636, %add3A_675 : vector<16xi32>
      %gather3A_677 = tpu.vector_load_idx %arg6[%add3A_676] : memref<98304xf32, #tpu.memory_space<vmem>>[vector<16xi32>], vector<16xf32>,
      %sub3A_678 = arith.subf %gather3A_673, %gather3A_677 : vector<16xf32>
      %mul3A_679 = arith.mulf %sub3A_678, %sub3A_678 : vector<16xf32>
      %add3A_680 = arith.addf %scan3A_626, %mul3A_679 : vector<16xf32>
      %add3A_681 = arith.constant 65536 : i32
      %add3A_682 = vector.broadcast %add3A_681 : i32 to vector<16xi32>
      %add3A_683 = arith.addi %get3A_632, %add3A_682 : vector<16xi32>
      %gather3A_684 = tpu.vector_load_idx %arg6[%add3A_683] : memref<98304xf32, #tpu.memory_space<vmem>>[vector<16xi32>], vector<16xf32>,
      %add3A_685 = arith.constant 65536 : i32
      %add3A_686 = vector.broadcast %add3A_685 : i32 to vector<16xi32>
      %add3A_687 = arith.addi %get3A_636, %add3A_686 : vector<16xi32>
      %gather3A_688 = tpu.vector_load_idx %arg6[%add3A_687] : memref<98304xf32, #tpu.memory_space<vmem>>[vector<16xi32>], vector<16xf32>,
      %sub3A_689 = arith.subf %gather3A_684, %gather3A_688 : vector<16xf32>
      %mul3A_690 = arith.mulf %sub3A_689, %sub3A_689 : vector<16xf32>
      %add3A_691 = arith.addf %scan3A_627, %mul3A_690 : vector<16xf32>
      %add3A_692 = arith.constant 81920 : i32
      %add3A_693 = vector.broadcast %add3A_692 : i32 to vector<16xi32>
      %add3A_694 = arith.addi %get3A_632, %add3A_693 : vector<16xi32>
      %gather3A_695 = tpu.vector_load_idx %arg6[%add3A_694] : memref<98304xf32, #tpu.memory_space<vmem>>[vector<16xi32>], vector<16xf32>,
      %add3A_696 = arith.constant 81920 : i32
      %add3A_697 = vector.broadcast %add3A_696 : i32 to vector<16xi32>
      %add3A_698 = arith.addi %get3A_636, %add3A_697 : vector<16xi32>
      %gather3A_699 = tpu.vector_load_idx %arg6[%add3A_698] : memref<98304xf32, #tpu.memory_space<vmem>>[vector<16xi32>], vector<16xf32>,
      %sub3A_700 = arith.subf %gather3A_695, %gather3A_699 : vector<16xf32>
      %mul3A_701 = arith.mulf %sub3A_700, %sub3A_700 : vector<16xf32>
      %add3A_702 = arith.addf %scan3A_628, %mul3A_701 : vector<16xf32>
      %scan3A_703 = arith.constant 1 : i32
      %scan3A_704 = arith.addi %scan3A_622, %scan3A_703 : i32
      %mul3A_705 = arith.constant 16 : i32
      %mul3A_706 = arith.muli %scan3A_704, %mul3A_705 : i32
      %get3A_707 = arith.index_cast %mul3A_706 : i32 to index
      %get3A_708 = tpu.vector_load %arg8[%get3A_707] {strides = array<i32>} : memref<6144xi32, #tpu.memory_space<vmem>>, vector<16xi32>,
      %mul3A_709 = arith.constant 16 : i32
      %mul3A_710 = arith.muli %scan3A_704, %mul3A_709 : i32
      %get3A_711 = arith.index_cast %mul3A_710 : i32 to index
      %get3A_712 = tpu.vector_load %arg10[%get3A_711] {strides = array<i32>} : memref<6144xi32, #tpu.memory_space<vmem>>, vector<16xi32>,
      %add3A_713 = arith.constant 0 : i32
      %add3A_714 = vector.broadcast %add3A_713 : i32 to vector<16xi32>
      %add3A_715 = arith.addi %get3A_708, %add3A_714 : vector<16xi32>
      %gather3A_716 = tpu.vector_load_idx %arg6[%add3A_715] : memref<98304xf32, #tpu.memory_space<vmem>>[vector<16xi32>], vector<16xf32>,
      %add3A_717 = arith.constant 0 : i32
      %add3A_718 = vector.broadcast %add3A_717 : i32 to vector<16xi32>
      %add3A_719 = arith.addi %get3A_712, %add3A_718 : vector<16xi32>
      %gather3A_720 = tpu.vector_load_idx %arg6[%add3A_719] : memref<98304xf32, #tpu.memory_space<vmem>>[vector<16xi32>], vector<16xf32>,
      %sub3A_721 = arith.subf %gather3A_716, %gather3A_720 : vector<16xf32>
      %mul3A_722 = arith.mulf %sub3A_721, %sub3A_721 : vector<16xf32>
      %add3A_723 = arith.addf %add3A_647, %mul3A_722 : vector<16xf32>
      %add3A_724 = arith.constant 16384 : i32
      %add3A_725 = vector.broadcast %add3A_724 : i32 to vector<16xi32>
      %add3A_726 = arith.addi %get3A_708, %add3A_725 : vector<16xi32>
      %gather3A_727 = tpu.vector_load_idx %arg6[%add3A_726] : memref<98304xf32, #tpu.memory_space<vmem>>[vector<16xi32>], vector<16xf32>,
      %add3A_728 = arith.constant 16384 : i32
      %add3A_729 = vector.broadcast %add3A_728 : i32 to vector<16xi32>
      %add3A_730 = arith.addi %get3A_712, %add3A_729 : vector<16xi32>
      %gather3A_731 = tpu.vector_load_idx %arg6[%add3A_730] : memref<98304xf32, #tpu.memory_space<vmem>>[vector<16xi32>], vector<16xf32>,
      %sub3A_732 = arith.subf %gather3A_727, %gather3A_731 : vector<16xf32>
      %mul3A_733 = arith.mulf %sub3A_732, %sub3A_732 : vector<16xf32>
      %add3A_734 = arith.addf %add3A_658, %mul3A_733 : vector<16xf32>
      %add3A_735 = arith.constant 32768 : i32
      %add3A_736 = vector.broadcast %add3A_735 : i32 to vector<16xi32>
      %add3A_737 = arith.addi %get3A_708, %add3A_736 : vector<16xi32>
      %gather3A_738 = tpu.vector_load_idx %arg6[%add3A_737] : memref<98304xf32, #tpu.memory_space<vmem>>[vector<16xi32>], vector<16xf32>,
      %add3A_739 = arith.constant 32768 : i32
      %add3A_740 = vector.broadcast %add3A_739 : i32 to vector<16xi32>
      %add3A_741 = arith.addi %get3A_712, %add3A_740 : vector<16xi32>
      %gather3A_742 = tpu.vector_load_idx %arg6[%add3A_741] : memref<98304xf32, #tpu.memory_space<vmem>>[vector<16xi32>], vector<16xf32>,
      %sub3A_743 = arith.subf %gather3A_738, %gather3A_742 : vector<16xf32>
      %mul3A_744 = arith.mulf %sub3A_743, %sub3A_743 : vector<16xf32>
      %add3A_745 = arith.addf %add3A_669, %mul3A_744 : vector<16xf32>
      %add3A_746 = arith.constant 49152 : i32
      %add3A_747 = vector.broadcast %add3A_746 : i32 to vector<16xi32>
      %add3A_748 = arith.addi %get3A_708, %add3A_747 : vector<16xi32>
      %gather3A_749 = tpu.vector_load_idx %arg6[%add3A_748] : memref<98304xf32, #tpu.memory_space<vmem>>[vector<16xi32>], vector<16xf32>,
      %add3A_750 = arith.constant 49152 : i32
      %add3A_751 = vector.broadcast %add3A_750 : i32 to vector<16xi32>
      %add3A_752 = arith.addi %get3A_712, %add3A_751 : vector<16xi32>
      %gather3A_753 = tpu.vector_load_idx %arg6[%add3A_752] : memref<98304xf32, #tpu.memory_space<vmem>>[vector<16xi32>], vector<16xf32>,
      %sub3A_754 = arith.subf %gather3A_749, %gather3A_753 : vector<16xf32>
      %mul3A_755 = arith.mulf %sub3A_754, %sub3A_754 : vector<16xf32>
      %add3A_756 = arith.addf %add3A_680, %mul3A_755 : vector<16xf32>
      %add3A_757 = arith.constant 65536 : i32
      %add3A_758 = vector.broadcast %add3A_757 : i32 to vector<16xi32>
      %add3A_759 = arith.addi %get3A_708, %add3A_758 : vector<16xi32>
      %gather3A_760 = tpu.vector_load_idx %arg6[%add3A_759] : memref<98304xf32, #tpu.memory_space<vmem>>[vector<16xi32>], vector<16xf32>,
      %add3A_761 = arith.constant 65536 : i32
      %add3A_762 = vector.broadcast %add3A_761 : i32 to vector<16xi32>
      %add3A_763 = arith.addi %get3A_712, %add3A_762 : vector<16xi32>
      %gather3A_764 = tpu.vector_load_idx %arg6[%add3A_763] : memref<98304xf32, #tpu.memory_space<vmem>>[vector<16xi32>], vector<16xf32>,
      %sub3A_765 = arith.subf %gather3A_760, %gather3A_764 : vector<16xf32>
      %mul3A_766 = arith.mulf %sub3A_765, %sub3A_765 : vector<16xf32>
      %add3A_767 = arith.addf %add3A_691, %mul3A_766 : vector<16xf32>
      %add3A_768 = arith.constant 81920 : i32
      %add3A_769 = vector.broadcast %add3A_768 : i32 to vector<16xi32>
      %add3A_770 = arith.addi %get3A_708, %add3A_769 : vector<16xi32>
      %gather3A_771 = tpu.vector_load_idx %arg6[%add3A_770] : memref<98304xf32, #tpu.memory_space<vmem>>[vector<16xi32>], vector<16xf32>,
      %add3A_772 = arith.constant 81920 : i32
      %add3A_773 = vector.broadcast %add3A_772 : i32 to vector<16xi32>
      %add3A_774 = arith.addi %get3A_712, %add3A_773 : vector<16xi32>
      %gather3A_775 = tpu.vector_load_idx %arg6[%add3A_774] : memref<98304xf32, #tpu.memory_space<vmem>>[vector<16xi32>], vector<16xf32>,
      %sub3A_776 = arith.subf %gather3A_771, %gather3A_775 : vector<16xf32>
      %mul3A_777 = arith.mulf %sub3A_776, %sub3A_776 : vector<16xf32>
      %add3A_778 = arith.addf %add3A_702, %mul3A_777 : vector<16xf32>
      %scan3A_779 = arith.constant 2 : i32
      %scan3A_780 = arith.addi %scan3A_622, %scan3A_779 : i32
      %mul3A_781 = arith.constant 16 : i32
      %mul3A_782 = arith.muli %scan3A_780, %mul3A_781 : i32
      %get3A_783 = arith.index_cast %mul3A_782 : i32 to index
      %get3A_784 = tpu.vector_load %arg8[%get3A_783] {strides = array<i32>} : memref<6144xi32, #tpu.memory_space<vmem>>, vector<16xi32>,
      %mul3A_785 = arith.constant 16 : i32
      %mul3A_786 = arith.muli %scan3A_780, %mul3A_785 : i32
      %get3A_787 = arith.index_cast %mul3A_786 : i32 to index
      %get3A_788 = tpu.vector_load %arg10[%get3A_787] {strides = array<i32>} : memref<6144xi32, #tpu.memory_space<vmem>>, vector<16xi32>,
      %add3A_789 = arith.constant 0 : i32
      %add3A_790 = vector.broadcast %add3A_789 : i32 to vector<16xi32>
      %add3A_791 = arith.addi %get3A_784, %add3A_790 : vector<16xi32>
      %gather3A_792 = tpu.vector_load_idx %arg6[%add3A_791] : memref<98304xf32, #tpu.memory_space<vmem>>[vector<16xi32>], vector<16xf32>,
      %add3A_793 = arith.constant 0 : i32
      %add3A_794 = vector.broadcast %add3A_793 : i32 to vector<16xi32>
      %add3A_795 = arith.addi %get3A_788, %add3A_794 : vector<16xi32>
      %gather3A_796 = tpu.vector_load_idx %arg6[%add3A_795] : memref<98304xf32, #tpu.memory_space<vmem>>[vector<16xi32>], vector<16xf32>,
      %sub3A_797 = arith.subf %gather3A_792, %gather3A_796 : vector<16xf32>
      %mul3A_798 = arith.mulf %sub3A_797, %sub3A_797 : vector<16xf32>
      %add3A_799 = arith.addf %add3A_723, %mul3A_798 : vector<16xf32>
      %add3A_800 = arith.constant 16384 : i32
      %add3A_801 = vector.broadcast %add3A_800 : i32 to vector<16xi32>
      %add3A_802 = arith.addi %get3A_784, %add3A_801 : vector<16xi32>
      %gather3A_803 = tpu.vector_load_idx %arg6[%add3A_802] : memref<98304xf32, #tpu.memory_space<vmem>>[vector<16xi32>], vector<16xf32>,
      %add3A_804 = arith.constant 16384 : i32
      %add3A_805 = vector.broadcast %add3A_804 : i32 to vector<16xi32>
      %add3A_806 = arith.addi %get3A_788, %add3A_805 : vector<16xi32>
      %gather3A_807 = tpu.vector_load_idx %arg6[%add3A_806] : memref<98304xf32, #tpu.memory_space<vmem>>[vector<16xi32>], vector<16xf32>,
      %sub3A_808 = arith.subf %gather3A_803, %gather3A_807 : vector<16xf32>
      %mul3A_809 = arith.mulf %sub3A_808, %sub3A_808 : vector<16xf32>
      %add3A_810 = arith.addf %add3A_734, %mul3A_809 : vector<16xf32>
      %add3A_811 = arith.constant 32768 : i32
      %add3A_812 = vector.broadcast %add3A_811 : i32 to vector<16xi32>
      %add3A_813 = arith.addi %get3A_784, %add3A_812 : vector<16xi32>
      %gather3A_814 = tpu.vector_load_idx %arg6[%add3A_813] : memref<98304xf32, #tpu.memory_space<vmem>>[vector<16xi32>], vector<16xf32>,
      %add3A_815 = arith.constant 32768 : i32
      %add3A_816 = vector.broadcast %add3A_815 : i32 to vector<16xi32>
      %add3A_817 = arith.addi %get3A_788, %add3A_816 : vector<16xi32>
      %gather3A_818 = tpu.vector_load_idx %arg6[%add3A_817] : memref<98304xf32, #tpu.memory_space<vmem>>[vector<16xi32>], vector<16xf32>,
      %sub3A_819 = arith.subf %gather3A_814, %gather3A_818 : vector<16xf32>
      %mul3A_820 = arith.mulf %sub3A_819, %sub3A_819 : vector<16xf32>
      %add3A_821 = arith.addf %add3A_745, %mul3A_820 : vector<16xf32>
      %add3A_822 = arith.constant 49152 : i32
      %add3A_823 = vector.broadcast %add3A_822 : i32 to vector<16xi32>
      %add3A_824 = arith.addi %get3A_784, %add3A_823 : vector<16xi32>
      %gather3A_825 = tpu.vector_load_idx %arg6[%add3A_824] : memref<98304xf32, #tpu.memory_space<vmem>>[vector<16xi32>], vector<16xf32>,
      %add3A_826 = arith.constant 49152 : i32
      %add3A_827 = vector.broadcast %add3A_826 : i32 to vector<16xi32>
      %add3A_828 = arith.addi %get3A_788, %add3A_827 : vector<16xi32>
      %gather3A_829 = tpu.vector_load_idx %arg6[%add3A_828] : memref<98304xf32, #tpu.memory_space<vmem>>[vector<16xi32>], vector<16xf32>,
      %sub3A_830 = arith.subf %gather3A_825, %gather3A_829 : vector<16xf32>
      %mul3A_831 = arith.mulf %sub3A_830, %sub3A_830 : vector<16xf32>
      %add3A_832 = arith.addf %add3A_756, %mul3A_831 : vector<16xf32>
      %add3A_833 = arith.constant 65536 : i32
      %add3A_834 = vector.broadcast %add3A_833 : i32 to vector<16xi32>
      %add3A_835 = arith.addi %get3A_784, %add3A_834 : vector<16xi32>
      %gather3A_836 = tpu.vector_load_idx %arg6[%add3A_835] : memref<98304xf32, #tpu.memory_space<vmem>>[vector<16xi32>], vector<16xf32>,
      %add3A_837 = arith.constant 65536 : i32
      %add3A_838 = vector.broadcast %add3A_837 : i32 to vector<16xi32>
      %add3A_839 = arith.addi %get3A_788, %add3A_838 : vector<16xi32>
      %gather3A_840 = tpu.vector_load_idx %arg6[%add3A_839] : memref<98304xf32, #tpu.memory_space<vmem>>[vector<16xi32>], vector<16xf32>,
      %sub3A_841 = arith.subf %gather3A_836, %gather3A_840 : vector<16xf32>
      %mul3A_842 = arith.mulf %sub3A_841, %sub3A_841 : vector<16xf32>
      %add3A_843 = arith.addf %add3A_767, %mul3A_842 : vector<16xf32>
      %add3A_844 = arith.constant 81920 : i32
      %add3A_845 = vector.broadcast %add3A_844 : i32 to vector<16xi32>
      %add3A_846 = arith.addi %get3A_784, %add3A_845 : vector<16xi32>
      %gather3A_847 = tpu.vector_load_idx %arg6[%add3A_846] : memref<98304xf32, #tpu.memory_space<vmem>>[vector<16xi32>], vector<16xf32>,
      %add3A_848 = arith.constant 81920 : i32
      %add3A_849 = vector.broadcast %add3A_848 : i32 to vector<16xi32>
      %add3A_850 = arith.addi %get3A_788, %add3A_849 : vector<16xi32>
      %gather3A_851 = tpu.vector_load_idx %arg6[%add3A_850] : memref<98304xf32, #tpu.memory_space<vmem>>[vector<16xi32>], vector<16xf32>,
      %sub3A_852 = arith.subf %gather3A_847, %gather3A_851 : vector<16xf32>
      %mul3A_853 = arith.mulf %sub3A_852, %sub3A_852 : vector<16xf32>
      %add3A_854 = arith.addf %add3A_778, %mul3A_853 : vector<16xf32>
      %scan3A_855 = arith.constant 3 : i32
      %scan3A_856 = arith.addi %scan3A_622, %scan3A_855 : i32
      %mul3A_857 = arith.constant 16 : i32
      %mul3A_858 = arith.muli %scan3A_856, %mul3A_857 : i32
      %get3A_859 = arith.index_cast %mul3A_858 : i32 to index
      %get3A_860 = tpu.vector_load %arg8[%get3A_859] {strides = array<i32>} : memref<6144xi32, #tpu.memory_space<vmem>>, vector<16xi32>,
      %mul3A_861 = arith.constant 16 : i32
      %mul3A_862 = arith.muli %scan3A_856, %mul3A_861 : i32
      %get3A_863 = arith.index_cast %mul3A_862 : i32 to index
      %get3A_864 = tpu.vector_load %arg10[%get3A_863] {strides = array<i32>} : memref<6144xi32, #tpu.memory_space<vmem>>, vector<16xi32>,
      %add3A_865 = arith.constant 0 : i32
      %add3A_866 = vector.broadcast %add3A_865 : i32 to vector<16xi32>
      %add3A_867 = arith.addi %get3A_860, %add3A_866 : vector<16xi32>
      %gather3A_868 = tpu.vector_load_idx %arg6[%add3A_867] : memref<98304xf32, #tpu.memory_space<vmem>>[vector<16xi32>], vector<16xf32>,
      %add3A_869 = arith.constant 0 : i32
      %add3A_870 = vector.broadcast %add3A_869 : i32 to vector<16xi32>
      %add3A_871 = arith.addi %get3A_864, %add3A_870 : vector<16xi32>
      %gather3A_872 = tpu.vector_load_idx %arg6[%add3A_871] : memref<98304xf32, #tpu.memory_space<vmem>>[vector<16xi32>], vector<16xf32>,
      %sub3A_873 = arith.subf %gather3A_868, %gather3A_872 : vector<16xf32>
      %mul3A_874 = arith.mulf %sub3A_873, %sub3A_873 : vector<16xf32>
      %add3A_875 = arith.addf %add3A_799, %mul3A_874 : vector<16xf32>
      %add3A_876 = arith.constant 16384 : i32
      %add3A_877 = vector.broadcast %add3A_876 : i32 to vector<16xi32>
      %add3A_878 = arith.addi %get3A_860, %add3A_877 : vector<16xi32>
      %gather3A_879 = tpu.vector_load_idx %arg6[%add3A_878] : memref<98304xf32, #tpu.memory_space<vmem>>[vector<16xi32>], vector<16xf32>,
      %add3A_880 = arith.constant 16384 : i32
      %add3A_881 = vector.broadcast %add3A_880 : i32 to vector<16xi32>
      %add3A_882 = arith.addi %get3A_864, %add3A_881 : vector<16xi32>
      %gather3A_883 = tpu.vector_load_idx %arg6[%add3A_882] : memref<98304xf32, #tpu.memory_space<vmem>>[vector<16xi32>], vector<16xf32>,
      %sub3A_884 = arith.subf %gather3A_879, %gather3A_883 : vector<16xf32>
      %mul3A_885 = arith.mulf %sub3A_884, %sub3A_884 : vector<16xf32>
      %add3A_886 = arith.addf %add3A_810, %mul3A_885 : vector<16xf32>
      %add3A_887 = arith.constant 32768 : i32
      %add3A_888 = vector.broadcast %add3A_887 : i32 to vector<16xi32>
      %add3A_889 = arith.addi %get3A_860, %add3A_888 : vector<16xi32>
      %gather3A_890 = tpu.vector_load_idx %arg6[%add3A_889] : memref<98304xf32, #tpu.memory_space<vmem>>[vector<16xi32>], vector<16xf32>,
      %add3A_891 = arith.constant 32768 : i32
      %add3A_892 = vector.broadcast %add3A_891 : i32 to vector<16xi32>
      %add3A_893 = arith.addi %get3A_864, %add3A_892 : vector<16xi32>
      %gather3A_894 = tpu.vector_load_idx %arg6[%add3A_893] : memref<98304xf32, #tpu.memory_space<vmem>>[vector<16xi32>], vector<16xf32>,
      %sub3A_895 = arith.subf %gather3A_890, %gather3A_894 : vector<16xf32>
      %mul3A_896 = arith.mulf %sub3A_895, %sub3A_895 : vector<16xf32>
      %add3A_897 = arith.addf %add3A_821, %mul3A_896 : vector<16xf32>
      %add3A_898 = arith.constant 49152 : i32
      %add3A_899 = vector.broadcast %add3A_898 : i32 to vector<16xi32>
      %add3A_900 = arith.addi %get3A_860, %add3A_899 : vector<16xi32>
      %gather3A_901 = tpu.vector_load_idx %arg6[%add3A_900] : memref<98304xf32, #tpu.memory_space<vmem>>[vector<16xi32>], vector<16xf32>,
      %add3A_902 = arith.constant 49152 : i32
      %add3A_903 = vector.broadcast %add3A_902 : i32 to vector<16xi32>
      %add3A_904 = arith.addi %get3A_864, %add3A_903 : vector<16xi32>
      %gather3A_905 = tpu.vector_load_idx %arg6[%add3A_904] : memref<98304xf32, #tpu.memory_space<vmem>>[vector<16xi32>], vector<16xf32>,
      %sub3A_906 = arith.subf %gather3A_901, %gather3A_905 : vector<16xf32>
      %mul3A_907 = arith.mulf %sub3A_906, %sub3A_906 : vector<16xf32>
      %add3A_908 = arith.addf %add3A_832, %mul3A_907 : vector<16xf32>
      %add3A_909 = arith.constant 65536 : i32
      %add3A_910 = vector.broadcast %add3A_909 : i32 to vector<16xi32>
      %add3A_911 = arith.addi %get3A_860, %add3A_910 : vector<16xi32>
      %gather3A_912 = tpu.vector_load_idx %arg6[%add3A_911] : memref<98304xf32, #tpu.memory_space<vmem>>[vector<16xi32>], vector<16xf32>,
      %add3A_913 = arith.constant 65536 : i32
      %add3A_914 = vector.broadcast %add3A_913 : i32 to vector<16xi32>
      %add3A_915 = arith.addi %get3A_864, %add3A_914 : vector<16xi32>
      %gather3A_916 = tpu.vector_load_idx %arg6[%add3A_915] : memref<98304xf32, #tpu.memory_space<vmem>>[vector<16xi32>], vector<16xf32>,
      %sub3A_917 = arith.subf %gather3A_912, %gather3A_916 : vector<16xf32>
      %mul3A_918 = arith.mulf %sub3A_917, %sub3A_917 : vector<16xf32>
      %add3A_919 = arith.addf %add3A_843, %mul3A_918 : vector<16xf32>
      %add3A_920 = arith.constant 81920 : i32
      %add3A_921 = vector.broadcast %add3A_920 : i32 to vector<16xi32>
      %add3A_922 = arith.addi %get3A_860, %add3A_921 : vector<16xi32>
      %gather3A_923 = tpu.vector_load_idx %arg6[%add3A_922] : memref<98304xf32, #tpu.memory_space<vmem>>[vector<16xi32>], vector<16xf32>,
      %add3A_924 = arith.constant 81920 : i32
      %add3A_925 = vector.broadcast %add3A_924 : i32 to vector<16xi32>
      %add3A_926 = arith.addi %get3A_864, %add3A_925 : vector<16xi32>
      %gather3A_927 = tpu.vector_load_idx %arg6[%add3A_926] : memref<98304xf32, #tpu.memory_space<vmem>>[vector<16xi32>], vector<16xf32>,
      %sub3A_928 = arith.subf %gather3A_923, %gather3A_927 : vector<16xf32>
      %mul3A_929 = arith.mulf %sub3A_928, %sub3A_928 : vector<16xf32>
      %add3A_930 = arith.addf %add3A_854, %mul3A_929 : vector<16xf32>
      scf.yield %add3A_875, %add3A_886, %add3A_897, %add3A_908, %add3A_919, %add3A_930 : vector<16xf32>, vector<16xf32>, vector<16xf32>, vector<16xf32>, vector<16xf32>, vector<16xf32>
    }
    %scan3A_388 = arith.constant 384 : i32
    %dma_wait3A_389 = arith.constant 0 : i32
    %dma_wait3A_390 = tpu.memref_slice %arg7[%dma_wait3A_389] : memref<6144xi32, #tpu.memory_space<vmem>> -> memref<6144xi32, #tpu.memory_space<vmem>>
    %dma_wait3A_391 = arith.constant 36864 : i32
    %dma_wait3A_392 = tpu.memref_slice %arg3[%dma_wait3A_391] : memref<48641xi32, #tpu.memory_space<hbm>> -> memref<6144xi32, #tpu.memory_space<hbm>>
    %dma_wait3A_393 = arith.constant 0 : i32
    %dma_wait3A_394 = tpu.memref_slice %arg7[%dma_wait3A_393] : memref<6144xi32, #tpu.memory_space<vmem>> -> memref<6144xi32, #tpu.memory_space<vmem>>
    %dma_wait3A_395 = arith.constant 36864 : i32
    %dma_wait3A_396 = tpu.memref_slice %arg3[%dma_wait3A_395] : memref<48641xi32, #tpu.memory_space<hbm>> -> memref<6144xi32, #tpu.memory_space<hbm>>
    tpu.wait_dma2 semaphore(%arg12 : memref<!tpu.dma_semaphore, #tpu.memory_space<semaphore_mem>>) src(%dma_wait3A_396 : memref<6144xi32, #tpu.memory_space<hbm>>) dst(%dma_wait3A_394 : memref<6144xi32, #tpu.memory_space<vmem>>)
    %dma_wait3A_397 = arith.constant 0 : i32
    %dma_wait3A_398 = tpu.memref_slice %arg9[%dma_wait3A_397] : memref<6144xi32, #tpu.memory_space<vmem>> -> memref<6144xi32, #tpu.memory_space<vmem>>
    %dma_wait3A_399 = arith.constant 36864 : i32
    %dma_wait3A_400 = tpu.memref_slice %arg4[%dma_wait3A_399] : memref<48641xi32, #tpu.memory_space<hbm>> -> memref<6144xi32, #tpu.memory_space<hbm>>
    %dma_wait3A_401 = arith.constant 0 : i32
    %dma_wait3A_402 = tpu.memref_slice %arg9[%dma_wait3A_401] : memref<6144xi32, #tpu.memory_space<vmem>> -> memref<6144xi32, #tpu.memory_space<vmem>>
    %dma_wait3A_403 = arith.constant 36864 : i32
    %dma_wait3A_404 = tpu.memref_slice %arg4[%dma_wait3A_403] : memref<48641xi32, #tpu.memory_space<hbm>> -> memref<6144xi32, #tpu.memory_space<hbm>>
    tpu.wait_dma2 semaphore(%arg12 : memref<!tpu.dma_semaphore, #tpu.memory_space<semaphore_mem>>) src(%dma_wait3A_404 : memref<6144xi32, #tpu.memory_space<hbm>>) dst(%dma_wait3A_402 : memref<6144xi32, #tpu.memory_space<vmem>>)
    %dma_start3A_405 = arith.constant 0 : i32
    %dma_start3A_406 = tpu.memref_slice %arg8[%dma_start3A_405] : memref<6144xi32, #tpu.memory_space<vmem>> -> memref<5633xi32, #tpu.memory_space<vmem>>
    %dma_start3A_407 = arith.constant 43008 : i32
    %dma_start3A_408 = tpu.memref_slice %arg3[%dma_start3A_407] : memref<48641xi32, #tpu.memory_space<hbm>> -> memref<5633xi32, #tpu.memory_space<hbm>>
    %dma_start3A_409 = arith.constant 0 : i32
    %dma_start3A_410 = tpu.memref_slice %arg8[%dma_start3A_409] : memref<6144xi32, #tpu.memory_space<vmem>> -> memref<5633xi32, #tpu.memory_space<vmem>>
    %dma_start3A_411 = arith.constant 43008 : i32
    %dma_start3A_412 = tpu.memref_slice %arg3[%dma_start3A_411] : memref<48641xi32, #tpu.memory_space<hbm>> -> memref<5633xi32, #tpu.memory_space<hbm>>
    tpu.enqueue_dma source(%dma_start3A_412 : memref<5633xi32, #tpu.memory_space<hbm>>) target(%dma_start3A_410 : memref<5633xi32, #tpu.memory_space<vmem>>) target_semaphore(%arg13 : memref<!tpu.dma_semaphore, #tpu.memory_space<semaphore_mem>>)
    %dma_start3A_413 = arith.constant 0 : i32
    %dma_start3A_414 = tpu.memref_slice %arg10[%dma_start3A_413] : memref<6144xi32, #tpu.memory_space<vmem>> -> memref<5633xi32, #tpu.memory_space<vmem>>
    %dma_start3A_415 = arith.constant 43008 : i32
    %dma_start3A_416 = tpu.memref_slice %arg4[%dma_start3A_415] : memref<48641xi32, #tpu.memory_space<hbm>> -> memref<5633xi32, #tpu.memory_space<hbm>>
    %dma_start3A_417 = arith.constant 0 : i32
    %dma_start3A_418 = tpu.memref_slice %arg10[%dma_start3A_417] : memref<6144xi32, #tpu.memory_space<vmem>> -> memref<5633xi32, #tpu.memory_space<vmem>>
    %dma_start3A_419 = arith.constant 43008 : i32
    %dma_start3A_420 = tpu.memref_slice %arg4[%dma_start3A_419] : memref<48641xi32, #tpu.memory_space<hbm>> -> memref<5633xi32, #tpu.memory_space<hbm>>
    tpu.enqueue_dma source(%dma_start3A_420 : memref<5633xi32, #tpu.memory_space<hbm>>) target(%dma_start3A_418 : memref<5633xi32, #tpu.memory_space<vmem>>) target_semaphore(%arg13 : memref<!tpu.dma_semaphore, #tpu.memory_space<semaphore_mem>>)
    %scan3A_421 = arith.constant 0 : i32
    %scan3A_422 = arith.constant 384 : i32
    %scan3A_423 = arith.addi %scan3A_421, %scan3A_422 : i32
    %scan3A_424 = arith.constant 4 : i32
    %scan3A_425:6 = scf.for %scan3A_622 = %scan3A_421 to %scan3A_423 step %scan3A_424 iter_args(%scan3A_623 = %scan3A_387#0, %scan3A_624 = %scan3A_387#1, %scan3A_625 = %scan3A_387#2, %scan3A_626 = %scan3A_387#3, %scan3A_627 = %scan3A_387#4, %scan3A_628 = %scan3A_387#5) -> (vector<16xf32>, vector<16xf32>, vector<16xf32>, vector<16xf32>, vector<16xf32>, vector<16xf32>)  : i32 {
      %mul3A_629 = arith.constant 16 : i32
      %mul3A_630 = arith.muli %scan3A_622, %mul3A_629 : i32
      %get3A_631 = arith.index_cast %mul3A_630 : i32 to index
      %get3A_632 = tpu.vector_load %arg7[%get3A_631] {strides = array<i32>} : memref<6144xi32, #tpu.memory_space<vmem>>, vector<16xi32>,
      %mul3A_633 = arith.constant 16 : i32
      %mul3A_634 = arith.muli %scan3A_622, %mul3A_633 : i32
      %get3A_635 = arith.index_cast %mul3A_634 : i32 to index
      %get3A_636 = tpu.vector_load %arg9[%get3A_635] {strides = array<i32>} : memref<6144xi32, #tpu.memory_space<vmem>>, vector<16xi32>,
      %add3A_637 = arith.constant 0 : i32
      %add3A_638 = vector.broadcast %add3A_637 : i32 to vector<16xi32>
      %add3A_639 = arith.addi %get3A_632, %add3A_638 : vector<16xi32>
      %gather3A_640 = tpu.vector_load_idx %arg6[%add3A_639] : memref<98304xf32, #tpu.memory_space<vmem>>[vector<16xi32>], vector<16xf32>,
      %add3A_641 = arith.constant 0 : i32
      %add3A_642 = vector.broadcast %add3A_641 : i32 to vector<16xi32>
      %add3A_643 = arith.addi %get3A_636, %add3A_642 : vector<16xi32>
      %gather3A_644 = tpu.vector_load_idx %arg6[%add3A_643] : memref<98304xf32, #tpu.memory_space<vmem>>[vector<16xi32>], vector<16xf32>,
      %sub3A_645 = arith.subf %gather3A_640, %gather3A_644 : vector<16xf32>
      %mul3A_646 = arith.mulf %sub3A_645, %sub3A_645 : vector<16xf32>
      %add3A_647 = arith.addf %scan3A_623, %mul3A_646 : vector<16xf32>
      %add3A_648 = arith.constant 16384 : i32
      %add3A_649 = vector.broadcast %add3A_648 : i32 to vector<16xi32>
      %add3A_650 = arith.addi %get3A_632, %add3A_649 : vector<16xi32>
      %gather3A_651 = tpu.vector_load_idx %arg6[%add3A_650] : memref<98304xf32, #tpu.memory_space<vmem>>[vector<16xi32>], vector<16xf32>,
      %add3A_652 = arith.constant 16384 : i32
      %add3A_653 = vector.broadcast %add3A_652 : i32 to vector<16xi32>
      %add3A_654 = arith.addi %get3A_636, %add3A_653 : vector<16xi32>
      %gather3A_655 = tpu.vector_load_idx %arg6[%add3A_654] : memref<98304xf32, #tpu.memory_space<vmem>>[vector<16xi32>], vector<16xf32>,
      %sub3A_656 = arith.subf %gather3A_651, %gather3A_655 : vector<16xf32>
      %mul3A_657 = arith.mulf %sub3A_656, %sub3A_656 : vector<16xf32>
      %add3A_658 = arith.addf %scan3A_624, %mul3A_657 : vector<16xf32>
      %add3A_659 = arith.constant 32768 : i32
      %add3A_660 = vector.broadcast %add3A_659 : i32 to vector<16xi32>
      %add3A_661 = arith.addi %get3A_632, %add3A_660 : vector<16xi32>
      %gather3A_662 = tpu.vector_load_idx %arg6[%add3A_661] : memref<98304xf32, #tpu.memory_space<vmem>>[vector<16xi32>], vector<16xf32>,
      %add3A_663 = arith.constant 32768 : i32
      %add3A_664 = vector.broadcast %add3A_663 : i32 to vector<16xi32>
      %add3A_665 = arith.addi %get3A_636, %add3A_664 : vector<16xi32>
      %gather3A_666 = tpu.vector_load_idx %arg6[%add3A_665] : memref<98304xf32, #tpu.memory_space<vmem>>[vector<16xi32>], vector<16xf32>,
      %sub3A_667 = arith.subf %gather3A_662, %gather3A_666 : vector<16xf32>
      %mul3A_668 = arith.mulf %sub3A_667, %sub3A_667 : vector<16xf32>
      %add3A_669 = arith.addf %scan3A_625, %mul3A_668 : vector<16xf32>
      %add3A_670 = arith.constant 49152 : i32
      %add3A_671 = vector.broadcast %add3A_670 : i32 to vector<16xi32>
      %add3A_672 = arith.addi %get3A_632, %add3A_671 : vector<16xi32>
      %gather3A_673 = tpu.vector_load_idx %arg6[%add3A_672] : memref<98304xf32, #tpu.memory_space<vmem>>[vector<16xi32>], vector<16xf32>,
      %add3A_674 = arith.constant 49152 : i32
      %add3A_675 = vector.broadcast %add3A_674 : i32 to vector<16xi32>
      %add3A_676 = arith.addi %get3A_636, %add3A_675 : vector<16xi32>
      %gather3A_677 = tpu.vector_load_idx %arg6[%add3A_676] : memref<98304xf32, #tpu.memory_space<vmem>>[vector<16xi32>], vector<16xf32>,
      %sub3A_678 = arith.subf %gather3A_673, %gather3A_677 : vector<16xf32>
      %mul3A_679 = arith.mulf %sub3A_678, %sub3A_678 : vector<16xf32>
      %add3A_680 = arith.addf %scan3A_626, %mul3A_679 : vector<16xf32>
      %add3A_681 = arith.constant 65536 : i32
      %add3A_682 = vector.broadcast %add3A_681 : i32 to vector<16xi32>
      %add3A_683 = arith.addi %get3A_632, %add3A_682 : vector<16xi32>
      %gather3A_684 = tpu.vector_load_idx %arg6[%add3A_683] : memref<98304xf32, #tpu.memory_space<vmem>>[vector<16xi32>], vector<16xf32>,
      %add3A_685 = arith.constant 65536 : i32
      %add3A_686 = vector.broadcast %add3A_685 : i32 to vector<16xi32>
      %add3A_687 = arith.addi %get3A_636, %add3A_686 : vector<16xi32>
      %gather3A_688 = tpu.vector_load_idx %arg6[%add3A_687] : memref<98304xf32, #tpu.memory_space<vmem>>[vector<16xi32>], vector<16xf32>,
      %sub3A_689 = arith.subf %gather3A_684, %gather3A_688 : vector<16xf32>
      %mul3A_690 = arith.mulf %sub3A_689, %sub3A_689 : vector<16xf32>
      %add3A_691 = arith.addf %scan3A_627, %mul3A_690 : vector<16xf32>
      %add3A_692 = arith.constant 81920 : i32
      %add3A_693 = vector.broadcast %add3A_692 : i32 to vector<16xi32>
      %add3A_694 = arith.addi %get3A_632, %add3A_693 : vector<16xi32>
      %gather3A_695 = tpu.vector_load_idx %arg6[%add3A_694] : memref<98304xf32, #tpu.memory_space<vmem>>[vector<16xi32>], vector<16xf32>,
      %add3A_696 = arith.constant 81920 : i32
      %add3A_697 = vector.broadcast %add3A_696 : i32 to vector<16xi32>
      %add3A_698 = arith.addi %get3A_636, %add3A_697 : vector<16xi32>
      %gather3A_699 = tpu.vector_load_idx %arg6[%add3A_698] : memref<98304xf32, #tpu.memory_space<vmem>>[vector<16xi32>], vector<16xf32>,
      %sub3A_700 = arith.subf %gather3A_695, %gather3A_699 : vector<16xf32>
      %mul3A_701 = arith.mulf %sub3A_700, %sub3A_700 : vector<16xf32>
      %add3A_702 = arith.addf %scan3A_628, %mul3A_701 : vector<16xf32>
      %scan3A_703 = arith.constant 1 : i32
      %scan3A_704 = arith.addi %scan3A_622, %scan3A_703 : i32
      %mul3A_705 = arith.constant 16 : i32
      %mul3A_706 = arith.muli %scan3A_704, %mul3A_705 : i32
      %get3A_707 = arith.index_cast %mul3A_706 : i32 to index
      %get3A_708 = tpu.vector_load %arg7[%get3A_707] {strides = array<i32>} : memref<6144xi32, #tpu.memory_space<vmem>>, vector<16xi32>,
      %mul3A_709 = arith.constant 16 : i32
      %mul3A_710 = arith.muli %scan3A_704, %mul3A_709 : i32
      %get3A_711 = arith.index_cast %mul3A_710 : i32 to index
      %get3A_712 = tpu.vector_load %arg9[%get3A_711] {strides = array<i32>} : memref<6144xi32, #tpu.memory_space<vmem>>, vector<16xi32>,
      %add3A_713 = arith.constant 0 : i32
      %add3A_714 = vector.broadcast %add3A_713 : i32 to vector<16xi32>
      %add3A_715 = arith.addi %get3A_708, %add3A_714 : vector<16xi32>
      %gather3A_716 = tpu.vector_load_idx %arg6[%add3A_715] : memref<98304xf32, #tpu.memory_space<vmem>>[vector<16xi32>], vector<16xf32>,
      %add3A_717 = arith.constant 0 : i32
      %add3A_718 = vector.broadcast %add3A_717 : i32 to vector<16xi32>
      %add3A_719 = arith.addi %get3A_712, %add3A_718 : vector<16xi32>
      %gather3A_720 = tpu.vector_load_idx %arg6[%add3A_719] : memref<98304xf32, #tpu.memory_space<vmem>>[vector<16xi32>], vector<16xf32>,
      %sub3A_721 = arith.subf %gather3A_716, %gather3A_720 : vector<16xf32>
      %mul3A_722 = arith.mulf %sub3A_721, %sub3A_721 : vector<16xf32>
      %add3A_723 = arith.addf %add3A_647, %mul3A_722 : vector<16xf32>
      %add3A_724 = arith.constant 16384 : i32
      %add3A_725 = vector.broadcast %add3A_724 : i32 to vector<16xi32>
      %add3A_726 = arith.addi %get3A_708, %add3A_725 : vector<16xi32>
      %gather3A_727 = tpu.vector_load_idx %arg6[%add3A_726] : memref<98304xf32, #tpu.memory_space<vmem>>[vector<16xi32>], vector<16xf32>,
      %add3A_728 = arith.constant 16384 : i32
      %add3A_729 = vector.broadcast %add3A_728 : i32 to vector<16xi32>
      %add3A_730 = arith.addi %get3A_712, %add3A_729 : vector<16xi32>
      %gather3A_731 = tpu.vector_load_idx %arg6[%add3A_730] : memref<98304xf32, #tpu.memory_space<vmem>>[vector<16xi32>], vector<16xf32>,
      %sub3A_732 = arith.subf %gather3A_727, %gather3A_731 : vector<16xf32>
      %mul3A_733 = arith.mulf %sub3A_732, %sub3A_732 : vector<16xf32>
      %add3A_734 = arith.addf %add3A_658, %mul3A_733 : vector<16xf32>
      %add3A_735 = arith.constant 32768 : i32
      %add3A_736 = vector.broadcast %add3A_735 : i32 to vector<16xi32>
      %add3A_737 = arith.addi %get3A_708, %add3A_736 : vector<16xi32>
      %gather3A_738 = tpu.vector_load_idx %arg6[%add3A_737] : memref<98304xf32, #tpu.memory_space<vmem>>[vector<16xi32>], vector<16xf32>,
      %add3A_739 = arith.constant 32768 : i32
      %add3A_740 = vector.broadcast %add3A_739 : i32 to vector<16xi32>
      %add3A_741 = arith.addi %get3A_712, %add3A_740 : vector<16xi32>
      %gather3A_742 = tpu.vector_load_idx %arg6[%add3A_741] : memref<98304xf32, #tpu.memory_space<vmem>>[vector<16xi32>], vector<16xf32>,
      %sub3A_743 = arith.subf %gather3A_738, %gather3A_742 : vector<16xf32>
      %mul3A_744 = arith.mulf %sub3A_743, %sub3A_743 : vector<16xf32>
      %add3A_745 = arith.addf %add3A_669, %mul3A_744 : vector<16xf32>
      %add3A_746 = arith.constant 49152 : i32
      %add3A_747 = vector.broadcast %add3A_746 : i32 to vector<16xi32>
      %add3A_748 = arith.addi %get3A_708, %add3A_747 : vector<16xi32>
      %gather3A_749 = tpu.vector_load_idx %arg6[%add3A_748] : memref<98304xf32, #tpu.memory_space<vmem>>[vector<16xi32>], vector<16xf32>,
      %add3A_750 = arith.constant 49152 : i32
      %add3A_751 = vector.broadcast %add3A_750 : i32 to vector<16xi32>
      %add3A_752 = arith.addi %get3A_712, %add3A_751 : vector<16xi32>
      %gather3A_753 = tpu.vector_load_idx %arg6[%add3A_752] : memref<98304xf32, #tpu.memory_space<vmem>>[vector<16xi32>], vector<16xf32>,
      %sub3A_754 = arith.subf %gather3A_749, %gather3A_753 : vector<16xf32>
      %mul3A_755 = arith.mulf %sub3A_754, %sub3A_754 : vector<16xf32>
      %add3A_756 = arith.addf %add3A_680, %mul3A_755 : vector<16xf32>
      %add3A_757 = arith.constant 65536 : i32
      %add3A_758 = vector.broadcast %add3A_757 : i32 to vector<16xi32>
      %add3A_759 = arith.addi %get3A_708, %add3A_758 : vector<16xi32>
      %gather3A_760 = tpu.vector_load_idx %arg6[%add3A_759] : memref<98304xf32, #tpu.memory_space<vmem>>[vector<16xi32>], vector<16xf32>,
      %add3A_761 = arith.constant 65536 : i32
      %add3A_762 = vector.broadcast %add3A_761 : i32 to vector<16xi32>
      %add3A_763 = arith.addi %get3A_712, %add3A_762 : vector<16xi32>
      %gather3A_764 = tpu.vector_load_idx %arg6[%add3A_763] : memref<98304xf32, #tpu.memory_space<vmem>>[vector<16xi32>], vector<16xf32>,
      %sub3A_765 = arith.subf %gather3A_760, %gather3A_764 : vector<16xf32>
      %mul3A_766 = arith.mulf %sub3A_765, %sub3A_765 : vector<16xf32>
      %add3A_767 = arith.addf %add3A_691, %mul3A_766 : vector<16xf32>
      %add3A_768 = arith.constant 81920 : i32
      %add3A_769 = vector.broadcast %add3A_768 : i32 to vector<16xi32>
      %add3A_770 = arith.addi %get3A_708, %add3A_769 : vector<16xi32>
      %gather3A_771 = tpu.vector_load_idx %arg6[%add3A_770] : memref<98304xf32, #tpu.memory_space<vmem>>[vector<16xi32>], vector<16xf32>,
      %add3A_772 = arith.constant 81920 : i32
      %add3A_773 = vector.broadcast %add3A_772 : i32 to vector<16xi32>
      %add3A_774 = arith.addi %get3A_712, %add3A_773 : vector<16xi32>
      %gather3A_775 = tpu.vector_load_idx %arg6[%add3A_774] : memref<98304xf32, #tpu.memory_space<vmem>>[vector<16xi32>], vector<16xf32>,
      %sub3A_776 = arith.subf %gather3A_771, %gather3A_775 : vector<16xf32>
      %mul3A_777 = arith.mulf %sub3A_776, %sub3A_776 : vector<16xf32>
      %add3A_778 = arith.addf %add3A_702, %mul3A_777 : vector<16xf32>
      %scan3A_779 = arith.constant 2 : i32
      %scan3A_780 = arith.addi %scan3A_622, %scan3A_779 : i32
      %mul3A_781 = arith.constant 16 : i32
      %mul3A_782 = arith.muli %scan3A_780, %mul3A_781 : i32
      %get3A_783 = arith.index_cast %mul3A_782 : i32 to index
      %get3A_784 = tpu.vector_load %arg7[%get3A_783] {strides = array<i32>} : memref<6144xi32, #tpu.memory_space<vmem>>, vector<16xi32>,
      %mul3A_785 = arith.constant 16 : i32
      %mul3A_786 = arith.muli %scan3A_780, %mul3A_785 : i32
      %get3A_787 = arith.index_cast %mul3A_786 : i32 to index
      %get3A_788 = tpu.vector_load %arg9[%get3A_787] {strides = array<i32>} : memref<6144xi32, #tpu.memory_space<vmem>>, vector<16xi32>,
      %add3A_789 = arith.constant 0 : i32
      %add3A_790 = vector.broadcast %add3A_789 : i32 to vector<16xi32>
      %add3A_791 = arith.addi %get3A_784, %add3A_790 : vector<16xi32>
      %gather3A_792 = tpu.vector_load_idx %arg6[%add3A_791] : memref<98304xf32, #tpu.memory_space<vmem>>[vector<16xi32>], vector<16xf32>,
      %add3A_793 = arith.constant 0 : i32
      %add3A_794 = vector.broadcast %add3A_793 : i32 to vector<16xi32>
      %add3A_795 = arith.addi %get3A_788, %add3A_794 : vector<16xi32>
      %gather3A_796 = tpu.vector_load_idx %arg6[%add3A_795] : memref<98304xf32, #tpu.memory_space<vmem>>[vector<16xi32>], vector<16xf32>,
      %sub3A_797 = arith.subf %gather3A_792, %gather3A_796 : vector<16xf32>
      %mul3A_798 = arith.mulf %sub3A_797, %sub3A_797 : vector<16xf32>
      %add3A_799 = arith.addf %add3A_723, %mul3A_798 : vector<16xf32>
      %add3A_800 = arith.constant 16384 : i32
      %add3A_801 = vector.broadcast %add3A_800 : i32 to vector<16xi32>
      %add3A_802 = arith.addi %get3A_784, %add3A_801 : vector<16xi32>
      %gather3A_803 = tpu.vector_load_idx %arg6[%add3A_802] : memref<98304xf32, #tpu.memory_space<vmem>>[vector<16xi32>], vector<16xf32>,
      %add3A_804 = arith.constant 16384 : i32
      %add3A_805 = vector.broadcast %add3A_804 : i32 to vector<16xi32>
      %add3A_806 = arith.addi %get3A_788, %add3A_805 : vector<16xi32>
      %gather3A_807 = tpu.vector_load_idx %arg6[%add3A_806] : memref<98304xf32, #tpu.memory_space<vmem>>[vector<16xi32>], vector<16xf32>,
      %sub3A_808 = arith.subf %gather3A_803, %gather3A_807 : vector<16xf32>
      %mul3A_809 = arith.mulf %sub3A_808, %sub3A_808 : vector<16xf32>
      %add3A_810 = arith.addf %add3A_734, %mul3A_809 : vector<16xf32>
      %add3A_811 = arith.constant 32768 : i32
      %add3A_812 = vector.broadcast %add3A_811 : i32 to vector<16xi32>
      %add3A_813 = arith.addi %get3A_784, %add3A_812 : vector<16xi32>
      %gather3A_814 = tpu.vector_load_idx %arg6[%add3A_813] : memref<98304xf32, #tpu.memory_space<vmem>>[vector<16xi32>], vector<16xf32>,
      %add3A_815 = arith.constant 32768 : i32
      %add3A_816 = vector.broadcast %add3A_815 : i32 to vector<16xi32>
      %add3A_817 = arith.addi %get3A_788, %add3A_816 : vector<16xi32>
      %gather3A_818 = tpu.vector_load_idx %arg6[%add3A_817] : memref<98304xf32, #tpu.memory_space<vmem>>[vector<16xi32>], vector<16xf32>,
      %sub3A_819 = arith.subf %gather3A_814, %gather3A_818 : vector<16xf32>
      %mul3A_820 = arith.mulf %sub3A_819, %sub3A_819 : vector<16xf32>
      %add3A_821 = arith.addf %add3A_745, %mul3A_820 : vector<16xf32>
      %add3A_822 = arith.constant 49152 : i32
      %add3A_823 = vector.broadcast %add3A_822 : i32 to vector<16xi32>
      %add3A_824 = arith.addi %get3A_784, %add3A_823 : vector<16xi32>
      %gather3A_825 = tpu.vector_load_idx %arg6[%add3A_824] : memref<98304xf32, #tpu.memory_space<vmem>>[vector<16xi32>], vector<16xf32>,
      %add3A_826 = arith.constant 49152 : i32
      %add3A_827 = vector.broadcast %add3A_826 : i32 to vector<16xi32>
      %add3A_828 = arith.addi %get3A_788, %add3A_827 : vector<16xi32>
      %gather3A_829 = tpu.vector_load_idx %arg6[%add3A_828] : memref<98304xf32, #tpu.memory_space<vmem>>[vector<16xi32>], vector<16xf32>,
      %sub3A_830 = arith.subf %gather3A_825, %gather3A_829 : vector<16xf32>
      %mul3A_831 = arith.mulf %sub3A_830, %sub3A_830 : vector<16xf32>
      %add3A_832 = arith.addf %add3A_756, %mul3A_831 : vector<16xf32>
      %add3A_833 = arith.constant 65536 : i32
      %add3A_834 = vector.broadcast %add3A_833 : i32 to vector<16xi32>
      %add3A_835 = arith.addi %get3A_784, %add3A_834 : vector<16xi32>
      %gather3A_836 = tpu.vector_load_idx %arg6[%add3A_835] : memref<98304xf32, #tpu.memory_space<vmem>>[vector<16xi32>], vector<16xf32>,
      %add3A_837 = arith.constant 65536 : i32
      %add3A_838 = vector.broadcast %add3A_837 : i32 to vector<16xi32>
      %add3A_839 = arith.addi %get3A_788, %add3A_838 : vector<16xi32>
      %gather3A_840 = tpu.vector_load_idx %arg6[%add3A_839] : memref<98304xf32, #tpu.memory_space<vmem>>[vector<16xi32>], vector<16xf32>,
      %sub3A_841 = arith.subf %gather3A_836, %gather3A_840 : vector<16xf32>
      %mul3A_842 = arith.mulf %sub3A_841, %sub3A_841 : vector<16xf32>
      %add3A_843 = arith.addf %add3A_767, %mul3A_842 : vector<16xf32>
      %add3A_844 = arith.constant 81920 : i32
      %add3A_845 = vector.broadcast %add3A_844 : i32 to vector<16xi32>
      %add3A_846 = arith.addi %get3A_784, %add3A_845 : vector<16xi32>
      %gather3A_847 = tpu.vector_load_idx %arg6[%add3A_846] : memref<98304xf32, #tpu.memory_space<vmem>>[vector<16xi32>], vector<16xf32>,
      %add3A_848 = arith.constant 81920 : i32
      %add3A_849 = vector.broadcast %add3A_848 : i32 to vector<16xi32>
      %add3A_850 = arith.addi %get3A_788, %add3A_849 : vector<16xi32>
      %gather3A_851 = tpu.vector_load_idx %arg6[%add3A_850] : memref<98304xf32, #tpu.memory_space<vmem>>[vector<16xi32>], vector<16xf32>,
      %sub3A_852 = arith.subf %gather3A_847, %gather3A_851 : vector<16xf32>
      %mul3A_853 = arith.mulf %sub3A_852, %sub3A_852 : vector<16xf32>
      %add3A_854 = arith.addf %add3A_778, %mul3A_853 : vector<16xf32>
      %scan3A_855 = arith.constant 3 : i32
      %scan3A_856 = arith.addi %scan3A_622, %scan3A_855 : i32
      %mul3A_857 = arith.constant 16 : i32
      %mul3A_858 = arith.muli %scan3A_856, %mul3A_857 : i32
      %get3A_859 = arith.index_cast %mul3A_858 : i32 to index
      %get3A_860 = tpu.vector_load %arg7[%get3A_859] {strides = array<i32>} : memref<6144xi32, #tpu.memory_space<vmem>>, vector<16xi32>,
      %mul3A_861 = arith.constant 16 : i32
      %mul3A_862 = arith.muli %scan3A_856, %mul3A_861 : i32
      %get3A_863 = arith.index_cast %mul3A_862 : i32 to index
      %get3A_864 = tpu.vector_load %arg9[%get3A_863] {strides = array<i32>} : memref<6144xi32, #tpu.memory_space<vmem>>, vector<16xi32>,
      %add3A_865 = arith.constant 0 : i32
      %add3A_866 = vector.broadcast %add3A_865 : i32 to vector<16xi32>
      %add3A_867 = arith.addi %get3A_860, %add3A_866 : vector<16xi32>
      %gather3A_868 = tpu.vector_load_idx %arg6[%add3A_867] : memref<98304xf32, #tpu.memory_space<vmem>>[vector<16xi32>], vector<16xf32>,
      %add3A_869 = arith.constant 0 : i32
      %add3A_870 = vector.broadcast %add3A_869 : i32 to vector<16xi32>
      %add3A_871 = arith.addi %get3A_864, %add3A_870 : vector<16xi32>
      %gather3A_872 = tpu.vector_load_idx %arg6[%add3A_871] : memref<98304xf32, #tpu.memory_space<vmem>>[vector<16xi32>], vector<16xf32>,
      %sub3A_873 = arith.subf %gather3A_868, %gather3A_872 : vector<16xf32>
      %mul3A_874 = arith.mulf %sub3A_873, %sub3A_873 : vector<16xf32>
      %add3A_875 = arith.addf %add3A_799, %mul3A_874 : vector<16xf32>
      %add3A_876 = arith.constant 16384 : i32
      %add3A_877 = vector.broadcast %add3A_876 : i32 to vector<16xi32>
      %add3A_878 = arith.addi %get3A_860, %add3A_877 : vector<16xi32>
      %gather3A_879 = tpu.vector_load_idx %arg6[%add3A_878] : memref<98304xf32, #tpu.memory_space<vmem>>[vector<16xi32>], vector<16xf32>,
      %add3A_880 = arith.constant 16384 : i32
      %add3A_881 = vector.broadcast %add3A_880 : i32 to vector<16xi32>
      %add3A_882 = arith.addi %get3A_864, %add3A_881 : vector<16xi32>
      %gather3A_883 = tpu.vector_load_idx %arg6[%add3A_882] : memref<98304xf32, #tpu.memory_space<vmem>>[vector<16xi32>], vector<16xf32>,
      %sub3A_884 = arith.subf %gather3A_879, %gather3A_883 : vector<16xf32>
      %mul3A_885 = arith.mulf %sub3A_884, %sub3A_884 : vector<16xf32>
      %add3A_886 = arith.addf %add3A_810, %mul3A_885 : vector<16xf32>
      %add3A_887 = arith.constant 32768 : i32
      %add3A_888 = vector.broadcast %add3A_887 : i32 to vector<16xi32>
      %add3A_889 = arith.addi %get3A_860, %add3A_888 : vector<16xi32>
      %gather3A_890 = tpu.vector_load_idx %arg6[%add3A_889] : memref<98304xf32, #tpu.memory_space<vmem>>[vector<16xi32>], vector<16xf32>,
      %add3A_891 = arith.constant 32768 : i32
      %add3A_892 = vector.broadcast %add3A_891 : i32 to vector<16xi32>
      %add3A_893 = arith.addi %get3A_864, %add3A_892 : vector<16xi32>
      %gather3A_894 = tpu.vector_load_idx %arg6[%add3A_893] : memref<98304xf32, #tpu.memory_space<vmem>>[vector<16xi32>], vector<16xf32>,
      %sub3A_895 = arith.subf %gather3A_890, %gather3A_894 : vector<16xf32>
      %mul3A_896 = arith.mulf %sub3A_895, %sub3A_895 : vector<16xf32>
      %add3A_897 = arith.addf %add3A_821, %mul3A_896 : vector<16xf32>
      %add3A_898 = arith.constant 49152 : i32
      %add3A_899 = vector.broadcast %add3A_898 : i32 to vector<16xi32>
      %add3A_900 = arith.addi %get3A_860, %add3A_899 : vector<16xi32>
      %gather3A_901 = tpu.vector_load_idx %arg6[%add3A_900] : memref<98304xf32, #tpu.memory_space<vmem>>[vector<16xi32>], vector<16xf32>,
      %add3A_902 = arith.constant 49152 : i32
      %add3A_903 = vector.broadcast %add3A_902 : i32 to vector<16xi32>
      %add3A_904 = arith.addi %get3A_864, %add3A_903 : vector<16xi32>
      %gather3A_905 = tpu.vector_load_idx %arg6[%add3A_904] : memref<98304xf32, #tpu.memory_space<vmem>>[vector<16xi32>], vector<16xf32>,
      %sub3A_906 = arith.subf %gather3A_901, %gather3A_905 : vector<16xf32>
      %mul3A_907 = arith.mulf %sub3A_906, %sub3A_906 : vector<16xf32>
      %add3A_908 = arith.addf %add3A_832, %mul3A_907 : vector<16xf32>
      %add3A_909 = arith.constant 65536 : i32
      %add3A_910 = vector.broadcast %add3A_909 : i32 to vector<16xi32>
      %add3A_911 = arith.addi %get3A_860, %add3A_910 : vector<16xi32>
      %gather3A_912 = tpu.vector_load_idx %arg6[%add3A_911] : memref<98304xf32, #tpu.memory_space<vmem>>[vector<16xi32>], vector<16xf32>,
      %add3A_913 = arith.constant 65536 : i32
      %add3A_914 = vector.broadcast %add3A_913 : i32 to vector<16xi32>
      %add3A_915 = arith.addi %get3A_864, %add3A_914 : vector<16xi32>
      %gather3A_916 = tpu.vector_load_idx %arg6[%add3A_915] : memref<98304xf32, #tpu.memory_space<vmem>>[vector<16xi32>], vector<16xf32>,
      %sub3A_917 = arith.subf %gather3A_912, %gather3A_916 : vector<16xf32>
      %mul3A_918 = arith.mulf %sub3A_917, %sub3A_917 : vector<16xf32>
      %add3A_919 = arith.addf %add3A_843, %mul3A_918 : vector<16xf32>
      %add3A_920 = arith.constant 81920 : i32
      %add3A_921 = vector.broadcast %add3A_920 : i32 to vector<16xi32>
      %add3A_922 = arith.addi %get3A_860, %add3A_921 : vector<16xi32>
      %gather3A_923 = tpu.vector_load_idx %arg6[%add3A_922] : memref<98304xf32, #tpu.memory_space<vmem>>[vector<16xi32>], vector<16xf32>,
      %add3A_924 = arith.constant 81920 : i32
      %add3A_925 = vector.broadcast %add3A_924 : i32 to vector<16xi32>
      %add3A_926 = arith.addi %get3A_864, %add3A_925 : vector<16xi32>
      %gather3A_927 = tpu.vector_load_idx %arg6[%add3A_926] : memref<98304xf32, #tpu.memory_space<vmem>>[vector<16xi32>], vector<16xf32>,
      %sub3A_928 = arith.subf %gather3A_923, %gather3A_927 : vector<16xf32>
      %mul3A_929 = arith.mulf %sub3A_928, %sub3A_928 : vector<16xf32>
      %add3A_930 = arith.addf %add3A_854, %mul3A_929 : vector<16xf32>
      scf.yield %add3A_875, %add3A_886, %add3A_897, %add3A_908, %add3A_919, %add3A_930 : vector<16xf32>, vector<16xf32>, vector<16xf32>, vector<16xf32>, vector<16xf32>, vector<16xf32>
    }
    %scan3A_426 = arith.constant 384 : i32
    %dma_wait3A_427 = arith.constant 0 : i32
    %dma_wait3A_428 = tpu.memref_slice %arg8[%dma_wait3A_427] : memref<6144xi32, #tpu.memory_space<vmem>> -> memref<5633xi32, #tpu.memory_space<vmem>>
    %dma_wait3A_429 = arith.constant 43008 : i32
    %dma_wait3A_430 = tpu.memref_slice %arg3[%dma_wait3A_429] : memref<48641xi32, #tpu.memory_space<hbm>> -> memref<5633xi32, #tpu.memory_space<hbm>>
    %dma_wait3A_431 = arith.constant 0 : i32
    %dma_wait3A_432 = tpu.memref_slice %arg8[%dma_wait3A_431] : memref<6144xi32, #tpu.memory_space<vmem>> -> memref<5633xi32, #tpu.memory_space<vmem>>
    %dma_wait3A_433 = arith.constant 43008 : i32
    %dma_wait3A_434 = tpu.memref_slice %arg3[%dma_wait3A_433] : memref<48641xi32, #tpu.memory_space<hbm>> -> memref<5633xi32, #tpu.memory_space<hbm>>
    tpu.wait_dma2 semaphore(%arg13 : memref<!tpu.dma_semaphore, #tpu.memory_space<semaphore_mem>>) src(%dma_wait3A_434 : memref<5633xi32, #tpu.memory_space<hbm>>) dst(%dma_wait3A_432 : memref<5633xi32, #tpu.memory_space<vmem>>)
    %dma_wait3A_435 = arith.constant 0 : i32
    %dma_wait3A_436 = tpu.memref_slice %arg10[%dma_wait3A_435] : memref<6144xi32, #tpu.memory_space<vmem>> -> memref<5633xi32, #tpu.memory_space<vmem>>
    %dma_wait3A_437 = arith.constant 43008 : i32
    %dma_wait3A_438 = tpu.memref_slice %arg4[%dma_wait3A_437] : memref<48641xi32, #tpu.memory_space<hbm>> -> memref<5633xi32, #tpu.memory_space<hbm>>
    %dma_wait3A_439 = arith.constant 0 : i32
    %dma_wait3A_440 = tpu.memref_slice %arg10[%dma_wait3A_439] : memref<6144xi32, #tpu.memory_space<vmem>> -> memref<5633xi32, #tpu.memory_space<vmem>>
    %dma_wait3A_441 = arith.constant 43008 : i32
    %dma_wait3A_442 = tpu.memref_slice %arg4[%dma_wait3A_441] : memref<48641xi32, #tpu.memory_space<hbm>> -> memref<5633xi32, #tpu.memory_space<hbm>>
    tpu.wait_dma2 semaphore(%arg13 : memref<!tpu.dma_semaphore, #tpu.memory_space<semaphore_mem>>) src(%dma_wait3A_442 : memref<5633xi32, #tpu.memory_space<hbm>>) dst(%dma_wait3A_440 : memref<5633xi32, #tpu.memory_space<vmem>>)
    %dma_start3A_443 = arith.constant 0 : i32
    %dma_start3A_444 = tpu.memref_slice %arg7[%dma_start3A_443] : memref<6144xi32, #tpu.memory_space<vmem>> -> memref<6144xi32, #tpu.memory_space<vmem>>
    %dma_start3A_445 = arith.constant 0 : i32
    %dma_start3A_446 = tpu.memref_slice %arg3[%dma_start3A_445] : memref<48641xi32, #tpu.memory_space<hbm>> -> memref<6144xi32, #tpu.memory_space<hbm>>
    %dma_start3A_447 = arith.constant 0 : i32
    %dma_start3A_448 = tpu.memref_slice %arg7[%dma_start3A_447] : memref<6144xi32, #tpu.memory_space<vmem>> -> memref<6144xi32, #tpu.memory_space<vmem>>
    %dma_start3A_449 = arith.constant 0 : i32
    %dma_start3A_450 = tpu.memref_slice %arg3[%dma_start3A_449] : memref<48641xi32, #tpu.memory_space<hbm>> -> memref<6144xi32, #tpu.memory_space<hbm>>
    tpu.enqueue_dma source(%dma_start3A_450 : memref<6144xi32, #tpu.memory_space<hbm>>) target(%dma_start3A_448 : memref<6144xi32, #tpu.memory_space<vmem>>) target_semaphore(%arg12 : memref<!tpu.dma_semaphore, #tpu.memory_space<semaphore_mem>>)
    %dma_start3A_451 = arith.constant 0 : i32
    %dma_start3A_452 = tpu.memref_slice %arg9[%dma_start3A_451] : memref<6144xi32, #tpu.memory_space<vmem>> -> memref<6144xi32, #tpu.memory_space<vmem>>
    %dma_start3A_453 = arith.constant 0 : i32
    %dma_start3A_454 = tpu.memref_slice %arg4[%dma_start3A_453] : memref<48641xi32, #tpu.memory_space<hbm>> -> memref<6144xi32, #tpu.memory_space<hbm>>
    %dma_start3A_455 = arith.constant 0 : i32
    %dma_start3A_456 = tpu.memref_slice %arg9[%dma_start3A_455] : memref<6144xi32, #tpu.memory_space<vmem>> -> memref<6144xi32, #tpu.memory_space<vmem>>
    %dma_start3A_457 = arith.constant 0 : i32
    %dma_start3A_458 = tpu.memref_slice %arg4[%dma_start3A_457] : memref<48641xi32, #tpu.memory_space<hbm>> -> memref<6144xi32, #tpu.memory_space<hbm>>
    tpu.enqueue_dma source(%dma_start3A_458 : memref<6144xi32, #tpu.memory_space<hbm>>) target(%dma_start3A_456 : memref<6144xi32, #tpu.memory_space<vmem>>) target_semaphore(%arg12 : memref<!tpu.dma_semaphore, #tpu.memory_space<semaphore_mem>>)
    %scan3A_459 = arith.constant 0 : i32
    %scan3A_460 = arith.constant 352 : i32
    %scan3A_461 = arith.addi %scan3A_459, %scan3A_460 : i32
    %scan3A_462 = arith.constant 4 : i32
    %scan3A_463:6 = scf.for %scan3A_622 = %scan3A_459 to %scan3A_461 step %scan3A_462 iter_args(%scan3A_623 = %scan3A_425#0, %scan3A_624 = %scan3A_425#1, %scan3A_625 = %scan3A_425#2, %scan3A_626 = %scan3A_425#3, %scan3A_627 = %scan3A_425#4, %scan3A_628 = %scan3A_425#5) -> (vector<16xf32>, vector<16xf32>, vector<16xf32>, vector<16xf32>, vector<16xf32>, vector<16xf32>)  : i32 {
      %mul3A_629 = arith.constant 16 : i32
      %mul3A_630 = arith.muli %scan3A_622, %mul3A_629 : i32
      %get3A_631 = arith.index_cast %mul3A_630 : i32 to index
      %get3A_632 = tpu.vector_load %arg8[%get3A_631] {strides = array<i32>} : memref<6144xi32, #tpu.memory_space<vmem>>, vector<16xi32>,
      %mul3A_633 = arith.constant 16 : i32
      %mul3A_634 = arith.muli %scan3A_622, %mul3A_633 : i32
      %get3A_635 = arith.index_cast %mul3A_634 : i32 to index
      %get3A_636 = tpu.vector_load %arg10[%get3A_635] {strides = array<i32>} : memref<6144xi32, #tpu.memory_space<vmem>>, vector<16xi32>,
      %add3A_637 = arith.constant 0 : i32
      %add3A_638 = vector.broadcast %add3A_637 : i32 to vector<16xi32>
      %add3A_639 = arith.addi %get3A_632, %add3A_638 : vector<16xi32>
      %gather3A_640 = tpu.vector_load_idx %arg6[%add3A_639] : memref<98304xf32, #tpu.memory_space<vmem>>[vector<16xi32>], vector<16xf32>,
      %add3A_641 = arith.constant 0 : i32
      %add3A_642 = vector.broadcast %add3A_641 : i32 to vector<16xi32>
      %add3A_643 = arith.addi %get3A_636, %add3A_642 : vector<16xi32>
      %gather3A_644 = tpu.vector_load_idx %arg6[%add3A_643] : memref<98304xf32, #tpu.memory_space<vmem>>[vector<16xi32>], vector<16xf32>,
      %sub3A_645 = arith.subf %gather3A_640, %gather3A_644 : vector<16xf32>
      %mul3A_646 = arith.mulf %sub3A_645, %sub3A_645 : vector<16xf32>
      %add3A_647 = arith.addf %scan3A_623, %mul3A_646 : vector<16xf32>
      %add3A_648 = arith.constant 16384 : i32
      %add3A_649 = vector.broadcast %add3A_648 : i32 to vector<16xi32>
      %add3A_650 = arith.addi %get3A_632, %add3A_649 : vector<16xi32>
      %gather3A_651 = tpu.vector_load_idx %arg6[%add3A_650] : memref<98304xf32, #tpu.memory_space<vmem>>[vector<16xi32>], vector<16xf32>,
      %add3A_652 = arith.constant 16384 : i32
      %add3A_653 = vector.broadcast %add3A_652 : i32 to vector<16xi32>
      %add3A_654 = arith.addi %get3A_636, %add3A_653 : vector<16xi32>
      %gather3A_655 = tpu.vector_load_idx %arg6[%add3A_654] : memref<98304xf32, #tpu.memory_space<vmem>>[vector<16xi32>], vector<16xf32>,
      %sub3A_656 = arith.subf %gather3A_651, %gather3A_655 : vector<16xf32>
      %mul3A_657 = arith.mulf %sub3A_656, %sub3A_656 : vector<16xf32>
      %add3A_658 = arith.addf %scan3A_624, %mul3A_657 : vector<16xf32>
      %add3A_659 = arith.constant 32768 : i32
      %add3A_660 = vector.broadcast %add3A_659 : i32 to vector<16xi32>
      %add3A_661 = arith.addi %get3A_632, %add3A_660 : vector<16xi32>
      %gather3A_662 = tpu.vector_load_idx %arg6[%add3A_661] : memref<98304xf32, #tpu.memory_space<vmem>>[vector<16xi32>], vector<16xf32>,
      %add3A_663 = arith.constant 32768 : i32
      %add3A_664 = vector.broadcast %add3A_663 : i32 to vector<16xi32>
      %add3A_665 = arith.addi %get3A_636, %add3A_664 : vector<16xi32>
      %gather3A_666 = tpu.vector_load_idx %arg6[%add3A_665] : memref<98304xf32, #tpu.memory_space<vmem>>[vector<16xi32>], vector<16xf32>,
      %sub3A_667 = arith.subf %gather3A_662, %gather3A_666 : vector<16xf32>
      %mul3A_668 = arith.mulf %sub3A_667, %sub3A_667 : vector<16xf32>
      %add3A_669 = arith.addf %scan3A_625, %mul3A_668 : vector<16xf32>
      %add3A_670 = arith.constant 49152 : i32
      %add3A_671 = vector.broadcast %add3A_670 : i32 to vector<16xi32>
      %add3A_672 = arith.addi %get3A_632, %add3A_671 : vector<16xi32>
      %gather3A_673 = tpu.vector_load_idx %arg6[%add3A_672] : memref<98304xf32, #tpu.memory_space<vmem>>[vector<16xi32>], vector<16xf32>,
      %add3A_674 = arith.constant 49152 : i32
      %add3A_675 = vector.broadcast %add3A_674 : i32 to vector<16xi32>
      %add3A_676 = arith.addi %get3A_636, %add3A_675 : vector<16xi32>
      %gather3A_677 = tpu.vector_load_idx %arg6[%add3A_676] : memref<98304xf32, #tpu.memory_space<vmem>>[vector<16xi32>], vector<16xf32>,
      %sub3A_678 = arith.subf %gather3A_673, %gather3A_677 : vector<16xf32>
      %mul3A_679 = arith.mulf %sub3A_678, %sub3A_678 : vector<16xf32>
      %add3A_680 = arith.addf %scan3A_626, %mul3A_679 : vector<16xf32>
      %add3A_681 = arith.constant 65536 : i32
      %add3A_682 = vector.broadcast %add3A_681 : i32 to vector<16xi32>
      %add3A_683 = arith.addi %get3A_632, %add3A_682 : vector<16xi32>
      %gather3A_684 = tpu.vector_load_idx %arg6[%add3A_683] : memref<98304xf32, #tpu.memory_space<vmem>>[vector<16xi32>], vector<16xf32>,
      %add3A_685 = arith.constant 65536 : i32
      %add3A_686 = vector.broadcast %add3A_685 : i32 to vector<16xi32>
      %add3A_687 = arith.addi %get3A_636, %add3A_686 : vector<16xi32>
      %gather3A_688 = tpu.vector_load_idx %arg6[%add3A_687] : memref<98304xf32, #tpu.memory_space<vmem>>[vector<16xi32>], vector<16xf32>,
      %sub3A_689 = arith.subf %gather3A_684, %gather3A_688 : vector<16xf32>
      %mul3A_690 = arith.mulf %sub3A_689, %sub3A_689 : vector<16xf32>
      %add3A_691 = arith.addf %scan3A_627, %mul3A_690 : vector<16xf32>
      %add3A_692 = arith.constant 81920 : i32
      %add3A_693 = vector.broadcast %add3A_692 : i32 to vector<16xi32>
      %add3A_694 = arith.addi %get3A_632, %add3A_693 : vector<16xi32>
      %gather3A_695 = tpu.vector_load_idx %arg6[%add3A_694] : memref<98304xf32, #tpu.memory_space<vmem>>[vector<16xi32>], vector<16xf32>,
      %add3A_696 = arith.constant 81920 : i32
      %add3A_697 = vector.broadcast %add3A_696 : i32 to vector<16xi32>
      %add3A_698 = arith.addi %get3A_636, %add3A_697 : vector<16xi32>
      %gather3A_699 = tpu.vector_load_idx %arg6[%add3A_698] : memref<98304xf32, #tpu.memory_space<vmem>>[vector<16xi32>], vector<16xf32>,
      %sub3A_700 = arith.subf %gather3A_695, %gather3A_699 : vector<16xf32>
      %mul3A_701 = arith.mulf %sub3A_700, %sub3A_700 : vector<16xf32>
      %add3A_702 = arith.addf %scan3A_628, %mul3A_701 : vector<16xf32>
      %scan3A_703 = arith.constant 1 : i32
      %scan3A_704 = arith.addi %scan3A_622, %scan3A_703 : i32
      %mul3A_705 = arith.constant 16 : i32
      %mul3A_706 = arith.muli %scan3A_704, %mul3A_705 : i32
      %get3A_707 = arith.index_cast %mul3A_706 : i32 to index
      %get3A_708 = tpu.vector_load %arg8[%get3A_707] {strides = array<i32>} : memref<6144xi32, #tpu.memory_space<vmem>>, vector<16xi32>,
      %mul3A_709 = arith.constant 16 : i32
      %mul3A_710 = arith.muli %scan3A_704, %mul3A_709 : i32
      %get3A_711 = arith.index_cast %mul3A_710 : i32 to index
      %get3A_712 = tpu.vector_load %arg10[%get3A_711] {strides = array<i32>} : memref<6144xi32, #tpu.memory_space<vmem>>, vector<16xi32>,
      %add3A_713 = arith.constant 0 : i32
      %add3A_714 = vector.broadcast %add3A_713 : i32 to vector<16xi32>
      %add3A_715 = arith.addi %get3A_708, %add3A_714 : vector<16xi32>
      %gather3A_716 = tpu.vector_load_idx %arg6[%add3A_715] : memref<98304xf32, #tpu.memory_space<vmem>>[vector<16xi32>], vector<16xf32>,
      %add3A_717 = arith.constant 0 : i32
      %add3A_718 = vector.broadcast %add3A_717 : i32 to vector<16xi32>
      %add3A_719 = arith.addi %get3A_712, %add3A_718 : vector<16xi32>
      %gather3A_720 = tpu.vector_load_idx %arg6[%add3A_719] : memref<98304xf32, #tpu.memory_space<vmem>>[vector<16xi32>], vector<16xf32>,
      %sub3A_721 = arith.subf %gather3A_716, %gather3A_720 : vector<16xf32>
      %mul3A_722 = arith.mulf %sub3A_721, %sub3A_721 : vector<16xf32>
      %add3A_723 = arith.addf %add3A_647, %mul3A_722 : vector<16xf32>
      %add3A_724 = arith.constant 16384 : i32
      %add3A_725 = vector.broadcast %add3A_724 : i32 to vector<16xi32>
      %add3A_726 = arith.addi %get3A_708, %add3A_725 : vector<16xi32>
      %gather3A_727 = tpu.vector_load_idx %arg6[%add3A_726] : memref<98304xf32, #tpu.memory_space<vmem>>[vector<16xi32>], vector<16xf32>,
      %add3A_728 = arith.constant 16384 : i32
      %add3A_729 = vector.broadcast %add3A_728 : i32 to vector<16xi32>
      %add3A_730 = arith.addi %get3A_712, %add3A_729 : vector<16xi32>
      %gather3A_731 = tpu.vector_load_idx %arg6[%add3A_730] : memref<98304xf32, #tpu.memory_space<vmem>>[vector<16xi32>], vector<16xf32>,
      %sub3A_732 = arith.subf %gather3A_727, %gather3A_731 : vector<16xf32>
      %mul3A_733 = arith.mulf %sub3A_732, %sub3A_732 : vector<16xf32>
      %add3A_734 = arith.addf %add3A_658, %mul3A_733 : vector<16xf32>
      %add3A_735 = arith.constant 32768 : i32
      %add3A_736 = vector.broadcast %add3A_735 : i32 to vector<16xi32>
      %add3A_737 = arith.addi %get3A_708, %add3A_736 : vector<16xi32>
      %gather3A_738 = tpu.vector_load_idx %arg6[%add3A_737] : memref<98304xf32, #tpu.memory_space<vmem>>[vector<16xi32>], vector<16xf32>,
      %add3A_739 = arith.constant 32768 : i32
      %add3A_740 = vector.broadcast %add3A_739 : i32 to vector<16xi32>
      %add3A_741 = arith.addi %get3A_712, %add3A_740 : vector<16xi32>
      %gather3A_742 = tpu.vector_load_idx %arg6[%add3A_741] : memref<98304xf32, #tpu.memory_space<vmem>>[vector<16xi32>], vector<16xf32>,
      %sub3A_743 = arith.subf %gather3A_738, %gather3A_742 : vector<16xf32>
      %mul3A_744 = arith.mulf %sub3A_743, %sub3A_743 : vector<16xf32>
      %add3A_745 = arith.addf %add3A_669, %mul3A_744 : vector<16xf32>
      %add3A_746 = arith.constant 49152 : i32
      %add3A_747 = vector.broadcast %add3A_746 : i32 to vector<16xi32>
      %add3A_748 = arith.addi %get3A_708, %add3A_747 : vector<16xi32>
      %gather3A_749 = tpu.vector_load_idx %arg6[%add3A_748] : memref<98304xf32, #tpu.memory_space<vmem>>[vector<16xi32>], vector<16xf32>,
      %add3A_750 = arith.constant 49152 : i32
      %add3A_751 = vector.broadcast %add3A_750 : i32 to vector<16xi32>
      %add3A_752 = arith.addi %get3A_712, %add3A_751 : vector<16xi32>
      %gather3A_753 = tpu.vector_load_idx %arg6[%add3A_752] : memref<98304xf32, #tpu.memory_space<vmem>>[vector<16xi32>], vector<16xf32>,
      %sub3A_754 = arith.subf %gather3A_749, %gather3A_753 : vector<16xf32>
      %mul3A_755 = arith.mulf %sub3A_754, %sub3A_754 : vector<16xf32>
      %add3A_756 = arith.addf %add3A_680, %mul3A_755 : vector<16xf32>
      %add3A_757 = arith.constant 65536 : i32
      %add3A_758 = vector.broadcast %add3A_757 : i32 to vector<16xi32>
      %add3A_759 = arith.addi %get3A_708, %add3A_758 : vector<16xi32>
      %gather3A_760 = tpu.vector_load_idx %arg6[%add3A_759] : memref<98304xf32, #tpu.memory_space<vmem>>[vector<16xi32>], vector<16xf32>,
      %add3A_761 = arith.constant 65536 : i32
      %add3A_762 = vector.broadcast %add3A_761 : i32 to vector<16xi32>
      %add3A_763 = arith.addi %get3A_712, %add3A_762 : vector<16xi32>
      %gather3A_764 = tpu.vector_load_idx %arg6[%add3A_763] : memref<98304xf32, #tpu.memory_space<vmem>>[vector<16xi32>], vector<16xf32>,
      %sub3A_765 = arith.subf %gather3A_760, %gather3A_764 : vector<16xf32>
      %mul3A_766 = arith.mulf %sub3A_765, %sub3A_765 : vector<16xf32>
      %add3A_767 = arith.addf %add3A_691, %mul3A_766 : vector<16xf32>
      %add3A_768 = arith.constant 81920 : i32
      %add3A_769 = vector.broadcast %add3A_768 : i32 to vector<16xi32>
      %add3A_770 = arith.addi %get3A_708, %add3A_769 : vector<16xi32>
      %gather3A_771 = tpu.vector_load_idx %arg6[%add3A_770] : memref<98304xf32, #tpu.memory_space<vmem>>[vector<16xi32>], vector<16xf32>,
      %add3A_772 = arith.constant 81920 : i32
      %add3A_773 = vector.broadcast %add3A_772 : i32 to vector<16xi32>
      %add3A_774 = arith.addi %get3A_712, %add3A_773 : vector<16xi32>
      %gather3A_775 = tpu.vector_load_idx %arg6[%add3A_774] : memref<98304xf32, #tpu.memory_space<vmem>>[vector<16xi32>], vector<16xf32>,
      %sub3A_776 = arith.subf %gather3A_771, %gather3A_775 : vector<16xf32>
      %mul3A_777 = arith.mulf %sub3A_776, %sub3A_776 : vector<16xf32>
      %add3A_778 = arith.addf %add3A_702, %mul3A_777 : vector<16xf32>
      %scan3A_779 = arith.constant 2 : i32
      %scan3A_780 = arith.addi %scan3A_622, %scan3A_779 : i32
      %mul3A_781 = arith.constant 16 : i32
      %mul3A_782 = arith.muli %scan3A_780, %mul3A_781 : i32
      %get3A_783 = arith.index_cast %mul3A_782 : i32 to index
      %get3A_784 = tpu.vector_load %arg8[%get3A_783] {strides = array<i32>} : memref<6144xi32, #tpu.memory_space<vmem>>, vector<16xi32>,
      %mul3A_785 = arith.constant 16 : i32
      %mul3A_786 = arith.muli %scan3A_780, %mul3A_785 : i32
      %get3A_787 = arith.index_cast %mul3A_786 : i32 to index
      %get3A_788 = tpu.vector_load %arg10[%get3A_787] {strides = array<i32>} : memref<6144xi32, #tpu.memory_space<vmem>>, vector<16xi32>,
      %add3A_789 = arith.constant 0 : i32
      %add3A_790 = vector.broadcast %add3A_789 : i32 to vector<16xi32>
      %add3A_791 = arith.addi %get3A_784, %add3A_790 : vector<16xi32>
      %gather3A_792 = tpu.vector_load_idx %arg6[%add3A_791] : memref<98304xf32, #tpu.memory_space<vmem>>[vector<16xi32>], vector<16xf32>,
      %add3A_793 = arith.constant 0 : i32
      %add3A_794 = vector.broadcast %add3A_793 : i32 to vector<16xi32>
      %add3A_795 = arith.addi %get3A_788, %add3A_794 : vector<16xi32>
      %gather3A_796 = tpu.vector_load_idx %arg6[%add3A_795] : memref<98304xf32, #tpu.memory_space<vmem>>[vector<16xi32>], vector<16xf32>,
      %sub3A_797 = arith.subf %gather3A_792, %gather3A_796 : vector<16xf32>
      %mul3A_798 = arith.mulf %sub3A_797, %sub3A_797 : vector<16xf32>
      %add3A_799 = arith.addf %add3A_723, %mul3A_798 : vector<16xf32>
      %add3A_800 = arith.constant 16384 : i32
      %add3A_801 = vector.broadcast %add3A_800 : i32 to vector<16xi32>
      %add3A_802 = arith.addi %get3A_784, %add3A_801 : vector<16xi32>
      %gather3A_803 = tpu.vector_load_idx %arg6[%add3A_802] : memref<98304xf32, #tpu.memory_space<vmem>>[vector<16xi32>], vector<16xf32>,
      %add3A_804 = arith.constant 16384 : i32
      %add3A_805 = vector.broadcast %add3A_804 : i32 to vector<16xi32>
      %add3A_806 = arith.addi %get3A_788, %add3A_805 : vector<16xi32>
      %gather3A_807 = tpu.vector_load_idx %arg6[%add3A_806] : memref<98304xf32, #tpu.memory_space<vmem>>[vector<16xi32>], vector<16xf32>,
      %sub3A_808 = arith.subf %gather3A_803, %gather3A_807 : vector<16xf32>
      %mul3A_809 = arith.mulf %sub3A_808, %sub3A_808 : vector<16xf32>
      %add3A_810 = arith.addf %add3A_734, %mul3A_809 : vector<16xf32>
      %add3A_811 = arith.constant 32768 : i32
      %add3A_812 = vector.broadcast %add3A_811 : i32 to vector<16xi32>
      %add3A_813 = arith.addi %get3A_784, %add3A_812 : vector<16xi32>
      %gather3A_814 = tpu.vector_load_idx %arg6[%add3A_813] : memref<98304xf32, #tpu.memory_space<vmem>>[vector<16xi32>], vector<16xf32>,
      %add3A_815 = arith.constant 32768 : i32
      %add3A_816 = vector.broadcast %add3A_815 : i32 to vector<16xi32>
      %add3A_817 = arith.addi %get3A_788, %add3A_816 : vector<16xi32>
      %gather3A_818 = tpu.vector_load_idx %arg6[%add3A_817] : memref<98304xf32, #tpu.memory_space<vmem>>[vector<16xi32>], vector<16xf32>,
      %sub3A_819 = arith.subf %gather3A_814, %gather3A_818 : vector<16xf32>
      %mul3A_820 = arith.mulf %sub3A_819, %sub3A_819 : vector<16xf32>
      %add3A_821 = arith.addf %add3A_745, %mul3A_820 : vector<16xf32>
      %add3A_822 = arith.constant 49152 : i32
      %add3A_823 = vector.broadcast %add3A_822 : i32 to vector<16xi32>
      %add3A_824 = arith.addi %get3A_784, %add3A_823 : vector<16xi32>
      %gather3A_825 = tpu.vector_load_idx %arg6[%add3A_824] : memref<98304xf32, #tpu.memory_space<vmem>>[vector<16xi32>], vector<16xf32>,
      %add3A_826 = arith.constant 49152 : i32
      %add3A_827 = vector.broadcast %add3A_826 : i32 to vector<16xi32>
      %add3A_828 = arith.addi %get3A_788, %add3A_827 : vector<16xi32>
      %gather3A_829 = tpu.vector_load_idx %arg6[%add3A_828] : memref<98304xf32, #tpu.memory_space<vmem>>[vector<16xi32>], vector<16xf32>,
      %sub3A_830 = arith.subf %gather3A_825, %gather3A_829 : vector<16xf32>
      %mul3A_831 = arith.mulf %sub3A_830, %sub3A_830 : vector<16xf32>
      %add3A_832 = arith.addf %add3A_756, %mul3A_831 : vector<16xf32>
      %add3A_833 = arith.constant 65536 : i32
      %add3A_834 = vector.broadcast %add3A_833 : i32 to vector<16xi32>
      %add3A_835 = arith.addi %get3A_784, %add3A_834 : vector<16xi32>
      %gather3A_836 = tpu.vector_load_idx %arg6[%add3A_835] : memref<98304xf32, #tpu.memory_space<vmem>>[vector<16xi32>], vector<16xf32>,
      %add3A_837 = arith.constant 65536 : i32
      %add3A_838 = vector.broadcast %add3A_837 : i32 to vector<16xi32>
      %add3A_839 = arith.addi %get3A_788, %add3A_838 : vector<16xi32>
      %gather3A_840 = tpu.vector_load_idx %arg6[%add3A_839] : memref<98304xf32, #tpu.memory_space<vmem>>[vector<16xi32>], vector<16xf32>,
      %sub3A_841 = arith.subf %gather3A_836, %gather3A_840 : vector<16xf32>
      %mul3A_842 = arith.mulf %sub3A_841, %sub3A_841 : vector<16xf32>
      %add3A_843 = arith.addf %add3A_767, %mul3A_842 : vector<16xf32>
      %add3A_844 = arith.constant 81920 : i32
      %add3A_845 = vector.broadcast %add3A_844 : i32 to vector<16xi32>
      %add3A_846 = arith.addi %get3A_784, %add3A_845 : vector<16xi32>
      %gather3A_847 = tpu.vector_load_idx %arg6[%add3A_846] : memref<98304xf32, #tpu.memory_space<vmem>>[vector<16xi32>], vector<16xf32>,
      %add3A_848 = arith.constant 81920 : i32
      %add3A_849 = vector.broadcast %add3A_848 : i32 to vector<16xi32>
      %add3A_850 = arith.addi %get3A_788, %add3A_849 : vector<16xi32>
      %gather3A_851 = tpu.vector_load_idx %arg6[%add3A_850] : memref<98304xf32, #tpu.memory_space<vmem>>[vector<16xi32>], vector<16xf32>,
      %sub3A_852 = arith.subf %gather3A_847, %gather3A_851 : vector<16xf32>
      %mul3A_853 = arith.mulf %sub3A_852, %sub3A_852 : vector<16xf32>
      %add3A_854 = arith.addf %add3A_778, %mul3A_853 : vector<16xf32>
      %scan3A_855 = arith.constant 3 : i32
      %scan3A_856 = arith.addi %scan3A_622, %scan3A_855 : i32
      %mul3A_857 = arith.constant 16 : i32
      %mul3A_858 = arith.muli %scan3A_856, %mul3A_857 : i32
      %get3A_859 = arith.index_cast %mul3A_858 : i32 to index
      %get3A_860 = tpu.vector_load %arg8[%get3A_859] {strides = array<i32>} : memref<6144xi32, #tpu.memory_space<vmem>>, vector<16xi32>,
      %mul3A_861 = arith.constant 16 : i32
      %mul3A_862 = arith.muli %scan3A_856, %mul3A_861 : i32
      %get3A_863 = arith.index_cast %mul3A_862 : i32 to index
      %get3A_864 = tpu.vector_load %arg10[%get3A_863] {strides = array<i32>} : memref<6144xi32, #tpu.memory_space<vmem>>, vector<16xi32>,
      %add3A_865 = arith.constant 0 : i32
      %add3A_866 = vector.broadcast %add3A_865 : i32 to vector<16xi32>
      %add3A_867 = arith.addi %get3A_860, %add3A_866 : vector<16xi32>
      %gather3A_868 = tpu.vector_load_idx %arg6[%add3A_867] : memref<98304xf32, #tpu.memory_space<vmem>>[vector<16xi32>], vector<16xf32>,
      %add3A_869 = arith.constant 0 : i32
      %add3A_870 = vector.broadcast %add3A_869 : i32 to vector<16xi32>
      %add3A_871 = arith.addi %get3A_864, %add3A_870 : vector<16xi32>
      %gather3A_872 = tpu.vector_load_idx %arg6[%add3A_871] : memref<98304xf32, #tpu.memory_space<vmem>>[vector<16xi32>], vector<16xf32>,
      %sub3A_873 = arith.subf %gather3A_868, %gather3A_872 : vector<16xf32>
      %mul3A_874 = arith.mulf %sub3A_873, %sub3A_873 : vector<16xf32>
      %add3A_875 = arith.addf %add3A_799, %mul3A_874 : vector<16xf32>
      %add3A_876 = arith.constant 16384 : i32
      %add3A_877 = vector.broadcast %add3A_876 : i32 to vector<16xi32>
      %add3A_878 = arith.addi %get3A_860, %add3A_877 : vector<16xi32>
      %gather3A_879 = tpu.vector_load_idx %arg6[%add3A_878] : memref<98304xf32, #tpu.memory_space<vmem>>[vector<16xi32>], vector<16xf32>,
      %add3A_880 = arith.constant 16384 : i32
      %add3A_881 = vector.broadcast %add3A_880 : i32 to vector<16xi32>
      %add3A_882 = arith.addi %get3A_864, %add3A_881 : vector<16xi32>
      %gather3A_883 = tpu.vector_load_idx %arg6[%add3A_882] : memref<98304xf32, #tpu.memory_space<vmem>>[vector<16xi32>], vector<16xf32>,
      %sub3A_884 = arith.subf %gather3A_879, %gather3A_883 : vector<16xf32>
      %mul3A_885 = arith.mulf %sub3A_884, %sub3A_884 : vector<16xf32>
      %add3A_886 = arith.addf %add3A_810, %mul3A_885 : vector<16xf32>
      %add3A_887 = arith.constant 32768 : i32
      %add3A_888 = vector.broadcast %add3A_887 : i32 to vector<16xi32>
      %add3A_889 = arith.addi %get3A_860, %add3A_888 : vector<16xi32>
      %gather3A_890 = tpu.vector_load_idx %arg6[%add3A_889] : memref<98304xf32, #tpu.memory_space<vmem>>[vector<16xi32>], vector<16xf32>,
      %add3A_891 = arith.constant 32768 : i32
      %add3A_892 = vector.broadcast %add3A_891 : i32 to vector<16xi32>
      %add3A_893 = arith.addi %get3A_864, %add3A_892 : vector<16xi32>
      %gather3A_894 = tpu.vector_load_idx %arg6[%add3A_893] : memref<98304xf32, #tpu.memory_space<vmem>>[vector<16xi32>], vector<16xf32>,
      %sub3A_895 = arith.subf %gather3A_890, %gather3A_894 : vector<16xf32>
      %mul3A_896 = arith.mulf %sub3A_895, %sub3A_895 : vector<16xf32>
      %add3A_897 = arith.addf %add3A_821, %mul3A_896 : vector<16xf32>
      %add3A_898 = arith.constant 49152 : i32
      %add3A_899 = vector.broadcast %add3A_898 : i32 to vector<16xi32>
      %add3A_900 = arith.addi %get3A_860, %add3A_899 : vector<16xi32>
      %gather3A_901 = tpu.vector_load_idx %arg6[%add3A_900] : memref<98304xf32, #tpu.memory_space<vmem>>[vector<16xi32>], vector<16xf32>,
      %add3A_902 = arith.constant 49152 : i32
      %add3A_903 = vector.broadcast %add3A_902 : i32 to vector<16xi32>
      %add3A_904 = arith.addi %get3A_864, %add3A_903 : vector<16xi32>
      %gather3A_905 = tpu.vector_load_idx %arg6[%add3A_904] : memref<98304xf32, #tpu.memory_space<vmem>>[vector<16xi32>], vector<16xf32>,
      %sub3A_906 = arith.subf %gather3A_901, %gather3A_905 : vector<16xf32>
      %mul3A_907 = arith.mulf %sub3A_906, %sub3A_906 : vector<16xf32>
      %add3A_908 = arith.addf %add3A_832, %mul3A_907 : vector<16xf32>
      %add3A_909 = arith.constant 65536 : i32
      %add3A_910 = vector.broadcast %add3A_909 : i32 to vector<16xi32>
      %add3A_911 = arith.addi %get3A_860, %add3A_910 : vector<16xi32>
      %gather3A_912 = tpu.vector_load_idx %arg6[%add3A_911] : memref<98304xf32, #tpu.memory_space<vmem>>[vector<16xi32>], vector<16xf32>,
      %add3A_913 = arith.constant 65536 : i32
      %add3A_914 = vector.broadcast %add3A_913 : i32 to vector<16xi32>
      %add3A_915 = arith.addi %get3A_864, %add3A_914 : vector<16xi32>
      %gather3A_916 = tpu.vector_load_idx %arg6[%add3A_915] : memref<98304xf32, #tpu.memory_space<vmem>>[vector<16xi32>], vector<16xf32>,
      %sub3A_917 = arith.subf %gather3A_912, %gather3A_916 : vector<16xf32>
      %mul3A_918 = arith.mulf %sub3A_917, %sub3A_917 : vector<16xf32>
      %add3A_919 = arith.addf %add3A_843, %mul3A_918 : vector<16xf32>
      %add3A_920 = arith.constant 81920 : i32
      %add3A_921 = vector.broadcast %add3A_920 : i32 to vector<16xi32>
      %add3A_922 = arith.addi %get3A_860, %add3A_921 : vector<16xi32>
      %gather3A_923 = tpu.vector_load_idx %arg6[%add3A_922] : memref<98304xf32, #tpu.memory_space<vmem>>[vector<16xi32>], vector<16xf32>,
      %add3A_924 = arith.constant 81920 : i32
      %add3A_925 = vector.broadcast %add3A_924 : i32 to vector<16xi32>
      %add3A_926 = arith.addi %get3A_864, %add3A_925 : vector<16xi32>
      %gather3A_927 = tpu.vector_load_idx %arg6[%add3A_926] : memref<98304xf32, #tpu.memory_space<vmem>>[vector<16xi32>], vector<16xf32>,
      %sub3A_928 = arith.subf %gather3A_923, %gather3A_927 : vector<16xf32>
      %mul3A_929 = arith.mulf %sub3A_928, %sub3A_928 : vector<16xf32>
      %add3A_930 = arith.addf %add3A_854, %mul3A_929 : vector<16xf32>
      scf.yield %add3A_875, %add3A_886, %add3A_897, %add3A_908, %add3A_919, %add3A_930 : vector<16xf32>, vector<16xf32>, vector<16xf32>, vector<16xf32>, vector<16xf32>, vector<16xf32>
    }
    %scan3A_464 = arith.constant 352 : i32
    %iota3A = tpu.iota {dimensions = array<i32: 0>} : vector<16xi32>
    %lt3A = arith.constant 1 : i32
    %lt3A_465 = vector.broadcast %lt3A : i32 to vector<16xi32>
    %lt3A_466 = arith.cmpi slt, %iota3A, %lt3A_465 : vector<16xi32>
    %get3A = arith.constant 5632 : index
    %get3A_467 = tpu.vector_load %arg8[%get3A] {strides = array<i32>} : memref<6144xi32, #tpu.memory_space<vmem>>, vector<16xi32>,
    %jit3A = arith.constant 0 : i32
    %broadcast_in_dim3A_468 = vector.broadcast %jit3A : i32 to vector<16xi32>
    %select_n3A = arith.select %lt3A_466, %get3A_467, %broadcast_in_dim3A_468 : vector<16xi1>, vector<16xi32>
    %get3A_469 = arith.constant 5632 : index
    %get3A_470 = tpu.vector_load %arg10[%get3A_469] {strides = array<i32>} : memref<6144xi32, #tpu.memory_space<vmem>>, vector<16xi32>,
    %jit3A_471 = arith.constant 0 : i32
    %broadcast_in_dim3A_472 = vector.broadcast %jit3A_471 : i32 to vector<16xi32>
    %select_n3A_473 = arith.select %lt3A_466, %get3A_470, %broadcast_in_dim3A_472 : vector<16xi1>, vector<16xi32>
    %add3A_474 = arith.constant 0 : i32
    %add3A_475 = vector.broadcast %add3A_474 : i32 to vector<16xi32>
    %add3A_476 = arith.addi %select_n3A, %add3A_475 : vector<16xi32>
    %gather3A = tpu.vector_load_idx %arg6[%add3A_476] : memref<98304xf32, #tpu.memory_space<vmem>>[vector<16xi32>], vector<16xf32>,
    %add3A_477 = arith.constant 0 : i32
    %add3A_478 = vector.broadcast %add3A_477 : i32 to vector<16xi32>
    %add3A_479 = arith.addi %select_n3A_473, %add3A_478 : vector<16xi32>
    %gather3A_480 = tpu.vector_load_idx %arg6[%add3A_479] : memref<98304xf32, #tpu.memory_space<vmem>>[vector<16xi32>], vector<16xf32>,
    %sub3A = arith.subf %gather3A, %gather3A_480 : vector<16xf32>
    %jit3A_481 = arith.constant 0.000000e+00 : f32
    %broadcast_in_dim3A_482 = vector.broadcast %jit3A_481 : f32 to vector<16xf32>
    %select_n3A_483 = arith.select %lt3A_466, %sub3A, %broadcast_in_dim3A_482 : vector<16xi1>, vector<16xf32>
    %mul3A_484 = arith.mulf %select_n3A_483, %select_n3A_483 : vector<16xf32>
    %add3A_485 = arith.addf %scan3A_463#0, %mul3A_484 : vector<16xf32>
    %add3A_486 = arith.constant 16384 : i32
    %add3A_487 = vector.broadcast %add3A_486 : i32 to vector<16xi32>
    %add3A_488 = arith.addi %select_n3A, %add3A_487 : vector<16xi32>
    %gather3A_489 = tpu.vector_load_idx %arg6[%add3A_488] : memref<98304xf32, #tpu.memory_space<vmem>>[vector<16xi32>], vector<16xf32>,
    %add3A_490 = arith.constant 16384 : i32
    %add3A_491 = vector.broadcast %add3A_490 : i32 to vector<16xi32>
    %add3A_492 = arith.addi %select_n3A_473, %add3A_491 : vector<16xi32>
    %gather3A_493 = tpu.vector_load_idx %arg6[%add3A_492] : memref<98304xf32, #tpu.memory_space<vmem>>[vector<16xi32>], vector<16xf32>,
    %sub3A_494 = arith.subf %gather3A_489, %gather3A_493 : vector<16xf32>
    %jit3A_495 = arith.constant 0.000000e+00 : f32
    %broadcast_in_dim3A_496 = vector.broadcast %jit3A_495 : f32 to vector<16xf32>
    %select_n3A_497 = arith.select %lt3A_466, %sub3A_494, %broadcast_in_dim3A_496 : vector<16xi1>, vector<16xf32>
    %mul3A_498 = arith.mulf %select_n3A_497, %select_n3A_497 : vector<16xf32>
    %add3A_499 = arith.addf %scan3A_463#1, %mul3A_498 : vector<16xf32>
    %add3A_500 = arith.constant 32768 : i32
    %add3A_501 = vector.broadcast %add3A_500 : i32 to vector<16xi32>
    %add3A_502 = arith.addi %select_n3A, %add3A_501 : vector<16xi32>
    %gather3A_503 = tpu.vector_load_idx %arg6[%add3A_502] : memref<98304xf32, #tpu.memory_space<vmem>>[vector<16xi32>], vector<16xf32>,
    %add3A_504 = arith.constant 32768 : i32
    %add3A_505 = vector.broadcast %add3A_504 : i32 to vector<16xi32>
    %add3A_506 = arith.addi %select_n3A_473, %add3A_505 : vector<16xi32>
    %gather3A_507 = tpu.vector_load_idx %arg6[%add3A_506] : memref<98304xf32, #tpu.memory_space<vmem>>[vector<16xi32>], vector<16xf32>,
    %sub3A_508 = arith.subf %gather3A_503, %gather3A_507 : vector<16xf32>
    %jit3A_509 = arith.constant 0.000000e+00 : f32
    %broadcast_in_dim3A_510 = vector.broadcast %jit3A_509 : f32 to vector<16xf32>
    %select_n3A_511 = arith.select %lt3A_466, %sub3A_508, %broadcast_in_dim3A_510 : vector<16xi1>, vector<16xf32>
    %mul3A_512 = arith.mulf %select_n3A_511, %select_n3A_511 : vector<16xf32>
    %add3A_513 = arith.addf %scan3A_463#2, %mul3A_512 : vector<16xf32>
    %add3A_514 = arith.constant 49152 : i32
    %add3A_515 = vector.broadcast %add3A_514 : i32 to vector<16xi32>
    %add3A_516 = arith.addi %select_n3A, %add3A_515 : vector<16xi32>
    %gather3A_517 = tpu.vector_load_idx %arg6[%add3A_516] : memref<98304xf32, #tpu.memory_space<vmem>>[vector<16xi32>], vector<16xf32>,
    %add3A_518 = arith.constant 49152 : i32
    %add3A_519 = vector.broadcast %add3A_518 : i32 to vector<16xi32>
    %add3A_520 = arith.addi %select_n3A_473, %add3A_519 : vector<16xi32>
    %gather3A_521 = tpu.vector_load_idx %arg6[%add3A_520] : memref<98304xf32, #tpu.memory_space<vmem>>[vector<16xi32>], vector<16xf32>,
    %sub3A_522 = arith.subf %gather3A_517, %gather3A_521 : vector<16xf32>
    %jit3A_523 = arith.constant 0.000000e+00 : f32
    %broadcast_in_dim3A_524 = vector.broadcast %jit3A_523 : f32 to vector<16xf32>
    %select_n3A_525 = arith.select %lt3A_466, %sub3A_522, %broadcast_in_dim3A_524 : vector<16xi1>, vector<16xf32>
    %mul3A_526 = arith.mulf %select_n3A_525, %select_n3A_525 : vector<16xf32>
    %add3A_527 = arith.addf %scan3A_463#3, %mul3A_526 : vector<16xf32>
    %add3A_528 = arith.constant 65536 : i32
    %add3A_529 = vector.broadcast %add3A_528 : i32 to vector<16xi32>
    %add3A_530 = arith.addi %select_n3A, %add3A_529 : vector<16xi32>
    %gather3A_531 = tpu.vector_load_idx %arg6[%add3A_530] : memref<98304xf32, #tpu.memory_space<vmem>>[vector<16xi32>], vector<16xf32>,
    %add3A_532 = arith.constant 65536 : i32
    %add3A_533 = vector.broadcast %add3A_532 : i32 to vector<16xi32>
    %add3A_534 = arith.addi %select_n3A_473, %add3A_533 : vector<16xi32>
    %gather3A_535 = tpu.vector_load_idx %arg6[%add3A_534] : memref<98304xf32, #tpu.memory_space<vmem>>[vector<16xi32>], vector<16xf32>,
    %sub3A_536 = arith.subf %gather3A_531, %gather3A_535 : vector<16xf32>
    %jit3A_537 = arith.constant 0.000000e+00 : f32
    %broadcast_in_dim3A_538 = vector.broadcast %jit3A_537 : f32 to vector<16xf32>
    %select_n3A_539 = arith.select %lt3A_466, %sub3A_536, %broadcast_in_dim3A_538 : vector<16xi1>, vector<16xf32>
    %mul3A_540 = arith.mulf %select_n3A_539, %select_n3A_539 : vector<16xf32>
    %add3A_541 = arith.addf %scan3A_463#4, %mul3A_540 : vector<16xf32>
    %add3A_542 = arith.constant 81920 : i32
    %add3A_543 = vector.broadcast %add3A_542 : i32 to vector<16xi32>
    %add3A_544 = arith.addi %select_n3A, %add3A_543 : vector<16xi32>
    %gather3A_545 = tpu.vector_load_idx %arg6[%add3A_544] : memref<98304xf32, #tpu.memory_space<vmem>>[vector<16xi32>], vector<16xf32>,
    %add3A_546 = arith.constant 81920 : i32
    %add3A_547 = vector.broadcast %add3A_546 : i32 to vector<16xi32>
    %add3A_548 = arith.addi %select_n3A_473, %add3A_547 : vector<16xi32>
    %gather3A_549 = tpu.vector_load_idx %arg6[%add3A_548] : memref<98304xf32, #tpu.memory_space<vmem>>[vector<16xi32>], vector<16xf32>,
    %sub3A_550 = arith.subf %gather3A_545, %gather3A_549 : vector<16xf32>
    %jit3A_551 = arith.constant 0.000000e+00 : f32
    %broadcast_in_dim3A_552 = vector.broadcast %jit3A_551 : f32 to vector<16xf32>
    %select_n3A_553 = arith.select %lt3A_466, %sub3A_550, %broadcast_in_dim3A_552 : vector<16xi1>, vector<16xf32>
    %mul3A_554 = arith.mulf %select_n3A_553, %select_n3A_553 : vector<16xf32>
    %add3A_555 = arith.addf %scan3A_463#5, %mul3A_554 : vector<16xf32>
    %dma_wait3A_556 = arith.constant 0 : i32
    %dma_wait3A_557 = tpu.memref_slice %arg7[%dma_wait3A_556] : memref<6144xi32, #tpu.memory_space<vmem>> -> memref<6144xi32, #tpu.memory_space<vmem>>
    %dma_wait3A_558 = arith.constant 0 : i32
    %dma_wait3A_559 = tpu.memref_slice %arg3[%dma_wait3A_558] : memref<48641xi32, #tpu.memory_space<hbm>> -> memref<6144xi32, #tpu.memory_space<hbm>>
    %dma_wait3A_560 = arith.constant 0 : i32
    %dma_wait3A_561 = tpu.memref_slice %arg7[%dma_wait3A_560] : memref<6144xi32, #tpu.memory_space<vmem>> -> memref<6144xi32, #tpu.memory_space<vmem>>
    %dma_wait3A_562 = arith.constant 0 : i32
    %dma_wait3A_563 = tpu.memref_slice %arg3[%dma_wait3A_562] : memref<48641xi32, #tpu.memory_space<hbm>> -> memref<6144xi32, #tpu.memory_space<hbm>>
    tpu.wait_dma2 semaphore(%arg12 : memref<!tpu.dma_semaphore, #tpu.memory_space<semaphore_mem>>) src(%dma_wait3A_563 : memref<6144xi32, #tpu.memory_space<hbm>>) dst(%dma_wait3A_561 : memref<6144xi32, #tpu.memory_space<vmem>>)
    %dma_wait3A_564 = arith.constant 0 : i32
    %dma_wait3A_565 = tpu.memref_slice %arg9[%dma_wait3A_564] : memref<6144xi32, #tpu.memory_space<vmem>> -> memref<6144xi32, #tpu.memory_space<vmem>>
    %dma_wait3A_566 = arith.constant 0 : i32
    %dma_wait3A_567 = tpu.memref_slice %arg4[%dma_wait3A_566] : memref<48641xi32, #tpu.memory_space<hbm>> -> memref<6144xi32, #tpu.memory_space<hbm>>
    %dma_wait3A_568 = arith.constant 0 : i32
    %dma_wait3A_569 = tpu.memref_slice %arg9[%dma_wait3A_568] : memref<6144xi32, #tpu.memory_space<vmem>> -> memref<6144xi32, #tpu.memory_space<vmem>>
    %dma_wait3A_570 = arith.constant 0 : i32
    %dma_wait3A_571 = tpu.memref_slice %arg4[%dma_wait3A_570] : memref<48641xi32, #tpu.memory_space<hbm>> -> memref<6144xi32, #tpu.memory_space<hbm>>
    tpu.wait_dma2 semaphore(%arg12 : memref<!tpu.dma_semaphore, #tpu.memory_space<semaphore_mem>>) src(%dma_wait3A_571 : memref<6144xi32, #tpu.memory_space<hbm>>) dst(%dma_wait3A_569 : memref<6144xi32, #tpu.memory_space<vmem>>)
    %dma_start3A_572 = arith.constant 0 : i32
    %dma_start3A_573 = tpu.memref_slice %arg8[%dma_start3A_572] : memref<6144xi32, #tpu.memory_space<vmem>> -> memref<6144xi32, #tpu.memory_space<vmem>>
    %dma_start3A_574 = arith.constant 6144 : i32
    %dma_start3A_575 = tpu.memref_slice %arg3[%dma_start3A_574] : memref<48641xi32, #tpu.memory_space<hbm>> -> memref<6144xi32, #tpu.memory_space<hbm>>
    %dma_start3A_576 = arith.constant 0 : i32
    %dma_start3A_577 = tpu.memref_slice %arg8[%dma_start3A_576] : memref<6144xi32, #tpu.memory_space<vmem>> -> memref<6144xi32, #tpu.memory_space<vmem>>
    %dma_start3A_578 = arith.constant 6144 : i32
    %dma_start3A_579 = tpu.memref_slice %arg3[%dma_start3A_578] : memref<48641xi32, #tpu.memory_space<hbm>> -> memref<6144xi32, #tpu.memory_space<hbm>>
    tpu.enqueue_dma source(%dma_start3A_579 : memref<6144xi32, #tpu.memory_space<hbm>>) target(%dma_start3A_577 : memref<6144xi32, #tpu.memory_space<vmem>>) target_semaphore(%arg13 : memref<!tpu.dma_semaphore, #tpu.memory_space<semaphore_mem>>)
    %dma_start3A_580 = arith.constant 0 : i32
    %dma_start3A_581 = tpu.memref_slice %arg10[%dma_start3A_580] : memref<6144xi32, #tpu.memory_space<vmem>> -> memref<6144xi32, #tpu.memory_space<vmem>>
    %dma_start3A_582 = arith.constant 6144 : i32
    %dma_start3A_583 = tpu.memref_slice %arg4[%dma_start3A_582] : memref<48641xi32, #tpu.memory_space<hbm>> -> memref<6144xi32, #tpu.memory_space<hbm>>
    %dma_start3A_584 = arith.constant 0 : i32
    %dma_start3A_585 = tpu.memref_slice %arg10[%dma_start3A_584] : memref<6144xi32, #tpu.memory_space<vmem>> -> memref<6144xi32, #tpu.memory_space<vmem>>
    %dma_start3A_586 = arith.constant 6144 : i32
    %dma_start3A_587 = tpu.memref_slice %arg4[%dma_start3A_586] : memref<48641xi32, #tpu.memory_space<hbm>> -> memref<6144xi32, #tpu.memory_space<hbm>>
    tpu.enqueue_dma source(%dma_start3A_587 : memref<6144xi32, #tpu.memory_space<hbm>>) target(%dma_start3A_585 : memref<6144xi32, #tpu.memory_space<vmem>>) target_semaphore(%arg13 : memref<!tpu.dma_semaphore, #tpu.memory_space<semaphore_mem>>)
    %scan3A_588 = arith.constant 0 : i32
    %scan3A_589 = arith.constant 384 : i32
    %scan3A_590 = arith.addi %scan3A_588, %scan3A_589 : i32
    %scan3A_591 = arith.constant 4 : i32
    %scan3A_592:3 = scf.for %scan3A_622 = %scan3A_588 to %scan3A_590 step %scan3A_591 iter_args(%scan3A_623 = %add3A_527, %scan3A_624 = %add3A_541, %scan3A_625 = %add3A_555) -> (vector<16xf32>, vector<16xf32>, vector<16xf32>)  : i32 {
      %mul3A_626 = arith.constant 16 : i32
      %mul3A_627 = arith.muli %scan3A_622, %mul3A_626 : i32
      %get3A_628 = arith.index_cast %mul3A_627 : i32 to index
      %get3A_629 = tpu.vector_load %arg7[%get3A_628] {strides = array<i32>} : memref<6144xi32, #tpu.memory_space<vmem>>, vector<16xi32>,
      %mul3A_630 = arith.constant 16 : i32
      %mul3A_631 = arith.muli %scan3A_622, %mul3A_630 : i32
      %get3A_632 = arith.index_cast %mul3A_631 : i32 to index
      %get3A_633 = tpu.vector_load %arg9[%get3A_632] {strides = array<i32>} : memref<6144xi32, #tpu.memory_space<vmem>>, vector<16xi32>,
      %add3A_634 = arith.constant 49152 : i32
      %add3A_635 = vector.broadcast %add3A_634 : i32 to vector<16xi32>
      %add3A_636 = arith.addi %get3A_629, %add3A_635 : vector<16xi32>
      %gather3A_637 = tpu.vector_load_idx %arg6[%add3A_636] : memref<98304xf32, #tpu.memory_space<vmem>>[vector<16xi32>], vector<16xf32>,
      %add3A_638 = arith.constant 49152 : i32
      %add3A_639 = vector.broadcast %add3A_638 : i32 to vector<16xi32>
      %add3A_640 = arith.addi %get3A_633, %add3A_639 : vector<16xi32>
      %gather3A_641 = tpu.vector_load_idx %arg6[%add3A_640] : memref<98304xf32, #tpu.memory_space<vmem>>[vector<16xi32>], vector<16xf32>,
      %sub3A_642 = arith.subf %gather3A_637, %gather3A_641 : vector<16xf32>
      %mul3A_643 = arith.mulf %sub3A_642, %sub3A_642 : vector<16xf32>
      %add3A_644 = arith.addf %scan3A_623, %mul3A_643 : vector<16xf32>
      %add3A_645 = arith.constant 65536 : i32
      %add3A_646 = vector.broadcast %add3A_645 : i32 to vector<16xi32>
      %add3A_647 = arith.addi %get3A_629, %add3A_646 : vector<16xi32>
      %gather3A_648 = tpu.vector_load_idx %arg6[%add3A_647] : memref<98304xf32, #tpu.memory_space<vmem>>[vector<16xi32>], vector<16xf32>,
      %add3A_649 = arith.constant 65536 : i32
      %add3A_650 = vector.broadcast %add3A_649 : i32 to vector<16xi32>
      %add3A_651 = arith.addi %get3A_633, %add3A_650 : vector<16xi32>
      %gather3A_652 = tpu.vector_load_idx %arg6[%add3A_651] : memref<98304xf32, #tpu.memory_space<vmem>>[vector<16xi32>], vector<16xf32>,
      %sub3A_653 = arith.subf %gather3A_648, %gather3A_652 : vector<16xf32>
      %mul3A_654 = arith.mulf %sub3A_653, %sub3A_653 : vector<16xf32>
      %add3A_655 = arith.addf %scan3A_624, %mul3A_654 : vector<16xf32>
      %add3A_656 = arith.constant 81920 : i32
      %add3A_657 = vector.broadcast %add3A_656 : i32 to vector<16xi32>
      %add3A_658 = arith.addi %get3A_629, %add3A_657 : vector<16xi32>
      %gather3A_659 = tpu.vector_load_idx %arg6[%add3A_658] : memref<98304xf32, #tpu.memory_space<vmem>>[vector<16xi32>], vector<16xf32>,
      %add3A_660 = arith.constant 81920 : i32
      %add3A_661 = vector.broadcast %add3A_660 : i32 to vector<16xi32>
      %add3A_662 = arith.addi %get3A_633, %add3A_661 : vector<16xi32>
      %gather3A_663 = tpu.vector_load_idx %arg6[%add3A_662] : memref<98304xf32, #tpu.memory_space<vmem>>[vector<16xi32>], vector<16xf32>,
      %sub3A_664 = arith.subf %gather3A_659, %gather3A_663 : vector<16xf32>
      %mul3A_665 = arith.mulf %sub3A_664, %sub3A_664 : vector<16xf32>
      %add3A_666 = arith.addf %scan3A_625, %mul3A_665 : vector<16xf32>
      %scan3A_667 = arith.constant 1 : i32
      %scan3A_668 = arith.addi %scan3A_622, %scan3A_667 : i32
      %mul3A_669 = arith.constant 16 : i32
      %mul3A_670 = arith.muli %scan3A_668, %mul3A_669 : i32
      %get3A_671 = arith.index_cast %mul3A_670 : i32 to index
      %get3A_672 = tpu.vector_load %arg7[%get3A_671] {strides = array<i32>} : memref<6144xi32, #tpu.memory_space<vmem>>, vector<16xi32>,
      %mul3A_673 = arith.constant 16 : i32
      %mul3A_674 = arith.muli %scan3A_668, %mul3A_673 : i32
      %get3A_675 = arith.index_cast %mul3A_674 : i32 to index
      %get3A_676 = tpu.vector_load %arg9[%get3A_675] {strides = array<i32>} : memref<6144xi32, #tpu.memory_space<vmem>>, vector<16xi32>,
      %add3A_677 = arith.constant 49152 : i32
      %add3A_678 = vector.broadcast %add3A_677 : i32 to vector<16xi32>
      %add3A_679 = arith.addi %get3A_672, %add3A_678 : vector<16xi32>
      %gather3A_680 = tpu.vector_load_idx %arg6[%add3A_679] : memref<98304xf32, #tpu.memory_space<vmem>>[vector<16xi32>], vector<16xf32>,
      %add3A_681 = arith.constant 49152 : i32
      %add3A_682 = vector.broadcast %add3A_681 : i32 to vector<16xi32>
      %add3A_683 = arith.addi %get3A_676, %add3A_682 : vector<16xi32>
      %gather3A_684 = tpu.vector_load_idx %arg6[%add3A_683] : memref<98304xf32, #tpu.memory_space<vmem>>[vector<16xi32>], vector<16xf32>,
      %sub3A_685 = arith.subf %gather3A_680, %gather3A_684 : vector<16xf32>
      %mul3A_686 = arith.mulf %sub3A_685, %sub3A_685 : vector<16xf32>
      %add3A_687 = arith.addf %add3A_644, %mul3A_686 : vector<16xf32>
      %add3A_688 = arith.constant 65536 : i32
      %add3A_689 = vector.broadcast %add3A_688 : i32 to vector<16xi32>
      %add3A_690 = arith.addi %get3A_672, %add3A_689 : vector<16xi32>
      %gather3A_691 = tpu.vector_load_idx %arg6[%add3A_690] : memref<98304xf32, #tpu.memory_space<vmem>>[vector<16xi32>], vector<16xf32>,
      %add3A_692 = arith.constant 65536 : i32
      %add3A_693 = vector.broadcast %add3A_692 : i32 to vector<16xi32>
      %add3A_694 = arith.addi %get3A_676, %add3A_693 : vector<16xi32>
      %gather3A_695 = tpu.vector_load_idx %arg6[%add3A_694] : memref<98304xf32, #tpu.memory_space<vmem>>[vector<16xi32>], vector<16xf32>,
      %sub3A_696 = arith.subf %gather3A_691, %gather3A_695 : vector<16xf32>
      %mul3A_697 = arith.mulf %sub3A_696, %sub3A_696 : vector<16xf32>
      %add3A_698 = arith.addf %add3A_655, %mul3A_697 : vector<16xf32>
      %add3A_699 = arith.constant 81920 : i32
      %add3A_700 = vector.broadcast %add3A_699 : i32 to vector<16xi32>
      %add3A_701 = arith.addi %get3A_672, %add3A_700 : vector<16xi32>
      %gather3A_702 = tpu.vector_load_idx %arg6[%add3A_701] : memref<98304xf32, #tpu.memory_space<vmem>>[vector<16xi32>], vector<16xf32>,
      %add3A_703 = arith.constant 81920 : i32
      %add3A_704 = vector.broadcast %add3A_703 : i32 to vector<16xi32>
      %add3A_705 = arith.addi %get3A_676, %add3A_704 : vector<16xi32>
      %gather3A_706 = tpu.vector_load_idx %arg6[%add3A_705] : memref<98304xf32, #tpu.memory_space<vmem>>[vector<16xi32>], vector<16xf32>,
      %sub3A_707 = arith.subf %gather3A_702, %gather3A_706 : vector<16xf32>
      %mul3A_708 = arith.mulf %sub3A_707, %sub3A_707 : vector<16xf32>
      %add3A_709 = arith.addf %add3A_666, %mul3A_708 : vector<16xf32>
      %scan3A_710 = arith.constant 2 : i32
      %scan3A_711 = arith.addi %scan3A_622, %scan3A_710 : i32
      %mul3A_712 = arith.constant 16 : i32
      %mul3A_713 = arith.muli %scan3A_711, %mul3A_712 : i32
      %get3A_714 = arith.index_cast %mul3A_713 : i32 to index
      %get3A_715 = tpu.vector_load %arg7[%get3A_714] {strides = array<i32>} : memref<6144xi32, #tpu.memory_space<vmem>>, vector<16xi32>,
      %mul3A_716 = arith.constant 16 : i32
      %mul3A_717 = arith.muli %scan3A_711, %mul3A_716 : i32
      %get3A_718 = arith.index_cast %mul3A_717 : i32 to index
      %get3A_719 = tpu.vector_load %arg9[%get3A_718] {strides = array<i32>} : memref<6144xi32, #tpu.memory_space<vmem>>, vector<16xi32>,
      %add3A_720 = arith.constant 49152 : i32
      %add3A_721 = vector.broadcast %add3A_720 : i32 to vector<16xi32>
      %add3A_722 = arith.addi %get3A_715, %add3A_721 : vector<16xi32>
      %gather3A_723 = tpu.vector_load_idx %arg6[%add3A_722] : memref<98304xf32, #tpu.memory_space<vmem>>[vector<16xi32>], vector<16xf32>,
      %add3A_724 = arith.constant 49152 : i32
      %add3A_725 = vector.broadcast %add3A_724 : i32 to vector<16xi32>
      %add3A_726 = arith.addi %get3A_719, %add3A_725 : vector<16xi32>
      %gather3A_727 = tpu.vector_load_idx %arg6[%add3A_726] : memref<98304xf32, #tpu.memory_space<vmem>>[vector<16xi32>], vector<16xf32>,
      %sub3A_728 = arith.subf %gather3A_723, %gather3A_727 : vector<16xf32>
      %mul3A_729 = arith.mulf %sub3A_728, %sub3A_728 : vector<16xf32>
      %add3A_730 = arith.addf %add3A_687, %mul3A_729 : vector<16xf32>
      %add3A_731 = arith.constant 65536 : i32
      %add3A_732 = vector.broadcast %add3A_731 : i32 to vector<16xi32>
      %add3A_733 = arith.addi %get3A_715, %add3A_732 : vector<16xi32>
      %gather3A_734 = tpu.vector_load_idx %arg6[%add3A_733] : memref<98304xf32, #tpu.memory_space<vmem>>[vector<16xi32>], vector<16xf32>,
      %add3A_735 = arith.constant 65536 : i32
      %add3A_736 = vector.broadcast %add3A_735 : i32 to vector<16xi32>
      %add3A_737 = arith.addi %get3A_719, %add3A_736 : vector<16xi32>
      %gather3A_738 = tpu.vector_load_idx %arg6[%add3A_737] : memref<98304xf32, #tpu.memory_space<vmem>>[vector<16xi32>], vector<16xf32>,
      %sub3A_739 = arith.subf %gather3A_734, %gather3A_738 : vector<16xf32>
      %mul3A_740 = arith.mulf %sub3A_739, %sub3A_739 : vector<16xf32>
      %add3A_741 = arith.addf %add3A_698, %mul3A_740 : vector<16xf32>
      %add3A_742 = arith.constant 81920 : i32
      %add3A_743 = vector.broadcast %add3A_742 : i32 to vector<16xi32>
      %add3A_744 = arith.addi %get3A_715, %add3A_743 : vector<16xi32>
      %gather3A_745 = tpu.vector_load_idx %arg6[%add3A_744] : memref<98304xf32, #tpu.memory_space<vmem>>[vector<16xi32>], vector<16xf32>,
      %add3A_746 = arith.constant 81920 : i32
      %add3A_747 = vector.broadcast %add3A_746 : i32 to vector<16xi32>
      %add3A_748 = arith.addi %get3A_719, %add3A_747 : vector<16xi32>
      %gather3A_749 = tpu.vector_load_idx %arg6[%add3A_748] : memref<98304xf32, #tpu.memory_space<vmem>>[vector<16xi32>], vector<16xf32>,
      %sub3A_750 = arith.subf %gather3A_745, %gather3A_749 : vector<16xf32>
      %mul3A_751 = arith.mulf %sub3A_750, %sub3A_750 : vector<16xf32>
      %add3A_752 = arith.addf %add3A_709, %mul3A_751 : vector<16xf32>
      %scan3A_753 = arith.constant 3 : i32
      %scan3A_754 = arith.addi %scan3A_622, %scan3A_753 : i32
      %mul3A_755 = arith.constant 16 : i32
      %mul3A_756 = arith.muli %scan3A_754, %mul3A_755 : i32
      %get3A_757 = arith.index_cast %mul3A_756 : i32 to index
      %get3A_758 = tpu.vector_load %arg7[%get3A_757] {strides = array<i32>} : memref<6144xi32, #tpu.memory_space<vmem>>, vector<16xi32>,
      %mul3A_759 = arith.constant 16 : i32
      %mul3A_760 = arith.muli %scan3A_754, %mul3A_759 : i32
      %get3A_761 = arith.index_cast %mul3A_760 : i32 to index
      %get3A_762 = tpu.vector_load %arg9[%get3A_761] {strides = array<i32>} : memref<6144xi32, #tpu.memory_space<vmem>>, vector<16xi32>,
      %add3A_763 = arith.constant 49152 : i32
      %add3A_764 = vector.broadcast %add3A_763 : i32 to vector<16xi32>
      %add3A_765 = arith.addi %get3A_758, %add3A_764 : vector<16xi32>
      %gather3A_766 = tpu.vector_load_idx %arg6[%add3A_765] : memref<98304xf32, #tpu.memory_space<vmem>>[vector<16xi32>], vector<16xf32>,
      %add3A_767 = arith.constant 49152 : i32
      %add3A_768 = vector.broadcast %add3A_767 : i32 to vector<16xi32>
      %add3A_769 = arith.addi %get3A_762, %add3A_768 : vector<16xi32>
      %gather3A_770 = tpu.vector_load_idx %arg6[%add3A_769] : memref<98304xf32, #tpu.memory_space<vmem>>[vector<16xi32>], vector<16xf32>,
      %sub3A_771 = arith.subf %gather3A_766, %gather3A_770 : vector<16xf32>
      %mul3A_772 = arith.mulf %sub3A_771, %sub3A_771 : vector<16xf32>
      %add3A_773 = arith.addf %add3A_730, %mul3A_772 : vector<16xf32>
      %add3A_774 = arith.constant 65536 : i32
      %add3A_775 = vector.broadcast %add3A_774 : i32 to vector<16xi32>
      %add3A_776 = arith.addi %get3A_758, %add3A_775 : vector<16xi32>
      %gather3A_777 = tpu.vector_load_idx %arg6[%add3A_776] : memref<98304xf32, #tpu.memory_space<vmem>>[vector<16xi32>], vector<16xf32>,
      %add3A_778 = arith.constant 65536 : i32
      %add3A_779 = vector.broadcast %add3A_778 : i32 to vector<16xi32>
      %add3A_780 = arith.addi %get3A_762, %add3A_779 : vector<16xi32>
      %gather3A_781 = tpu.vector_load_idx %arg6[%add3A_780] : memref<98304xf32, #tpu.memory_space<vmem>>[vector<16xi32>], vector<16xf32>,
      %sub3A_782 = arith.subf %gather3A_777, %gather3A_781 : vector<16xf32>
      %mul3A_783 = arith.mulf %sub3A_782, %sub3A_782 : vector<16xf32>
      %add3A_784 = arith.addf %add3A_741, %mul3A_783 : vector<16xf32>
      %add3A_785 = arith.constant 81920 : i32
      %add3A_786 = vector.broadcast %add3A_785 : i32 to vector<16xi32>
      %add3A_787 = arith.addi %get3A_758, %add3A_786 : vector<16xi32>
      %gather3A_788 = tpu.vector_load_idx %arg6[%add3A_787] : memref<98304xf32, #tpu.memory_space<vmem>>[vector<16xi32>], vector<16xf32>,
      %add3A_789 = arith.constant 81920 : i32
      %add3A_790 = vector.broadcast %add3A_789 : i32 to vector<16xi32>
      %add3A_791 = arith.addi %get3A_762, %add3A_790 : vector<16xi32>
      %gather3A_792 = tpu.vector_load_idx %arg6[%add3A_791] : memref<98304xf32, #tpu.memory_space<vmem>>[vector<16xi32>], vector<16xf32>,
      %sub3A_793 = arith.subf %gather3A_788, %gather3A_792 : vector<16xf32>
      %mul3A_794 = arith.mulf %sub3A_793, %sub3A_793 : vector<16xf32>
      %add3A_795 = arith.addf %add3A_752, %mul3A_794 : vector<16xf32>
      scf.yield %add3A_773, %add3A_784, %add3A_795 : vector<16xf32>, vector<16xf32>, vector<16xf32>
    }
    %scan3A_593 = arith.constant 384 : i32
    %dma_wait3A_594 = arith.constant 0 : i32
    %dma_wait3A_595 = tpu.memref_slice %arg8[%dma_wait3A_594] : memref<6144xi32, #tpu.memory_space<vmem>> -> memref<6144xi32, #tpu.memory_space<vmem>>
    %dma_wait3A_596 = arith.constant 6144 : i32
    %dma_wait3A_597 = tpu.memref_slice %arg3[%dma_wait3A_596] : memref<48641xi32, #tpu.memory_space<hbm>> -> memref<6144xi32, #tpu.memory_space<hbm>>
    %dma_wait3A_598 = arith.constant 0 : i32
    %dma_wait3A_599 = tpu.memref_slice %arg8[%dma_wait3A_598] : memref<6144xi32, #tpu.memory_space<vmem>> -> memref<6144xi32, #tpu.memory_space<vmem>>
    %dma_wait3A_600 = arith.constant 6144 : i32
    %dma_wait3A_601 = tpu.memref_slice %arg3[%dma_wait3A_600] : memref<48641xi32, #tpu.memory_space<hbm>> -> memref<6144xi32, #tpu.memory_space<hbm>>
    tpu.wait_dma2 semaphore(%arg13 : memref<!tpu.dma_semaphore, #tpu.memory_space<semaphore_mem>>) src(%dma_wait3A_601 : memref<6144xi32, #tpu.memory_space<hbm>>) dst(%dma_wait3A_599 : memref<6144xi32, #tpu.memory_space<vmem>>)
    %dma_wait3A_602 = arith.constant 0 : i32
    %dma_wait3A_603 = tpu.memref_slice %arg10[%dma_wait3A_602] : memref<6144xi32, #tpu.memory_space<vmem>> -> memref<6144xi32, #tpu.memory_space<vmem>>
    %dma_wait3A_604 = arith.constant 6144 : i32
    %dma_wait3A_605 = tpu.memref_slice %arg4[%dma_wait3A_604] : memref<48641xi32, #tpu.memory_space<hbm>> -> memref<6144xi32, #tpu.memory_space<hbm>>
    %dma_wait3A_606 = arith.constant 0 : i32
    %dma_wait3A_607 = tpu.memref_slice %arg10[%dma_wait3A_606] : memref<6144xi32, #tpu.memory_space<vmem>> -> memref<6144xi32, #tpu.memory_space<vmem>>
    %dma_wait3A_608 = arith.constant 6144 : i32
    %dma_wait3A_609 = tpu.memref_slice %arg4[%dma_wait3A_608] : memref<48641xi32, #tpu.memory_space<hbm>> -> memref<6144xi32, #tpu.memory_space<hbm>>
    tpu.wait_dma2 semaphore(%arg13 : memref<!tpu.dma_semaphore, #tpu.memory_space<semaphore_mem>>) src(%dma_wait3A_609 : memref<6144xi32, #tpu.memory_space<hbm>>) dst(%dma_wait3A_607 : memref<6144xi32, #tpu.memory_space<vmem>>)
    %scan3A_610 = arith.constant 0 : i32
    %scan3A_611 = arith.constant 384 : i32
    %scan3A_612 = arith.addi %scan3A_610, %scan3A_611 : i32
    %scan3A_613 = arith.constant 4 : i32
    %scan3A_614:3 = scf.for %scan3A_622 = %scan3A_610 to %scan3A_612 step %scan3A_613 iter_args(%scan3A_623 = %scan3A_592#0, %scan3A_624 = %scan3A_592#1, %scan3A_625 = %scan3A_592#2) -> (vector<16xf32>, vector<16xf32>, vector<16xf32>)  : i32 {
      %mul3A_626 = arith.constant 16 : i32
      %mul3A_627 = arith.muli %scan3A_622, %mul3A_626 : i32
      %get3A_628 = arith.index_cast %mul3A_627 : i32 to index
      %get3A_629 = tpu.vector_load %arg8[%get3A_628] {strides = array<i32>} : memref<6144xi32, #tpu.memory_space<vmem>>, vector<16xi32>,
      %mul3A_630 = arith.constant 16 : i32
      %mul3A_631 = arith.muli %scan3A_622, %mul3A_630 : i32
      %get3A_632 = arith.index_cast %mul3A_631 : i32 to index
      %get3A_633 = tpu.vector_load %arg10[%get3A_632] {strides = array<i32>} : memref<6144xi32, #tpu.memory_space<vmem>>, vector<16xi32>,
      %add3A_634 = arith.constant 49152 : i32
      %add3A_635 = vector.broadcast %add3A_634 : i32 to vector<16xi32>
      %add3A_636 = arith.addi %get3A_629, %add3A_635 : vector<16xi32>
      %gather3A_637 = tpu.vector_load_idx %arg6[%add3A_636] : memref<98304xf32, #tpu.memory_space<vmem>>[vector<16xi32>], vector<16xf32>,
      %add3A_638 = arith.constant 49152 : i32
      %add3A_639 = vector.broadcast %add3A_638 : i32 to vector<16xi32>
      %add3A_640 = arith.addi %get3A_633, %add3A_639 : vector<16xi32>
      %gather3A_641 = tpu.vector_load_idx %arg6[%add3A_640] : memref<98304xf32, #tpu.memory_space<vmem>>[vector<16xi32>], vector<16xf32>,
      %sub3A_642 = arith.subf %gather3A_637, %gather3A_641 : vector<16xf32>
      %mul3A_643 = arith.mulf %sub3A_642, %sub3A_642 : vector<16xf32>
      %add3A_644 = arith.addf %scan3A_623, %mul3A_643 : vector<16xf32>
      %add3A_645 = arith.constant 65536 : i32
      %add3A_646 = vector.broadcast %add3A_645 : i32 to vector<16xi32>
      %add3A_647 = arith.addi %get3A_629, %add3A_646 : vector<16xi32>
      %gather3A_648 = tpu.vector_load_idx %arg6[%add3A_647] : memref<98304xf32, #tpu.memory_space<vmem>>[vector<16xi32>], vector<16xf32>,
      %add3A_649 = arith.constant 65536 : i32
      %add3A_650 = vector.broadcast %add3A_649 : i32 to vector<16xi32>
      %add3A_651 = arith.addi %get3A_633, %add3A_650 : vector<16xi32>
      %gather3A_652 = tpu.vector_load_idx %arg6[%add3A_651] : memref<98304xf32, #tpu.memory_space<vmem>>[vector<16xi32>], vector<16xf32>,
      %sub3A_653 = arith.subf %gather3A_648, %gather3A_652 : vector<16xf32>
      %mul3A_654 = arith.mulf %sub3A_653, %sub3A_653 : vector<16xf32>
      %add3A_655 = arith.addf %scan3A_624, %mul3A_654 : vector<16xf32>
      %add3A_656 = arith.constant 81920 : i32
      %add3A_657 = vector.broadcast %add3A_656 : i32 to vector<16xi32>
      %add3A_658 = arith.addi %get3A_629, %add3A_657 : vector<16xi32>
      %gather3A_659 = tpu.vector_load_idx %arg6[%add3A_658] : memref<98304xf32, #tpu.memory_space<vmem>>[vector<16xi32>], vector<16xf32>,
      %add3A_660 = arith.constant 81920 : i32
      %add3A_661 = vector.broadcast %add3A_660 : i32 to vector<16xi32>
      %add3A_662 = arith.addi %get3A_633, %add3A_661 : vector<16xi32>
      %gather3A_663 = tpu.vector_load_idx %arg6[%add3A_662] : memref<98304xf32, #tpu.memory_space<vmem>>[vector<16xi32>], vector<16xf32>,
      %sub3A_664 = arith.subf %gather3A_659, %gather3A_663 : vector<16xf32>
      %mul3A_665 = arith.mulf %sub3A_664, %sub3A_664 : vector<16xf32>
      %add3A_666 = arith.addf %scan3A_625, %mul3A_665 : vector<16xf32>
      %scan3A_667 = arith.constant 1 : i32
      %scan3A_668 = arith.addi %scan3A_622, %scan3A_667 : i32
      %mul3A_669 = arith.constant 16 : i32
      %mul3A_670 = arith.muli %scan3A_668, %mul3A_669 : i32
      %get3A_671 = arith.index_cast %mul3A_670 : i32 to index
      %get3A_672 = tpu.vector_load %arg8[%get3A_671] {strides = array<i32>} : memref<6144xi32, #tpu.memory_space<vmem>>, vector<16xi32>,
      %mul3A_673 = arith.constant 16 : i32
      %mul3A_674 = arith.muli %scan3A_668, %mul3A_673 : i32
      %get3A_675 = arith.index_cast %mul3A_674 : i32 to index
      %get3A_676 = tpu.vector_load %arg10[%get3A_675] {strides = array<i32>} : memref<6144xi32, #tpu.memory_space<vmem>>, vector<16xi32>,
      %add3A_677 = arith.constant 49152 : i32
      %add3A_678 = vector.broadcast %add3A_677 : i32 to vector<16xi32>
      %add3A_679 = arith.addi %get3A_672, %add3A_678 : vector<16xi32>
      %gather3A_680 = tpu.vector_load_idx %arg6[%add3A_679] : memref<98304xf32, #tpu.memory_space<vmem>>[vector<16xi32>], vector<16xf32>,
      %add3A_681 = arith.constant 49152 : i32
      %add3A_682 = vector.broadcast %add3A_681 : i32 to vector<16xi32>
      %add3A_683 = arith.addi %get3A_676, %add3A_682 : vector<16xi32>
      %gather3A_684 = tpu.vector_load_idx %arg6[%add3A_683] : memref<98304xf32, #tpu.memory_space<vmem>>[vector<16xi32>], vector<16xf32>,
      %sub3A_685 = arith.subf %gather3A_680, %gather3A_684 : vector<16xf32>
      %mul3A_686 = arith.mulf %sub3A_685, %sub3A_685 : vector<16xf32>
      %add3A_687 = arith.addf %add3A_644, %mul3A_686 : vector<16xf32>
      %add3A_688 = arith.constant 65536 : i32
      %add3A_689 = vector.broadcast %add3A_688 : i32 to vector<16xi32>
      %add3A_690 = arith.addi %get3A_672, %add3A_689 : vector<16xi32>
      %gather3A_691 = tpu.vector_load_idx %arg6[%add3A_690] : memref<98304xf32, #tpu.memory_space<vmem>>[vector<16xi32>], vector<16xf32>,
      %add3A_692 = arith.constant 65536 : i32
      %add3A_693 = vector.broadcast %add3A_692 : i32 to vector<16xi32>
      %add3A_694 = arith.addi %get3A_676, %add3A_693 : vector<16xi32>
      %gather3A_695 = tpu.vector_load_idx %arg6[%add3A_694] : memref<98304xf32, #tpu.memory_space<vmem>>[vector<16xi32>], vector<16xf32>,
      %sub3A_696 = arith.subf %gather3A_691, %gather3A_695 : vector<16xf32>
      %mul3A_697 = arith.mulf %sub3A_696, %sub3A_696 : vector<16xf32>
      %add3A_698 = arith.addf %add3A_655, %mul3A_697 : vector<16xf32>
      %add3A_699 = arith.constant 81920 : i32
      %add3A_700 = vector.broadcast %add3A_699 : i32 to vector<16xi32>
      %add3A_701 = arith.addi %get3A_672, %add3A_700 : vector<16xi32>
      %gather3A_702 = tpu.vector_load_idx %arg6[%add3A_701] : memref<98304xf32, #tpu.memory_space<vmem>>[vector<16xi32>], vector<16xf32>,
      %add3A_703 = arith.constant 81920 : i32
      %add3A_704 = vector.broadcast %add3A_703 : i32 to vector<16xi32>
      %add3A_705 = arith.addi %get3A_676, %add3A_704 : vector<16xi32>
      %gather3A_706 = tpu.vector_load_idx %arg6[%add3A_705] : memref<98304xf32, #tpu.memory_space<vmem>>[vector<16xi32>], vector<16xf32>,
      %sub3A_707 = arith.subf %gather3A_702, %gather3A_706 : vector<16xf32>
      %mul3A_708 = arith.mulf %sub3A_707, %sub3A_707 : vector<16xf32>
      %add3A_709 = arith.addf %add3A_666, %mul3A_708 : vector<16xf32>
      %scan3A_710 = arith.constant 2 : i32
      %scan3A_711 = arith.addi %scan3A_622, %scan3A_710 : i32
      %mul3A_712 = arith.constant 16 : i32
      %mul3A_713 = arith.muli %scan3A_711, %mul3A_712 : i32
      %get3A_714 = arith.index_cast %mul3A_713 : i32 to index
      %get3A_715 = tpu.vector_load %arg8[%get3A_714] {strides = array<i32>} : memref<6144xi32, #tpu.memory_space<vmem>>, vector<16xi32>,
      %mul3A_716 = arith.constant 16 : i32
      %mul3A_717 = arith.muli %scan3A_711, %mul3A_716 : i32
      %get3A_718 = arith.index_cast %mul3A_717 : i32 to index
      %get3A_719 = tpu.vector_load %arg10[%get3A_718] {strides = array<i32>} : memref<6144xi32, #tpu.memory_space<vmem>>, vector<16xi32>,
      %add3A_720 = arith.constant 49152 : i32
      %add3A_721 = vector.broadcast %add3A_720 : i32 to vector<16xi32>
      %add3A_722 = arith.addi %get3A_715, %add3A_721 : vector<16xi32>
      %gather3A_723 = tpu.vector_load_idx %arg6[%add3A_722] : memref<98304xf32, #tpu.memory_space<vmem>>[vector<16xi32>], vector<16xf32>,
      %add3A_724 = arith.constant 49152 : i32
      %add3A_725 = vector.broadcast %add3A_724 : i32 to vector<16xi32>
      %add3A_726 = arith.addi %get3A_719, %add3A_725 : vector<16xi32>
      %gather3A_727 = tpu.vector_load_idx %arg6[%add3A_726] : memref<98304xf32, #tpu.memory_space<vmem>>[vector<16xi32>], vector<16xf32>,
      %sub3A_728 = arith.subf %gather3A_723, %gather3A_727 : vector<16xf32>
      %mul3A_729 = arith.mulf %sub3A_728, %sub3A_728 : vector<16xf32>
      %add3A_730 = arith.addf %add3A_687, %mul3A_729 : vector<16xf32>
      %add3A_731 = arith.constant 65536 : i32
      %add3A_732 = vector.broadcast %add3A_731 : i32 to vector<16xi32>
      %add3A_733 = arith.addi %get3A_715, %add3A_732 : vector<16xi32>
      %gather3A_734 = tpu.vector_load_idx %arg6[%add3A_733] : memref<98304xf32, #tpu.memory_space<vmem>>[vector<16xi32>], vector<16xf32>,
      %add3A_735 = arith.constant 65536 : i32
      %add3A_736 = vector.broadcast %add3A_735 : i32 to vector<16xi32>
      %add3A_737 = arith.addi %get3A_719, %add3A_736 : vector<16xi32>
      %gather3A_738 = tpu.vector_load_idx %arg6[%add3A_737] : memref<98304xf32, #tpu.memory_space<vmem>>[vector<16xi32>], vector<16xf32>,
      %sub3A_739 = arith.subf %gather3A_734, %gather3A_738 : vector<16xf32>
      %mul3A_740 = arith.mulf %sub3A_739, %sub3A_739 : vector<16xf32>
      %add3A_741 = arith.addf %add3A_698, %mul3A_740 : vector<16xf32>
      %add3A_742 = arith.constant 81920 : i32
      %add3A_743 = vector.broadcast %add3A_742 : i32 to vector<16xi32>
      %add3A_744 = arith.addi %get3A_715, %add3A_743 : vector<16xi32>
      %gather3A_745 = tpu.vector_load_idx %arg6[%add3A_744] : memref<98304xf32, #tpu.memory_space<vmem>>[vector<16xi32>], vector<16xf32>,
      %add3A_746 = arith.constant 81920 : i32
      %add3A_747 = vector.broadcast %add3A_746 : i32 to vector<16xi32>
      %add3A_748 = arith.addi %get3A_719, %add3A_747 : vector<16xi32>
      %gather3A_749 = tpu.vector_load_idx %arg6[%add3A_748] : memref<98304xf32, #tpu.memory_space<vmem>>[vector<16xi32>], vector<16xf32>,
      %sub3A_750 = arith.subf %gather3A_745, %gather3A_749 : vector<16xf32>
      %mul3A_751 = arith.mulf %sub3A_750, %sub3A_750 : vector<16xf32>
      %add3A_752 = arith.addf %add3A_709, %mul3A_751 : vector<16xf32>
      %scan3A_753 = arith.constant 3 : i32
      %scan3A_754 = arith.addi %scan3A_622, %scan3A_753 : i32
      %mul3A_755 = arith.constant 16 : i32
      %mul3A_756 = arith.muli %scan3A_754, %mul3A_755 : i32
      %get3A_757 = arith.index_cast %mul3A_756 : i32 to index
      %get3A_758 = tpu.vector_load %arg8[%get3A_757] {strides = array<i32>} : memref<6144xi32, #tpu.memory_space<vmem>>, vector<16xi32>,
      %mul3A_759 = arith.constant 16 : i32
      %mul3A_760 = arith.muli %scan3A_754, %mul3A_759 : i32
      %get3A_761 = arith.index_cast %mul3A_760 : i32 to index
      %get3A_762 = tpu.vector_load %arg10[%get3A_761] {strides = array<i32>} : memref<6144xi32, #tpu.memory_space<vmem>>, vector<16xi32>,
      %add3A_763 = arith.constant 49152 : i32
      %add3A_764 = vector.broadcast %add3A_763 : i32 to vector<16xi32>
      %add3A_765 = arith.addi %get3A_758, %add3A_764 : vector<16xi32>
      %gather3A_766 = tpu.vector_load_idx %arg6[%add3A_765] : memref<98304xf32, #tpu.memory_space<vmem>>[vector<16xi32>], vector<16xf32>,
      %add3A_767 = arith.constant 49152 : i32
      %add3A_768 = vector.broadcast %add3A_767 : i32 to vector<16xi32>
      %add3A_769 = arith.addi %get3A_762, %add3A_768 : vector<16xi32>
      %gather3A_770 = tpu.vector_load_idx %arg6[%add3A_769] : memref<98304xf32, #tpu.memory_space<vmem>>[vector<16xi32>], vector<16xf32>,
      %sub3A_771 = arith.subf %gather3A_766, %gather3A_770 : vector<16xf32>
      %mul3A_772 = arith.mulf %sub3A_771, %sub3A_771 : vector<16xf32>
      %add3A_773 = arith.addf %add3A_730, %mul3A_772 : vector<16xf32>
      %add3A_774 = arith.constant 65536 : i32
      %add3A_775 = vector.broadcast %add3A_774 : i32 to vector<16xi32>
      %add3A_776 = arith.addi %get3A_758, %add3A_775 : vector<16xi32>
      %gather3A_777 = tpu.vector_load_idx %arg6[%add3A_776] : memref<98304xf32, #tpu.memory_space<vmem>>[vector<16xi32>], vector<16xf32>,
      %add3A_778 = arith.constant 65536 : i32
      %add3A_779 = vector.broadcast %add3A_778 : i32 to vector<16xi32>
      %add3A_780 = arith.addi %get3A_762, %add3A_779 : vector<16xi32>
      %gather3A_781 = tpu.vector_load_idx %arg6[%add3A_780] : memref<98304xf32, #tpu.memory_space<vmem>>[vector<16xi32>], vector<16xf32>,
      %sub3A_782 = arith.subf %gather3A_777, %gather3A_781 : vector<16xf32>
      %mul3A_783 = arith.mulf %sub3A_782, %sub3A_782 : vector<16xf32>
      %add3A_784 = arith.addf %add3A_741, %mul3A_783 : vector<16xf32>
      %add3A_785 = arith.constant 81920 : i32
      %add3A_786 = vector.broadcast %add3A_785 : i32 to vector<16xi32>
      %add3A_787 = arith.addi %get3A_758, %add3A_786 : vector<16xi32>
      %gather3A_788 = tpu.vector_load_idx %arg6[%add3A_787] : memref<98304xf32, #tpu.memory_space<vmem>>[vector<16xi32>], vector<16xf32>,
      %add3A_789 = arith.constant 81920 : i32
      %add3A_790 = vector.broadcast %add3A_789 : i32 to vector<16xi32>
      %add3A_791 = arith.addi %get3A_762, %add3A_790 : vector<16xi32>
      %gather3A_792 = tpu.vector_load_idx %arg6[%add3A_791] : memref<98304xf32, #tpu.memory_space<vmem>>[vector<16xi32>], vector<16xf32>,
      %sub3A_793 = arith.subf %gather3A_788, %gather3A_792 : vector<16xf32>
      %mul3A_794 = arith.mulf %sub3A_793, %sub3A_793 : vector<16xf32>
      %add3A_795 = arith.addf %add3A_752, %mul3A_794 : vector<16xf32>
      scf.yield %add3A_773, %add3A_784, %add3A_795 : vector<16xf32>, vector<16xf32>, vector<16xf32>
    }
    %scan3A_615 = arith.constant 384 : i32
    %add3A_616 = arith.addf %add3A_485, %add3A_499 : vector<16xf32>
    %add3A_617 = arith.addf %add3A_616, %add3A_513 : vector<16xf32>
    %add3A_618 = arith.addf %add3A_617, %scan3A_614#0 : vector<16xf32>
    %add3A_619 = arith.addf %add3A_618, %scan3A_614#1 : vector<16xf32>
    %add3A_620 = arith.addf %add3A_619, %scan3A_614#2 : vector<16xf32>
    %swap3A = arith.constant 0 : index
    %swap3A_621 = tpu.vector_load %arg11[%swap3A] {strides = array<i32>} : memref<16xf32, #tpu.memory_space<vmem>>, vector<16xf32>,
    tpu.vector_store %arg11[%swap3A], %add3A_620 {strides = array<i32>} : memref<16xf32, #tpu.memory_space<vmem>>, vector<16xf32>,
    "tpu.region"() ({
      %run_scoped3A = tpu.sem_alloc : memref<!tpu.dma_semaphore, #tpu.memory_space<semaphore_mem>>
      %dma_start3A_622 = arith.constant 0 : i32
      %dma_start3A_623 = tpu.memref_slice %arg5[%add3A, %dma_start3A_622] : memref<32x16xf32, #tpu.memory_space<hbm>> -> memref<1x16xf32, #tpu.memory_space<hbm>>
      %dma_start3A_624 = tpu.memref_squeeze %dma_start3A_623 : memref<1x16xf32, #tpu.memory_space<hbm>> -> memref<16xf32, #tpu.memory_space<hbm>>
      %dma_start3A_625 = arith.constant 0 : i32
      %dma_start3A_626 = tpu.memref_slice %arg5[%add3A, %dma_start3A_625] : memref<32x16xf32, #tpu.memory_space<hbm>> -> memref<1x16xf32, #tpu.memory_space<hbm>>
      %dma_start3A_627 = tpu.memref_squeeze %dma_start3A_626 : memref<1x16xf32, #tpu.memory_space<hbm>> -> memref<16xf32, #tpu.memory_space<hbm>>
      tpu.enqueue_dma source(%arg11 : memref<16xf32, #tpu.memory_space<vmem>>) target(%dma_start3A_627 : memref<16xf32, #tpu.memory_space<hbm>>) target_semaphore(%run_scoped3A : memref<!tpu.dma_semaphore, #tpu.memory_space<semaphore_mem>>)
      %dma_wait3A_628 = arith.constant 0 : i32
      %dma_wait3A_629 = tpu.memref_slice %arg5[%add3A, %dma_wait3A_628] : memref<32x16xf32, #tpu.memory_space<hbm>> -> memref<1x16xf32, #tpu.memory_space<hbm>>
      %dma_wait3A_630 = tpu.memref_squeeze %dma_wait3A_629 : memref<1x16xf32, #tpu.memory_space<hbm>> -> memref<16xf32, #tpu.memory_space<hbm>>
      %dma_wait3A_631 = arith.constant 0 : i32
      %dma_wait3A_632 = tpu.memref_slice %arg5[%add3A, %dma_wait3A_631] : memref<32x16xf32, #tpu.memory_space<hbm>> -> memref<1x16xf32, #tpu.memory_space<hbm>>
      %dma_wait3A_633 = tpu.memref_squeeze %dma_wait3A_632 : memref<1x16xf32, #tpu.memory_space<hbm>> -> memref<16xf32, #tpu.memory_space<hbm>>
      tpu.wait_dma2 semaphore(%run_scoped3A : memref<!tpu.dma_semaphore, #tpu.memory_space<semaphore_mem>>) src(%arg11 : memref<16xf32, #tpu.memory_space<vmem>>) dst(%dma_wait3A_633 : memref<16xf32, #tpu.memory_space<hbm>>)
      tpu.yield
    }) : () -> ()
    return
  }
}

</mosaic_0001>

<sc_bundles>
// kernel: kernel.3.cloned.1.call-start
scs
__scs_entry_jumppad:
0x0: {  	(pc) =	sbr.rel $0x88, $3  }
0x1: {  	(tag) =	ssettag $0x0;
	lr =	simm.s32 $0x1  }
0x2: {  	[smem:$0x3F9E] =	sst lr;
	_ =	strace $0xD0000000  }
0x3: {  	_ = 	snop  }
0x4: {  	_ = 	snop  }
0x5: {  	_ = 	snop  }
0x6: {  	_ = 	snop  }
0x7: {  	_ = 	snop  }
__scs_overlays_trampoline_lowered:
0x8: {  	[smem:$0x3FAD] =	sst s0  }
0x9: {  	[smem:$0x3FAE] =	sst s1  }
0xa: {  	[smem:$0x3FAF] =	sst s2  }
0xb: {  	[smem:$0x3FB0] =	sst s3  }
0xc: {  	[smem:$0x3FB1] =	sst s4  }
0xd: {  	[smem:$0x3FB2] =	sst s5  }
0xe: {  	[smem:$0x3FB3] =	sst s6  }
0xf: {  	[smem:$0x3FB4] =	sst s7  }
0x10: {  	[smem:$0x3FB5] =	sst s8  }
0x11: {  	[smem:$0x3FB6] =	sst s9;
	s0 =	simm.s32 @!p0 $0x0  }
0x12: {  	s1 =	sld [smem:$0x3F9C];
	s0 =	simm.s32 @p0 $0x1  }
0x13: {  	[smem:$0x3FB7] =	sst s0;
	s0 =	simm.s32 @!p1 $0x0  }
0x14: {  	s2 =	sld [smem:$0x3F9B];
	s0 =	simm.s32 @p1 $0x1  }
0x15: {  	[smem:$0x3FB8] =	sst s0;
	s0 =	simm.s32 @!p2 $0x0  }
0x16: {  	s3 =	sld [smem:$0x3FDB];
	s0 =	simm.s32 @p2 $0x1  }
0x17: {  	s4 =	simm.s32 $0x1BF5;
	[smem:$0x3FBA] =	sst s0  }
0x18: {  	s0 =	sld [smem:$0x3F9D];
	_ =	swait.ge [sflag:s4], $0x0  }
0x19: {  	s7 =	sld [smem:$0x3F9E]  }
0x1a: {  	s8 =	sadd.s32 $0xFFFFE003, lr  }
0x1b: {  	s9 =	sadd.s32 $0xFFFFFEF7, lr;
	s5 =	simm.s32 $0xFFFFFFFF;
	p2 =	slt.u32 s8, $0xFFFFF086  }
0x1c: {  	p1 =	slt.u32 s9, $0xF7A;
	s5 =	simm.s32 @!p2 $0x0  }
0x1d: {  	s5 =	simm.s32 @p1 $0x1;
	p0 =	seq.s32 s7, s2  }
0x1e: {  	s7 =	smul.u32 @!p0 $0xF7A, s2;
	p2 =	seq.s32 @!p0 s5, $0x0  }
0x1f: {  	s9 =	smul.u32 $0xF7A, s1;
	s8 =	simm.s32 @!p0 $0x1BF5;
	p2 =	por !p2, p0  }
0x20: {  	[sflag:s8] =	ssyncset.s32 @!p0 $0xFFFFF086;
	s6 =	sadd.s32 @!p0 s3, s7;
	s7 =	simm.s32 @!p0 $0x108  }
0x21: {  	s3 =	sadd.s32 s3, s9;
	s6 =	sadd.s32 @!p0 $0x88, s6;
	s7 =	simm.s32 @p2 $0x1082  }
0x22: {  	[simem:s7], [sflag:s8] =	dma.local @!p0 [hbm:s6], $0xF7A  }
0x23: {  	s9 =	sor.u32 $0xD0000000, s2;
	s6 =	simm.s32 $0x108;
	_ =	swait.ge @!p0 [sflag:s8], $0x0  }
0x24: {  	s3 =	sadd.s32 $0x88, s3;
	s6 =	simm.s32 @!p1 $0x1082;
	[sflag:s4] =	ssyncset.s32 $0xFFFFF086  }
0x25: {  	[simem:s6], [sflag:s4] =	dma.local [hbm:s3], $0xF7A  }
0x26: {  	[smem:$0x3F9E] =	sst s1;
	(tag) =	ssettag s2;
	_ =	strace s9  }
0x27: {  	s1 =	sld [smem:$0x3FAE]  }
0x28: {  	s2 =	sld [smem:$0x3FAF]  }
0x29: {  	s4 =	sld [smem:$0x3FB1]  }
0x2a: {  	p0 =	seq.s32 s5, $0x0;
	s5 =	sld [smem:$0x3FB2]  }
0x2b: {  	s6 =	sld [smem:$0x3FB3]  }
0x2c: {  	s7 =	sld [smem:$0x3FB4]  }
0x2d: {  	s3 =	simm.s32 $0x108;
	s8 =	sld [smem:$0x3FB5]  }
0x2e: {  	s3 =	simm.s32 @!p0 $0x1082;
	s9 =	sld [smem:$0x3FB6]  }
0x2f: {  	lr =	sadd.s32 s0, s3;
	s0 =	sld [smem:$0x3FAD]  }
0x30: {  	s3 =	sld [smem:$0x3FB0]  }
0x31: {  	[smem:$0x3FB9] =	sst s10  }
0x32: {  	s10 =	sld [smem:$0x3FB7];
	_ =	sdelay $0x3  }
0x33: {  	p0 =	seq.s32 s10, $0x1;
	s10 =	sld [smem:$0x3FB9];
	_ =	sdelay $0x3  }
0x34: {  	[smem:$0x3FB9] =	sst s10  }
0x35: {  	s10 =	sld [smem:$0x3FB8];
	_ =	sdelay $0x3  }
0x36: {  	p1 =	seq.s32 s10, $0x1;
	s10 =	sld [smem:$0x3FB9];
	_ =	sdelay $0x3  }
0x37: {  	[smem:$0x3FB9] =	sst s10  }
0x38: {  	s10 =	sld [smem:$0x3FBA]  }
0x39: {  	_ = 	snop;
	(pc) =	sbr.ind lr, $3  }
0x3a: {  	_ = 	snop  }
0x3b: {  	_ = 	snop  }
0x3c: {  	p2 =	seq.s32 s10, $0x1;
	s10 =	sld [smem:$0x3FB9]  }
0x3d: {  	_ =	shalt  }
0x3e: {  	_ =	shalt  }
0x3f: {  	_ =	shalt  }
0x40: {  	_ =	shalt  }
0x41: {  	_ =	shalt  }
0x42: {  	_ =	shalt  }
0x43: {  	_ =	shalt  }
0x44: {  	_ =	shalt  }
0x45: {  	_ =	shalt  }
0x46: {  	_ =	shalt  }
0x47: {  	_ =	shalt  }
0x48: {  	_ =	shalt  }
0x49: {  	_ =	shalt  }
0x4a: {  	_ =	shalt  }
0x4b: {  	_ =	shalt  }
0x4c: {  	_ =	shalt  }
0x4d: {  	_ =	shalt  }
0x4e: {  	_ =	shalt  }
0x4f: {  	_ =	shalt  }
0x50: {  	_ =	shalt  }
0x51: {  	_ =	shalt  }
0x52: {  	_ =	shalt  }
0x53: {  	_ =	shalt  }
0x54: {  	_ =	shalt  }
0x55: {  	_ =	shalt  }
0x56: {  	_ =	shalt  }
0x57: {  	_ =	shalt  }
0x58: {  	_ =	shalt  }
0x59: {  	_ =	shalt  }
0x5a: {  	_ =	shalt  }
0x5b: {  	_ =	shalt  }
0x5c: {  	_ =	shalt  }
0x5d: {  	_ =	shalt  }
0x5e: {  	_ =	shalt  }
0x5f: {  	_ =	shalt  }
0x60: {  	_ =	shalt  }
0x61: {  	_ =	shalt  }
0x62: {  	_ =	shalt  }
0x63: {  	_ =	shalt  }
0x64: {  	_ =	shalt  }
0x65: {  	_ =	shalt  }
0x66: {  	_ =	shalt  }
0x67: {  	_ =	shalt  }
0x68: {  	_ =	shalt  }
0x69: {  	_ =	shalt  }
0x6a: {  	_ =	shalt  }
0x6b: {  	_ =	shalt  }
0x6c: {  	_ =	shalt  }
0x6d: {  	_ =	shalt  }
0x6e: {  	_ =	shalt  }
0x6f: {  	_ =	shalt  }
0x70: {  	_ =	shalt  }
0x71: {  	_ =	shalt  }
0x72: {  	_ =	shalt  }
0x73: {  	_ =	shalt  }
0x74: {  	_ =	shalt  }
0x75: {  	_ =	shalt  }
0x76: {  	_ =	shalt  }
0x77: {  	_ =	shalt  }
0x78: {  	_ =	shalt  }
0x79: {  	_ =	shalt  }
0x7a: {  	_ =	shalt  }
0x7b: {  	_ =	shalt  }
0x7c: {  	_ =	shalt  }
0x7d: {  	_ =	shalt  }
0x7e: {  	_ =	shalt  }
0x7f: {  	_ =	shalt  }
0x80: {  	_ =	shalt  }
0x81: {  	_ =	shalt  }
0x82: {  	_ =	shalt  }
0x83: {  	_ =	shalt  }
0x84: {  	_ =	shalt  }
0x85: {  	_ =	shalt  }
0x86: {  	_ =	shalt  }
0x87: {  	_ =	shalt  }
.Lfunc_end0:
.L_simem_size_0:
called_computation_lowered:
.L_overlay_start_0:
0x88: {  	s2 =	sld [smem:$0x3FD9]  }
0x89: {  	s3 =	sld [smem:$0x3FFE];
	_ =	sdelay $0x1  }
0x8a: {  	s1 =	srdreg.scid  }
0x8b: {  	s0 =	sand.u32 $0x1, s1  }
0x8c: {  	s17 =	sshll.u32 s0, $0xA;
	s2 =	sadd.s32 s3, s2  }
0x8d: {  	s2 =	sadd.s32 s2, s17  }
0x8e: {  	[smem:$0x3FC5] =	sst s2  }
0x8f: {  	_ = 	snop  }
0x90: {  	s2 =	sld [smem:$0x3FC9]  }
0x91: {  	s18 =	sld [smem:$0x3FC8]  }
0x92: {  	s4 =	sld [smem:$0x3FC7];
	(tm) =	ssettm $0x1  }
0x93: {  	s5 =	sld [smem:$0x3FFB];
	_ =	sdelay $0x3  }
0x94: {  	_ =	strace s5  }
0x95: {  	s5 =	sld [smem:$0x3FFC];
	_ =	sdelay $0x3  }
0x96: {  	_ =	strace s5  }
0x97: {  	s5 =	sld [smem:$0x3FFD];
	_ =	sdelay $0x3  }
0x98: {  	_ =	strace s5  }
0x99: {  	_ =	strace $0x8FFFFFFF  }
0x9a: {  	s19 =	sld [smem:$0x3FDB];
	_ =	sdelay $0x1  }
0x9b: {  	s6 =	simm.s32 $_scs_section_size  }
0x9c: {  	s7 =	simm.s32 $_size__tile_overlayer_lowered;
	s8 =	simm.s32 $_tile_overlayer_lowered  }
0x9d: {  	s22 =	simm.s32 $0x1BFF;
	s21 =	sshll.u32 s8, $0x1;
	s5 =	sadd.s32 s6, s19  }
0x9e: {  	s9 =	simm.s32 $0x0;
	s20 =	sshll.u32 s7, $0x1;
	s7 =	sadd.s32 s21, s5  }
0x9f: {  	[timem:s9], [sflag:s22] =	dma.local [hbm:s7], s20  }
0xa0: {  	_ =	swait.ge [sflag:s22], s20  }
0xa1: {  	s6 =	ssub.s32 $0x0, s20;
	[sflag:s22] =	ssyncset.done $0x0  }
0xa2: {  	[sflag:s22] =	ssyncadd.s32 s6;
	_ =	sdelay $0x1  }
0xa3: {  	s23 =	simm.s32 $0x1B8B  }
0xa4: {  	_ =	swait.ge [sflag:s23], $0x1  }
0xa5: {  	[sflag:s23] =	ssyncset.done $0x0  }
0xa6: {  	s25 =	simm.s32 $0x1B8E;
	s24 =	sld [smem:$0x3FFE];
	[sflag:s23] =	ssyncadd.s32 $0xFFFFFFFF  }
0xa7: {  	s26 =	simm.s32 $execute0_lowered;
	[smem:$0x3FD2] =	sst s25  }
0xa8: {  	s7 =	sshll.u32 s26, $0x1;
	_ =	strace $0x80000046;
	[dreg:$0x1] =	wrdreg $0xFFFFFFFF  }
0xa9: {  	s28 =	simm.s32 $_size_execute0_lowered;
	s5 =	sadd.s32 s5, s7;
	[dreg:$0x0] =	wrdreg $0x0  }
0xaa: {  	s7 =	sshll.u32 s28, $0x1;
	[dreg:$0x2] =	wrdreg s5  }
0xab: {  	[dreg:$0x3] =	wrdreg s7  }
0xac: {  	[dreg:$0x4] =	wrdreg $0xC0  }
0xad: {  	_ =	task [dreg:s9], $0x5FFFF  }
0xae: {  	[dreg:$0x1] =	wrdreg $0xFFFFFFFF  }
0xaf: {  	[dreg:$0x0] =	wrdreg $0x60  }
0xb0: {  	[dreg:$0x2] =	wrdreg s2  }
0xb1: {  	[dreg:$0x3] =	wrdreg s18  }
0xb2: {  	[dreg:$0x4] =	wrdreg s4  }
0xb3: {  	[dreg:$0x5] =	wrdreg s24  }
0xb4: {  	[dreg:$0x6] =	wrdreg $0x9  }
0xb5: {  	_ =	task.clear_ibuf [dreg:s9], $0x7FFFF;
	_ =	strace $0x90000046  }
0xb6: {  	s29 =	simm.s32 $0x9;
	_ =	strace $0x80000048  }
0xb7: {  	_ =	swait.ge [sflag:s29], $0x1  }
0xb8: {  	[sflag:s29] =	ssyncadd.s32 $0xFFFFFFFF  }
0xb9: {  	_ =	strace $0x90000048  }
0xba: {  	_ =	sfence  }
0xbb: {  	s30 =	sld [smem:$0x0];
	_ =	sdelay $0x2  }
0xbc: {  	s31 =	sshll.u32 s1, $0xD;
	s1 =	sshrl.u32 s1, $0x2  }
0xbd: {  	s3 =	sand.u32 $0x4000, s31;
	s1 =	sadd.s32 s1, s30  }
0xbe: {  	s0 =	sor.u32 s3, s0;
	s1 =	sshll.u32 s1, $0x11  }
0xbf: {  	s0 =	sor.u32 s1, s0  }
0xc0: {  	s0 =	sadd.s32 $0x8F2B, s0  }
0xc1: {  	[sflag:s0] =	ssyncadd.remote.s32 $0x1  }
0xc2: {  	_ =	sfence.sel $0xFFFF  }
0xc3: {  	[dreg:$0x0] =	wrdreg $0xFFFFFFFF;
	(pc) =	sbr.abs _section_cstart, $3  }
0xc4: {  	[dreg:$0x1] =	wrdreg $0xFFFFFFFF  }
0xc5: {  	_ =	task.clear_ibuf [dreg:s9], $0x2FFFF;
	_ =	strace $0x9FFFFFFF  }
0xc6: {  	(tm) =	ssettm $0x7FFFFFFF  }
0xc7: {  	_ =	shalt  }
tec
execute0_lowered:
.L_overlay_start_1:
0x0: {  	(tag) =	ssettag $0x1  }
0x1: {  	s0 =	rddreg [dreg:$0x0]  }
0x2: {  	s1 =	rddreg [dreg:$0x1]  }
0x3: {  	s3 =	rddreg [dreg:$0x2]  }
0x4: {  	s2 =	rddreg [dreg:$0x3]  }
0x5: {  	s5 =	srdreg.scid;
	s8 =	stileid.u32;
	s4 =	simm.s32 $0x0  }
0x6: {  	s28 =	simm.s32 $0x18000;
	s29 =	simm.s32 $0x1B000;
	s30 =	simm.s32 $0x80  }
0x7: {  	s31 =	simm.s32 $0x400;
	s5 =	sand.u32 $0x1, s5;
	s6 =	sshll.u32 s8, $0x1  }
0x8: {  	[smem:$0x7FF] =	sst s4;
	s8 =	sshll.u32 s8, $0x10;
	s24 =	sadd.s32 $0x600, s1  }
0x9: {  	s25 =	sadd.s32 $0x600, s3;
	s15 =	sadd.s32 $0x900, s1;
	s16 =	sadd.s32 $0x900, s3  }
0xa: {  	s17 =	sadd.s32 $0xC00, s1;
	s18 =	sadd.s32 $0xC00, s3;
	s6 =	sor.u32 s5, s6  }
0xb: {  	s5 =	ssub.s32 $0x2, s5;
	_ =	strace $0x80000047;
	[dreg:$0xb] =	wrdreg s24  }
0xc: {  	s8 =	sand.u32 $0xE0000, s8;
	[dreg:$0xc] =	wrdreg s25;
	s24 =	sadd.s32 $0x1500, s1  }
0xd: {  	s7 =	sshll.u32 s6, $0x8;
	s9 =	sshrl.u32 s5, $0x1;
	s10 =	sor.u32 $0x100000, s8  }
0xe: {  	s11 =	sor.u32 $0x200000, s8;
	s26 =	sshll.u32 s6, $0x4;
	s7 =	sand.u32 $0x300, s7  }
0xf: {  	s6 =	simm.s32 $0x1C800;
	s5 =	ssub.s32 s5, s9;
	s19 =	sor.u32 s8, s7  }
0x10: {  	s20 =	sor.u32 s10, s7;
	s12 =	sor.u32 s11, s7;
	s7 =	sor.u32 $0x80, s7  }
0x11: {  	s25 =	smax.u32 s5, $0x1;
	s5 =	simm.s32 $0x19800;
	s9 =	sshrl.u32 s19, $0x3  }
0x12: {  	s12 =	sshrl.u32 s12, $0x3;
	s8 =	sor.u32 s8, s7;
	s22 =	sor.u32 s10, s7  }
0x13: {  	s7 =	sor.u32 s11, s7;
	s11 =	sadd.s32 $0x300, s1;
	s19 =	sadd.s32 $0xF00, s1  }
0x14: {  	s9 =	sadd.s32 s0, s9;
	s21 =	sadd.s32 s0, s12;
	s8 =	sshrl.u32 s8, $0x3  }
0x15: {  	s23 =	sshrl.u32 s22, $0x3;
	s7 =	sshrl.u32 s7, $0x3;
	s12 =	sadd.s32 $0x300, s3  }
0x16: {  	s22 =	sadd.s32 $0x1200, s3;
	[dreg:$0x5] =	wrdreg s9;
	s9 =	sshrl.u32 s20, $0x3  }
0x17: {  	[dreg:$0x7] =	wrdreg s21;
	s8 =	sadd.s32 s0, s8;
	s20 =	sadd.s32 $0xF00, s3  }
0x18: {  	s21 =	sadd.s32 $0x1200, s1;
	s9 =	sadd.s32 s0, s9;
	[dreg:$0x8] =	wrdreg s8  }
0x19: {  	s8 =	sadd.s32 s0, s23;
	s0 =	sadd.s32 s0, s7;
	[dreg:$0x6] =	wrdreg s9  }
0x1a: {  	s23 =	sadd.s32 s2, s26;
	s26 =	sadd.s32 $0x1500, s3;
	[dreg:$0x9] =	wrdreg s8  }
0x1b: {  	s2 =	simm.s32 $0x3;
	s7 =	simm.s32 $0x2;
	[dreg:$0xa] =	wrdreg s0  }
0x1c: {  	vm0 =	vmmov $0x1;
	s0 =	simm.s32 $0x1;
	s8 =	simm.s32 $0x4;
	s9 =	simm.s32 $0x0  }
.LBB2_1:
0x1d: {  	[tilespmem:s28], [sflag:$0x1] =	stream.linear.gather [hbm4b:s1+s4], $0x1800, $0x38;
	[tilespmem:$0x1E080] =	vst v63  }
0x1e: {  	_ = 	snop  }
0x1f: {  	[tilespmem:s29], [sflag:$0x1] =	stream.linear.gather [hbm4b:s3+s4], $0x1800, $0x38;
	[tilespmem:$0x1E080] =	vst v63  }
0x20: {  	s10 =	rddreg [dreg:$0x5]  }
0x21: {  	[tilespmem:s4], [sflag:$0x3] =	stream.strided.gather [hbm4b:s10+s30], $0x4000, s31, s30, $0x38;
	[tilespmem:$0x1E080] =	vst v63  }
0x22: {  	s14 =	rddreg [dreg:$0x6];
	s13 =	simm.s32 $0x4000  }
0x23: {  	[tilespmem:s13], [sflag:$0x3] =	stream.strided.gather [hbm4b:s14+s30], $0x4000, s31, s30, $0x38;
	[tilespmem:$0x1E080] =	vst v63  }
0x24: {  	s13 =	rddreg [dreg:$0x7];
	s14 =	simm.s32 $0x8000  }
0x25: {  	[tilespmem:s14], [sflag:$0x3] =	stream.strided.gather [hbm4b:s13+s30], $0x4000, s31, s30, $0x38;
	[tilespmem:$0x1E080] =	vst v63  }
0x26: {  	s13 =	rddreg [dreg:$0x8];
	s14 =	simm.s32 $0xC000  }
0x27: {  	[tilespmem:s14], [sflag:$0x3] =	stream.strided.gather [hbm4b:s13+s30], $0x4000, s31, s30, $0x38;
	[tilespmem:$0x1E080] =	vst v63  }
0x28: {  	s13 =	rddreg [dreg:$0x9];
	s14 =	simm.s32 $0x10000  }
0x29: {  	[tilespmem:s14], [sflag:$0x3] =	stream.strided.gather [hbm4b:s13+s30], $0x4000, s31, s30, $0x38;
	[tilespmem:$0x1E080] =	vst v63  }
0x2a: {  	s13 =	rddreg [dreg:$0xa];
	s14 =	simm.s32 $0x14000  }
0x2b: {  	[tilespmem:s14], [sflag:$0x3] =	stream.strided.gather [hbm4b:s13+s30], $0x4000, s31, s30, $0x38;
	[tilespmem:$0x1E080] =	vst v63  }
0x2c: {  	_ =	swait.ge [sflag:s2], $0x4000  }
0x2d: {  	[sflag:s2] =	ssyncset.done $0x0  }
0x2e: {  	[sflag:s2] =	ssyncadd.s32 $0xFFFFC000  }
0x2f: {  	_ =	swait.ge [sflag:s2], $0x4000  }
0x30: {  	[sflag:s2] =	ssyncset.done $0x0  }
0x31: {  	[sflag:s2] =	ssyncadd.s32 $0xFFFFC000  }
0x32: {  	_ =	swait.ge [sflag:s2], $0x4000  }
0x33: {  	[sflag:s2] =	ssyncset.done $0x0  }
0x34: {  	[sflag:s2] =	ssyncadd.s32 $0xFFFFC000  }
0x35: {  	_ =	swait.ge [sflag:s0], $0x1800  }
0x36: {  	[sflag:s0] =	ssyncset.done $0x0  }
0x37: {  	[sflag:s0] =	ssyncadd.s32 $0xFFFFE800  }
0x38: {  	_ =	swait.ge [sflag:s0], $0x1800  }
0x39: {  	[sflag:s0] =	ssyncset.done $0x0  }
0x3a: {  	[sflag:s0] =	ssyncadd.s32 $0xFFFFE800  }
0x3b: {  	[tilespmem:s5], [sflag:$0x2] =	stream.linear.gather [hbm4b:s11+s4], $0x1800, $0x38;
	[tilespmem:$0x1E080] =	vst v63  }
0x3c: {  	s14 =	simm.s32 $0x18020  }
0x3d: {  	[tilespmem:s6], [sflag:$0x2] =	stream.linear.gather [hbm4b:s12+s4], $0x1800, $0x38;
	[tilespmem:$0x1E080] =	vst v63  }
0x3e: {  	s10 =	simm.s32 $0x1B020;
	v0 =	vld [tilespmem:s14+$0x10]  }
0x3f: {  	v1 =	vld [tilespmem:s10+$0x10]  }
0x40: {  	v2 =	vld [tilespmem:s14+$0x0]  }
0x41: {  	v4 =	vld [tilespmem:s10+$0x0]  }
0x42: {  	v8 =	vld [tilespmem:s14+$0xFFFFFFF0]  }
0x43: {  	v9 =	vld [tilespmem:s10+$0xFFFFFFF0]  }
0x44: {  	v3 =	vld [tilespmem:s14+$0xFFFFFFE0]  }
0x45: {  	v7 =	vld [tilespmem:s10+$0xFFFFFFE0]  }
0x46: {  	v11 =	vld.idx.msk [tilespmem:v0+s4+$0x0], $0xffff  }
0x47: {  	v12 =	vld.idx.msk [tilespmem:v1+s4+$0x0], $0xffff  }
0x48: {  	v13 =	vld.idx.msk [tilespmem:v2+s4+$0x0], $0xffff  }
0x49: {  	v5 =	vadd.s32 $0x4000, v0;
	v20 =	vld.idx.msk [tilespmem:v4+s4+$0x0], $0xffff  }
0x4a: {  	v6 =	vadd.s32 $0x4000, v1;
	v21 =	vld.idx.msk [tilespmem:v8+s4+$0x0], $0xffff  }
0x4b: {  	v10 =	vadd.s32 $0x4000, v2;
	v22 =	vld.idx.msk [tilespmem:v9+s4+$0x0], $0xffff  }
0x4c: {  	v14 =	vadd.s32 $0x4000, v4;
	v23 =	vld.idx.msk [tilespmem:v3+s4+$0x0], $0xffff  }
0x4d: {  	v16 =	vadd.s32 $0x4000, v9;
	v24 =	vld.idx.msk [tilespmem:v7+s4+$0x0], $0xffff  }
0x4e: {  	v17 =	vadd.s32 $0x4000, v3;
	v25 =	vld.idx.msk [tilespmem:v5+s4+$0x0], $0xffff  }
0x4f: {  	v2 =	vadd.s32 $0x8000, v2;
	v26 =	vld.idx.msk [tilespmem:v6+s4+$0x0], $0xffff  }
0x50: {  	v18 =	vadd.s32 $0x4000, v7;
	v5 =	vld.idx.msk [tilespmem:v10+s4+$0x0], $0xffff  }
0x51: {  	v15 =	vadd.s32 $0x4000, v8;
	v6 =	vld.idx.msk [tilespmem:v14+s4+$0x0], $0xffff  }
0x52: {  	v9 =	vadd.s32 $0x8000, v9;
	v10 =	vld.idx.msk [tilespmem:v16+s4+$0x0], $0xffff  }
0x53: {  	v14 =	vadd.s32 $0x8000, v3;
	v16 =	vld.idx.msk [tilespmem:v17+s4+$0x0], $0xffff  }
0x54: {  	v3 =	vld.idx.msk [tilespmem:v2+s4+$0x0], $0xffff;
	v2 =	vadd.s32 $0x8000, v7  }
0x55: {  	v8 =	vadd.s32 $0x8000, v8;
	v17 =	vld.idx.msk [tilespmem:v18+s4+$0x0], $0xffff  }
0x56: {  	v4 =	vadd.s32 $0x8000, v4;
	v7 =	vld.idx.msk [tilespmem:v15+s4+$0x0], $0xffff  }
0x57: {  	v27 =	vadd.s32 $0x8000, v0;
	v15 =	vld.idx.msk [tilespmem:v9+s4+$0x0], $0xffff  }
0x58: {  	v1 =	vadd.s32 $0x8000, v1;
	v18 =	vld.idx.msk [tilespmem:v14+s4+$0x0], $0xffff  }
0x59: {  	v19 =	vld.idx.msk [tilespmem:v2+s4+$0x0], $0xffff  }
0x5a: {  	v14 =	vld.idx.msk [tilespmem:v8+s4+$0x0], $0xffff;
	v8 =	vsub.f32 v25, v26  }
0x5b: {  	v2 =	vsub.f32 v13, v20;
	v13 =	vld.idx.msk [tilespmem:v4+s4+$0x0], $0xffff;
	v20 =	vsub.f32 v21, v22  }
0x5c: {  	v0 =	vimm.f32 $0.0e+00;
	v4 =	vsub.f32 v11, v12;
	v11 =	vld.idx.msk [tilespmem:v27+s4+$0x0], $0xffff;
	v21 =	vsub.f32 v23, v24  }
0x5d: {  	s13 =	simm.s32 $0x0;
	s14 =	simm.s32 $0x18060;
	v12 =	vld.idx.msk [tilespmem:v1+s4+$0x0], $0xffff;
	v1 =	vimm.f32 $0.0e+00;
	v9 =	vmul.f32 v2, v2;
	v2 =	vimm.f32 $0.0e+00  }
.LBB2_2:
0x5e: {  	v22 =	vld [tilespmem:s14+$0x10];
	v16 =	vsub.f32 v16, v17;
	v17 =	vsub.f32 v18, v19;
	v18 =	vmul.f32 v20, v20;
	s10 =	sadd.s32 $0x40, s10  }
0x5f: {  	v7 =	vsub.f32 v7, v10;
	v5 =	vsub.f32 v5, v6;
	v20 =	vld [tilespmem:s10+$0x10];
	v19 =	vmul.f32 v21, v21  }
0x60: {  	v14 =	vsub.f32 v14, v15;
	v6 =	vld [tilespmem:s14+$0x0];
	v10 =	vmul.f32 v16, v16;
	v16 =	vmul.f32 v17, v17  }
0x61: {  	v7 =	vmul.f32 v7, v7;
	v3 =	vsub.f32 v3, v13;
	v15 =	vld [tilespmem:s10+$0x0];
	v0 =	vadd.f32 v19, v0  }
0x62: {  	v13 =	vld [tilespmem:s14+$0xFFFFFFF0];
	v1 =	vadd.f32 v10, v1;
	v2 =	vadd.f32 v16, v2;
	v10 =	vmul.f32 v14, v14  }
0x63: {  	v5 =	vmul.f32 v5, v5;
	v11 =	vsub.f32 v11, v12;
	v14 =	vld [tilespmem:s10+$0xFFFFFFF0];
	v0 =	vadd.f32 v18, v0  }
0x64: {  	v3 =	vmul.f32 v3, v3;
	v12 =	vld [tilespmem:s14+$0xFFFFFFE0];
	v1 =	vadd.f32 v7, v1;
	v2 =	vadd.f32 v10, v2  }
0x65: {  	v4 =	vmul.f32 v4, v4;
	v8 =	vmul.f32 v8, v8;
	v7 =	vld [tilespmem:s10+$0xFFFFFFE0];
	v0 =	vadd.f32 v9, v0  }
0x66: {  	v9 =	vld.idx.msk [tilespmem:v22+s4+$0x0], $0xffff;
	v1 =	vadd.f32 v5, v1;
	v2 =	vadd.f32 v3, v2;
	v3 =	vmul.f32 v11, v11  }
0x67: {  	v11 =	vld.idx.msk [tilespmem:v20+s4+$0x0], $0xffff;
	v0 =	vadd.f32 v4, v0  }
0x68: {  	v4 =	vld.idx.msk [tilespmem:v6+s4+$0x0], $0xffff;
	v1 =	vadd.f32 v8, v1;
	v2 =	vadd.f32 v3, v2  }
0x69: {  	v3 =	vadd.s32 $0x4000, v22;
	v8 =	vld.idx.msk [tilespmem:v15+s4+$0x0], $0xffff  }
0x6a: {  	v5 =	vadd.s32 $0x4000, v20;
	v21 =	vld.idx.msk [tilespmem:v13+s4+$0x0], $0xffff  }
0x6b: {  	v10 =	vadd.s32 $0x4000, v6;
	v23 =	vld.idx.msk [tilespmem:v14+s4+$0x0], $0xffff  }
0x6c: {  	v16 =	vadd.s32 $0x4000, v15;
	v24 =	vld.idx.msk [tilespmem:v12+s4+$0x0], $0xffff  }
0x6d: {  	v17 =	vadd.s32 $0x8000, v6;
	v25 =	vld.idx.msk [tilespmem:v7+s4+$0x0], $0xffff  }
0x6e: {  	s13 =	sadd.s32 $0x4, s13;
	v18 =	vadd.s32 $0x4000, v13;
	v26 =	vld.idx.msk [tilespmem:v3+s4+$0x0], $0xffff  }
0x6f: {  	p0 =	slt.u32 s13, $0x17C;
	v19 =	vadd.s32 $0x4000, v14;
	v27 =	vld.idx.msk [tilespmem:v5+s4+$0x0], $0xffff  }
0x70: {  	v28 =	vadd.s32 $0x4000, v12;
	v5 =	vld.idx.msk [tilespmem:v10+s4+$0x0], $0xffff  }
0x71: {  	v29 =	vadd.s32 $0x4000, v7;
	v6 =	vld.idx.msk [tilespmem:v16+s4+$0x0], $0xffff  }
0x72: {  	v12 =	vadd.s32 $0x8000, v12;
	v3 =	vld.idx.msk [tilespmem:v17+s4+$0x0], $0xffff  }
0x73: {  	v30 =	vadd.s32 $0x8000, v7;
	v7 =	vld.idx.msk [tilespmem:v18+s4+$0x0], $0xffff  }
0x74: {  	v13 =	vadd.s32 $0x8000, v13;
	v10 =	vld.idx.msk [tilespmem:v19+s4+$0x0], $0xffff  }
0x75: {  	v16 =	vld.idx.msk [tilespmem:v28+s4+$0x0], $0xffff;
	v28 =	vadd.s32 $0x8000, v14  }
0x76: {  	v17 =	vld.idx.msk [tilespmem:v29+s4+$0x0], $0xffff;
	v29 =	vadd.s32 $0x8000, v15  }
0x77: {  	v18 =	vld.idx.msk [tilespmem:v12+s4+$0x0], $0xffff;
	v12 =	vadd.s32 $0x8000, v22  }
0x78: {  	v22 =	vadd.s32 $0x8000, v20;
	v19 =	vld.idx.msk [tilespmem:v30+s4+$0x0], $0xffff  }
.Ltmp0:
0x79: {  	v14 =	vld.idx.msk [tilespmem:v13+s4+$0x0], $0xffff;
	(pc) =	sbr.rel @p0 .LBB2_2-.Ltmp0, $4  }
0x7a: {  	v15 =	vld.idx.msk [tilespmem:v28+s4+$0x0], $0xffff  }
0x7b: {  	v8 =	vsub.f32 v4, v8;
	v13 =	vld.idx.msk [tilespmem:v29+s4+$0x0], $0xffff  }
0x7c: {  	v4 =	vsub.f32 v9, v11;
	v20 =	vsub.f32 v21, v23;
	v11 =	vld.idx.msk [tilespmem:v12+s4+$0x0], $0xffff  }
0x7d: {  	s14 =	sadd.s32 $0x40, s14;
	v9 =	vmul.f32 v8, v8;
	v8 =	vsub.f32 v26, v27;
	v21 =	vsub.f32 v24, v25;
	v12 =	vld.idx.msk [tilespmem:v22+s4+$0x0], $0xffff  }
0x7e: {  	_ =	swait.ge [sflag:s7], $0x1800  }
0x7f: {  	[sflag:s7] =	ssyncset.done $0x0  }
0x80: {  	[sflag:s7] =	ssyncadd.s32 $0xFFFFE800  }
0x81: {  	_ =	swait.ge [sflag:s7], $0x1800  }
0x82: {  	[sflag:s7] =	ssyncset.done $0x0  }
0x83: {  	s10 =	rddreg [dreg:$0xb];
	[sflag:s7] =	ssyncadd.s32 $0xFFFFE800  }
0x84: {  	[tilespmem:s28], [sflag:$0x1] =	stream.linear.gather [hbm4b:s10+s4], $0x1800, $0x38;
	[tilespmem:$0x1E080] =	vst v63  }
0x85: {  	s13 =	simm.s32 $0x19820;
	s14 =	rddreg [dreg:$0xc]  }
0x86: {  	[tilespmem:s29], [sflag:$0x1] =	stream.linear.gather [hbm4b:s14+s4], $0x1800, $0x38;
	[tilespmem:$0x1E080] =	vst v63  }
0x87: {  	s10 =	simm.s32 $0x1C820;
	v22 =	vld [tilespmem:s13+$0x10]  }
0x88: {  	v23 =	vld [tilespmem:s10+$0x10]  }
0x89: {  	v24 =	vld [tilespmem:s13+$0x0]  }
0x8a: {  	v25 =	vld [tilespmem:s10+$0x0]  }
0x8b: {  	v26 =	vld [tilespmem:s13+$0xFFFFFFF0]  }
0x8c: {  	v27 =	vld [tilespmem:s10+$0xFFFFFFF0]  }
0x8d: {  	v28 =	vld [tilespmem:s13+$0xFFFFFFE0]  }
0x8e: {  	v29 =	vld [tilespmem:s10+$0xFFFFFFE0]  }
0x8f: {  	v30 =	vld.idx.msk [tilespmem:v22+s4+$0x0], $0xffff  }
0x90: {  	v31 =	vld.idx.msk [tilespmem:v23+s4+$0x0], $0xffff  }
0x91: {  	v32 =	vld.idx.msk [tilespmem:v24+s4+$0x0], $0xffff  }
0x92: {  	v34 =	vadd.s32 $0x4000, v22;
	v33 =	vld.idx.msk [tilespmem:v25+s4+$0x0], $0xffff  }
0x93: {  	v16 =	vsub.f32 v16, v17;
	v18 =	vsub.f32 v18, v19;
	v36 =	vadd.s32 $0x4000, v23;
	v35 =	vld.idx.msk [tilespmem:v26+s4+$0x0], $0xffff  }
0x94: {  	v10 =	vsub.f32 v7, v10;
	v20 =	vmul.f32 v20, v20;
	v38 =	vadd.s32 $0x4000, v24;
	v37 =	vld.idx.msk [tilespmem:v27+s4+$0x0], $0xffff  }
0x95: {  	v4 =	vmul.f32 v4, v4;
	v7 =	vmul.f32 v21, v21;
	v17 =	vadd.s32 $0x4000, v25;
	v39 =	vld.idx.msk [tilespmem:v28+s4+$0x0], $0xffff  }
0x96: {  	v21 =	vsub.f32 v5, v6;
	v14 =	vsub.f32 v14, v15;
	v19 =	vadd.s32 $0x8000, v24;
	v40 =	vld.idx.msk [tilespmem:v29+s4+$0x0], $0xffff  }
0x97: {  	v5 =	vmul.f32 v16, v16;
	v16 =	vmul.f32 v18, v18;
	v63 =	vadd.s32 $0x4000, v26;
	v34 =	vld.idx.msk [tilespmem:v34+s4+$0x0], $0xffff  }
0x98: {  	v13 =	vsub.f32 v3, v13;
	v0 =	vadd.f32 v7, v0;
	v15 =	vadd.s32 $0x4000, v27;
	v36 =	vld.idx.msk [tilespmem:v36+s4+$0x0], $0xffff  }
0x99: {  	v14 =	vmul.f32 v14, v14;
	v1 =	vadd.f32 v5, v1;
	v18 =	vadd.s32 $0x4000, v28;
	v6 =	vld.idx.msk [tilespmem:v38+s4+$0x0], $0xffff  }
0x9a: {  	v16 =	vadd.f32 v16, v2;
	v2 =	vmul.f32 v10, v10;
	v3 =	vadd.s32 $0x4000, v29;
	v7 =	vld.idx.msk [tilespmem:v17+s4+$0x0], $0xffff  }
0x9b: {  	v12 =	vsub.f32 v11, v12;
	v13 =	vmul.f32 v13, v13;
	v22 =	vadd.s32 $0x8000, v22;
	v5 =	vld.idx.msk [tilespmem:v19+s4+$0x0], $0xffff  }
0x9c: {  	v0 =	vadd.f32 v20, v0;
	v14 =	vadd.f32 v14, v16;
	v17 =	vadd.s32 $0x8000, v28;
	v10 =	vld.idx.msk [tilespmem:v63+s4+$0x0], $0xffff  }
0x9d: {  	v1 =	vadd.f32 v2, v1;
	v12 =	vmul.f32 v12, v12;
	v19 =	vadd.s32 $0x8000, v29;
	v11 =	vld.idx.msk [tilespmem:v15+s4+$0x0], $0xffff  }
0x9e: {  	v0 =	vadd.f32 v9, v0;
	v13 =	vadd.f32 v13, v14;
	v15 =	vadd.s32 $0x8000, v26;
	v2 =	vld.idx.msk [tilespmem:v18+s4+$0x0], $0xffff  }
0x9f: {  	v20 =	vmul.f32 v21, v21;
	v18 =	vadd.s32 $0x8000, v27;
	v3 =	vld.idx.msk [tilespmem:v3+s4+$0x0], $0xffff  }
0xa0: {  	v4 =	vadd.f32 v4, v0;
	v0 =	vadd.f32 v12, v13;
	v9 =	vadd.s32 $0x8000, v25;
	v13 =	vld.idx.msk [tilespmem:v22+s4+$0x0], $0xffff  }
0xa1: {  	v23 =	vadd.s32 $0x8000, v23;
	v16 =	vld.idx.msk [tilespmem:v17+s4+$0x0], $0xffff  }
0xa2: {  	v8 =	vmul.f32 v8, v8;
	v1 =	vadd.f32 v20, v1;
	v20 =	vld.idx.msk [tilespmem:v19+s4+$0x0], $0xffff  }
0xa3: {  	v17 =	vld.idx.msk [tilespmem:v15+s4+$0x0], $0xffff  }
0xa4: {  	v1 =	vadd.f32 v8, v1;
	v12 =	vsub.f32 v32, v33;
	v19 =	vld.idx.msk [tilespmem:v18+s4+$0x0], $0xffff  }
0xa5: {  	v21 =	vsub.f32 v35, v37;
	v8 =	vsub.f32 v30, v31;
	v18 =	vld.idx.msk [tilespmem:v9+s4+$0x0], $0xffff  }
0xa6: {  	s14 =	simm.s32 $0x19860;
	s13 =	simm.s32 $0x0;
	v22 =	vsub.f32 v39, v40;
	v12 =	vmul.f32 v12, v12;
	v9 =	vsub.f32 v34, v36;
	v15 =	vld.idx.msk [tilespmem:v23+s4+$0x0], $0xffff  }
.LBB2_4:
0xa7: {  	v14 =	vld [tilespmem:s14+$0x10];
	v2 =	vsub.f32 v2, v3;
	v3 =	vsub.f32 v16, v20;
	v16 =	vmul.f32 v21, v21;
	s10 =	sadd.s32 $0x40, s10  }
0xa8: {  	v10 =	vsub.f32 v10, v11;
	v6 =	vsub.f32 v6, v7;
	v21 =	vld [tilespmem:s10+$0x10];
	v20 =	vmul.f32 v22, v22  }
0xa9: {  	v11 =	vsub.f32 v17, v19;
	v7 =	vld [tilespmem:s14+$0x0];
	v2 =	vmul.f32 v2, v2;
	v3 =	vmul.f32 v3, v3  }
0xaa: {  	v10 =	vmul.f32 v10, v10;
	v5 =	vsub.f32 v5, v18;
	v17 =	vld [tilespmem:s10+$0x0];
	v4 =	vadd.f32 v20, v4  }
0xab: {  	v18 =	vld [tilespmem:s14+$0xFFFFFFF0];
	v1 =	vadd.f32 v2, v1;
	v0 =	vadd.f32 v3, v0;
	v2 =	vmul.f32 v11, v11  }
0xac: {  	v6 =	vmul.f32 v6, v6;
	v11 =	vsub.f32 v13, v15;
	v3 =	vld [tilespmem:s10+$0xFFFFFFF0];
	v4 =	vadd.f32 v16, v4  }
0xad: {  	v13 =	vld [tilespmem:s14+$0xFFFFFFE0];
	v1 =	vadd.f32 v10, v1;
	v0 =	vadd.f32 v2, v0;
	v2 =	vmul.f32 v5, v5  }
0xae: {  	v5 =	vmul.f32 v8, v8;
	v8 =	vmul.f32 v9, v9;
	v10 =	vld [tilespmem:s10+$0xFFFFFFE0];
	v4 =	vadd.f32 v12, v4  }
0xaf: {  	v9 =	vld.idx.msk [tilespmem:v14+s4+$0x0], $0xffff;
	v1 =	vadd.f32 v6, v1;
	v0 =	vadd.f32 v2, v0;
	v2 =	vmul.f32 v11, v11  }
0xb0: {  	v12 =	vld.idx.msk [tilespmem:v21+s4+$0x0], $0xffff;
	v4 =	vadd.f32 v5, v4  }
0xb1: {  	v15 =	vld.idx.msk [tilespmem:v7+s4+$0x0], $0xffff;
	v1 =	vadd.f32 v8, v1;
	v0 =	vadd.f32 v2, v0  }
0xb2: {  	v2 =	vadd.s32 $0x4000, v14;
	v8 =	vld.idx.msk [tilespmem:v17+s4+$0x0], $0xffff  }
0xb3: {  	v5 =	vadd.s32 $0x4000, v21;
	v22 =	vld.idx.msk [tilespmem:v18+s4+$0x0], $0xffff  }
0xb4: {  	v6 =	vadd.s32 $0x4000, v7;
	v23 =	vld.idx.msk [tilespmem:v3+s4+$0x0], $0xffff  }
0xb5: {  	v11 =	vadd.s32 $0x4000, v17;
	v24 =	vld.idx.msk [tilespmem:v13+s4+$0x0], $0xffff  }
0xb6: {  	v16 =	vadd.s32 $0x8000, v7;
	v25 =	vld.idx.msk [tilespmem:v10+s4+$0x0], $0xffff  }
0xb7: {  	s13 =	sadd.s32 $0x4, s13;
	v19 =	vadd.s32 $0x4000, v18;
	v26 =	vld.idx.msk [tilespmem:v2+s4+$0x0], $0xffff  }
0xb8: {  	p0 =	slt.u32 s13, $0x17C;
	v2 =	vadd.s32 $0x4000, v3;
	v27 =	vld.idx.msk [tilespmem:v5+s4+$0x0], $0xffff  }
0xb9: {  	v20 =	vadd.s32 $0x4000, v13;
	v6 =	vld.idx.msk [tilespmem:v6+s4+$0x0], $0xffff  }
0xba: {  	v28 =	vadd.s32 $0x4000, v10;
	v7 =	vld.idx.msk [tilespmem:v11+s4+$0x0], $0xffff  }
0xbb: {  	v13 =	vadd.s32 $0x8000, v13;
	v5 =	vld.idx.msk [tilespmem:v16+s4+$0x0], $0xffff  }
0xbc: {  	v29 =	vadd.s32 $0x8000, v10;
	v10 =	vld.idx.msk [tilespmem:v19+s4+$0x0], $0xffff  }
0xbd: {  	v18 =	vadd.s32 $0x8000, v18;
	v11 =	vld.idx.msk [tilespmem:v2+s4+$0x0], $0xffff  }
0xbe: {  	v19 =	vadd.s32 $0x8000, v3;
	v2 =	vld.idx.msk [tilespmem:v20+s4+$0x0], $0xffff  }
0xbf: {  	v3 =	vld.idx.msk [tilespmem:v28+s4+$0x0], $0xffff;
	v28 =	vadd.s32 $0x8000, v17  }
0xc0: {  	v16 =	vld.idx.msk [tilespmem:v13+s4+$0x0], $0xffff;
	v13 =	vadd.s32 $0x8000, v14  }
0xc1: {  	v14 =	vadd.s32 $0x8000, v21;
	v20 =	vld.idx.msk [tilespmem:v29+s4+$0x0], $0xffff  }
.Ltmp1:
0xc2: {  	v17 =	vld.idx.msk [tilespmem:v18+s4+$0x0], $0xffff;
	(pc) =	sbr.rel @p0 .LBB2_4-.Ltmp1, $4  }
0xc3: {  	v19 =	vld.idx.msk [tilespmem:v19+s4+$0x0], $0xffff  }
0xc4: {  	v15 =	vsub.f32 v15, v8;
	v18 =	vld.idx.msk [tilespmem:v28+s4+$0x0], $0xffff  }
0xc5: {  	v8 =	vsub.f32 v9, v12;
	v21 =	vsub.f32 v22, v23;
	v13 =	vld.idx.msk [tilespmem:v13+s4+$0x0], $0xffff  }
0xc6: {  	s14 =	sadd.s32 $0x40, s14;
	v12 =	vmul.f32 v15, v15;
	v9 =	vsub.f32 v26, v27;
	v22 =	vsub.f32 v24, v25;
	v15 =	vld.idx.msk [tilespmem:v14+s4+$0x0], $0xffff  }
0xc7: {  	_ =	swait.ge [sflag:s2], $0x4000  }
0xc8: {  	[sflag:s2] =	ssyncset.done $0x0  }
0xc9: {  	[sflag:s2] =	ssyncadd.s32 $0xFFFFC000  }
0xca: {  	_ =	swait.ge [sflag:s2], $0x4000  }
0xcb: {  	[sflag:s2] =	ssyncset.done $0x0  }
0xcc: {  	[sflag:s2] =	ssyncadd.s32 $0xFFFFC000  }
0xcd: {  	_ =	swait.ge [sflag:s2], $0x4000  }
0xce: {  	[sflag:s2] =	ssyncset.done $0x0  }
0xcf: {  	[sflag:s2] =	ssyncadd.s32 $0xFFFFC000  }
0xd0: {  	_ =	swait.ge [sflag:s0], $0x1800  }
0xd1: {  	[sflag:s0] =	ssyncset.done $0x0  }
0xd2: {  	[sflag:s0] =	ssyncadd.s32 $0xFFFFE800  }
0xd3: {  	_ =	swait.ge [sflag:s0], $0x1800  }
0xd4: {  	[sflag:s0] =	ssyncset.done $0x0  }
0xd5: {  	[sflag:s0] =	ssyncadd.s32 $0xFFFFE800  }
0xd6: {  	[tilespmem:s5], [sflag:$0x2] =	stream.linear.gather [hbm4b:s15+s4], $0x1800, $0x38;
	[tilespmem:$0x1E080] =	vst v63  }
0xd7: {  	s10 =	simm.s32 $0x18020  }
0xd8: {  	[tilespmem:s6], [sflag:$0x2] =	stream.linear.gather [hbm4b:s16+s4], $0x1800, $0x38;
	[tilespmem:$0x1E080] =	vst v63  }
0xd9: {  	s13 =	simm.s32 $0x1B020;
	v14 =	vld [tilespmem:s10+$0xFFFFFFE0]  }
0xda: {  	v28 =	vld [tilespmem:s13+$0xFFFFFFE0]  }
0xdb: {  	v34 =	vld [tilespmem:s13+$0xFFFFFFF0]  }
0xdc: {  	v23 =	vsub.f32 v2, v3;
	v3 =	vld [tilespmem:s13+$0x10]  }
0xdd: {  	v20 =	vsub.f32 v16, v20;
	v21 =	vmul.f32 v21, v21;
	v10 =	vsub.f32 v10, v11;
	v42 =	vld [tilespmem:s10+$0xFFFFFFF0]  }
0xde: {  	v7 =	vsub.f32 v6, v7;
	v8 =	vmul.f32 v8, v8;
	v22 =	vmul.f32 v22, v22;
	v16 =	vld [tilespmem:s13+$0x0]  }
0xdf: {  	v17 =	vsub.f32 v17, v19;
	v23 =	vmul.f32 v23, v23;
	v20 =	vmul.f32 v20, v20;
	v2 =	vld [tilespmem:s10+$0x10]  }
0xe0: {  	v10 =	vmul.f32 v10, v10;
	v5 =	vsub.f32 v5, v18;
	v4 =	vadd.f32 v22, v4;
	v6 =	vld [tilespmem:s10+$0x0]  }
0xe1: {  	v17 =	vmul.f32 v17, v17;
	v1 =	vadd.f32 v23, v1;
	v0 =	vadd.f32 v20, v0;
	v32 =	vld.idx.msk [tilespmem:v14+s4+$0x0], $0xffff  }
0xe2: {  	v5 =	vmul.f32 v5, v5;
	v21 =	vadd.f32 v21, v4;
	v11 =	vadd.s32 $0xC000, v14;
	v18 =	vld.idx.msk [tilespmem:v28+s4+$0x0], $0xffff  }
0xe3: {  	v1 =	vadd.f32 v10, v1;
	v10 =	vadd.f32 v17, v0;
	v19 =	vadd.s32 $0x8000, v14;
	v22 =	vld.idx.msk [tilespmem:v34+s4+$0x0], $0xffff  }
0xe4: {  	v13 =	vsub.f32 v13, v15;
	v12 =	vadd.f32 v12, v21;
	v23 =	vadd.s32 $0xC000, v42;
	v0 =	vld.idx.msk [tilespmem:v3+s4+$0x0], $0xffff  }
0xe5: {  	v7 =	vmul.f32 v7, v7;
	v5 =	vadd.f32 v5, v10;
	v20 =	vadd.s32 $0xC000, v3;
	v30 =	vld.idx.msk [tilespmem:v42+s4+$0x0], $0xffff  }
0xe6: {  	v10 =	vmul.f32 v13, v13;
	v8 =	vadd.f32 v8, v12;
	v15 =	vadd.s32 $0x10000, v14;
	v12 =	vld.idx.msk [tilespmem:v16+s4+$0x0], $0xffff  }
0xe7: {  	v9 =	vmul.f32 v9, v9;
	v13 =	vadd.s32 $0x14000, v34;
	v4 =	vld.idx.msk [tilespmem:v11+s4+$0x0], $0xffff  }
0xe8: {  	v7 =	vadd.f32 v7, v1;
	v5 =	vadd.f32 v10, v5;
	v10 =	vadd.s32 $0x8000, v3;
	v17 =	vld.idx.msk [tilespmem:v19+s4+$0x0], $0xffff  }
0xe9: {  	v19 =	vadd.s32 $0x8000, v16;
	v11 =	vld.idx.msk [tilespmem:v23+s4+$0x0], $0xffff  }
0xea: {  	v7 =	vadd.f32 v9, v7;
	v1 =	vld.idx.msk [tilespmem:v20+s4+$0x0], $0xffff;
	v20 =	vadd.s32 $0x4000, v34  }
0xeb: {  	v9 =	vimm.f32 $0.0e+00;
	v24 =	vadd.s32 $0x4000, v28;
	v21 =	vadd.s32 $0x4000, v3;
	v15 =	vld.idx.msk [tilespmem:v15+s4+$0x0], $0xffff  }
0xec: {  	v26 =	vadd.s32 $0x8000, v28;
	v25 =	vadd.s32 $0xC000, v28;
	v36 =	vadd.s32 $0xC000, v6;
	v29 =	vld.idx.msk [tilespmem:v13+s4+$0x0], $0xffff  }
0xed: {  	v27 =	vadd.s32 $0x4000, v14;
	v45 =	vadd.s32 $0x10000, v34;
	v31 =	vadd.s32 $0x4000, v42;
	v10 =	vld.idx.msk [tilespmem:v10+s4+$0x0], $0xffff  }
0xee: {  	v35 =	vadd.s32 $0x8000, v42;
	v13 =	vadd.s32 $0x8000, v6;
	v18 =	vsub.f32 v32, v18;
	v19 =	vld.idx.msk [tilespmem:v19+s4+$0x0], $0xffff  }
0xef: {  	v37 =	vadd.s32 $0x8000, v34;
	v38 =	vadd.s32 $0x14000, v16;
	v44 =	vadd.s32 $0x4000, v16;
	v33 =	vld.idx.msk [tilespmem:v20+s4+$0x0], $0xffff  }
0xf0: {  	v39 =	vadd.s32 $0x4000, v6;
	v43 =	vadd.s32 $0xC000, v34;
	v41 =	vmul.f32 v18, v18;
	v20 =	vld.idx.msk [tilespmem:v21+s4+$0x0], $0xffff  }
0xf1: {  	v40 =	vadd.s32 $0x14000, v6;
	v23 =	vadd.s32 $0x10000, v28;
	v32 =	vadd.s32 $0x10000, v42;
	v18 =	vld.idx.msk [tilespmem:v36+s4+$0x0], $0xffff  }
0xf2: {  	v42 =	vadd.s32 $0x14000, v42;
	v21 =	vadd.s32 $0x14000, v2;
	v36 =	vld.idx.msk [tilespmem:v45+s4+$0x0], $0xffff;
	v34 =	vadd.f32 v41, v8  }
0xf3: {  	s14 =	simm.s32 $0x0;
	v41 =	vadd.s32 $0x14000, v28;
	v28 =	vld.idx.msk [tilespmem:v13+s4+$0x0], $0xffff;
	v13 =	vimm.f32 $0.0e+00;
	v8 =	vimm.f32 $0.0e+00  }
.LBB2_6:
0xf4: {  	s14 =	sadd.s32 $0x4, s14;
	v44 =	vld.idx.msk [tilespmem:v44+s4+$0x0], $0xffff;
	s13 =	sadd.s32 $0x40, s13;
	s10 =	sadd.s32 $0x40, s10  }
0xf5: {  	p0 =	slt.u32 s14, $0x17C;
	v43 =	vld.idx.msk [tilespmem:v43+s4+$0x0], $0xffff  }
0xf6: {  	v38 =	vld.idx.msk [tilespmem:v38+s4+$0x0], $0xffff  }
0xf7: {  	v14 =	vadd.s32 $0x14000, v14;
	v39 =	vld.idx.msk [tilespmem:v39+s4+$0x0], $0xffff  }
0xf8: {  	v40 =	vld.idx.msk [tilespmem:v40+s4+$0x0], $0xffff  }
0xf9: {  	v37 =	vld.idx.msk [tilespmem:v37+s4+$0x0], $0xffff  }
0xfa: {  	v31 =	vld.idx.msk [tilespmem:v31+s4+$0x0], $0xffff  }
0xfb: {  	v45 =	vadd.s32 $0xC000, v16;
	v35 =	vld.idx.msk [tilespmem:v35+s4+$0x0], $0xffff  }
0xfc: {  	v22 =	vsub.f32 v30, v22;
	v16 =	vadd.s32 $0x10000, v16;
	v30 =	vld.idx.msk [tilespmem:v32+s4+$0x0], $0xffff  }
0xfd: {  	v32 =	vld.idx.msk [tilespmem:v42+s4+$0x0], $0xffff;
	v42 =	vadd.s32 $0x10000, v6  }
0xfe: {  	v22 =	vmul.f32 v22, v22;
	v14 =	vld.idx.msk [tilespmem:v14+s4+$0x0], $0xffff  }
0xff: {  	v41 =	vld.idx.msk [tilespmem:v41+s4+$0x0], $0xffff  }
0x100: {  	v31 =	vsub.f32 v31, v33;
	v33 =	vsub.f32 v39, v44;
	v26 =	vld.idx.msk [tilespmem:v26+s4+$0x0], $0xffff  }
0x101: {  	v22 =	vadd.f32 v22, v34;
	v34 =	vsub.f32 v35, v37;
	v35 =	vadd.s32 $0x4000, v2;
	v27 =	vld.idx.msk [tilespmem:v27+s4+$0x0], $0xffff  }
0x102: {  	v30 =	vsub.f32 v30, v36;
	v33 =	vmul.f32 v33, v33;
	v36 =	vsub.f32 v40, v38;
	v24 =	vld.idx.msk [tilespmem:v24+s4+$0x0], $0xffff  }
0x103: {  	v29 =	vsub.f32 v32, v29;
	v32 =	vadd.s32 $0x8000, v2;
	v25 =	vld.idx.msk [tilespmem:v25+s4+$0x0], $0xffff  }
0x104: {  	v38 =	vadd.s32 $0x10000, v2;
	v37 =	vld.idx.msk [tilespmem:v45+s4+$0x0], $0xffff  }
0x105: {  	v39 =	vadd.s32 $0xC000, v2;
	v36 =	vmul.f32 v36, v36;
	v14 =	vsub.f32 v14, v41;
	v23 =	vld.idx.msk [tilespmem:v23+s4+$0x0], $0xffff  }
0x106: {  	v17 =	vsub.f32 v17, v26;
	v26 =	vld.idx.msk [tilespmem:v35+s4+$0x0], $0xffff  }
0x107: {  	v14 =	vmul.f32 v14, v14;
	v35 =	vadd.s32 $0x10000, v3;
	v6 =	vld.idx.msk [tilespmem:v6+s4+$0x0], $0xffff  }
0x108: {  	v3 =	vadd.s32 $0x14000, v3;
	v24 =	vsub.f32 v27, v24;
	v17 =	vmul.f32 v17, v17;
	v27 =	vld.idx.msk [tilespmem:v32+s4+$0x0], $0xffff  }
0x109: {  	v11 =	vsub.f32 v11, v43;
	v4 =	vsub.f32 v4, v25;
	v25 =	vmul.f32 v29, v29;
	v29 =	vld.idx.msk [tilespmem:v38+s4+$0x0], $0xffff  }
0x10a: {  	v24 =	vmul.f32 v24, v24;
	v5 =	vadd.f32 v17, v5;
	v17 =	vsub.f32 v28, v19;
	v19 =	vld.idx.msk [tilespmem:v39+s4+$0x0], $0xffff  }
0x10b: {  	v11 =	vmul.f32 v11, v11;
	v9 =	vadd.f32 v14, v9;
	v15 =	vsub.f32 v15, v23;
	v2 =	vld.idx.msk [tilespmem:v2+s4+$0x0], $0xffff  }
0x10c: {  	v14 =	vmul.f32 v31, v31;
	v23 =	vmul.f32 v34, v34;
	v7 =	vadd.f32 v24, v7;
	v24 =	vld.idx.msk [tilespmem:v35+s4+$0x0], $0xffff  }
0x10d: {  	v9 =	vadd.f32 v25, v9;
	v20 =	vsub.f32 v26, v20;
	v15 =	vmul.f32 v15, v15;
	v25 =	vld.idx.msk [tilespmem:v42+s4+$0x0], $0xffff  }
0x10e: {  	v6 =	vsub.f32 v6, v12;
	v12 =	vmul.f32 v17, v17;
	v7 =	vadd.f32 v14, v7;
	v16 =	vld.idx.msk [tilespmem:v16+s4+$0x0], $0xffff  }
0x10f: {  	v4 =	vmul.f32 v4, v4;
	v17 =	vsub.f32 v18, v37;
	v9 =	vadd.f32 v36, v9;
	v18 =	vld.idx.msk [tilespmem:v21+s4+$0x0], $0xffff  }
0x110: {  	v10 =	vsub.f32 v27, v10;
	v13 =	vadd.f32 v15, v13;
	v6 =	vmul.f32 v6, v6;
	v15 =	vld.idx.msk [tilespmem:v3+s4+$0x0], $0xffff  }
0x111: {  	v3 =	vadd.f32 v4, v8;
	v4 =	vmul.f32 v30, v30;
	v0 =	vsub.f32 v2, v0  }
0x112: {  	v7 =	vadd.f32 v33, v7;
	v8 =	vmul.f32 v20, v20;
	v2 =	vsub.f32 v29, v24;
	v14 =	vld [tilespmem:s10+$0xFFFFFFE0]  }
0x113: {  	v5 =	vadd.f32 v23, v5;
	v17 =	vmul.f32 v17, v17;
	v1 =	vsub.f32 v19, v1;
	v20 =	vld [tilespmem:s13+$0xFFFFFFE0]  }
0x114: {  	v11 =	vadd.f32 v11, v3;
	v21 =	vsub.f32 v25, v16;
	v28 =	vmul.f32 v2, v2;
	v19 =	vld [tilespmem:s13+$0xFFFFFFF0]  }
0x115: {  	v5 =	vadd.f32 v12, v5;
	v12 =	vmul.f32 v0, v0;
	v0 =	vmul.f32 v10, v10;
	v29 =	vld [tilespmem:s10+$0xFFFFFFF0]  }
0x116: {  	v33 =	vmul.f32 v1, v1;
	v10 =	vadd.f32 v6, v22;
	v1 =	vsub.f32 v18, v15;
	v3 =	vld [tilespmem:s13+$0x10]  }
0x117: {  	v13 =	vadd.f32 v4, v13;
	v15 =	vadd.s32 $0x8000, v14;
	v18 =	vadd.s32 $0xC000, v14;
	v2 =	vld [tilespmem:s10+$0x10]  }
0x118: {  	v34 =	vadd.f32 v17, v11;
	v24 =	vadd.s32 $0x4000, v20;
	v26 =	vadd.s32 $0x8000, v20;
	v16 =	vld [tilespmem:s13+$0x0]  }
0x119: {  	v1 =	vmul.f32 v1, v1;
	v25 =	vadd.s32 $0xC000, v20;
	v23 =	vadd.s32 $0x10000, v20;
	v6 =	vld [tilespmem:s10+$0x0]  }
0x11a: {  	v11 =	vmul.f32 v21, v21;
	v27 =	vadd.s32 $0x4000, v14;
	v30 =	vld.idx.msk [tilespmem:v14+s4+$0x0], $0xffff;
	v31 =	vadd.s32 $0x4000, v29  }
0x11b: {  	v5 =	vadd.f32 v0, v5;
	v21 =	vadd.s32 $0xC000, v29;
	v32 =	vadd.s32 $0x10000, v29;
	v36 =	vld.idx.msk [tilespmem:v20+s4+$0x0], $0xffff  }
0x11c: {  	v45 =	vadd.s32 $0x10000, v19;
	v35 =	vadd.s32 $0x8000, v29;
	v41 =	vadd.s32 $0xC000, v3;
	v22 =	vld.idx.msk [tilespmem:v19+s4+$0x0], $0xffff  }
0x11d: {  	v13 =	vadd.f32 v11, v13;
	v37 =	vadd.s32 $0x8000, v19;
	v4 =	vld.idx.msk [tilespmem:v18+s4+$0x0], $0xffff;
	v38 =	vadd.s32 $0x14000, v16  }
0x11e: {  	v18 =	vadd.s32 $0x10000, v14;
	v39 =	vadd.s32 $0x4000, v6;
	v40 =	vadd.s32 $0x14000, v6;
	v0 =	vld.idx.msk [tilespmem:v3+s4+$0x0], $0xffff  }
0x11f: {  	v10 =	vadd.f32 v12, v10;
	v42 =	vadd.s32 $0x8000, v16;
	v46 =	vadd.s32 $0x8000, v6;
	v17 =	vld.idx.msk [tilespmem:v15+s4+$0x0], $0xffff  }
0x120: {  	v9 =	vadd.f32 v1, v9;
	v47 =	vadd.s32 $0xC000, v6;
	v11 =	vld.idx.msk [tilespmem:v21+s4+$0x0], $0xffff;
	v21 =	vadd.s32 $0x14000, v2  }
0x121: {  	v7 =	vadd.f32 v8, v7;
	v12 =	vsub.f32 v30, v36;
	v36 =	vadd.s32 $0x14000, v19;
	v1 =	vld.idx.msk [tilespmem:v41+s4+$0x0], $0xffff  }
0x122: {  	v8 =	vadd.f32 v33, v34;
	v48 =	vadd.s32 $0x4000, v19;
	v49 =	vadd.s32 $0x8000, v3;
	v30 =	vld.idx.msk [tilespmem:v29+s4+$0x0], $0xffff  }
0x123: {  	v13 =	vadd.f32 v28, v13;
	v44 =	vadd.s32 $0x4000, v16;
	v12 =	vmul.f32 v12, v12;
	v15 =	vld.idx.msk [tilespmem:v18+s4+$0x0], $0xffff  }
0x124: {  	v43 =	vadd.s32 $0xC000, v19;
	v18 =	vadd.s32 $0x4000, v3;
	v19 =	vld.idx.msk [tilespmem:v42+s4+$0x0], $0xffff  }
0x125: {  	v41 =	vadd.s32 $0x14000, v20;
	v34 =	vadd.f32 v12, v10;
	v42 =	vadd.s32 $0x14000, v29;
	v12 =	vld.idx.msk [tilespmem:v16+s4+$0x0], $0xffff  }
0x126: {  	v29 =	vld.idx.msk [tilespmem:v36+s4+$0x0], $0xffff  }
0x127: {  	v33 =	vld.idx.msk [tilespmem:v48+s4+$0x0], $0xffff  }
.Ltmp2:
0x128: {  	v10 =	vld.idx.msk [tilespmem:v49+s4+$0x0], $0xffff;
	(pc) =	sbr.rel @p0 .LBB2_6-.Ltmp2, $4  }
0x129: {  	v20 =	vld.idx.msk [tilespmem:v18+s4+$0x0], $0xffff  }
0x12a: {  	v18 =	vld.idx.msk [tilespmem:v47+s4+$0x0], $0xffff  }
0x12b: {  	v36 =	vld.idx.msk [tilespmem:v45+s4+$0x0], $0xffff  }
0x12c: {  	v28 =	vld.idx.msk [tilespmem:v46+s4+$0x0], $0xffff  }
0x12d: {  	_ =	sdelay $0x3  }
0x12e: {  	v44 =	vld.idx.msk [tilespmem:v44+s4+$0x0], $0xffff  }
0x12f: {  	v43 =	vld.idx.msk [tilespmem:v43+s4+$0x0], $0xffff  }
0x130: {  	v38 =	vld.idx.msk [tilespmem:v38+s4+$0x0], $0xffff  }
0x131: {  	v39 =	vld.idx.msk [tilespmem:v39+s4+$0x0], $0xffff  }
0x132: {  	v40 =	vld.idx.msk [tilespmem:v40+s4+$0x0], $0xffff  }
0x133: {  	v37 =	vld.idx.msk [tilespmem:v37+s4+$0x0], $0xffff  }
0x134: {  	v31 =	vld.idx.msk [tilespmem:v31+s4+$0x0], $0xffff  }
0x135: {  	v35 =	vld.idx.msk [tilespmem:v35+s4+$0x0], $0xffff  }
0x136: {  	v32 =	vld.idx.msk [tilespmem:v32+s4+$0x0], $0xffff  }
0x137: {  	v42 =	vld.idx.msk [tilespmem:v42+s4+$0x0], $0xffff  }
0x138: {  	v41 =	vld.idx.msk [tilespmem:v41+s4+$0x0], $0xffff  }
0x139: {  	v26 =	vld.idx.msk [tilespmem:v26+s4+$0x0], $0xffff  }
0x13a: {  	v27 =	vld.idx.msk [tilespmem:v27+s4+$0x0], $0xffff  }
0x13b: {  	v24 =	vld.idx.msk [tilespmem:v24+s4+$0x0], $0xffff  }
0x13c: {  	v14 =	vadd.s32 $0x14000, v14;
	v25 =	vld.idx.msk [tilespmem:v25+s4+$0x0], $0xffff  }
0x13d: {  	v45 =	vadd.s32 $0xC000, v16;
	v23 =	vld.idx.msk [tilespmem:v23+s4+$0x0], $0xffff  }
0x13e: {  	v46 =	vadd.s32 $0x4000, v2;
	v50 =	vld.idx.msk [tilespmem:v6+s4+$0x0], $0xffff  }
0x13f: {  	v47 =	vadd.s32 $0x8000, v2;
	v52 =	vld.idx.msk [tilespmem:v2+s4+$0x0], $0xffff  }
0x140: {  	v48 =	vadd.s32 $0x10000, v2;
	v21 =	vld.idx.msk [tilespmem:v21+s4+$0x0], $0xffff  }
0x141: {  	v49 =	vadd.s32 $0xC000, v2;
	v14 =	vld.idx.msk [tilespmem:v14+s4+$0x0], $0xffff  }
0x142: {  	v51 =	vadd.s32 $0x10000, v3;
	v45 =	vld.idx.msk [tilespmem:v45+s4+$0x0], $0xffff  }
0x143: {  	v6 =	vadd.s32 $0x10000, v6;
	v46 =	vld.idx.msk [tilespmem:v46+s4+$0x0], $0xffff  }
0x144: {  	v16 =	vadd.s32 $0x10000, v16;
	v47 =	vld.idx.msk [tilespmem:v47+s4+$0x0], $0xffff  }
0x145: {  	v3 =	vadd.s32 $0x14000, v3;
	v48 =	vld.idx.msk [tilespmem:v48+s4+$0x0], $0xffff  }
0x146: {  	v49 =	vld.idx.msk [tilespmem:v49+s4+$0x0], $0xffff  }
0x147: {  	v2 =	vsub.f32 v30, v22;
	v51 =	vld.idx.msk [tilespmem:v51+s4+$0x0], $0xffff  }
0x148: {  	v6 =	vld.idx.msk [tilespmem:v6+s4+$0x0], $0xffff  }
0x149: {  	v2 =	vmul.f32 v2, v2;
	v53 =	vld.idx.msk [tilespmem:v16+s4+$0x0], $0xffff  }
0x14a: {  	v30 =	vld.idx.msk [tilespmem:v3+s4+$0x0], $0xffff;
	_ =	swait.ge [sflag:s7], $0x1800;
	v3 =	vsub.f32 v31, v33  }
0x14b: {  	v16 =	vsub.f32 v39, v44;
	v31 =	vadd.f32 v2, v34;
	[sflag:s7] =	ssyncset.done $0x0  }
0x14c: {  	v2 =	vsub.f32 v35, v37;
	v22 =	vsub.f32 v32, v36;
	[sflag:s7] =	ssyncadd.s32 $0xFFFFE800  }
0x14d: {  	v55 =	vsub.f32 v40, v38;
	v17 =	vsub.f32 v17, v26;
	_ =	swait.ge [sflag:s7], $0x1800  }
0x14e: {  	v24 =	vsub.f32 v27, v24;
	v4 =	vsub.f32 v4, v25;
	[sflag:s7] =	ssyncset.done $0x0  }
0x14f: {  	v11 =	vsub.f32 v11, v43;
	[sflag:s7] =	ssyncadd.s32 $0xFFFFE800;
	v14 =	vsub.f32 v14, v41  }
0x150: {  	v15 =	vsub.f32 v15, v23;
	v12 =	vsub.f32 v50, v12;
	[tilespmem:s28], [sflag:$0x1] =	stream.linear.gather [hbm4b:s17+s4], $0x1800, $0x38;
	[tilespmem:$0x1E080] =	vst v63  }
0x151: {  	s10 =	simm.s32 $0x19820;
	v0 =	vsub.f32 v52, v0;
	v26 =	vmul.f32 v16, v16;
	v14 =	vmul.f32 v14, v14  }
0x152: {  	v16 =	vsub.f32 v42, v29;
	v29 =	vmul.f32 v55, v55;
	v17 =	vmul.f32 v17, v17;
	[tilespmem:s29], [sflag:$0x1] =	stream.linear.gather [hbm4b:s18+s4], $0x1800, $0x38;
	[tilespmem:$0x1E080] =	vst v63  }
0x153: {  	s13 =	simm.s32 $0x1C820;
	v24 =	vmul.f32 v24, v24;
	v15 =	vmul.f32 v15, v15;
	v14 =	vadd.f32 v14, v9;
	v9 =	vld [tilespmem:s10+$0xFFFFFFE0]  }
0x154: {  	v4 =	vmul.f32 v4, v4;
	v5 =	vadd.f32 v17, v5;
	v17 =	vsub.f32 v28, v19;
	v28 =	vld [tilespmem:s13+$0xFFFFFFE0]  }
0x155: {  	v11 =	vmul.f32 v11, v11;
	v3 =	vmul.f32 v3, v3;
	v7 =	vadd.f32 v24, v7;
	v56 =	vld [tilespmem:s13+$0xFFFFFFF0]  }
0x156: {  	v16 =	vmul.f32 v16, v16;
	v13 =	vadd.f32 v15, v13;
	v4 =	vadd.f32 v4, v8;
	v57 =	vld [tilespmem:s10+$0xFFFFFFF0]  }
0x157: {  	v19 =	vmul.f32 v2, v2;
	v18 =	vsub.f32 v18, v45;
	v7 =	vadd.f32 v3, v7;
	v3 =	vld [tilespmem:s13+$0x10]  }
0x158: {  	v12 =	vmul.f32 v12, v12;
	v10 =	vsub.f32 v47, v10;
	v8 =	vld [tilespmem:s10+$0x0];
	v2 =	vadd.f32 v16, v14  }
0x159: {  	v23 =	vmul.f32 v22, v22;
	v1 =	vsub.f32 v49, v1;
	v5 =	vadd.f32 v19, v5;
	v16 =	vld [tilespmem:s13+$0x0]  }
0x15a: {  	v14 =	vsub.f32 v46, v20;
	v20 =	vadd.f32 v29, v2;
	v2 =	vld [tilespmem:s10+$0x10];
	v15 =	vadd.s32 $0xC000, v9  }
0x15b: {  	v17 =	vmul.f32 v17, v17;
	v24 =	vadd.f32 v26, v7;
	v7 =	vsub.f32 v48, v51;
	v58 =	vld.idx.msk [tilespmem:v9+s4+$0x0], $0xffff  }
0x15c: {  	v4 =	vadd.f32 v11, v4;
	v26 =	vsub.f32 v6, v53;
	v25 =	vadd.s32 $0x8000, v9;
	v59 =	vld.idx.msk [tilespmem:v28+s4+$0x0], $0xffff  }
0x15d: {  	v27 =	vmul.f32 v7, v7;
	v7 =	vmul.f32 v10, v10;
	v19 =	vadd.s32 $0xC000, v57;
	v22 =	vld.idx.msk [tilespmem:v56+s4+$0x0], $0xffff  }
0x15e: {  	v10 =	vadd.f32 v12, v31;
	v12 =	vsub.f32 v21, v30;
	v11 =	vadd.s32 $0xC000, v3;
	v30 =	vld.idx.msk [tilespmem:v57+s4+$0x0], $0xffff  }
0x15f: {  	v23 =	vadd.f32 v23, v13;
	v18 =	vmul.f32 v18, v18;
	v5 =	vadd.f32 v17, v5;
	v6 =	vld.idx.msk [tilespmem:v15+s4+$0x0], $0xffff  }
0x160: {  	v26 =	vmul.f32 v26, v26;
	v31 =	vadd.s32 $0x4000, v56;
	v15 =	vmul.f32 v0, v0;
	v0 =	vld.idx.msk [tilespmem:v3+s4+$0x0], $0xffff  }
0x161: {  	v4 =	vadd.f32 v18, v4;
	v7 =	vadd.f32 v7, v5;
	v61 =	vadd.s32 $0x10000, v56;
	v17 =	vld.idx.msk [tilespmem:v25+s4+$0x0], $0xffff  }
0x162: {  	v5 =	vadd.f32 v26, v23;
	v14 =	vmul.f32 v14, v14;
	v29 =	vadd.s32 $0x10000, v9;
	v13 =	vld.idx.msk [tilespmem:v19+s4+$0x0], $0xffff  }
0x163: {  	v12 =	vmul.f32 v12, v12;
	v21 =	vadd.s32 $0x8000, v16;
	v25 =	vmul.f32 v1, v1;
	v1 =	vld.idx.msk [tilespmem:v11+s4+$0x0], $0xffff  }
0x164: {  	v18 =	vadd.s32 $0x14000, v56;
	v5 =	vadd.f32 v27, v5;
	v11 =	vadd.f32 v14, v24;
	v14 =	vld.idx.msk [tilespmem:v16+s4+$0x0], $0xffff  }
0x165: {  	v26 =	vadd.s32 $0x8000, v28;
	v23 =	vadd.s32 $0x10000, v28;
	v62 =	vadd.s32 $0x8000, v8;
	v33 =	vld.idx.msk [tilespmem:v31+s4+$0x0], $0xffff  }
0x166: {  	v36 =	vld.idx.msk [tilespmem:v61+s4+$0x0], $0xffff;
	v60 =	vadd.f32 v15, v10;
	v10 =	vadd.f32 v12, v20;
	v12 =	vadd.s32 $0x8000, v3  }
0x167: {  	v27 =	vadd.s32 $0x4000, v9;
	v32 =	vadd.s32 $0x4000, v57;
	v15 =	vld.idx.msk [tilespmem:v29+s4+$0x0], $0xffff;
	v20 =	vadd.s32 $0x4000, v3  }
0x168: {  	v35 =	vadd.s32 $0x8000, v57;
	v43 =	vadd.s32 $0xC000, v56;
	v19 =	vld.idx.msk [tilespmem:v21+s4+$0x0], $0xffff;
	v21 =	vadd.s32 $0xC000, v8  }
0x169: {  	v41 =	vadd.s32 $0x14000, v28;
	v44 =	vadd.s32 $0x4000, v16;
	v29 =	vld.idx.msk [tilespmem:v18+s4+$0x0], $0xffff;
	v18 =	vsub.f32 v58, v59  }
0x16a: {  	v24 =	vadd.s32 $0x4000, v28;
	v4 =	vadd.f32 v25, v4;
	v25 =	vadd.s32 $0xC000, v28;
	v28 =	vld.idx.msk [tilespmem:v62+s4+$0x0], $0xffff  }
0x16b: {  	v37 =	vadd.s32 $0x8000, v56;
	v38 =	vadd.s32 $0x14000, v16;
	v63 =	vmul.f32 v18, v18;
	v12 =	vld.idx.msk [tilespmem:v12+s4+$0x0], $0xffff  }
0x16c: {  	v40 =	vadd.s32 $0x4000, v8;
	v39 =	vadd.s32 $0x14000, v8;
	v42 =	vadd.s32 $0x14000, v57;
	v20 =	vld.idx.msk [tilespmem:v20+s4+$0x0], $0xffff  }
0x16d: {  	s14 =	simm.s32 $0x0;
	v31 =	vadd.s32 $0x10000, v57;
	v18 =	vld.idx.msk [tilespmem:v21+s4+$0x0], $0xffff;
	v21 =	vadd.s32 $0x14000, v2;
	v34 =	vadd.f32 v63, v60  }
.LBB2_8:
0x16e: {  	s14 =	sadd.s32 $0x4, s14;
	v44 =	vld.idx.msk [tilespmem:v44+s4+$0x0], $0xffff;
	s13 =	sadd.s32 $0x40, s13;
	s10 =	sadd.s32 $0x40, s10  }
0x16f: {  	p0 =	slt.u32 s14, $0x17C;
	v43 =	vld.idx.msk [tilespmem:v43+s4+$0x0], $0xffff  }
0x170: {  	v38 =	vld.idx.msk [tilespmem:v38+s4+$0x0], $0xffff  }
0x171: {  	v9 =	vadd.s32 $0x14000, v9;
	v40 =	vld.idx.msk [tilespmem:v40+s4+$0x0], $0xffff  }
0x172: {  	v39 =	vld.idx.msk [tilespmem:v39+s4+$0x0], $0xffff  }
0x173: {  	v37 =	vld.idx.msk [tilespmem:v37+s4+$0x0], $0xffff  }
0x174: {  	v32 =	vld.idx.msk [tilespmem:v32+s4+$0x0], $0xffff  }
0x175: {  	v45 =	vadd.s32 $0xC000, v16;
	v35 =	vld.idx.msk [tilespmem:v35+s4+$0x0], $0xffff  }
0x176: {  	v22 =	vsub.f32 v30, v22;
	v16 =	vadd.s32 $0x10000, v16;
	v30 =	vld.idx.msk [tilespmem:v31+s4+$0x0], $0xffff  }
0x177: {  	v31 =	vld.idx.msk [tilespmem:v42+s4+$0x0], $0xffff;
	v42 =	vadd.s32 $0x10000, v8  }
0x178: {  	v22 =	vmul.f32 v22, v22;
	v9 =	vld.idx.msk [tilespmem:v9+s4+$0x0], $0xffff  }
0x179: {  	v41 =	vld.idx.msk [tilespmem:v41+s4+$0x0], $0xffff  }
0x17a: {  	v32 =	vsub.f32 v32, v33;
	v33 =	vsub.f32 v40, v44;
	v26 =	vld.idx.msk [tilespmem:v26+s4+$0x0], $0xffff  }
0x17b: {  	v22 =	vadd.f32 v22, v34;
	v34 =	vsub.f32 v35, v37;
	v35 =	vadd.s32 $0x4000, v2;
	v27 =	vld.idx.msk [tilespmem:v27+s4+$0x0], $0xffff  }
0x17c: {  	v30 =	vsub.f32 v30, v36;
	v33 =	vmul.f32 v33, v33;
	v36 =	vsub.f32 v39, v38;
	v24 =	vld.idx.msk [tilespmem:v24+s4+$0x0], $0xffff  }
0x17d: {  	v29 =	vsub.f32 v31, v29;
	v31 =	vadd.s32 $0x8000, v2;
	v25 =	vld.idx.msk [tilespmem:v25+s4+$0x0], $0xffff  }
0x17e: {  	v38 =	vadd.s32 $0x10000, v2;
	v37 =	vld.idx.msk [tilespmem:v45+s4+$0x0], $0xffff  }
0x17f: {  	v39 =	vadd.s32 $0xC000, v2;
	v36 =	vmul.f32 v36, v36;
	v9 =	vsub.f32 v9, v41;
	v23 =	vld.idx.msk [tilespmem:v23+s4+$0x0], $0xffff  }
0x180: {  	v17 =	vsub.f32 v17, v26;
	v26 =	vld.idx.msk [tilespmem:v35+s4+$0x0], $0xffff  }
0x181: {  	v9 =	vmul.f32 v9, v9;
	v35 =	vadd.s32 $0x10000, v3;
	v8 =	vld.idx.msk [tilespmem:v8+s4+$0x0], $0xffff  }
0x182: {  	v3 =	vadd.s32 $0x14000, v3;
	v24 =	vsub.f32 v27, v24;
	v17 =	vmul.f32 v17, v17;
	v27 =	vld.idx.msk [tilespmem:v31+s4+$0x0], $0xffff  }
0x183: {  	v13 =	vsub.f32 v13, v43;
	v6 =	vsub.f32 v6, v25;
	v25 =	vmul.f32 v29, v29;
	v29 =	vld.idx.msk [tilespmem:v38+s4+$0x0], $0xffff  }
0x184: {  	v24 =	vmul.f32 v24, v24;
	v7 =	vadd.f32 v17, v7;
	v17 =	vsub.f32 v28, v19;
	v19 =	vld.idx.msk [tilespmem:v39+s4+$0x0], $0xffff  }
0x185: {  	v9 =	vadd.f32 v9, v10;
	v10 =	vmul.f32 v13, v13;
	v15 =	vsub.f32 v15, v23;
	v2 =	vld.idx.msk [tilespmem:v2+s4+$0x0], $0xffff  }
0x186: {  	v13 =	vmul.f32 v32, v32;
	v23 =	vmul.f32 v34, v34;
	v11 =	vadd.f32 v24, v11;
	v24 =	vld.idx.msk [tilespmem:v35+s4+$0x0], $0xffff  }
0x187: {  	v9 =	vadd.f32 v25, v9;
	v20 =	vsub.f32 v26, v20;
	v15 =	vmul.f32 v15, v15;
	v25 =	vld.idx.msk [tilespmem:v42+s4+$0x0], $0xffff  }
0x188: {  	v8 =	vsub.f32 v8, v14;
	v11 =	vadd.f32 v13, v11;
	v13 =	vmul.f32 v17, v17;
	v14 =	vld.idx.msk [tilespmem:v16+s4+$0x0], $0xffff  }
0x189: {  	v6 =	vmul.f32 v6, v6;
	v16 =	vsub.f32 v18, v37;
	v18 =	vadd.f32 v36, v9;
	v17 =	vld.idx.msk [tilespmem:v21+s4+$0x0], $0xffff  }
0x18a: {  	v12 =	vsub.f32 v27, v12;
	v5 =	vadd.f32 v15, v5;
	v8 =	vmul.f32 v8, v8;
	v15 =	vld.idx.msk [tilespmem:v3+s4+$0x0], $0xffff  }
0x18b: {  	v3 =	vadd.f32 v6, v4;
	v4 =	vmul.f32 v30, v30;
	v0 =	vsub.f32 v2, v0  }
0x18c: {  	v20 =	vmul.f32 v20, v20;
	v11 =	vadd.f32 v33, v11;
	v2 =	vsub.f32 v29, v24;
	v9 =	vld [tilespmem:s10+$0xFFFFFFE0]  }
0x18d: {  	v1 =	vsub.f32 v19, v1;
	v6 =	vadd.f32 v23, v7;
	v7 =	vmul.f32 v16, v16;
	v28 =	vld [tilespmem:s13+$0xFFFFFFE0]  }
0x18e: {  	v10 =	vadd.f32 v10, v3;
	v14 =	vsub.f32 v25, v14;
	v29 =	vmul.f32 v2, v2;
	v19 =	vld [tilespmem:s13+$0xFFFFFFF0]  }
0x18f: {  	v6 =	vadd.f32 v13, v6;
	v13 =	vmul.f32 v0, v0;
	v0 =	vmul.f32 v12, v12;
	v33 =	vld [tilespmem:s10+$0xFFFFFFF0]  }
0x190: {  	v34 =	vmul.f32 v1, v1;
	v12 =	vadd.f32 v8, v22;
	v1 =	vsub.f32 v17, v15;
	v3 =	vld [tilespmem:s13+$0x10]  }
0x191: {  	v4 =	vadd.f32 v4, v5;
	v15 =	vadd.s32 $0x8000, v9;
	v17 =	vadd.s32 $0xC000, v9;
	v2 =	vld [tilespmem:s10+$0x10]  }
0x192: {  	v5 =	vadd.f32 v7, v10;
	v24 =	vadd.s32 $0x4000, v28;
	v26 =	vadd.s32 $0x8000, v28;
	v16 =	vld [tilespmem:s13+$0x0]  }
0x193: {  	v1 =	vmul.f32 v1, v1;
	v25 =	vadd.s32 $0xC000, v28;
	v23 =	vadd.s32 $0x10000, v28;
	v8 =	vld [tilespmem:s10+$0x0]  }
0x194: {  	v10 =	vmul.f32 v14, v14;
	v27 =	vadd.s32 $0x4000, v9;
	v30 =	vld.idx.msk [tilespmem:v9+s4+$0x0], $0xffff;
	v32 =	vadd.s32 $0x4000, v33  }
0x195: {  	v7 =	vadd.f32 v0, v6;
	v21 =	vadd.s32 $0xC000, v33;
	v31 =	vadd.s32 $0x10000, v33;
	v14 =	vld.idx.msk [tilespmem:v28+s4+$0x0], $0xffff  }
0x196: {  	v36 =	vadd.s32 $0x10000, v19;
	v35 =	vadd.s32 $0x8000, v33;
	v41 =	vadd.s32 $0xC000, v3;
	v22 =	vld.idx.msk [tilespmem:v19+s4+$0x0], $0xffff  }
0x197: {  	v42 =	vadd.f32 v10, v4;
	v37 =	vadd.s32 $0x8000, v19;
	v6 =	vld.idx.msk [tilespmem:v17+s4+$0x0], $0xffff;
	v38 =	vadd.s32 $0x14000, v16  }
0x198: {  	v43 =	vadd.s32 $0x10000, v9;
	v40 =	vadd.s32 $0x4000, v8;
	v39 =	vadd.s32 $0x14000, v8;
	v0 =	vld.idx.msk [tilespmem:v3+s4+$0x0], $0xffff  }
0x199: {  	v12 =	vadd.f32 v13, v12;
	v46 =	vadd.s32 $0x8000, v16;
	v45 =	vadd.s32 $0x8000, v8;
	v17 =	vld.idx.msk [tilespmem:v15+s4+$0x0], $0xffff  }
0x19a: {  	v10 =	vadd.f32 v1, v18;
	v47 =	vadd.s32 $0xC000, v8;
	v13 =	vld.idx.msk [tilespmem:v21+s4+$0x0], $0xffff;
	v21 =	vadd.s32 $0x14000, v2  }
0x19b: {  	v11 =	vadd.f32 v20, v11;
	v18 =	vadd.s32 $0x14000, v19;
	v14 =	vsub.f32 v30, v14;
	v1 =	vld.idx.msk [tilespmem:v41+s4+$0x0], $0xffff  }
0x19c: {  	v4 =	vadd.f32 v34, v5;
	v20 =	vadd.s32 $0x4000, v19;
	v48 =	vadd.s32 $0x8000, v3;
	v30 =	vld.idx.msk [tilespmem:v33+s4+$0x0], $0xffff  }
0x19d: {  	v5 =	vadd.f32 v29, v42;
	v44 =	vadd.s32 $0x4000, v16;
	v14 =	vmul.f32 v14, v14;
	v15 =	vld.idx.msk [tilespmem:v43+s4+$0x0], $0xffff  }
0x19e: {  	v43 =	vadd.s32 $0xC000, v19;
	v19 =	vld.idx.msk [tilespmem:v46+s4+$0x0], $0xffff;
	v46 =	vadd.s32 $0x4000, v3  }
0x19f: {  	v42 =	vadd.s32 $0x14000, v33;
	v41 =	vadd.s32 $0x14000, v28;
	v34 =	vadd.f32 v14, v12;
	v14 =	vld.idx.msk [tilespmem:v16+s4+$0x0], $0xffff  }
0x1a0: {  	v29 =	vld.idx.msk [tilespmem:v18+s4+$0x0], $0xffff  }
0x1a1: {  	v33 =	vld.idx.msk [tilespmem:v20+s4+$0x0], $0xffff  }
.Ltmp3:
0x1a2: {  	v12 =	vld.idx.msk [tilespmem:v48+s4+$0x0], $0xffff;
	(pc) =	sbr.rel @p0 .LBB2_8-.Ltmp3, $4  }
0x1a3: {  	v20 =	vld.idx.msk [tilespmem:v46+s4+$0x0], $0xffff  }
0x1a4: {  	v18 =	vld.idx.msk [tilespmem:v47+s4+$0x0], $0xffff  }
0x1a5: {  	v36 =	vld.idx.msk [tilespmem:v36+s4+$0x0], $0xffff  }
0x1a6: {  	v28 =	vld.idx.msk [tilespmem:v45+s4+$0x0], $0xffff  }
0x1a7: {  	_ =	sdelay $0x3  }
0x1a8: {  	v44 =	vld.idx.msk [tilespmem:v44+s4+$0x0], $0xffff  }
0x1a9: {  	v43 =	vld.idx.msk [tilespmem:v43+s4+$0x0], $0xffff  }
0x1aa: {  	v38 =	vld.idx.msk [tilespmem:v38+s4+$0x0], $0xffff  }
0x1ab: {  	v40 =	vld.idx.msk [tilespmem:v40+s4+$0x0], $0xffff  }
0x1ac: {  	v39 =	vld.idx.msk [tilespmem:v39+s4+$0x0], $0xffff  }
0x1ad: {  	v37 =	vld.idx.msk [tilespmem:v37+s4+$0x0], $0xffff  }
0x1ae: {  	v32 =	vld.idx.msk [tilespmem:v32+s4+$0x0], $0xffff  }
0x1af: {  	v35 =	vld.idx.msk [tilespmem:v35+s4+$0x0], $0xffff  }
0x1b0: {  	v31 =	vld.idx.msk [tilespmem:v31+s4+$0x0], $0xffff  }
0x1b1: {  	v42 =	vld.idx.msk [tilespmem:v42+s4+$0x0], $0xffff  }
0x1b2: {  	v41 =	vld.idx.msk [tilespmem:v41+s4+$0x0], $0xffff  }
0x1b3: {  	v26 =	vld.idx.msk [tilespmem:v26+s4+$0x0], $0xffff  }
0x1b4: {  	v27 =	vld.idx.msk [tilespmem:v27+s4+$0x0], $0xffff  }
0x1b5: {  	v24 =	vld.idx.msk [tilespmem:v24+s4+$0x0], $0xffff  }
0x1b6: {  	v9 =	vadd.s32 $0x14000, v9;
	v25 =	vld.idx.msk [tilespmem:v25+s4+$0x0], $0xffff  }
0x1b7: {  	v45 =	vadd.s32 $0xC000, v16;
	v23 =	vld.idx.msk [tilespmem:v23+s4+$0x0], $0xffff  }
0x1b8: {  	v46 =	vadd.s32 $0x4000, v2;
	v50 =	vld.idx.msk [tilespmem:v8+s4+$0x0], $0xffff  }
0x1b9: {  	v47 =	vadd.s32 $0x8000, v2;
	v52 =	vld.idx.msk [tilespmem:v2+s4+$0x0], $0xffff  }
0x1ba: {  	v48 =	vadd.s32 $0x10000, v2;
	v21 =	vld.idx.msk [tilespmem:v21+s4+$0x0], $0xffff  }
0x1bb: {  	v49 =	vadd.s32 $0xC000, v2;
	v9 =	vld.idx.msk [tilespmem:v9+s4+$0x0], $0xffff  }
0x1bc: {  	v51 =	vadd.s32 $0x10000, v3;
	v45 =	vld.idx.msk [tilespmem:v45+s4+$0x0], $0xffff  }
0x1bd: {  	v8 =	vadd.s32 $0x10000, v8;
	v46 =	vld.idx.msk [tilespmem:v46+s4+$0x0], $0xffff  }
0x1be: {  	v16 =	vadd.s32 $0x10000, v16;
	v47 =	vld.idx.msk [tilespmem:v47+s4+$0x0], $0xffff  }
0x1bf: {  	v3 =	vadd.s32 $0x14000, v3;
	v48 =	vld.idx.msk [tilespmem:v48+s4+$0x0], $0xffff  }
0x1c0: {  	v2 =	vsub.f32 v30, v22;
	v49 =	vld.idx.msk [tilespmem:v49+s4+$0x0], $0xffff  }
0x1c1: {  	v51 =	vld.idx.msk [tilespmem:v51+s4+$0x0], $0xffff  }
0x1c2: {  	v2 =	vmul.f32 v2, v2;
	v53 =	vld.idx.msk [tilespmem:v8+s4+$0x0], $0xffff  }
0x1c3: {  	v54 =	vld.idx.msk [tilespmem:v16+s4+$0x0], $0xffff  }
0x1c4: {  	v63 =	vadd.f32 v2, v34;
	v30 =	vld.idx.msk [tilespmem:v3+s4+$0x0], $0xffff;
	_ =	swait.ge [sflag:s0], $0x1800  }
0x1c5: {  	v3 =	vsub.f32 v32, v33;
	v8 =	vsub.f32 v40, v44;
	[sflag:s0] =	ssyncset.done $0x0  }
0x1c6: {  	v2 =	vsub.f32 v35, v37;
	v22 =	vsub.f32 v31, v36;
	[sflag:s0] =	ssyncadd.s32 $0xFFFFE800  }
0x1c7: {  	v16 =	vsub.f32 v39, v38;
	v17 =	vsub.f32 v17, v26;
	_ =	swait.ge [sflag:s0], $0x1800  }
0x1c8: {  	v26 =	vsub.f32 v42, v29;
	v24 =	vsub.f32 v27, v24;
	[sflag:s0] =	ssyncset.done $0x0  }
0x1c9: {  	v6 =	vsub.f32 v6, v25;
	[sflag:s0] =	ssyncadd.s32 $0xFFFFE800;
	v9 =	vsub.f32 v9, v41  }
0x1ca: {  	v13 =	vsub.f32 v13, v43;
	v15 =	vsub.f32 v15, v23;
	v8 =	vmul.f32 v8, v8;
	[tilespmem:s5], [sflag:$0x2] =	stream.linear.gather [hbm4b:s19+s4], $0x1800, $0x38;
	[tilespmem:$0x1E080] =	vst v63  }
0x1cb: {  	s10 =	simm.s32 $0x18020;
	v14 =	vsub.f32 v50, v14;
	v17 =	vmul.f32 v17, v17;
	v9 =	vmul.f32 v9, v9  }
0x1cc: {  	v0 =	vsub.f32 v52, v0;
	v24 =	vmul.f32 v24, v24;
	v3 =	vmul.f32 v3, v3;
	[tilespmem:s6], [sflag:$0x2] =	stream.linear.gather [hbm4b:s20+s4], $0x1800, $0x38;
	[tilespmem:$0x1E080] =	vst v63  }
0x1cd: {  	s13 =	simm.s32 $0x1B020;
	v15 =	vmul.f32 v15, v15;
	v7 =	vadd.f32 v17, v7;
	v10 =	vadd.f32 v9, v10;
	v9 =	vld [tilespmem:s10+$0xFFFFFFE0]  }
0x1ce: {  	v6 =	vmul.f32 v6, v6;
	v17 =	vsub.f32 v28, v19;
	v11 =	vadd.f32 v24, v11;
	v28 =	vld [tilespmem:s13+$0xFFFFFFE0]  }
0x1cf: {  	v16 =	vmul.f32 v16, v16;
	v19 =	vmul.f32 v26, v26;
	v5 =	vadd.f32 v15, v5;
	v55 =	vld [tilespmem:s13+$0xFFFFFFF0]  }
0x1d0: {  	v13 =	vmul.f32 v13, v13;
	v4 =	vadd.f32 v6, v4;
	v11 =	vadd.f32 v3, v11;
	v3 =	vld [tilespmem:s13+$0x10]  }
0x1d1: {  	v23 =	vmul.f32 v2, v2;
	v18 =	vsub.f32 v18, v45;
	v56 =	vld [tilespmem:s10+$0xFFFFFFF0];
	v2 =	vadd.f32 v19, v10  }
0x1d2: {  	v14 =	vmul.f32 v14, v14;
	v12 =	vsub.f32 v47, v12;
	v11 =	vadd.f32 v8, v11;
	v8 =	vld [tilespmem:s10+$0x0]  }
0x1d3: {  	v15 =	vmul.f32 v22, v22;
	v1 =	vsub.f32 v49, v1;
	v19 =	vadd.f32 v16, v2;
	v2 =	vld [tilespmem:s10+$0x10]  }
0x1d4: {  	v21 =	vsub.f32 v21, v30;
	v17 =	vmul.f32 v17, v17;
	v10 =	vsub.f32 v46, v20;
	v16 =	vld [tilespmem:s13+$0x0]  }
0x1d5: {  	v7 =	vadd.f32 v23, v7;
	v4 =	vadd.f32 v13, v4;
	v6 =	vadd.s32 $0xC000, v9;
	v57 =	vld.idx.msk [tilespmem:v9+s4+$0x0], $0xffff  }
0x1d6: {  	v20 =	vmul.f32 v10, v10;
	v10 =	vsub.f32 v48, v51;
	v24 =	vadd.s32 $0x8000, v9;
	v58 =	vld.idx.msk [tilespmem:v28+s4+$0x0], $0xffff  }
0x1d7: {  	v13 =	vsub.f32 v53, v54;
	v18 =	vmul.f32 v18, v18;
	v23 =	vadd.s32 $0xC000, v56;
	v22 =	vld.idx.msk [tilespmem:v55+s4+$0x0], $0xffff  }
0x1d8: {  	v25 =	vadd.s32 $0xC000, v3;
	v26 =	vmul.f32 v10, v10;
	v10 =	vmul.f32 v0, v0;
	v0 =	vld.idx.msk [tilespmem:v3+s4+$0x0], $0xffff  }
0x1d9: {  	v12 =	vmul.f32 v12, v12;
	v7 =	vadd.f32 v17, v7;
	v27 =	vadd.s32 $0x10000, v9;
	v30 =	vld.idx.msk [tilespmem:v56+s4+$0x0], $0xffff  }
0x1da: {  	v4 =	vadd.f32 v18, v4;
	v18 =	vmul.f32 v21, v21;
	v21 =	vadd.s32 $0x14000, v55;
	v6 =	vld.idx.msk [tilespmem:v6+s4+$0x0], $0xffff  }
0x1db: {  	v5 =	vadd.f32 v15, v5;
	v7 =	vadd.f32 v12, v7;
	v12 =	vadd.s32 $0x4000, v55;
	v17 =	vld.idx.msk [tilespmem:v24+s4+$0x0], $0xffff  }
0x1dc: {  	v29 =	vmul.f32 v1, v1;
	v15 =	vmul.f32 v13, v13;
	v61 =	vadd.s32 $0x10000, v55;
	v13 =	vld.idx.msk [tilespmem:v23+s4+$0x0], $0xffff  }
0x1dd: {  	v14 =	vadd.f32 v14, v63;
	v11 =	vadd.f32 v20, v11;
	v20 =	vadd.s32 $0x4000, v3;
	v1 =	vld.idx.msk [tilespmem:v25+s4+$0x0], $0xffff  }
0x1de: {  	v5 =	vadd.f32 v15, v5;
	v4 =	vadd.f32 v29, v4;
	v15 =	vld.idx.msk [tilespmem:v27+s4+$0x0], $0xffff  }
0x1df: {  	v59 =	vadd.f32 v10, v14;
	v10 =	vadd.f32 v18, v19;
	v18 =	vadd.s32 $0x8000, v3;
	v29 =	vld.idx.msk [tilespmem:v21+s4+$0x0], $0xffff  }
0x1e0: {  	v60 =	vadd.s32 $0xC000, v8;
	v62 =	vadd.s32 $0x8000, v8;
	v32 =	vadd.s32 $0x4000, v56;
	v33 =	vld.idx.msk [tilespmem:v12+s4+$0x0], $0xffff  }
0x1e1: {  	v31 =	vadd.s32 $0x10000, v56;
	v35 =	vadd.s32 $0x8000, v56;
	v24 =	vadd.s32 $0x8000, v16;
	v36 =	vld.idx.msk [tilespmem:v61+s4+$0x0], $0xffff  }
0x1e2: {  	v37 =	vadd.s32 $0x8000, v55;
	v40 =	vadd.s32 $0x4000, v8;
	v39 =	vadd.s32 $0x14000, v8;
	v20 =	vld.idx.msk [tilespmem:v20+s4+$0x0], $0xffff  }
0x1e3: {  	v43 =	vadd.s32 $0xC000, v55;
	v44 =	vadd.s32 $0x4000, v16;
	v14 =	vld.idx.msk [tilespmem:v16+s4+$0x0], $0xffff;
	v21 =	vsub.f32 v57, v58  }
0x1e4: {  	v41 =	vadd.s32 $0x14000, v28;
	v42 =	vadd.s32 $0x14000, v56;
	v5 =	vadd.f32 v26, v5;
	v12 =	vld.idx.msk [tilespmem:v18+s4+$0x0], $0xffff  }
0x1e5: {  	v26 =	vadd.s32 $0x8000, v28;
	v38 =	vadd.s32 $0x14000, v16;
	v18 =	vld.idx.msk [tilespmem:v60+s4+$0x0], $0xffff;
	v63 =	vmul.f32 v21, v21  }
0x1e6: {  	v25 =	vadd.s32 $0xC000, v28;
	v23 =	vadd.s32 $0x10000, v28;
	v27 =	vadd.s32 $0x4000, v9;
	v19 =	vld.idx.msk [tilespmem:v24+s4+$0x0], $0xffff  }
0x1e7: {  	s14 =	simm.s32 $0x0;
	v24 =	vadd.s32 $0x4000, v28;
	v21 =	vadd.s32 $0x14000, v2;
	v28 =	vld.idx.msk [tilespmem:v62+s4+$0x0], $0xffff;
	v34 =	vadd.f32 v63, v59  }
.LBB2_10:
0x1e8: {  	s14 =	sadd.s32 $0x4, s14;
	v44 =	vld.idx.msk [tilespmem:v44+s4+$0x0], $0xffff;
	s13 =	sadd.s32 $0x40, s13;
	s10 =	sadd.s32 $0x40, s10  }
0x1e9: {  	p0 =	slt.u32 s14, $0x17C;
	v43 =	vld.idx.msk [tilespmem:v43+s4+$0x0], $0xffff  }
0x1ea: {  	v38 =	vld.idx.msk [tilespmem:v38+s4+$0x0], $0xffff  }
0x1eb: {  	v9 =	vadd.s32 $0x14000, v9;
	v40 =	vld.idx.msk [tilespmem:v40+s4+$0x0], $0xffff  }
0x1ec: {  	v39 =	vld.idx.msk [tilespmem:v39+s4+$0x0], $0xffff  }
0x1ed: {  	v37 =	vld.idx.msk [tilespmem:v37+s4+$0x0], $0xffff  }
0x1ee: {  	v32 =	vld.idx.msk [tilespmem:v32+s4+$0x0], $0xffff  }
0x1ef: {  	v45 =	vadd.s32 $0xC000, v16;
	v35 =	vld.idx.msk [tilespmem:v35+s4+$0x0], $0xffff  }
0x1f0: {  	v22 =	vsub.f32 v30, v22;
	v16 =	vadd.s32 $0x10000, v16;
	v30 =	vld.idx.msk [tilespmem:v31+s4+$0x0], $0xffff  }
0x1f1: {  	v31 =	vld.idx.msk [tilespmem:v42+s4+$0x0], $0xffff;
	v42 =	vadd.s32 $0x10000, v8  }
0x1f2: {  	v22 =	vmul.f32 v22, v22;
	v9 =	vld.idx.msk [tilespmem:v9+s4+$0x0], $0xffff  }
0x1f3: {  	v41 =	vld.idx.msk [tilespmem:v41+s4+$0x0], $0xffff  }
0x1f4: {  	v32 =	vsub.f32 v32, v33;
	v33 =	vsub.f32 v40, v44;
	v26 =	vld.idx.msk [tilespmem:v26+s4+$0x0], $0xffff  }
0x1f5: {  	v22 =	vadd.f32 v22, v34;
	v34 =	vsub.f32 v35, v37;
	v35 =	vadd.s32 $0x4000, v2;
	v27 =	vld.idx.msk [tilespmem:v27+s4+$0x0], $0xffff  }
0x1f6: {  	v30 =	vsub.f32 v30, v36;
	v33 =	vmul.f32 v33, v33;
	v36 =	vsub.f32 v39, v38;
	v24 =	vld.idx.msk [tilespmem:v24+s4+$0x0], $0xffff  }
0x1f7: {  	v29 =	vsub.f32 v31, v29;
	v31 =	vadd.s32 $0x8000, v2;
	v25 =	vld.idx.msk [tilespmem:v25+s4+$0x0], $0xffff  }
0x1f8: {  	v38 =	vadd.s32 $0x10000, v2;
	v37 =	vld.idx.msk [tilespmem:v45+s4+$0x0], $0xffff  }
0x1f9: {  	v39 =	vadd.s32 $0xC000, v2;
	v36 =	vmul.f32 v36, v36;
	v9 =	vsub.f32 v9, v41;
	v23 =	vld.idx.msk [tilespmem:v23+s4+$0x0], $0xffff  }
0x1fa: {  	v17 =	vsub.f32 v17, v26;
	v26 =	vld.idx.msk [tilespmem:v35+s4+$0x0], $0xffff  }
0x1fb: {  	v9 =	vmul.f32 v9, v9;
	v35 =	vadd.s32 $0x10000, v3;
	v8 =	vld.idx.msk [tilespmem:v8+s4+$0x0], $0xffff  }
0x1fc: {  	v3 =	vadd.s32 $0x14000, v3;
	v24 =	vsub.f32 v27, v24;
	v17 =	vmul.f32 v17, v17;
	v27 =	vld.idx.msk [tilespmem:v31+s4+$0x0], $0xffff  }
0x1fd: {  	v13 =	vsub.f32 v13, v43;
	v6 =	vsub.f32 v6, v25;
	v25 =	vmul.f32 v29, v29;
	v29 =	vld.idx.msk [tilespmem:v38+s4+$0x0], $0xffff  }
0x1fe: {  	v24 =	vmul.f32 v24, v24;
	v7 =	vadd.f32 v17, v7;
	v17 =	vsub.f32 v28, v19;
	v19 =	vld.idx.msk [tilespmem:v39+s4+$0x0], $0xffff  }
0x1ff: {  	v9 =	vadd.f32 v9, v10;
	v10 =	vmul.f32 v13, v13;
	v15 =	vsub.f32 v15, v23;
	v2 =	vld.idx.msk [tilespmem:v2+s4+$0x0], $0xffff  }
0x200: {  	v13 =	vmul.f32 v32, v32;
	v23 =	vmul.f32 v34, v34;
	v11 =	vadd.f32 v24, v11;
	v24 =	vld.idx.msk [tilespmem:v35+s4+$0x0], $0xffff  }
0x201: {  	v9 =	vadd.f32 v25, v9;
	v20 =	vsub.f32 v26, v20;
	v15 =	vmul.f32 v15, v15;
	v25 =	vld.idx.msk [tilespmem:v42+s4+$0x0], $0xffff  }
0x202: {  	v8 =	vsub.f32 v8, v14;
	v11 =	vadd.f32 v13, v11;
	v13 =	vmul.f32 v17, v17;
	v14 =	vld.idx.msk [tilespmem:v16+s4+$0x0], $0xffff  }
0x203: {  	v6 =	vmul.f32 v6, v6;
	v16 =	vsub.f32 v18, v37;
	v18 =	vadd.f32 v36, v9;
	v17 =	vld.idx.msk [tilespmem:v21+s4+$0x0], $0xffff  }
0x204: {  	v12 =	vsub.f32 v27, v12;
	v5 =	vadd.f32 v15, v5;
	v8 =	vmul.f32 v8, v8;
	v15 =	vld.idx.msk [tilespmem:v3+s4+$0x0], $0xffff  }
0x205: {  	v3 =	vadd.f32 v6, v4;
	v4 =	vmul.f32 v30, v30;
	v0 =	vsub.f32 v2, v0  }
0x206: {  	v20 =	vmul.f32 v20, v20;
	v11 =	vadd.f32 v33, v11;
	v2 =	vsub.f32 v29, v24;
	v9 =	vld [tilespmem:s10+$0xFFFFFFE0]  }
0x207: {  	v1 =	vsub.f32 v19, v1;
	v6 =	vadd.f32 v23, v7;
	v7 =	vmul.f32 v16, v16;
	v28 =	vld [tilespmem:s13+$0xFFFFFFE0]  }
0x208: {  	v10 =	vadd.f32 v10, v3;
	v14 =	vsub.f32 v25, v14;
	v29 =	vmul.f32 v2, v2;
	v19 =	vld [tilespmem:s13+$0xFFFFFFF0]  }
0x209: {  	v6 =	vadd.f32 v13, v6;
	v13 =	vmul.f32 v0, v0;
	v0 =	vmul.f32 v12, v12;
	v33 =	vld [tilespmem:s10+$0xFFFFFFF0]  }
0x20a: {  	v34 =	vmul.f32 v1, v1;
	v12 =	vadd.f32 v8, v22;
	v1 =	vsub.f32 v17, v15;
	v3 =	vld [tilespmem:s13+$0x10]  }
0x20b: {  	v4 =	vadd.f32 v4, v5;
	v15 =	vadd.s32 $0x8000, v9;
	v17 =	vadd.s32 $0xC000, v9;
	v2 =	vld [tilespmem:s10+$0x10]  }
0x20c: {  	v5 =	vadd.f32 v7, v10;
	v24 =	vadd.s32 $0x4000, v28;
	v26 =	vadd.s32 $0x8000, v28;
	v16 =	vld [tilespmem:s13+$0x0]  }
0x20d: {  	v1 =	vmul.f32 v1, v1;
	v25 =	vadd.s32 $0xC000, v28;
	v23 =	vadd.s32 $0x10000, v28;
	v8 =	vld [tilespmem:s10+$0x0]  }
0x20e: {  	v10 =	vmul.f32 v14, v14;
	v27 =	vadd.s32 $0x4000, v9;
	v30 =	vld.idx.msk [tilespmem:v9+s4+$0x0], $0xffff;
	v32 =	vadd.s32 $0x4000, v33  }
0x20f: {  	v7 =	vadd.f32 v0, v6;
	v21 =	vadd.s32 $0xC000, v33;
	v31 =	vadd.s32 $0x10000, v33;
	v14 =	vld.idx.msk [tilespmem:v28+s4+$0x0], $0xffff  }
0x210: {  	v36 =	vadd.s32 $0x10000, v19;
	v35 =	vadd.s32 $0x8000, v33;
	v41 =	vadd.s32 $0xC000, v3;
	v22 =	vld.idx.msk [tilespmem:v19+s4+$0x0], $0xffff  }
0x211: {  	v42 =	vadd.f32 v10, v4;
	v37 =	vadd.s32 $0x8000, v19;
	v6 =	vld.idx.msk [tilespmem:v17+s4+$0x0], $0xffff;
	v38 =	vadd.s32 $0x14000, v16  }
0x212: {  	v43 =	vadd.s32 $0x10000, v9;
	v40 =	vadd.s32 $0x4000, v8;
	v39 =	vadd.s32 $0x14000, v8;
	v0 =	vld.idx.msk [tilespmem:v3+s4+$0x0], $0xffff  }
0x213: {  	v12 =	vadd.f32 v13, v12;
	v46 =	vadd.s32 $0x8000, v16;
	v45 =	vadd.s32 $0x8000, v8;
	v17 =	vld.idx.msk [tilespmem:v15+s4+$0x0], $0xffff  }
0x214: {  	v10 =	vadd.f32 v1, v18;
	v47 =	vadd.s32 $0xC000, v8;
	v13 =	vld.idx.msk [tilespmem:v21+s4+$0x0], $0xffff;
	v21 =	vadd.s32 $0x14000, v2  }
0x215: {  	v11 =	vadd.f32 v20, v11;
	v18 =	vadd.s32 $0x14000, v19;
	v14 =	vsub.f32 v30, v14;
	v1 =	vld.idx.msk [tilespmem:v41+s4+$0x0], $0xffff  }
0x216: {  	v4 =	vadd.f32 v34, v5;
	v20 =	vadd.s32 $0x4000, v19;
	v48 =	vadd.s32 $0x8000, v3;
	v30 =	vld.idx.msk [tilespmem:v33+s4+$0x0], $0xffff  }
0x217: {  	v5 =	vadd.f32 v29, v42;
	v44 =	vadd.s32 $0x4000, v16;
	v14 =	vmul.f32 v14, v14;
	v15 =	vld.idx.msk [tilespmem:v43+s4+$0x0], $0xffff  }
0x218: {  	v43 =	vadd.s32 $0xC000, v19;
	v19 =	vld.idx.msk [tilespmem:v46+s4+$0x0], $0xffff;
	v46 =	vadd.s32 $0x4000, v3  }
0x219: {  	v42 =	vadd.s32 $0x14000, v33;
	v41 =	vadd.s32 $0x14000, v28;
	v34 =	vadd.f32 v14, v12;
	v14 =	vld.idx.msk [tilespmem:v16+s4+$0x0], $0xffff  }
0x21a: {  	v29 =	vld.idx.msk [tilespmem:v18+s4+$0x0], $0xffff  }
0x21b: {  	v33 =	vld.idx.msk [tilespmem:v20+s4+$0x0], $0xffff  }
.Ltmp4:
0x21c: {  	v12 =	vld.idx.msk [tilespmem:v48+s4+$0x0], $0xffff;
	(pc) =	sbr.rel @p0 .LBB2_10-.Ltmp4, $4  }
0x21d: {  	v20 =	vld.idx.msk [tilespmem:v46+s4+$0x0], $0xffff  }
0x21e: {  	v18 =	vld.idx.msk [tilespmem:v47+s4+$0x0], $0xffff  }
0x21f: {  	v36 =	vld.idx.msk [tilespmem:v36+s4+$0x0], $0xffff  }
0x220: {  	v28 =	vld.idx.msk [tilespmem:v45+s4+$0x0], $0xffff  }
0x221: {  	_ =	sdelay $0x3  }
0x222: {  	v44 =	vld.idx.msk [tilespmem:v44+s4+$0x0], $0xffff  }
0x223: {  	v43 =	vld.idx.msk [tilespmem:v43+s4+$0x0], $0xffff  }
0x224: {  	v38 =	vld.idx.msk [tilespmem:v38+s4+$0x0], $0xffff  }
0x225: {  	v40 =	vld.idx.msk [tilespmem:v40+s4+$0x0], $0xffff  }
0x226: {  	v39 =	vld.idx.msk [tilespmem:v39+s4+$0x0], $0xffff  }
0x227: {  	v37 =	vld.idx.msk [tilespmem:v37+s4+$0x0], $0xffff  }
0x228: {  	v32 =	vld.idx.msk [tilespmem:v32+s4+$0x0], $0xffff  }
0x229: {  	v35 =	vld.idx.msk [tilespmem:v35+s4+$0x0], $0xffff  }
0x22a: {  	v31 =	vld.idx.msk [tilespmem:v31+s4+$0x0], $0xffff  }
0x22b: {  	v42 =	vld.idx.msk [tilespmem:v42+s4+$0x0], $0xffff  }
0x22c: {  	v41 =	vld.idx.msk [tilespmem:v41+s4+$0x0], $0xffff  }
0x22d: {  	v26 =	vld.idx.msk [tilespmem:v26+s4+$0x0], $0xffff  }
0x22e: {  	v27 =	vld.idx.msk [tilespmem:v27+s4+$0x0], $0xffff  }
0x22f: {  	v24 =	vld.idx.msk [tilespmem:v24+s4+$0x0], $0xffff  }
0x230: {  	v9 =	vadd.s32 $0x14000, v9;
	v25 =	vld.idx.msk [tilespmem:v25+s4+$0x0], $0xffff  }
0x231: {  	v45 =	vadd.s32 $0xC000, v16;
	v23 =	vld.idx.msk [tilespmem:v23+s4+$0x0], $0xffff  }
0x232: {  	v46 =	vadd.s32 $0x4000, v2;
	v50 =	vld.idx.msk [tilespmem:v8+s4+$0x0], $0xffff  }
0x233: {  	v47 =	vadd.s32 $0x8000, v2;
	v52 =	vld.idx.msk [tilespmem:v2+s4+$0x0], $0xffff  }
0x234: {  	v48 =	vadd.s32 $0x10000, v2;
	v21 =	vld.idx.msk [tilespmem:v21+s4+$0x0], $0xffff  }
0x235: {  	v49 =	vadd.s32 $0xC000, v2;
	v9 =	vld.idx.msk [tilespmem:v9+s4+$0x0], $0xffff  }
0x236: {  	v51 =	vadd.s32 $0x10000, v3;
	v45 =	vld.idx.msk [tilespmem:v45+s4+$0x0], $0xffff  }
0x237: {  	v8 =	vadd.s32 $0x10000, v8;
	v46 =	vld.idx.msk [tilespmem:v46+s4+$0x0], $0xffff  }
0x238: {  	v16 =	vadd.s32 $0x10000, v16;
	v47 =	vld.idx.msk [tilespmem:v47+s4+$0x0], $0xffff  }
0x239: {  	v3 =	vadd.s32 $0x14000, v3;
	v48 =	vld.idx.msk [tilespmem:v48+s4+$0x0], $0xffff  }
0x23a: {  	v2 =	vsub.f32 v30, v22;
	v49 =	vld.idx.msk [tilespmem:v49+s4+$0x0], $0xffff  }
0x23b: {  	v51 =	vld.idx.msk [tilespmem:v51+s4+$0x0], $0xffff  }
0x23c: {  	v2 =	vmul.f32 v2, v2;
	v53 =	vld.idx.msk [tilespmem:v8+s4+$0x0], $0xffff  }
0x23d: {  	v54 =	vld.idx.msk [tilespmem:v16+s4+$0x0], $0xffff  }
0x23e: {  	v63 =	vadd.f32 v2, v34;
	v30 =	vld.idx.msk [tilespmem:v3+s4+$0x0], $0xffff;
	_ =	swait.ge [sflag:s7], $0x1800  }
0x23f: {  	v3 =	vsub.f32 v32, v33;
	v8 =	vsub.f32 v40, v44;
	[sflag:s7] =	ssyncset.done $0x0  }
0x240: {  	v2 =	vsub.f32 v35, v37;
	v22 =	vsub.f32 v31, v36;
	[sflag:s7] =	ssyncadd.s32 $0xFFFFE800  }
0x241: {  	v16 =	vsub.f32 v39, v38;
	v17 =	vsub.f32 v17, v26;
	_ =	swait.ge [sflag:s7], $0x1800  }
0x242: {  	v26 =	vsub.f32 v42, v29;
	v24 =	vsub.f32 v27, v24;
	[sflag:s7] =	ssyncset.done $0x0  }
0x243: {  	v6 =	vsub.f32 v6, v25;
	[sflag:s7] =	ssyncadd.s32 $0xFFFFE800;
	v9 =	vsub.f32 v9, v41  }
0x244: {  	v13 =	vsub.f32 v13, v43;
	v15 =	vsub.f32 v15, v23;
	v8 =	vmul.f32 v8, v8;
	[tilespmem:s28], [sflag:$0x1] =	stream.linear.gather [hbm4b:s21+s4], $0x1800, $0x38;
	[tilespmem:$0x1E080] =	vst v63  }
0x245: {  	s10 =	simm.s32 $0x19820;
	v14 =	vsub.f32 v50, v14;
	v17 =	vmul.f32 v17, v17;
	v9 =	vmul.f32 v9, v9  }
0x246: {  	v0 =	vsub.f32 v52, v0;
	v24 =	vmul.f32 v24, v24;
	v3 =	vmul.f32 v3, v3;
	[tilespmem:s29], [sflag:$0x1] =	stream.linear.gather [hbm4b:s22+s4], $0x1800, $0x38;
	[tilespmem:$0x1E080] =	vst v63  }
0x247: {  	s13 =	simm.s32 $0x1C820;
	v15 =	vmul.f32 v15, v15;
	v7 =	vadd.f32 v17, v7;
	v10 =	vadd.f32 v9, v10;
	v9 =	vld [tilespmem:s10+$0xFFFFFFE0]  }
0x248: {  	v6 =	vmul.f32 v6, v6;
	v17 =	vsub.f32 v28, v19;
	v11 =	vadd.f32 v24, v11;
	v28 =	vld [tilespmem:s13+$0xFFFFFFE0]  }
0x249: {  	v16 =	vmul.f32 v16, v16;
	v19 =	vmul.f32 v26, v26;
	v5 =	vadd.f32 v15, v5;
	v55 =	vld [tilespmem:s13+$0xFFFFFFF0]  }
0x24a: {  	v13 =	vmul.f32 v13, v13;
	v4 =	vadd.f32 v6, v4;
	v11 =	vadd.f32 v3, v11;
	v3 =	vld [tilespmem:s13+$0x10]  }
0x24b: {  	v23 =	vmul.f32 v2, v2;
	v18 =	vsub.f32 v18, v45;
	v56 =	vld [tilespmem:s10+$0xFFFFFFF0];
	v2 =	vadd.f32 v19, v10  }
0x24c: {  	v14 =	vmul.f32 v14, v14;
	v12 =	vsub.f32 v47, v12;
	v11 =	vadd.f32 v8, v11;
	v8 =	vld [tilespmem:s10+$0x0]  }
0x24d: {  	v15 =	vmul.f32 v22, v22;
	v1 =	vsub.f32 v49, v1;
	v19 =	vadd.f32 v16, v2;
	v2 =	vld [tilespmem:s10+$0x10]  }
0x24e: {  	v21 =	vsub.f32 v21, v30;
	v17 =	vmul.f32 v17, v17;
	v10 =	vsub.f32 v46, v20;
	v16 =	vld [tilespmem:s13+$0x0]  }
0x24f: {  	v7 =	vadd.f32 v23, v7;
	v4 =	vadd.f32 v13, v4;
	v6 =	vadd.s32 $0xC000, v9;
	v57 =	vld.idx.msk [tilespmem:v9+s4+$0x0], $0xffff  }
0x250: {  	v20 =	vmul.f32 v10, v10;
	v10 =	vsub.f32 v48, v51;
	v24 =	vadd.s32 $0x8000, v9;
	v58 =	vld.idx.msk [tilespmem:v28+s4+$0x0], $0xffff  }
0x251: {  	v13 =	vsub.f32 v53, v54;
	v18 =	vmul.f32 v18, v18;
	v23 =	vadd.s32 $0xC000, v56;
	v22 =	vld.idx.msk [tilespmem:v55+s4+$0x0], $0xffff  }
0x252: {  	v25 =	vadd.s32 $0xC000, v3;
	v26 =	vmul.f32 v10, v10;
	v10 =	vmul.f32 v0, v0;
	v0 =	vld.idx.msk [tilespmem:v3+s4+$0x0], $0xffff  }
0x253: {  	v12 =	vmul.f32 v12, v12;
	v7 =	vadd.f32 v17, v7;
	v27 =	vadd.s32 $0x10000, v9;
	v30 =	vld.idx.msk [tilespmem:v56+s4+$0x0], $0xffff  }
0x254: {  	v4 =	vadd.f32 v18, v4;
	v18 =	vmul.f32 v21, v21;
	v21 =	vadd.s32 $0x14000, v55;
	v6 =	vld.idx.msk [tilespmem:v6+s4+$0x0], $0xffff  }
0x255: {  	v5 =	vadd.f32 v15, v5;
	v7 =	vadd.f32 v12, v7;
	v12 =	vadd.s32 $0x4000, v55;
	v17 =	vld.idx.msk [tilespmem:v24+s4+$0x0], $0xffff  }
0x256: {  	v29 =	vmul.f32 v1, v1;
	v15 =	vmul.f32 v13, v13;
	v61 =	vadd.s32 $0x10000, v55;
	v13 =	vld.idx.msk [tilespmem:v23+s4+$0x0], $0xffff  }
0x257: {  	v14 =	vadd.f32 v14, v63;
	v11 =	vadd.f32 v20, v11;
	v20 =	vadd.s32 $0x4000, v3;
	v1 =	vld.idx.msk [tilespmem:v25+s4+$0x0], $0xffff  }
0x258: {  	v5 =	vadd.f32 v15, v5;
	v4 =	vadd.f32 v29, v4;
	v15 =	vld.idx.msk [tilespmem:v27+s4+$0x0], $0xffff  }
0x259: {  	v59 =	vadd.f32 v10, v14;
	v10 =	vadd.f32 v18, v19;
	v18 =	vadd.s32 $0x8000, v3;
	v29 =	vld.idx.msk [tilespmem:v21+s4+$0x0], $0xffff  }
0x25a: {  	v60 =	vadd.s32 $0xC000, v8;
	v62 =	vadd.s32 $0x8000, v8;
	v32 =	vadd.s32 $0x4000, v56;
	v33 =	vld.idx.msk [tilespmem:v12+s4+$0x0], $0xffff  }
0x25b: {  	v31 =	vadd.s32 $0x10000, v56;
	v35 =	vadd.s32 $0x8000, v56;
	v24 =	vadd.s32 $0x8000, v16;
	v36 =	vld.idx.msk [tilespmem:v61+s4+$0x0], $0xffff  }
0x25c: {  	v37 =	vadd.s32 $0x8000, v55;
	v40 =	vadd.s32 $0x4000, v8;
	v39 =	vadd.s32 $0x14000, v8;
	v20 =	vld.idx.msk [tilespmem:v20+s4+$0x0], $0xffff  }
0x25d: {  	v43 =	vadd.s32 $0xC000, v55;
	v44 =	vadd.s32 $0x4000, v16;
	v14 =	vld.idx.msk [tilespmem:v16+s4+$0x0], $0xffff;
	v21 =	vsub.f32 v57, v58  }
0x25e: {  	v41 =	vadd.s32 $0x14000, v28;
	v42 =	vadd.s32 $0x14000, v56;
	v5 =	vadd.f32 v26, v5;
	v12 =	vld.idx.msk [tilespmem:v18+s4+$0x0], $0xffff  }
0x25f: {  	v26 =	vadd.s32 $0x8000, v28;
	v38 =	vadd.s32 $0x14000, v16;
	v18 =	vld.idx.msk [tilespmem:v60+s4+$0x0], $0xffff;
	v63 =	vmul.f32 v21, v21  }
0x260: {  	v25 =	vadd.s32 $0xC000, v28;
	v23 =	vadd.s32 $0x10000, v28;
	v27 =	vadd.s32 $0x4000, v9;
	v19 =	vld.idx.msk [tilespmem:v24+s4+$0x0], $0xffff  }
0x261: {  	s14 =	simm.s32 $0x0;
	v24 =	vadd.s32 $0x4000, v28;
	v21 =	vadd.s32 $0x14000, v2;
	v28 =	vld.idx.msk [tilespmem:v62+s4+$0x0], $0xffff;
	v34 =	vadd.f32 v63, v59  }
.LBB2_12:
0x262: {  	s14 =	sadd.s32 $0x4, s14;
	v44 =	vld.idx.msk [tilespmem:v44+s4+$0x0], $0xffff;
	s13 =	sadd.s32 $0x40, s13;
	s10 =	sadd.s32 $0x40, s10  }
0x263: {  	p0 =	slt.u32 s14, $0x17C;
	v43 =	vld.idx.msk [tilespmem:v43+s4+$0x0], $0xffff  }
0x264: {  	v38 =	vld.idx.msk [tilespmem:v38+s4+$0x0], $0xffff  }
0x265: {  	v9 =	vadd.s32 $0x14000, v9;
	v40 =	vld.idx.msk [tilespmem:v40+s4+$0x0], $0xffff  }
0x266: {  	v39 =	vld.idx.msk [tilespmem:v39+s4+$0x0], $0xffff  }
0x267: {  	v37 =	vld.idx.msk [tilespmem:v37+s4+$0x0], $0xffff  }
0x268: {  	v32 =	vld.idx.msk [tilespmem:v32+s4+$0x0], $0xffff  }
0x269: {  	v45 =	vadd.s32 $0xC000, v16;
	v35 =	vld.idx.msk [tilespmem:v35+s4+$0x0], $0xffff  }
0x26a: {  	v22 =	vsub.f32 v30, v22;
	v16 =	vadd.s32 $0x10000, v16;
	v30 =	vld.idx.msk [tilespmem:v31+s4+$0x0], $0xffff  }
0x26b: {  	v31 =	vld.idx.msk [tilespmem:v42+s4+$0x0], $0xffff;
	v42 =	vadd.s32 $0x10000, v8  }
0x26c: {  	v22 =	vmul.f32 v22, v22;
	v9 =	vld.idx.msk [tilespmem:v9+s4+$0x0], $0xffff  }
0x26d: {  	v41 =	vld.idx.msk [tilespmem:v41+s4+$0x0], $0xffff  }
0x26e: {  	v32 =	vsub.f32 v32, v33;
	v33 =	vsub.f32 v40, v44;
	v26 =	vld.idx.msk [tilespmem:v26+s4+$0x0], $0xffff  }
0x26f: {  	v22 =	vadd.f32 v22, v34;
	v34 =	vsub.f32 v35, v37;
	v35 =	vadd.s32 $0x4000, v2;
	v27 =	vld.idx.msk [tilespmem:v27+s4+$0x0], $0xffff  }
0x270: {  	v30 =	vsub.f32 v30, v36;
	v33 =	vmul.f32 v33, v33;
	v36 =	vsub.f32 v39, v38;
	v24 =	vld.idx.msk [tilespmem:v24+s4+$0x0], $0xffff  }
0x271: {  	v29 =	vsub.f32 v31, v29;
	v31 =	vadd.s32 $0x8000, v2;
	v25 =	vld.idx.msk [tilespmem:v25+s4+$0x0], $0xffff  }
0x272: {  	v38 =	vadd.s32 $0x10000, v2;
	v37 =	vld.idx.msk [tilespmem:v45+s4+$0x0], $0xffff  }
0x273: {  	v39 =	vadd.s32 $0xC000, v2;
	v36 =	vmul.f32 v36, v36;
	v9 =	vsub.f32 v9, v41;
	v23 =	vld.idx.msk [tilespmem:v23+s4+$0x0], $0xffff  }
0x274: {  	v17 =	vsub.f32 v17, v26;
	v26 =	vld.idx.msk [tilespmem:v35+s4+$0x0], $0xffff  }
0x275: {  	v9 =	vmul.f32 v9, v9;
	v35 =	vadd.s32 $0x10000, v3;
	v8 =	vld.idx.msk [tilespmem:v8+s4+$0x0], $0xffff  }
0x276: {  	v3 =	vadd.s32 $0x14000, v3;
	v24 =	vsub.f32 v27, v24;
	v17 =	vmul.f32 v17, v17;
	v27 =	vld.idx.msk [tilespmem:v31+s4+$0x0], $0xffff  }
0x277: {  	v13 =	vsub.f32 v13, v43;
	v6 =	vsub.f32 v6, v25;
	v25 =	vmul.f32 v29, v29;
	v29 =	vld.idx.msk [tilespmem:v38+s4+$0x0], $0xffff  }
0x278: {  	v24 =	vmul.f32 v24, v24;
	v7 =	vadd.f32 v17, v7;
	v17 =	vsub.f32 v28, v19;
	v19 =	vld.idx.msk [tilespmem:v39+s4+$0x0], $0xffff  }
0x279: {  	v9 =	vadd.f32 v9, v10;
	v10 =	vmul.f32 v13, v13;
	v15 =	vsub.f32 v15, v23;
	v2 =	vld.idx.msk [tilespmem:v2+s4+$0x0], $0xffff  }
0x27a: {  	v13 =	vmul.f32 v32, v32;
	v23 =	vmul.f32 v34, v34;
	v11 =	vadd.f32 v24, v11;
	v24 =	vld.idx.msk [tilespmem:v35+s4+$0x0], $0xffff  }
0x27b: {  	v9 =	vadd.f32 v25, v9;
	v20 =	vsub.f32 v26, v20;
	v15 =	vmul.f32 v15, v15;
	v25 =	vld.idx.msk [tilespmem:v42+s4+$0x0], $0xffff  }
0x27c: {  	v8 =	vsub.f32 v8, v14;
	v11 =	vadd.f32 v13, v11;
	v13 =	vmul.f32 v17, v17;
	v14 =	vld.idx.msk [tilespmem:v16+s4+$0x0], $0xffff  }
0x27d: {  	v6 =	vmul.f32 v6, v6;
	v16 =	vsub.f32 v18, v37;
	v18 =	vadd.f32 v36, v9;
	v17 =	vld.idx.msk [tilespmem:v21+s4+$0x0], $0xffff  }
0x27e: {  	v12 =	vsub.f32 v27, v12;
	v5 =	vadd.f32 v15, v5;
	v8 =	vmul.f32 v8, v8;
	v15 =	vld.idx.msk [tilespmem:v3+s4+$0x0], $0xffff  }
0x27f: {  	v3 =	vadd.f32 v6, v4;
	v4 =	vmul.f32 v30, v30;
	v0 =	vsub.f32 v2, v0  }
0x280: {  	v20 =	vmul.f32 v20, v20;
	v11 =	vadd.f32 v33, v11;
	v2 =	vsub.f32 v29, v24;
	v9 =	vld [tilespmem:s10+$0xFFFFFFE0]  }
0x281: {  	v1 =	vsub.f32 v19, v1;
	v6 =	vadd.f32 v23, v7;
	v7 =	vmul.f32 v16, v16;
	v28 =	vld [tilespmem:s13+$0xFFFFFFE0]  }
0x282: {  	v10 =	vadd.f32 v10, v3;
	v14 =	vsub.f32 v25, v14;
	v29 =	vmul.f32 v2, v2;
	v19 =	vld [tilespmem:s13+$0xFFFFFFF0]  }
0x283: {  	v6 =	vadd.f32 v13, v6;
	v13 =	vmul.f32 v0, v0;
	v0 =	vmul.f32 v12, v12;
	v33 =	vld [tilespmem:s10+$0xFFFFFFF0]  }
0x284: {  	v34 =	vmul.f32 v1, v1;
	v12 =	vadd.f32 v8, v22;
	v1 =	vsub.f32 v17, v15;
	v3 =	vld [tilespmem:s13+$0x10]  }
0x285: {  	v4 =	vadd.f32 v4, v5;
	v15 =	vadd.s32 $0x8000, v9;
	v17 =	vadd.s32 $0xC000, v9;
	v2 =	vld [tilespmem:s10+$0x10]  }
0x286: {  	v5 =	vadd.f32 v7, v10;
	v24 =	vadd.s32 $0x4000, v28;
	v26 =	vadd.s32 $0x8000, v28;
	v16 =	vld [tilespmem:s13+$0x0]  }
0x287: {  	v1 =	vmul.f32 v1, v1;
	v25 =	vadd.s32 $0xC000, v28;
	v23 =	vadd.s32 $0x10000, v28;
	v8 =	vld [tilespmem:s10+$0x0]  }
0x288: {  	v10 =	vmul.f32 v14, v14;
	v27 =	vadd.s32 $0x4000, v9;
	v30 =	vld.idx.msk [tilespmem:v9+s4+$0x0], $0xffff;
	v32 =	vadd.s32 $0x4000, v33  }
0x289: {  	v7 =	vadd.f32 v0, v6;
	v21 =	vadd.s32 $0xC000, v33;
	v31 =	vadd.s32 $0x10000, v33;
	v14 =	vld.idx.msk [tilespmem:v28+s4+$0x0], $0xffff  }
0x28a: {  	v36 =	vadd.s32 $0x10000, v19;
	v35 =	vadd.s32 $0x8000, v33;
	v41 =	vadd.s32 $0xC000, v3;
	v22 =	vld.idx.msk [tilespmem:v19+s4+$0x0], $0xffff  }
0x28b: {  	v42 =	vadd.f32 v10, v4;
	v37 =	vadd.s32 $0x8000, v19;
	v6 =	vld.idx.msk [tilespmem:v17+s4+$0x0], $0xffff;
	v38 =	vadd.s32 $0x14000, v16  }
0x28c: {  	v43 =	vadd.s32 $0x10000, v9;
	v40 =	vadd.s32 $0x4000, v8;
	v39 =	vadd.s32 $0x14000, v8;
	v0 =	vld.idx.msk [tilespmem:v3+s4+$0x0], $0xffff  }
0x28d: {  	v12 =	vadd.f32 v13, v12;
	v46 =	vadd.s32 $0x8000, v16;
	v45 =	vadd.s32 $0x8000, v8;
	v17 =	vld.idx.msk [tilespmem:v15+s4+$0x0], $0xffff  }
0x28e: {  	v10 =	vadd.f32 v1, v18;
	v47 =	vadd.s32 $0xC000, v8;
	v13 =	vld.idx.msk [tilespmem:v21+s4+$0x0], $0xffff;
	v21 =	vadd.s32 $0x14000, v2  }
0x28f: {  	v11 =	vadd.f32 v20, v11;
	v18 =	vadd.s32 $0x14000, v19;
	v14 =	vsub.f32 v30, v14;
	v1 =	vld.idx.msk [tilespmem:v41+s4+$0x0], $0xffff  }
0x290: {  	v4 =	vadd.f32 v34, v5;
	v20 =	vadd.s32 $0x4000, v19;
	v48 =	vadd.s32 $0x8000, v3;
	v30 =	vld.idx.msk [tilespmem:v33+s4+$0x0], $0xffff  }
0x291: {  	v5 =	vadd.f32 v29, v42;
	v44 =	vadd.s32 $0x4000, v16;
	v14 =	vmul.f32 v14, v14;
	v15 =	vld.idx.msk [tilespmem:v43+s4+$0x0], $0xffff  }
0x292: {  	v43 =	vadd.s32 $0xC000, v19;
	v19 =	vld.idx.msk [tilespmem:v46+s4+$0x0], $0xffff;
	v46 =	vadd.s32 $0x4000, v3  }
0x293: {  	v42 =	vadd.s32 $0x14000, v33;
	v41 =	vadd.s32 $0x14000, v28;
	v34 =	vadd.f32 v14, v12;
	v14 =	vld.idx.msk [tilespmem:v16+s4+$0x0], $0xffff  }
0x294: {  	v29 =	vld.idx.msk [tilespmem:v18+s4+$0x0], $0xffff  }
0x295: {  	v33 =	vld.idx.msk [tilespmem:v20+s4+$0x0], $0xffff  }
.Ltmp5:
0x296: {  	v12 =	vld.idx.msk [tilespmem:v48+s4+$0x0], $0xffff;
	(pc) =	sbr.rel @p0 .LBB2_12-.Ltmp5, $4  }
0x297: {  	v20 =	vld.idx.msk [tilespmem:v46+s4+$0x0], $0xffff  }
0x298: {  	v18 =	vld.idx.msk [tilespmem:v47+s4+$0x0], $0xffff  }
0x299: {  	v36 =	vld.idx.msk [tilespmem:v36+s4+$0x0], $0xffff  }
0x29a: {  	v28 =	vld.idx.msk [tilespmem:v45+s4+$0x0], $0xffff  }
0x29b: {  	_ =	sdelay $0x3  }
0x29c: {  	v44 =	vld.idx.msk [tilespmem:v44+s4+$0x0], $0xffff  }
0x29d: {  	v43 =	vld.idx.msk [tilespmem:v43+s4+$0x0], $0xffff  }
0x29e: {  	v38 =	vld.idx.msk [tilespmem:v38+s4+$0x0], $0xffff  }
0x29f: {  	v40 =	vld.idx.msk [tilespmem:v40+s4+$0x0], $0xffff  }
0x2a0: {  	v39 =	vld.idx.msk [tilespmem:v39+s4+$0x0], $0xffff  }
0x2a1: {  	v37 =	vld.idx.msk [tilespmem:v37+s4+$0x0], $0xffff  }
0x2a2: {  	v32 =	vld.idx.msk [tilespmem:v32+s4+$0x0], $0xffff  }
0x2a3: {  	v35 =	vld.idx.msk [tilespmem:v35+s4+$0x0], $0xffff  }
0x2a4: {  	v31 =	vld.idx.msk [tilespmem:v31+s4+$0x0], $0xffff  }
0x2a5: {  	v42 =	vld.idx.msk [tilespmem:v42+s4+$0x0], $0xffff  }
0x2a6: {  	v41 =	vld.idx.msk [tilespmem:v41+s4+$0x0], $0xffff  }
0x2a7: {  	v26 =	vld.idx.msk [tilespmem:v26+s4+$0x0], $0xffff  }
0x2a8: {  	v27 =	vld.idx.msk [tilespmem:v27+s4+$0x0], $0xffff  }
0x2a9: {  	v24 =	vld.idx.msk [tilespmem:v24+s4+$0x0], $0xffff  }
0x2aa: {  	v9 =	vadd.s32 $0x14000, v9;
	v25 =	vld.idx.msk [tilespmem:v25+s4+$0x0], $0xffff  }
0x2ab: {  	v45 =	vadd.s32 $0xC000, v16;
	v23 =	vld.idx.msk [tilespmem:v23+s4+$0x0], $0xffff  }
0x2ac: {  	v46 =	vadd.s32 $0x4000, v2;
	v50 =	vld.idx.msk [tilespmem:v8+s4+$0x0], $0xffff  }
0x2ad: {  	v47 =	vadd.s32 $0x8000, v2;
	v52 =	vld.idx.msk [tilespmem:v2+s4+$0x0], $0xffff  }
0x2ae: {  	v48 =	vadd.s32 $0x10000, v2;
	v21 =	vld.idx.msk [tilespmem:v21+s4+$0x0], $0xffff  }
0x2af: {  	v49 =	vadd.s32 $0xC000, v2;
	v9 =	vld.idx.msk [tilespmem:v9+s4+$0x0], $0xffff  }
0x2b0: {  	v51 =	vadd.s32 $0x10000, v3;
	v45 =	vld.idx.msk [tilespmem:v45+s4+$0x0], $0xffff  }
0x2b1: {  	v8 =	vadd.s32 $0x10000, v8;
	v46 =	vld.idx.msk [tilespmem:v46+s4+$0x0], $0xffff  }
0x2b2: {  	v16 =	vadd.s32 $0x10000, v16;
	v47 =	vld.idx.msk [tilespmem:v47+s4+$0x0], $0xffff  }
0x2b3: {  	v3 =	vadd.s32 $0x14000, v3;
	v48 =	vld.idx.msk [tilespmem:v48+s4+$0x0], $0xffff  }
0x2b4: {  	v2 =	vsub.f32 v30, v22;
	v49 =	vld.idx.msk [tilespmem:v49+s4+$0x0], $0xffff  }
0x2b5: {  	v51 =	vld.idx.msk [tilespmem:v51+s4+$0x0], $0xffff  }
0x2b6: {  	v2 =	vmul.f32 v2, v2;
	v53 =	vld.idx.msk [tilespmem:v8+s4+$0x0], $0xffff  }
0x2b7: {  	v54 =	vld.idx.msk [tilespmem:v16+s4+$0x0], $0xffff  }
0x2b8: {  	v63 =	vadd.f32 v2, v34;
	v30 =	vld.idx.msk [tilespmem:v3+s4+$0x0], $0xffff;
	_ =	swait.ge [sflag:s0], $0x1800  }
0x2b9: {  	v3 =	vsub.f32 v32, v33;
	v8 =	vsub.f32 v40, v44;
	[sflag:s0] =	ssyncset.done $0x0  }
0x2ba: {  	v2 =	vsub.f32 v35, v37;
	v22 =	vsub.f32 v31, v36;
	[sflag:s0] =	ssyncadd.s32 $0xFFFFE800  }
0x2bb: {  	v16 =	vsub.f32 v39, v38;
	v17 =	vsub.f32 v17, v26;
	_ =	swait.ge [sflag:s0], $0x1800  }
0x2bc: {  	v26 =	vsub.f32 v42, v29;
	v24 =	vsub.f32 v27, v24;
	[sflag:s0] =	ssyncset.done $0x0  }
0x2bd: {  	v6 =	vsub.f32 v6, v25;
	[sflag:s0] =	ssyncadd.s32 $0xFFFFE800;
	v9 =	vsub.f32 v9, v41  }
0x2be: {  	v13 =	vsub.f32 v13, v43;
	v15 =	vsub.f32 v15, v23;
	v8 =	vmul.f32 v8, v8;
	[tilespmem:s5], [sflag:$0x2] =	stream.linear.gather [hbm4b:s24+s4], $0x1601, $0x38;
	[tilespmem:$0x1E080] =	vst v63  }
0x2bf: {  	s10 =	simm.s32 $0x18020;
	v14 =	vsub.f32 v50, v14;
	v17 =	vmul.f32 v17, v17;
	v9 =	vmul.f32 v9, v9  }
0x2c0: {  	v0 =	vsub.f32 v52, v0;
	v24 =	vmul.f32 v24, v24;
	v3 =	vmul.f32 v3, v3;
	[tilespmem:s6], [sflag:$0x2] =	stream.linear.gather [hbm4b:s26+s4], $0x1601, $0x38;
	[tilespmem:$0x1E080] =	vst v63  }
0x2c1: {  	s13 =	simm.s32 $0x1B020;
	v15 =	vmul.f32 v15, v15;
	v7 =	vadd.f32 v17, v7;
	v10 =	vadd.f32 v9, v10;
	v9 =	vld [tilespmem:s10+$0xFFFFFFE0]  }
0x2c2: {  	v6 =	vmul.f32 v6, v6;
	v17 =	vsub.f32 v28, v19;
	v11 =	vadd.f32 v24, v11;
	v28 =	vld [tilespmem:s13+$0xFFFFFFE0]  }
0x2c3: {  	v16 =	vmul.f32 v16, v16;
	v19 =	vmul.f32 v26, v26;
	v5 =	vadd.f32 v15, v5;
	v55 =	vld [tilespmem:s13+$0xFFFFFFF0]  }
0x2c4: {  	v13 =	vmul.f32 v13, v13;
	v4 =	vadd.f32 v6, v4;
	v11 =	vadd.f32 v3, v11;
	v3 =	vld [tilespmem:s13+$0x10]  }
0x2c5: {  	v23 =	vmul.f32 v2, v2;
	v18 =	vsub.f32 v18, v45;
	v56 =	vld [tilespmem:s10+$0xFFFFFFF0];
	v2 =	vadd.f32 v19, v10  }
0x2c6: {  	v14 =	vmul.f32 v14, v14;
	v12 =	vsub.f32 v47, v12;
	v11 =	vadd.f32 v8, v11;
	v8 =	vld [tilespmem:s10+$0x0]  }
0x2c7: {  	v15 =	vmul.f32 v22, v22;
	v1 =	vsub.f32 v49, v1;
	v19 =	vadd.f32 v16, v2;
	v2 =	vld [tilespmem:s10+$0x10]  }
0x2c8: {  	v21 =	vsub.f32 v21, v30;
	v17 =	vmul.f32 v17, v17;
	v10 =	vsub.f32 v46, v20;
	v16 =	vld [tilespmem:s13+$0x0]  }
0x2c9: {  	v7 =	vadd.f32 v23, v7;
	v4 =	vadd.f32 v13, v4;
	v6 =	vadd.s32 $0xC000, v9;
	v57 =	vld.idx.msk [tilespmem:v9+s4+$0x0], $0xffff  }
0x2ca: {  	v20 =	vmul.f32 v10, v10;
	v10 =	vsub.f32 v48, v51;
	v24 =	vadd.s32 $0x8000, v9;
	v58 =	vld.idx.msk [tilespmem:v28+s4+$0x0], $0xffff  }
0x2cb: {  	v13 =	vsub.f32 v53, v54;
	v18 =	vmul.f32 v18, v18;
	v23 =	vadd.s32 $0xC000, v56;
	v22 =	vld.idx.msk [tilespmem:v55+s4+$0x0], $0xffff  }
0x2cc: {  	v25 =	vadd.s32 $0xC000, v3;
	v26 =	vmul.f32 v10, v10;
	v10 =	vmul.f32 v0, v0;
	v0 =	vld.idx.msk [tilespmem:v3+s4+$0x0], $0xffff  }
0x2cd: {  	v12 =	vmul.f32 v12, v12;
	v7 =	vadd.f32 v17, v7;
	v27 =	vadd.s32 $0x10000, v9;
	v30 =	vld.idx.msk [tilespmem:v56+s4+$0x0], $0xffff  }
0x2ce: {  	v4 =	vadd.f32 v18, v4;
	v18 =	vmul.f32 v21, v21;
	v21 =	vadd.s32 $0x14000, v55;
	v6 =	vld.idx.msk [tilespmem:v6+s4+$0x0], $0xffff  }
0x2cf: {  	v5 =	vadd.f32 v15, v5;
	v7 =	vadd.f32 v12, v7;
	v12 =	vadd.s32 $0x4000, v55;
	v17 =	vld.idx.msk [tilespmem:v24+s4+$0x0], $0xffff  }
0x2d0: {  	v29 =	vmul.f32 v1, v1;
	v15 =	vmul.f32 v13, v13;
	v61 =	vadd.s32 $0x10000, v55;
	v13 =	vld.idx.msk [tilespmem:v23+s4+$0x0], $0xffff  }
0x2d1: {  	v14 =	vadd.f32 v14, v63;
	v11 =	vadd.f32 v20, v11;
	v20 =	vadd.s32 $0x4000, v3;
	v1 =	vld.idx.msk [tilespmem:v25+s4+$0x0], $0xffff  }
0x2d2: {  	v5 =	vadd.f32 v15, v5;
	v4 =	vadd.f32 v29, v4;
	v15 =	vld.idx.msk [tilespmem:v27+s4+$0x0], $0xffff  }
0x2d3: {  	v59 =	vadd.f32 v10, v14;
	v10 =	vadd.f32 v18, v19;
	v18 =	vadd.s32 $0x8000, v3;
	v29 =	vld.idx.msk [tilespmem:v21+s4+$0x0], $0xffff  }
0x2d4: {  	v60 =	vadd.s32 $0xC000, v8;
	v62 =	vadd.s32 $0x8000, v8;
	v32 =	vadd.s32 $0x4000, v56;
	v33 =	vld.idx.msk [tilespmem:v12+s4+$0x0], $0xffff  }
0x2d5: {  	v31 =	vadd.s32 $0x10000, v56;
	v35 =	vadd.s32 $0x8000, v56;
	v24 =	vadd.s32 $0x8000, v16;
	v36 =	vld.idx.msk [tilespmem:v61+s4+$0x0], $0xffff  }
0x2d6: {  	v37 =	vadd.s32 $0x8000, v55;
	v40 =	vadd.s32 $0x4000, v8;
	v39 =	vadd.s32 $0x14000, v8;
	v20 =	vld.idx.msk [tilespmem:v20+s4+$0x0], $0xffff  }
0x2d7: {  	v43 =	vadd.s32 $0xC000, v55;
	v44 =	vadd.s32 $0x4000, v16;
	v14 =	vld.idx.msk [tilespmem:v16+s4+$0x0], $0xffff;
	v21 =	vsub.f32 v57, v58  }
0x2d8: {  	v41 =	vadd.s32 $0x14000, v28;
	v42 =	vadd.s32 $0x14000, v56;
	v5 =	vadd.f32 v26, v5;
	v12 =	vld.idx.msk [tilespmem:v18+s4+$0x0], $0xffff  }
0x2d9: {  	v26 =	vadd.s32 $0x8000, v28;
	v38 =	vadd.s32 $0x14000, v16;
	v18 =	vld.idx.msk [tilespmem:v60+s4+$0x0], $0xffff;
	v63 =	vmul.f32 v21, v21  }
0x2da: {  	v25 =	vadd.s32 $0xC000, v28;
	v23 =	vadd.s32 $0x10000, v28;
	v27 =	vadd.s32 $0x4000, v9;
	v19 =	vld.idx.msk [tilespmem:v24+s4+$0x0], $0xffff  }
0x2db: {  	s14 =	simm.s32 $0x0;
	v24 =	vadd.s32 $0x4000, v28;
	v21 =	vadd.s32 $0x14000, v2;
	v28 =	vld.idx.msk [tilespmem:v62+s4+$0x0], $0xffff;
	v34 =	vadd.f32 v63, v59  }
.LBB2_14:
0x2dc: {  	s14 =	sadd.s32 $0x4, s14;
	v44 =	vld.idx.msk [tilespmem:v44+s4+$0x0], $0xffff;
	s13 =	sadd.s32 $0x40, s13;
	s10 =	sadd.s32 $0x40, s10  }
0x2dd: {  	p0 =	slt.u32 s14, $0x17C;
	v43 =	vld.idx.msk [tilespmem:v43+s4+$0x0], $0xffff  }
0x2de: {  	v38 =	vld.idx.msk [tilespmem:v38+s4+$0x0], $0xffff  }
0x2df: {  	v9 =	vadd.s32 $0x14000, v9;
	v40 =	vld.idx.msk [tilespmem:v40+s4+$0x0], $0xffff  }
0x2e0: {  	v39 =	vld.idx.msk [tilespmem:v39+s4+$0x0], $0xffff  }
0x2e1: {  	v37 =	vld.idx.msk [tilespmem:v37+s4+$0x0], $0xffff  }
0x2e2: {  	v32 =	vld.idx.msk [tilespmem:v32+s4+$0x0], $0xffff  }
0x2e3: {  	v45 =	vadd.s32 $0xC000, v16;
	v35 =	vld.idx.msk [tilespmem:v35+s4+$0x0], $0xffff  }
0x2e4: {  	v22 =	vsub.f32 v30, v22;
	v16 =	vadd.s32 $0x10000, v16;
	v30 =	vld.idx.msk [tilespmem:v31+s4+$0x0], $0xffff  }
0x2e5: {  	v31 =	vld.idx.msk [tilespmem:v42+s4+$0x0], $0xffff;
	v42 =	vadd.s32 $0x10000, v8  }
0x2e6: {  	v22 =	vmul.f32 v22, v22;
	v9 =	vld.idx.msk [tilespmem:v9+s4+$0x0], $0xffff  }
0x2e7: {  	v41 =	vld.idx.msk [tilespmem:v41+s4+$0x0], $0xffff  }
0x2e8: {  	v32 =	vsub.f32 v32, v33;
	v33 =	vsub.f32 v40, v44;
	v26 =	vld.idx.msk [tilespmem:v26+s4+$0x0], $0xffff  }
0x2e9: {  	v22 =	vadd.f32 v22, v34;
	v34 =	vsub.f32 v35, v37;
	v35 =	vadd.s32 $0x4000, v2;
	v27 =	vld.idx.msk [tilespmem:v27+s4+$0x0], $0xffff  }
0x2ea: {  	v30 =	vsub.f32 v30, v36;
	v33 =	vmul.f32 v33, v33;
	v36 =	vsub.f32 v39, v38;
	v24 =	vld.idx.msk [tilespmem:v24+s4+$0x0], $0xffff  }
0x2eb: {  	v29 =	vsub.f32 v31, v29;
	v31 =	vadd.s32 $0x8000, v2;
	v25 =	vld.idx.msk [tilespmem:v25+s4+$0x0], $0xffff  }
0x2ec: {  	v38 =	vadd.s32 $0x10000, v2;
	v37 =	vld.idx.msk [tilespmem:v45+s4+$0x0], $0xffff  }
0x2ed: {  	v39 =	vadd.s32 $0xC000, v2;
	v36 =	vmul.f32 v36, v36;
	v9 =	vsub.f32 v9, v41;
	v23 =	vld.idx.msk [tilespmem:v23+s4+$0x0], $0xffff  }
0x2ee: {  	v17 =	vsub.f32 v17, v26;
	v26 =	vld.idx.msk [tilespmem:v35+s4+$0x0], $0xffff  }
0x2ef: {  	v9 =	vmul.f32 v9, v9;
	v35 =	vadd.s32 $0x10000, v3;
	v8 =	vld.idx.msk [tilespmem:v8+s4+$0x0], $0xffff  }
0x2f0: {  	v3 =	vadd.s32 $0x14000, v3;
	v24 =	vsub.f32 v27, v24;
	v17 =	vmul.f32 v17, v17;
	v27 =	vld.idx.msk [tilespmem:v31+s4+$0x0], $0xffff  }
0x2f1: {  	v13 =	vsub.f32 v13, v43;
	v6 =	vsub.f32 v6, v25;
	v25 =	vmul.f32 v29, v29;
	v29 =	vld.idx.msk [tilespmem:v38+s4+$0x0], $0xffff  }
0x2f2: {  	v24 =	vmul.f32 v24, v24;
	v7 =	vadd.f32 v17, v7;
	v17 =	vsub.f32 v28, v19;
	v19 =	vld.idx.msk [tilespmem:v39+s4+$0x0], $0xffff  }
0x2f3: {  	v9 =	vadd.f32 v9, v10;
	v10 =	vmul.f32 v13, v13;
	v15 =	vsub.f32 v15, v23;
	v2 =	vld.idx.msk [tilespmem:v2+s4+$0x0], $0xffff  }
0x2f4: {  	v13 =	vmul.f32 v32, v32;
	v23 =	vmul.f32 v34, v34;
	v11 =	vadd.f32 v24, v11;
	v24 =	vld.idx.msk [tilespmem:v35+s4+$0x0], $0xffff  }
0x2f5: {  	v9 =	vadd.f32 v25, v9;
	v20 =	vsub.f32 v26, v20;
	v15 =	vmul.f32 v15, v15;
	v25 =	vld.idx.msk [tilespmem:v42+s4+$0x0], $0xffff  }
0x2f6: {  	v8 =	vsub.f32 v8, v14;
	v11 =	vadd.f32 v13, v11;
	v13 =	vmul.f32 v17, v17;
	v14 =	vld.idx.msk [tilespmem:v16+s4+$0x0], $0xffff  }
0x2f7: {  	v6 =	vmul.f32 v6, v6;
	v16 =	vsub.f32 v18, v37;
	v18 =	vadd.f32 v36, v9;
	v17 =	vld.idx.msk [tilespmem:v21+s4+$0x0], $0xffff  }
0x2f8: {  	v12 =	vsub.f32 v27, v12;
	v5 =	vadd.f32 v15, v5;
	v8 =	vmul.f32 v8, v8;
	v15 =	vld.idx.msk [tilespmem:v3+s4+$0x0], $0xffff  }
0x2f9: {  	v3 =	vadd.f32 v6, v4;
	v4 =	vmul.f32 v30, v30;
	v0 =	vsub.f32 v2, v0  }
0x2fa: {  	v20 =	vmul.f32 v20, v20;
	v11 =	vadd.f32 v33, v11;
	v2 =	vsub.f32 v29, v24;
	v9 =	vld [tilespmem:s10+$0xFFFFFFE0]  }
0x2fb: {  	v1 =	vsub.f32 v19, v1;
	v6 =	vadd.f32 v23, v7;
	v7 =	vmul.f32 v16, v16;
	v28 =	vld [tilespmem:s13+$0xFFFFFFE0]  }
0x2fc: {  	v10 =	vadd.f32 v10, v3;
	v14 =	vsub.f32 v25, v14;
	v29 =	vmul.f32 v2, v2;
	v19 =	vld [tilespmem:s13+$0xFFFFFFF0]  }
0x2fd: {  	v6 =	vadd.f32 v13, v6;
	v13 =	vmul.f32 v0, v0;
	v0 =	vmul.f32 v12, v12;
	v33 =	vld [tilespmem:s10+$0xFFFFFFF0]  }
0x2fe: {  	v34 =	vmul.f32 v1, v1;
	v12 =	vadd.f32 v8, v22;
	v1 =	vsub.f32 v17, v15;
	v3 =	vld [tilespmem:s13+$0x10]  }
0x2ff: {  	v4 =	vadd.f32 v4, v5;
	v15 =	vadd.s32 $0x8000, v9;
	v17 =	vadd.s32 $0xC000, v9;
	v2 =	vld [tilespmem:s10+$0x10]  }
0x300: {  	v5 =	vadd.f32 v7, v10;
	v24 =	vadd.s32 $0x4000, v28;
	v26 =	vadd.s32 $0x8000, v28;
	v16 =	vld [tilespmem:s13+$0x0]  }
0x301: {  	v1 =	vmul.f32 v1, v1;
	v25 =	vadd.s32 $0xC000, v28;
	v23 =	vadd.s32 $0x10000, v28;
	v8 =	vld [tilespmem:s10+$0x0]  }
0x302: {  	v10 =	vmul.f32 v14, v14;
	v27 =	vadd.s32 $0x4000, v9;
	v30 =	vld.idx.msk [tilespmem:v9+s4+$0x0], $0xffff;
	v32 =	vadd.s32 $0x4000, v33  }
0x303: {  	v7 =	vadd.f32 v0, v6;
	v21 =	vadd.s32 $0xC000, v33;
	v31 =	vadd.s32 $0x10000, v33;
	v14 =	vld.idx.msk [tilespmem:v28+s4+$0x0], $0xffff  }
0x304: {  	v36 =	vadd.s32 $0x10000, v19;
	v35 =	vadd.s32 $0x8000, v33;
	v41 =	vadd.s32 $0xC000, v3;
	v22 =	vld.idx.msk [tilespmem:v19+s4+$0x0], $0xffff  }
0x305: {  	v42 =	vadd.f32 v10, v4;
	v37 =	vadd.s32 $0x8000, v19;
	v6 =	vld.idx.msk [tilespmem:v17+s4+$0x0], $0xffff;
	v38 =	vadd.s32 $0x14000, v16  }
0x306: {  	v43 =	vadd.s32 $0x10000, v9;
	v40 =	vadd.s32 $0x4000, v8;
	v39 =	vadd.s32 $0x14000, v8;
	v0 =	vld.idx.msk [tilespmem:v3+s4+$0x0], $0xffff  }
0x307: {  	v12 =	vadd.f32 v13, v12;
	v46 =	vadd.s32 $0x8000, v16;
	v45 =	vadd.s32 $0x8000, v8;
	v17 =	vld.idx.msk [tilespmem:v15+s4+$0x0], $0xffff  }
0x308: {  	v10 =	vadd.f32 v1, v18;
	v47 =	vadd.s32 $0xC000, v8;
	v13 =	vld.idx.msk [tilespmem:v21+s4+$0x0], $0xffff;
	v21 =	vadd.s32 $0x14000, v2  }
0x309: {  	v11 =	vadd.f32 v20, v11;
	v18 =	vadd.s32 $0x14000, v19;
	v14 =	vsub.f32 v30, v14;
	v1 =	vld.idx.msk [tilespmem:v41+s4+$0x0], $0xffff  }
0x30a: {  	v4 =	vadd.f32 v34, v5;
	v20 =	vadd.s32 $0x4000, v19;
	v48 =	vadd.s32 $0x8000, v3;
	v30 =	vld.idx.msk [tilespmem:v33+s4+$0x0], $0xffff  }
0x30b: {  	v5 =	vadd.f32 v29, v42;
	v44 =	vadd.s32 $0x4000, v16;
	v14 =	vmul.f32 v14, v14;
	v15 =	vld.idx.msk [tilespmem:v43+s4+$0x0], $0xffff  }
0x30c: {  	v43 =	vadd.s32 $0xC000, v19;
	v19 =	vld.idx.msk [tilespmem:v46+s4+$0x0], $0xffff;
	v46 =	vadd.s32 $0x4000, v3  }
0x30d: {  	v42 =	vadd.s32 $0x14000, v33;
	v41 =	vadd.s32 $0x14000, v28;
	v34 =	vadd.f32 v14, v12;
	v14 =	vld.idx.msk [tilespmem:v16+s4+$0x0], $0xffff  }
0x30e: {  	v29 =	vld.idx.msk [tilespmem:v18+s4+$0x0], $0xffff  }
0x30f: {  	v33 =	vld.idx.msk [tilespmem:v20+s4+$0x0], $0xffff  }
.Ltmp6:
0x310: {  	v12 =	vld.idx.msk [tilespmem:v48+s4+$0x0], $0xffff;
	(pc) =	sbr.rel @p0 .LBB2_14-.Ltmp6, $4  }
0x311: {  	v20 =	vld.idx.msk [tilespmem:v46+s4+$0x0], $0xffff  }
0x312: {  	v18 =	vld.idx.msk [tilespmem:v47+s4+$0x0], $0xffff  }
0x313: {  	v36 =	vld.idx.msk [tilespmem:v36+s4+$0x0], $0xffff  }
0x314: {  	v28 =	vld.idx.msk [tilespmem:v45+s4+$0x0], $0xffff  }
0x315: {  	_ =	sdelay $0x3  }
0x316: {  	v44 =	vld.idx.msk [tilespmem:v44+s4+$0x0], $0xffff  }
0x317: {  	v43 =	vld.idx.msk [tilespmem:v43+s4+$0x0], $0xffff  }
0x318: {  	v38 =	vld.idx.msk [tilespmem:v38+s4+$0x0], $0xffff  }
0x319: {  	v40 =	vld.idx.msk [tilespmem:v40+s4+$0x0], $0xffff  }
0x31a: {  	v39 =	vld.idx.msk [tilespmem:v39+s4+$0x0], $0xffff  }
0x31b: {  	v37 =	vld.idx.msk [tilespmem:v37+s4+$0x0], $0xffff  }
0x31c: {  	v32 =	vld.idx.msk [tilespmem:v32+s4+$0x0], $0xffff  }
0x31d: {  	v35 =	vld.idx.msk [tilespmem:v35+s4+$0x0], $0xffff  }
0x31e: {  	v31 =	vld.idx.msk [tilespmem:v31+s4+$0x0], $0xffff  }
0x31f: {  	v42 =	vld.idx.msk [tilespmem:v42+s4+$0x0], $0xffff  }
0x320: {  	v41 =	vld.idx.msk [tilespmem:v41+s4+$0x0], $0xffff  }
0x321: {  	v26 =	vld.idx.msk [tilespmem:v26+s4+$0x0], $0xffff  }
0x322: {  	v27 =	vld.idx.msk [tilespmem:v27+s4+$0x0], $0xffff  }
0x323: {  	v24 =	vld.idx.msk [tilespmem:v24+s4+$0x0], $0xffff  }
0x324: {  	v9 =	vadd.s32 $0x14000, v9;
	v25 =	vld.idx.msk [tilespmem:v25+s4+$0x0], $0xffff  }
0x325: {  	v45 =	vadd.s32 $0xC000, v16;
	v23 =	vld.idx.msk [tilespmem:v23+s4+$0x0], $0xffff  }
0x326: {  	v46 =	vadd.s32 $0x4000, v2;
	v50 =	vld.idx.msk [tilespmem:v8+s4+$0x0], $0xffff  }
0x327: {  	v47 =	vadd.s32 $0x8000, v2;
	v52 =	vld.idx.msk [tilespmem:v2+s4+$0x0], $0xffff  }
0x328: {  	v48 =	vadd.s32 $0x10000, v2;
	v21 =	vld.idx.msk [tilespmem:v21+s4+$0x0], $0xffff  }
0x329: {  	v49 =	vadd.s32 $0xC000, v2;
	v9 =	vld.idx.msk [tilespmem:v9+s4+$0x0], $0xffff  }
0x32a: {  	v51 =	vadd.s32 $0x10000, v3;
	v45 =	vld.idx.msk [tilespmem:v45+s4+$0x0], $0xffff  }
0x32b: {  	v8 =	vadd.s32 $0x10000, v8;
	v46 =	vld.idx.msk [tilespmem:v46+s4+$0x0], $0xffff  }
0x32c: {  	v16 =	vadd.s32 $0x10000, v16;
	v47 =	vld.idx.msk [tilespmem:v47+s4+$0x0], $0xffff  }
0x32d: {  	v3 =	vadd.s32 $0x14000, v3;
	v48 =	vld.idx.msk [tilespmem:v48+s4+$0x0], $0xffff  }
0x32e: {  	v49 =	vld.idx.msk [tilespmem:v49+s4+$0x0], $0xffff  }
0x32f: {  	v2 =	vsub.f32 v30, v22;
	v51 =	vld.idx.msk [tilespmem:v51+s4+$0x0], $0xffff  }
0x330: {  	v8 =	vld.idx.msk [tilespmem:v8+s4+$0x0], $0xffff  }
0x331: {  	v2 =	vmul.f32 v2, v2;
	v16 =	vld.idx.msk [tilespmem:v16+s4+$0x0], $0xffff  }
0x332: {  	v22 =	vld.idx.msk [tilespmem:v3+s4+$0x0], $0xffff;
	_ =	swait.ge [sflag:s7], $0x1601  }
0x333: {  	v53 =	vadd.f32 v2, v34;
	v3 =	vsub.f32 v32, v33;
	[sflag:s7] =	ssyncset.done $0x0  }
0x334: {  	v30 =	vsub.f32 v40, v44;
	v2 =	vsub.f32 v35, v37;
	[sflag:s7] =	ssyncadd.s32 $0xFFFFE9FF  }
0x335: {  	v31 =	vsub.f32 v31, v36;
	v54 =	vsub.f32 v39, v38;
	_ =	swait.ge [sflag:s7], $0x1601  }
0x336: {  	v17 =	vsub.f32 v17, v26;
	v29 =	vsub.f32 v42, v29;
	[sflag:s7] =	ssyncset.done $0x0  }
0x337: {  	v24 =	vsub.f32 v27, v24;
	v6 =	vsub.f32 v6, v25;
	[sflag:s7] =	ssyncadd.s32 $0xFFFFE9FF  }
0x338: {  	v13 =	vsub.f32 v13, v43;
	v15 =	vsub.f32 v15, v23;
	v26 =	vmul.f32 v30, v30;
	[tilespmem:s28], [sflag:$0x1] =	stream.linear.gather [hbm4b:s1+s4], $0x1800, $0x38;
	[tilespmem:$0x1E080] =	vst v63  }
0x339: {  	s10 =	simm.s32 $0x19820;
	v14 =	vsub.f32 v50, v14;
	v17 =	vmul.f32 v17, v17;
	v24 =	vmul.f32 v24, v24  }
0x33a: {  	v3 =	vmul.f32 v3, v3;
	v15 =	vmul.f32 v15, v15;
	v9 =	vsub.f32 v9, v41;
	[tilespmem:s29], [sflag:$0x1] =	stream.linear.gather [hbm4b:s3+s4], $0x1800, $0x38;
	[tilespmem:$0x1E080] =	vst v63  }
0x33b: {  	s13 =	simm.s32 $0x1C820;
	v6 =	vmul.f32 v6, v6;
	v7 =	vadd.f32 v17, v7;
	v17 =	vsub.f32 v28, v19;
	v19 =	vld [tilespmem:s10+$0xFFFFFFE0]  }
0x33c: {  	v11 =	vadd.f32 v24, v11;
	v5 =	vadd.f32 v15, v5;
	v9 =	vmul.f32 v9, v9;
	v55 =	vld [tilespmem:s13+$0xFFFFFFE0]  }
0x33d: {  	v30 =	vmul.f32 v54, v54;
	v6 =	vadd.f32 v6, v4;
	v18 =	vsub.f32 v18, v45;
	v56 =	vld [tilespmem:s13+$0xFFFFFFF0]  }
0x33e: {  	v25 =	vmul.f32 v29, v29;
	v11 =	vadd.f32 v3, v11;
	v9 =	vadd.f32 v9, v10;
	v3 =	vld [tilespmem:s13+$0x10]  }
0x33f: {  	v14 =	vmul.f32 v14, v14;
	v12 =	vsub.f32 v47, v12;
	v1 =	vsub.f32 v49, v1;
	v57 =	vld [tilespmem:s10+$0xFFFFFFF0]  }
0x340: {  	v10 =	vmul.f32 v13, v13;
	v13 =	vmul.f32 v2, v2;
	v4 =	vld [tilespmem:s13+$0x0];
	v2 =	vadd.f32 v25, v9  }
0x341: {  	v24 =	vmul.f32 v31, v31;
	v8 =	vsub.f32 v8, v16;
	v25 =	vsub.f32 v52, v0;
	v0 =	vld [tilespmem:s10+$0x0]  }
0x342: {  	v9 =	vsub.f32 v46, v20;
	v20 =	vadd.f32 v30, v2;
	v2 =	vld [tilespmem:s10+$0x10];
	v15 =	vadd.s32 $0xC000, v19  }
0x343: {  	v17 =	vmul.f32 v17, v17;
	v5 =	vadd.f32 v24, v5;
	v27 =	vadd.s32 $0x8000, v19;
	v58 =	vld.idx.msk [tilespmem:v19+s4+$0x0], $0xffff  }
0x344: {  	v1 =	vmul.f32 v1, v1;
	v26 =	vadd.f32 v26, v11;
	v28 =	vadd.s32 $0xC000, v57;
	v59 =	vld.idx.msk [tilespmem:v55+s4+$0x0], $0xffff  }
0x345: {  	v11 =	vsub.f32 v48, v51;
	v7 =	vadd.f32 v13, v7;
	v30 =	vadd.s32 $0xC000, v3;
	v23 =	vld.idx.msk [tilespmem:v56+s4+$0x0], $0xffff  }
0x346: {  	v8 =	vmul.f32 v8, v8;
	v13 =	vmul.f32 v18, v18;
	v29 =	vadd.f32 v10, v6;
	v6 =	vld.idx.msk [tilespmem:v3+s4+$0x0], $0xffff  }
0x347: {  	v31 =	vmul.f32 v11, v11;
	v11 =	vadd.f32 v17, v7;
	v17 =	vadd.s32 $0x10000, v19;
	v10 =	vld.idx.msk [tilespmem:v15+s4+$0x0], $0xffff  }
0x348: {  	v7 =	vsub.f32 v21, v22;
	v22 =	vadd.f32 v13, v29;
	v21 =	vadd.s32 $0x8000, v4;
	v18 =	vld.idx.msk [tilespmem:v27+s4+$0x0], $0xffff  }
0x349: {  	v12 =	vmul.f32 v12, v12;
	v5 =	vadd.f32 v8, v5;
	v60 =	vadd.s32 $0x4000, v56;
	v16 =	vld.idx.msk [tilespmem:v28+s4+$0x0], $0xffff  }
0x34a: {  	v13 =	vmul.f32 v7, v7;
	v8 =	vadd.f32 v1, v22;
	v1 =	vadd.s32 $0x4000, v3;
	v7 =	vld.idx.msk [tilespmem:v30+s4+$0x0], $0xffff  }
0x34b: {  	v14 =	vadd.f32 v14, v53;
	v9 =	vmul.f32 v9, v9;
	v24 =	vadd.s32 $0x4000, v55;
	v28 =	vld.idx.msk [tilespmem:v57+s4+$0x0], $0xffff  }
0x34c: {  	v11 =	vadd.f32 v12, v11;
	v12 =	vadd.f32 v13, v20;
	v20 =	vadd.s32 $0xC000, v0;
	v17 =	vld.idx.msk [tilespmem:v17+s4+$0x0], $0xffff  }
0x34d: {  	v29 =	vadd.s32 $0x8000, v55;
	v13 =	vadd.f32 v9, v26;
	v26 =	vadd.s32 $0x10000, v56;
	v21 =	vld.idx.msk [tilespmem:v21+s4+$0x0], $0xffff  }
0x34e: {  	v62 =	vadd.s32 $0x8000, v0;
	v9 =	vadd.f32 v31, v5;
	v15 =	vmul.f32 v25, v25;
	v31 =	vld.idx.msk [tilespmem:v60+s4+$0x0], $0xffff  }
0x34f: {  	v35 =	vadd.s32 $0x4000, v57;
	v34 =	vadd.s32 $0x10000, v57;
	v27 =	vadd.s32 $0x14000, v56;
	v22 =	vld.idx.msk [tilespmem:v1+s4+$0x0], $0xffff  }
0x350: {  	v36 =	vadd.s32 $0x8000, v57;
	v61 =	vadd.f32 v15, v14;
	v14 =	vadd.s32 $0x8000, v3;
	v15 =	vld.idx.msk [tilespmem:v4+s4+$0x0], $0xffff  }
0x351: {  	v37 =	vadd.s32 $0x8000, v56;
	v44 =	vadd.s32 $0x4000, v4;
	v63 =	vsub.f32 v58, v59;
	v20 =	vld.idx.msk [tilespmem:v20+s4+$0x0], $0xffff  }
0x352: {  	v38 =	vadd.s32 $0x14000, v4;
	v43 =	vadd.s32 $0xC000, v56;
	v41 =	vadd.s32 $0x14000, v55;
	v33 =	vld.idx.msk [tilespmem:v26+s4+$0x0], $0xffff  }
0x353: {  	v42 =	vadd.s32 $0x14000, v57;
	v40 =	vadd.s32 $0x4000, v0;
	v26 =	vld.idx.msk [tilespmem:v62+s4+$0x0], $0xffff;
	v32 =	vmul.f32 v63, v63  }
0x354: {  	v39 =	vadd.s32 $0x14000, v0;
	v5 =	vadd.s32 $0x10000, v55;
	v25 =	vadd.s32 $0xC000, v55;
	v27 =	vld.idx.msk [tilespmem:v27+s4+$0x0], $0xffff  }
0x355: {  	s14 =	simm.s32 $0x0;
	v30 =	vadd.s32 $0x4000, v19;
	v1 =	vadd.s32 $0x14000, v2;
	v14 =	vld.idx.msk [tilespmem:v14+s4+$0x0], $0xffff;
	v32 =	vadd.f32 v32, v61  }
.LBB2_16:
0x356: {  	s14 =	sadd.s32 $0x4, s14;
	v44 =	vld.idx.msk [tilespmem:v44+s4+$0x0], $0xffff;
	s13 =	sadd.s32 $0x40, s13;
	s10 =	sadd.s32 $0x40, s10  }
0x357: {  	p0 =	slt.u32 s14, $0x15C;
	v43 =	vld.idx.msk [tilespmem:v43+s4+$0x0], $0xffff  }
0x358: {  	v38 =	vld.idx.msk [tilespmem:v38+s4+$0x0], $0xffff  }
0x359: {  	v19 =	vadd.s32 $0x14000, v19;
	v40 =	vld.idx.msk [tilespmem:v40+s4+$0x0], $0xffff  }
0x35a: {  	v39 =	vld.idx.msk [tilespmem:v39+s4+$0x0], $0xffff  }
0x35b: {  	v37 =	vld.idx.msk [tilespmem:v37+s4+$0x0], $0xffff  }
0x35c: {  	v35 =	vld.idx.msk [tilespmem:v35+s4+$0x0], $0xffff  }
0x35d: {  	v45 =	vadd.s32 $0xC000, v4;
	v36 =	vld.idx.msk [tilespmem:v36+s4+$0x0], $0xffff  }
0x35e: {  	v23 =	vsub.f32 v28, v23;
	v4 =	vadd.s32 $0x10000, v4;
	v28 =	vld.idx.msk [tilespmem:v34+s4+$0x0], $0xffff  }
0x35f: {  	v34 =	vld.idx.msk [tilespmem:v42+s4+$0x0], $0xffff;
	v42 =	vadd.s32 $0x10000, v0  }
0x360: {  	v23 =	vmul.f32 v23, v23;
	v19 =	vld.idx.msk [tilespmem:v19+s4+$0x0], $0xffff  }
0x361: {  	v41 =	vld.idx.msk [tilespmem:v41+s4+$0x0], $0xffff  }
0x362: {  	v31 =	vsub.f32 v35, v31;
	v35 =	vsub.f32 v40, v44;
	v29 =	vld.idx.msk [tilespmem:v29+s4+$0x0], $0xffff  }
0x363: {  	v23 =	vadd.f32 v23, v32;
	v32 =	vsub.f32 v36, v37;
	v36 =	vadd.s32 $0x4000, v2;
	v30 =	vld.idx.msk [tilespmem:v30+s4+$0x0], $0xffff  }
0x364: {  	v28 =	vsub.f32 v28, v33;
	v33 =	vmul.f32 v35, v35;
	v35 =	vsub.f32 v39, v38;
	v24 =	vld.idx.msk [tilespmem:v24+s4+$0x0], $0xffff  }
0x365: {  	v27 =	vsub.f32 v34, v27;
	v34 =	vadd.s32 $0x8000, v2;
	v25 =	vld.idx.msk [tilespmem:v25+s4+$0x0], $0xffff  }
0x366: {  	v38 =	vadd.s32 $0x10000, v2;
	v37 =	vld.idx.msk [tilespmem:v45+s4+$0x0], $0xffff  }
0x367: {  	v39 =	vadd.s32 $0xC000, v2;
	v35 =	vmul.f32 v35, v35;
	v19 =	vsub.f32 v19, v41;
	v5 =	vld.idx.msk [tilespmem:v5+s4+$0x0], $0xffff  }
0x368: {  	v18 =	vsub.f32 v18, v29;
	v29 =	vld.idx.msk [tilespmem:v36+s4+$0x0], $0xffff  }
0x369: {  	v19 =	vmul.f32 v19, v19;
	v36 =	vadd.s32 $0x10000, v3;
	v0 =	vld.idx.msk [tilespmem:v0+s4+$0x0], $0xffff  }
0x36a: {  	v3 =	vadd.s32 $0x14000, v3;
	v24 =	vsub.f32 v30, v24;
	v18 =	vmul.f32 v18, v18;
	v30 =	vld.idx.msk [tilespmem:v34+s4+$0x0], $0xffff  }
0x36b: {  	v16 =	vsub.f32 v16, v43;
	v10 =	vsub.f32 v10, v25;
	v25 =	vmul.f32 v27, v27;
	v27 =	vld.idx.msk [tilespmem:v38+s4+$0x0], $0xffff  }
0x36c: {  	v24 =	vmul.f32 v24, v24;
	v11 =	vadd.f32 v18, v11;
	v18 =	vsub.f32 v26, v21;
	v21 =	vld.idx.msk [tilespmem:v39+s4+$0x0], $0xffff  }
0x36d: {  	v16 =	vmul.f32 v16, v16;
	v12 =	vadd.f32 v19, v12;
	v5 =	vsub.f32 v17, v5;
	v2 =	vld.idx.msk [tilespmem:v2+s4+$0x0], $0xffff  }
0x36e: {  	v17 =	vmul.f32 v31, v31;
	v13 =	vadd.f32 v24, v13;
	v24 =	vmul.f32 v32, v32;
	v26 =	vld.idx.msk [tilespmem:v36+s4+$0x0], $0xffff  }
0x36f: {  	v12 =	vadd.f32 v25, v12;
	v22 =	vsub.f32 v29, v22;
	v5 =	vmul.f32 v5, v5;
	v25 =	vld.idx.msk [tilespmem:v42+s4+$0x0], $0xffff  }
0x370: {  	v0 =	vsub.f32 v0, v15;
	v15 =	vmul.f32 v18, v18;
	v13 =	vadd.f32 v17, v13;
	v4 =	vld.idx.msk [tilespmem:v4+s4+$0x0], $0xffff  }
0x371: {  	v10 =	vmul.f32 v10, v10;
	v12 =	vadd.f32 v35, v12;
	v17 =	vsub.f32 v20, v37;
	v1 =	vld.idx.msk [tilespmem:v1+s4+$0x0], $0xffff  }
0x372: {  	v5 =	vadd.f32 v5, v9;
	v0 =	vmul.f32 v0, v0;
	v9 =	vsub.f32 v30, v14;
	v14 =	vld.idx.msk [tilespmem:v3+s4+$0x0], $0xffff  }
0x373: {  	v3 =	vadd.f32 v10, v8;
	v8 =	vmul.f32 v28, v28;
	v2 =	vsub.f32 v2, v6  }
0x374: {  	v20 =	vmul.f32 v22, v22;
	v13 =	vadd.f32 v33, v13;
	v6 =	vsub.f32 v27, v26;
	v19 =	vld [tilespmem:s10+$0xFFFFFFE0]  }
0x375: {  	v7 =	vsub.f32 v21, v7;
	v10 =	vadd.f32 v24, v11;
	v11 =	vmul.f32 v17, v17;
	v22 =	vld [tilespmem:s13+$0xFFFFFFE0]  }
0x376: {  	v16 =	vadd.f32 v16, v3;
	v17 =	vsub.f32 v25, v4;
	v26 =	vmul.f32 v6, v6;
	v21 =	vld [tilespmem:s13+$0xFFFFFFF0]  }
0x377: {  	v9 =	vmul.f32 v9, v9;
	v6 =	vadd.f32 v15, v10;
	v15 =	vmul.f32 v2, v2;
	v27 =	vld [tilespmem:s10+$0xFFFFFFF0]  }
0x378: {  	v28 =	vadd.f32 v0, v23;
	v31 =	vmul.f32 v7, v7;
	v1 =	vsub.f32 v1, v14;
	v3 =	vld [tilespmem:s13+$0x10]  }
0x379: {  	v8 =	vadd.f32 v8, v5;
	v7 =	vadd.s32 $0x8000, v19;
	v10 =	vadd.s32 $0xC000, v19;
	v2 =	vld [tilespmem:s10+$0x10]  }
0x37a: {  	v14 =	vadd.f32 v11, v16;
	v24 =	vadd.s32 $0x4000, v22;
	v29 =	vadd.s32 $0x8000, v22;
	v4 =	vld [tilespmem:s13+$0x0]  }
0x37b: {  	v32 =	vmul.f32 v1, v1;
	v25 =	vadd.s32 $0xC000, v22;
	v5 =	vadd.s32 $0x10000, v22;
	v0 =	vld [tilespmem:s10+$0x0]  }
0x37c: {  	v30 =	vadd.s32 $0x4000, v19;
	v1 =	vmul.f32 v17, v17;
	v33 =	vld.idx.msk [tilespmem:v19+s4+$0x0], $0xffff;
	v35 =	vadd.s32 $0x4000, v27  }
0x37d: {  	v11 =	vadd.f32 v9, v6;
	v16 =	vadd.s32 $0xC000, v27;
	v34 =	vadd.s32 $0x10000, v27;
	v17 =	vld.idx.msk [tilespmem:v22+s4+$0x0], $0xffff  }
0x37e: {  	v45 =	vadd.s32 $0x10000, v21;
	v36 =	vadd.s32 $0x8000, v27;
	v9 =	vadd.s32 $0xC000, v3;
	v23 =	vld.idx.msk [tilespmem:v21+s4+$0x0], $0xffff  }
0x37f: {  	v37 =	vadd.s32 $0x8000, v21;
	v41 =	vadd.f32 v1, v8;
	v10 =	vld.idx.msk [tilespmem:v10+s4+$0x0], $0xffff;
	v38 =	vadd.s32 $0x14000, v4  }
0x380: {  	v42 =	vadd.s32 $0x10000, v19;
	v40 =	vadd.s32 $0x4000, v0;
	v39 =	vadd.s32 $0x14000, v0;
	v6 =	vld.idx.msk [tilespmem:v3+s4+$0x0], $0xffff  }
0x381: {  	v15 =	vadd.f32 v15, v28;
	v47 =	vadd.s32 $0x8000, v4;
	v46 =	vadd.s32 $0x8000, v0;
	v18 =	vld.idx.msk [tilespmem:v7+s4+$0x0], $0xffff  }
0x382: {  	v12 =	vadd.f32 v32, v12;
	v1 =	vadd.s32 $0x14000, v2;
	v48 =	vadd.s32 $0xC000, v0;
	v16 =	vld.idx.msk [tilespmem:v16+s4+$0x0], $0xffff  }
0x383: {  	v13 =	vadd.f32 v20, v13;
	v17 =	vsub.f32 v33, v17;
	v33 =	vadd.s32 $0x14000, v21;
	v7 =	vld.idx.msk [tilespmem:v9+s4+$0x0], $0xffff  }
0x384: {  	v20 =	vadd.s32 $0x4000, v21;
	v8 =	vadd.f32 v31, v14;
	v49 =	vadd.s32 $0x8000, v3;
	v28 =	vld.idx.msk [tilespmem:v27+s4+$0x0], $0xffff  }
0x385: {  	v44 =	vadd.s32 $0x4000, v4;
	v9 =	vadd.f32 v26, v41;
	v14 =	vmul.f32 v17, v17;
	v17 =	vld.idx.msk [tilespmem:v42+s4+$0x0], $0xffff  }
0x386: {  	v43 =	vadd.s32 $0xC000, v21;
	v26 =	vadd.s32 $0x4000, v3;
	v21 =	vld.idx.msk [tilespmem:v47+s4+$0x0], $0xffff  }
0x387: {  	v41 =	vadd.s32 $0x14000, v22;
	v42 =	vadd.s32 $0x14000, v27;
	v32 =	vadd.f32 v14, v15;
	v15 =	vld.idx.msk [tilespmem:v4+s4+$0x0], $0xffff  }
0x388: {  	v27 =	vld.idx.msk [tilespmem:v33+s4+$0x0], $0xffff  }
0x389: {  	v31 =	vld.idx.msk [tilespmem:v20+s4+$0x0], $0xffff  }
.Ltmp7:
0x38a: {  	v14 =	vld.idx.msk [tilespmem:v49+s4+$0x0], $0xffff;
	(pc) =	sbr.rel @p0 .LBB2_16-.Ltmp7, $4  }
0x38b: {  	v22 =	vld.idx.msk [tilespmem:v26+s4+$0x0], $0xffff  }
0x38c: {  	v20 =	vld.idx.msk [tilespmem:v48+s4+$0x0], $0xffff  }
0x38d: {  	v33 =	vld.idx.msk [tilespmem:v45+s4+$0x0], $0xffff  }
0x38e: {  	v26 =	vld.idx.msk [tilespmem:v46+s4+$0x0], $0xffff  }
0x38f: {  	_ =	sdelay $0x3  }
0x390: {  	v44 =	vld.idx.msk [tilespmem:v44+s4+$0x0], $0xffff  }
0x391: {  	v43 =	vld.idx.msk [tilespmem:v43+s4+$0x0], $0xffff  }
0x392: {  	v38 =	vld.idx.msk [tilespmem:v38+s4+$0x0], $0xffff  }
0x393: {  	v40 =	vld.idx.msk [tilespmem:v40+s4+$0x0], $0xffff  }
0x394: {  	v39 =	vld.idx.msk [tilespmem:v39+s4+$0x0], $0xffff  }
0x395: {  	v37 =	vld.idx.msk [tilespmem:v37+s4+$0x0], $0xffff  }
0x396: {  	v35 =	vld.idx.msk [tilespmem:v35+s4+$0x0], $0xffff  }
0x397: {  	v36 =	vld.idx.msk [tilespmem:v36+s4+$0x0], $0xffff  }
0x398: {  	v34 =	vld.idx.msk [tilespmem:v34+s4+$0x0], $0xffff  }
0x399: {  	v42 =	vld.idx.msk [tilespmem:v42+s4+$0x0], $0xffff  }
0x39a: {  	v41 =	vld.idx.msk [tilespmem:v41+s4+$0x0], $0xffff  }
0x39b: {  	v29 =	vld.idx.msk [tilespmem:v29+s4+$0x0], $0xffff  }
0x39c: {  	v30 =	vld.idx.msk [tilespmem:v30+s4+$0x0], $0xffff  }
0x39d: {  	v24 =	vld.idx.msk [tilespmem:v24+s4+$0x0], $0xffff  }
0x39e: {  	v25 =	vld.idx.msk [tilespmem:v25+s4+$0x0], $0xffff  }
0x39f: {  	v48 =	vld.idx.msk [tilespmem:v5+s4+$0x0], $0xffff  }
0x3a0: {  	v19 =	vadd.s32 $0x14000, v19;
	v50 =	vld.idx.msk [tilespmem:v0+s4+$0x0], $0xffff  }
0x3a1: {  	v45 =	vadd.s32 $0xC000, v4;
	v52 =	vld [tilespmem:$0x1AE00]  }
0x3a2: {  	v46 =	vadd.s32 $0x4000, v2;
	v53 =	vld [tilespmem:$0x1DE00]  }
0x3a3: {  	v47 =	vadd.s32 $0x8000, v2;
	v55 =	vld.idx.msk [tilespmem:v2+s4+$0x0], $0xffff  }
0x3a4: {  	v5 =	vadd.s32 $0x10000, v2;
	v58 =	vld.idx.msk [tilespmem:v1+s4+$0x0], $0xffff  }
0x3a5: {  	v49 =	vadd.s32 $0xC000, v2;
	v19 =	vld.idx.msk [tilespmem:v19+s4+$0x0], $0xffff  }
0x3a6: {  	v51 =	vadd.s32 $0x10000, v3;
	v45 =	vld.idx.msk [tilespmem:v45+s4+$0x0], $0xffff  }
0x3a7: {  	v0 =	vadd.s32 $0x10000, v0;
	v46 =	vld.idx.msk [tilespmem:v46+s4+$0x0], $0xffff  }
0x3a8: {  	v4 =	vadd.s32 $0x10000, v4;
	v47 =	vld.idx.msk [tilespmem:v47+s4+$0x0], $0xffff  }
0x3a9: {  	v3 =	vadd.s32 $0x14000, v3;
	v54 =	vld.idx.msk [tilespmem:v5+s4+$0x0], $0xffff  }
0x3aa: {  	v49 =	vld.idx.msk [tilespmem:v49+s4+$0x0], $0xffff;
	v52 =	vnsel vm0, $0x0, v52  }
0x3ab: {  	v51 =	vld.idx.msk [tilespmem:v51+s4+$0x0], $0xffff;
	v53 =	vnsel vm0, $0x0, v53  }
0x3ac: {  	v56 =	vld.idx.msk [tilespmem:v0+s4+$0x0], $0xffff;
	v1 =	vadd.s32 $0x4000, v53  }
0x3ad: {  	v57 =	vld.idx.msk [tilespmem:v4+s4+$0x0], $0xffff;
	v60 =	vadd.s32 $0x8000, v52  }
0x3ae: {  	v59 =	vld.idx.msk [tilespmem:v3+s4+$0x0], $0xffff;
	v4 =	vadd.s32 $0x4000, v52  }
0x3af: {  	v61 =	vadd.s32 $0x8000, v53;
	v0 =	vld.idx.msk [tilespmem:v52+s4+$0x0], $0xffff  }
0x3b0: {  	v62 =	vadd.s32 $0xC000, v52;
	v2 =	vld.idx.msk [tilespmem:v53+s4+$0x0], $0xffff  }
0x3b1: {  	v63 =	vadd.s32 $0xC000, v53;
	v5 =	vld.idx.msk [tilespmem:v1+s4+$0x0], $0xffff  }
0x3b2: {  	v1 =	vld.idx.msk [tilespmem:v60+s4+$0x0], $0xffff;
	v60 =	vadd.s32 $0x10000, v53  }
0x3b3: {  	v23 =	vsub.f32 v28, v23;
	v3 =	vld.idx.msk [tilespmem:v4+s4+$0x0], $0xffff;
	v53 =	vadd.s32 $0x14000, v53  }
0x3b4: {  	v4 =	vld.idx.msk [tilespmem:v61+s4+$0x0], $0xffff;
	[tilespmem:$0x1FFF0] =	vst v0;
	v0 =	vadd.s32 $0x10000, v52  }
0x3b5: {  	v23 =	vmul.f32 v23, v23;
	v61 =	vld.idx.msk [tilespmem:v62+s4+$0x0], $0xffff;
	v52 =	vadd.s32 $0x14000, v52  }
0x3b6: {  	v62 =	vld.idx.msk [tilespmem:v63+s4+$0x0], $0xffff  }
0x3b7: {  	v23 =	vadd.f32 v23, v32;
	v28 =	vld.idx.msk [tilespmem:v60+s4+$0x0], $0xffff  }
0x3b8: {  	v31 =	vsub.f32 v35, v31;
	v40 =	vsub.f32 v40, v44;
	v63 =	vld.idx.msk [tilespmem:v53+s4+$0x0], $0xffff  }
0x3b9: {  	v37 =	vsub.f32 v36, v37;
	v18 =	vsub.f32 v18, v29;
	v0 =	vld.idx.msk [tilespmem:v0+s4+$0x0], $0xffff  }
0x3ba: {  	v29 =	vsub.f32 v34, v33;
	v44 =	vsub.f32 v39, v38;
	v52 =	vld.idx.msk [tilespmem:v52+s4+$0x0], $0xffff;
	_ =	swait.ge [sflag:s0], $0x1800  }
0x3bb: {  	v27 =	vsub.f32 v42, v27;
	v24 =	vsub.f32 v30, v24;
	[sflag:s0] =	ssyncset.done $0x0  }
0x3bc: {  	v10 =	vsub.f32 v10, v25;
	v17 =	vsub.f32 v17, v48;
	v18 =	vmul.f32 v18, v18;
	[sflag:s0] =	ssyncadd.s32 $0xFFFFE800  }
0x3bd: {  	v16 =	vsub.f32 v16, v43;
	v19 =	vsub.f32 v19, v41;
	_ =	swait.ge [sflag:s0], $0x1800  }
0x3be: {  	v15 =	vsub.f32 v50, v15;
	v17 =	vmul.f32 v17, v17;
	v11 =	vadd.f32 v18, v11;
	[sflag:s0] =	ssyncset.done $0x0  }
0x3bf: {  	v18 =	vmul.f32 v19, v19;
	v19 =	vsub.f32 v26, v21;
	v21 =	vmul.f32 v24, v24;
	[sflag:s0] =	ssyncadd.s32 $0xFFFFE800  }
0x3c0: {  	v6 =	vsub.f32 v55, v6;
	v25 =	vmul.f32 v31, v31;
	v10 =	vmul.f32 v10, v10;
	[tilespmem:s5], [sflag:$0x2] =	stream.linear.gather [hbm4b:s11+s4], $0x1800, $0x38;
	[tilespmem:$0x1E080] =	vst v63  }
0x3c1: {  	s10 =	simm.s32 $0x18020;
	v16 =	vmul.f32 v16, v16;
	v9 =	vadd.f32 v17, v9;
	v13 =	vadd.f32 v21, v13  }
0x3c2: {  	v8 =	vadd.f32 v10, v8;
	v24 =	vmul.f32 v27, v27;
	v12 =	vadd.f32 v18, v12;
	[tilespmem:s6], [sflag:$0x2] =	stream.linear.gather [hbm4b:s12+s4], $0x1800, $0x38;
	[tilespmem:$0x1E080] =	vst v63  }
0x3c3: {  	v15 =	vmul.f32 v15, v15;
	v22 =	vsub.f32 v46, v22;
	v13 =	vadd.f32 v25, v13;
	v25 =	vld [tilespmem:s10+$0xFFFFFFE0]  }
0x3c4: {  	v20 =	vsub.f32 v20, v45;
	v21 =	vmul.f32 v44, v44;
	v12 =	vadd.f32 v24, v12  }
0x3c5: {  	s13 =	simm.s32 $0x1B020;
	v14 =	vsub.f32 v47, v14;
	v17 =	vsub.f32 v54, v51;
	v18 =	vmul.f32 v40, v40  }
0x3c6: {  	v7 =	vsub.f32 v49, v7;
	v24 =	vmul.f32 v37, v37;
	v12 =	vadd.f32 v21, v12;
	v21 =	vld [tilespmem:s13+$0xFFFFFFE0]  }
0x3c7: {  	v8 =	vadd.f32 v16, v8;
	v26 =	vmul.f32 v29, v29;
	v13 =	vadd.f32 v18, v13;
	v18 =	vld [tilespmem:s13+$0xFFFFFFF0]  }
0x3c8: {  	v19 =	vmul.f32 v19, v19;
	v11 =	vadd.f32 v24, v11;
	v29 =	vld [tilespmem:s10+$0xFFFFFFF0];
	v27 =	vadd.s32 $0x14000, v25  }
0x3c9: {  	v22 =	vmul.f32 v22, v22;
	v20 =	vmul.f32 v20, v20;
	v30 =	vld [tilespmem:s13+$0x10];
	v24 =	vadd.s32 $0x10000, v25  }
0x3ca: {  	v11 =	vadd.f32 v19, v11;
	v19 =	vmul.f32 v6, v6;
	v10 =	vld [tilespmem:s10+$0x10];
	v16 =	vadd.s32 $0xC000, v25  }
0x3cb: {  	v6 =	vmul.f32 v14, v14;
	v14 =	vadd.f32 v15, v23;
	v54 =	vld [tilespmem:s13+$0x0];
	v53 =	vadd.s32 $0x14000, v21  }
0x3cc: {  	v25 =	vsub.f32 v56, v57;
	v55 =	vadd.s32 $0x14000, v18;
	v56 =	vld [tilespmem:s10+$0x0];
	v23 =	vadd.s32 $0x10000, v18  }
0x3cd: {  	v57 =	vmul.f32 v7, v7;
	v7 =	vsub.f32 v58, v59;
	v18 =	vadd.s32 $0xC000, v18;
	v27 =	vld.idx.msk [tilespmem:v27+s4+$0x0], $0xffff  }
0x3ce: {  	v31 =	vmul.f32 v17, v17;
	v20 =	vadd.f32 v20, v8;
	v0 =	vsub.f32 v0, v28;
	v17 =	vld.idx.msk [tilespmem:v24+s4+$0x0], $0xffff  }
0x3cf: {  	v8 =	vmul.f32 v7, v7;
	v7 =	vadd.f32 v19, v14;
	v19 =	vadd.s32 $0x10000, v29;
	v15 =	vld.idx.msk [tilespmem:v16+s4+$0x0], $0xffff  }
0x3d0: {  	v9 =	vadd.f32 v26, v9;
	v60 =	vadd.s32 $0xC000, v30;
	v24 =	vmul.f32 v25, v25;
	v26 =	vld.idx.msk [tilespmem:v53+s4+$0x0], $0xffff  }
0x3d1: {  	v6 =	vadd.f32 v6, v11;
	v0 =	vnsel vm0, $0x0, v0;
	v25 =	vadd.s32 $0x10000, v30;
	v16 =	vld.idx.msk [tilespmem:v55+s4+$0x0], $0xffff  }
0x3d2: {  	v30 =	vadd.s32 $0x14000, v30;
	v11 =	vld.idx.msk [tilespmem:v18+s4+$0x0], $0xffff;
	v24 =	vadd.f32 v24, v9;
	v9 =	vsub.f32 v61, v62  }
0x3d3: {  	v61 =	vld.idx.msk [tilespmem:v23+s4+$0x0], $0xffff;
	v23 =	vadd.f32 v8, v12;
	v8 =	vadd.f32 v22, v13;
	v13 =	vadd.s32 $0x14000, v54  }
0x3d4: {  	v22 =	vsub.f32 v52, v63;
	v62 =	vld.idx.msk [tilespmem:v19+s4+$0x0], $0xffff;
	v24 =	vadd.f32 v31, v24;
	v31 =	vadd.s32 $0xC000, v21  }
0x3d5: {  	v18 =	vadd.f32 v57, v20;
	v20 =	vadd.s32 $0x10000, v21;
	v12 =	vnsel vm0, $0x0, v9;
	v9 =	vld.idx.msk [tilespmem:v60+s4+$0x0], $0xffff  }
0x3d6: {  	v0 =	vmul.f32 v0, v0;
	v63 =	vadd.s32 $0x14000, v29;
	v21 =	vnsel vm0, $0x0, v22;
	v14 =	vld.idx.msk [tilespmem:v25+s4+$0x0], $0xffff  }
0x3d7: {  	v25 =	vadd.s32 $0x10000, v54;
	v28 =	vmul.f32 v12, v12;
	v12 =	vld.idx.msk [tilespmem:v30+s4+$0x0], $0xffff;
	v22 =	vmul.f32 v21, v21  }
0x3d8: {  	v30 =	vadd.s32 $0xC000, v56;
	v21 =	vadd.f32 v0, v24;
	v19 =	vld.idx.msk [tilespmem:v13+s4+$0x0], $0xffff;
	v13 =	vsub.f32 v27, v26  }
0x3d9: {  	v0 =	vadd.f32 v22, v23;
	v23 =	vadd.s32 $0xC000, v29;
	v29 =	vld.idx.msk [tilespmem:v31+s4+$0x0], $0xffff;
	v31 =	vadd.s32 $0x10000, v56  }
0x3da: {  	v18 =	vadd.f32 v28, v18;
	v27 =	vld.idx.msk [tilespmem:v20+s4+$0x0], $0xffff;
	v28 =	vadd.s32 $0x14000, v56  }
0x3db: {  	v32 =	vadd.s32 $0x10000, v10;
	v26 =	vld.idx.msk [tilespmem:v63+s4+$0x0], $0xffff;
	v20 =	vmul.f32 v13, v13  }
0x3dc: {  	v22 =	vadd.s32 $0xC000, v54;
	v24 =	vld.idx.msk [tilespmem:v25+s4+$0x0], $0xffff  }
0x3dd: {  	s14 =	simm.s32 $0x0;
	v25 =	vadd.s32 $0x14000, v10;
	v13 =	vld.idx.msk [tilespmem:v30+s4+$0x0], $0xffff;
	v30 =	vsub.f32 v62, v61;
	v20 =	vadd.f32 v20, v0  }
.LBB2_18:
0x3de: {  	s14 =	sadd.s32 $0x4, s14;
	v0 =	vld.idx.msk [tilespmem:v31+s4+$0x0], $0xffff;
	s13 =	sadd.s32 $0x40, s13;
	s10 =	sadd.s32 $0x40, s10  }
0x3df: {  	v17 =	vsub.f32 v17, v27;
	p0 =	slt.u32 s14, $0x17C;
	v27 =	vld.idx.msk [tilespmem:v28+s4+$0x0], $0xffff  }
0x3e0: {  	v28 =	vld.idx.msk [tilespmem:v32+s4+$0x0], $0xffff  }
0x3e1: {  	v10 =	vadd.s32 $0xC000, v10;
	v15 =	vsub.f32 v15, v29;
	v17 =	vmul.f32 v17, v17;
	v23 =	vld.idx.msk [tilespmem:v23+s4+$0x0], $0xffff  }
0x3e2: {  	v29 =	vmul.f32 v30, v30;
	v25 =	vld.idx.msk [tilespmem:v25+s4+$0x0], $0xffff  }
0x3e3: {  	v15 =	vmul.f32 v15, v15;
	v17 =	vadd.f32 v17, v21;
	v16 =	vsub.f32 v26, v16;
	v30 =	vld [tilespmem:s10+$0xFFFFFFE0]  }
0x3e4: {  	v0 =	vsub.f32 v0, v24;
	v21 =	vld [tilespmem:s13+$0xFFFFFFE0]  }
0x3e5: {  	v17 =	vadd.f32 v29, v17;
	v16 =	vmul.f32 v16, v16;
	v19 =	vsub.f32 v27, v19;
	v22 =	vld.idx.msk [tilespmem:v22+s4+$0x0], $0xffff  }
0x3e6: {  	v15 =	vadd.f32 v15, v18;
	v0 =	vmul.f32 v0, v0;
	v14 =	vsub.f32 v28, v14;
	v18 =	vld.idx.msk [tilespmem:v10+s4+$0x0], $0xffff  }
0x3e7: {  	v11 =	vsub.f32 v23, v11;
	v16 =	vadd.f32 v16, v20;
	v19 =	vmul.f32 v19, v19;
	v24 =	vld [tilespmem:s13+$0xFFFFFFF0]  }
0x3e8: {  	v0 =	vadd.f32 v0, v17;
	v20 =	vadd.s32 $0x10000, v30;
	v23 =	vadd.s32 $0x14000, v30;
	v26 =	vld [tilespmem:s10+$0xFFFFFFF0]  }
0x3e9: {  	v12 =	vsub.f32 v25, v12;
	v29 =	vadd.s32 $0xC000, v21;
	v27 =	vadd.s32 $0x10000, v21;
	v28 =	vld [tilespmem:s13+$0x10]  }
0x3ea: {  	v14 =	vmul.f32 v14, v14;
	v25 =	vadd.s32 $0xC000, v30;
	v11 =	vmul.f32 v11, v11;
	v10 =	vld [tilespmem:s10+$0x10]  }
0x3eb: {  	v19 =	vadd.f32 v19, v16;
	v21 =	vadd.s32 $0x14000, v21;
	v12 =	vmul.f32 v12, v12;
	v30 =	vld [tilespmem:s13+$0x0]  }
0x3ec: {  	v9 =	vsub.f32 v18, v9;
	v31 =	vadd.s32 $0x10000, v24;
	v16 =	vadd.s32 $0x14000, v24;
	v32 =	vld [tilespmem:s10+$0x0]  }
0x3ed: {  	v18 =	vadd.f32 v11, v15;
	v33 =	vld.idx.msk [tilespmem:v23+s4+$0x0], $0xffff;
	v34 =	vadd.s32 $0x10000, v26;
	v35 =	vadd.s32 $0x14000, v26  }
0x3ee: {  	v13 =	vsub.f32 v13, v22;
	v11 =	vadd.s32 $0xC000, v24;
	v23 =	vadd.s32 $0xC000, v26;
	v17 =	vld.idx.msk [tilespmem:v20+s4+$0x0], $0xffff  }
0x3ef: {  	v20 =	vadd.s32 $0x10000, v28;
	v24 =	vadd.s32 $0x14000, v28;
	v15 =	vld.idx.msk [tilespmem:v25+s4+$0x0], $0xffff;
	v25 =	vadd.s32 $0x14000, v10  }
0x3f0: {  	v37 =	vadd.s32 $0xC000, v28;
	v26 =	vld.idx.msk [tilespmem:v21+s4+$0x0], $0xffff;
	v22 =	vadd.s32 $0xC000, v30;
	v36 =	vadd.s32 $0x10000, v30  }
0x3f1: {  	v13 =	vmul.f32 v13, v13;
	v16 =	vld.idx.msk [tilespmem:v16+s4+$0x0], $0xffff;
	v38 =	vadd.s32 $0xC000, v32;
	v28 =	vadd.s32 $0x14000, v32  }
0x3f2: {  	v40 =	vmul.f32 v9, v9;
	v30 =	vadd.s32 $0x14000, v30;
	v21 =	vadd.f32 v14, v0;
	v39 =	vld.idx.msk [tilespmem:v31+s4+$0x0], $0xffff  }
0x3f3: {  	v0 =	vadd.f32 v13, v18;
	v13 =	vadd.f32 v12, v19;
	v11 =	vld.idx.msk [tilespmem:v11+s4+$0x0], $0xffff  }
0x3f4: {  	v31 =	vadd.s32 $0x10000, v32;
	v14 =	vld.idx.msk [tilespmem:v20+s4+$0x0], $0xffff  }
0x3f5: {  	v18 =	vadd.f32 v40, v0;
	v9 =	vld.idx.msk [tilespmem:v37+s4+$0x0], $0xffff  }
0x3f6: {  	v0 =	vsub.f32 v33, v26;
	v12 =	vld.idx.msk [tilespmem:v24+s4+$0x0], $0xffff  }
0x3f7: {  	v26 =	vld.idx.msk [tilespmem:v34+s4+$0x0], $0xffff  }
0x3f8: {  	v0 =	vmul.f32 v0, v0;
	v19 =	vld.idx.msk [tilespmem:v30+s4+$0x0], $0xffff  }
.Ltmp8:
0x3f9: {  	v27 =	vld.idx.msk [tilespmem:v27+s4+$0x0], $0xffff;
	(pc) =	sbr.rel @p0 .LBB2_18-.Ltmp8, $4  }
0x3fa: {  	v32 =	vadd.s32 $0x10000, v10;
	v20 =	vadd.f32 v0, v13;
	v24 =	vld.idx.msk [tilespmem:v36+s4+$0x0], $0xffff  }
0x3fb: {  	v29 =	vld.idx.msk [tilespmem:v29+s4+$0x0], $0xffff  }
0x3fc: {  	v13 =	vld.idx.msk [tilespmem:v38+s4+$0x0], $0xffff  }
0x3fd: {  	v30 =	vsub.f32 v26, v39;
	v26 =	vld.idx.msk [tilespmem:v35+s4+$0x0], $0xffff  }
0x3fe: {  	_ =	sdelay $0x3  }
0x3ff: {  	v0 =	vld.idx.msk [tilespmem:v31+s4+$0x0], $0xffff  }
0x400: {  	v28 =	vld.idx.msk [tilespmem:v28+s4+$0x0], $0xffff;
	v10 =	vadd.s32 $0xC000, v10  }
0x401: {  	v31 =	vld.idx.msk [tilespmem:v32+s4+$0x0], $0xffff  }
0x402: {  	v23 =	vld.idx.msk [tilespmem:v23+s4+$0x0], $0xffff  }
0x403: {  	v25 =	vld.idx.msk [tilespmem:v25+s4+$0x0], $0xffff  }
0x404: {  	v22 =	vld.idx.msk [tilespmem:v22+s4+$0x0], $0xffff  }
0x405: {  	v59 =	vld.idx.msk [tilespmem:v10+s4+$0x0], $0xffff;
	_ =	swait.ge [sflag:s7], $0x1800  }
0x406: {  	[sflag:s7] =	ssyncset.done $0x0  }
0x407: {  	[sflag:s7] =	ssyncadd.s32 $0xFFFFE800  }
0x408: {  	_ =	swait.ge [sflag:s7], $0x1800  }
0x409: {  	[sflag:s7] =	ssyncset.done $0x0  }
0x40a: {  	s10 =	simm.s32 $0x19820;
	[sflag:s7] =	ssyncadd.s32 $0xFFFFE800  }
0x40b: {  	v10 =	vld [tilespmem:s10+$0xFFFFFFE0];
	_ =	sdelay $0x1  }
0x40c: {  	s13 =	simm.s32 $0x1C820  }
0x40d: {  	v33 =	vld [tilespmem:s13+$0xFFFFFFE0]  }
0x40e: {  	v34 =	vld [tilespmem:s13+$0xFFFFFFF0]  }
0x40f: {  	v17 =	vsub.f32 v17, v27;
	v35 =	vld [tilespmem:s10+$0xFFFFFFF0];
	v27 =	vadd.s32 $0x14000, v10  }
0x410: {  	v37 =	vld [tilespmem:s13+$0x10];
	v36 =	vadd.s32 $0x10000, v10  }
0x411: {  	v17 =	vmul.f32 v17, v17;
	v39 =	vld [tilespmem:s13+$0x0];
	v38 =	vadd.s32 $0xC000, v10  }
0x412: {  	v30 =	vmul.f32 v30, v30;
	v15 =	vsub.f32 v15, v29;
	v40 =	vld [tilespmem:s10+$0x0];
	v29 =	vadd.s32 $0x14000, v33  }
0x413: {  	v17 =	vadd.f32 v17, v21;
	v26 =	vsub.f32 v26, v16;
	v10 =	vld [tilespmem:s10+$0x10];
	v21 =	vadd.s32 $0x14000, v34  }
0x414: {  	v0 =	vsub.f32 v0, v24;
	v19 =	vsub.f32 v28, v19;
	v24 =	vadd.s32 $0x10000, v34;
	v27 =	vld.idx.msk [tilespmem:v27+s4+$0x0], $0xffff  }
0x415: {  	v17 =	vadd.f32 v30, v17;
	v30 =	vmul.f32 v15, v15;
	v34 =	vadd.s32 $0xC000, v34;
	v16 =	vld.idx.msk [tilespmem:v36+s4+$0x0], $0xffff  }
0x416: {  	v31 =	vsub.f32 v31, v14;
	v0 =	vmul.f32 v0, v0;
	v28 =	vadd.s32 $0x10000, v37;
	v15 =	vld.idx.msk [tilespmem:v38+s4+$0x0], $0xffff  }
0x417: {  	v11 =	vsub.f32 v23, v11;
	v18 =	vadd.f32 v30, v18;
	v30 =	vadd.s32 $0xC000, v37;
	v29 =	vld.idx.msk [tilespmem:v29+s4+$0x0], $0xffff  }
0x418: {  	v22 =	vsub.f32 v13, v22;
	v0 =	vadd.f32 v0, v17;
	v17 =	vadd.s32 $0x10000, v35;
	v14 =	vld.idx.msk [tilespmem:v21+s4+$0x0], $0xffff  }
0x419: {  	v26 =	vmul.f32 v26, v26;
	v11 =	vmul.f32 v11, v11;
	v23 =	vadd.s32 $0x14000, v37;
	v60 =	vld.idx.msk [tilespmem:v24+s4+$0x0], $0xffff  }
0x41a: {  	v22 =	vmul.f32 v22, v22;
	v61 =	vadd.s32 $0xC000, v40;
	v21 =	vsub.f32 v25, v12;
	v12 =	vld.idx.msk [tilespmem:v34+s4+$0x0], $0xffff  }
0x41b: {  	v18 =	vadd.f32 v11, v18;
	v24 =	vadd.s32 $0x14000, v39;
	v25 =	vsub.f32 v59, v9;
	v13 =	vld.idx.msk [tilespmem:v28+s4+$0x0], $0xffff  }
0x41c: {  	v19 =	vmul.f32 v19, v19;
	v20 =	vadd.f32 v26, v20;
	v26 =	vadd.s32 $0x10000, v33;
	v9 =	vld.idx.msk [tilespmem:v30+s4+$0x0], $0xffff  }
0x41d: {  	v18 =	vadd.f32 v22, v18;
	v28 =	vadd.s32 $0x10000, v39;
	v62 =	vld.idx.msk [tilespmem:v17+s4+$0x0], $0xffff;
	v17 =	vmul.f32 v25, v25  }
0x41e: {  	v19 =	vadd.f32 v19, v20;
	v30 =	vmul.f32 v31, v31;
	v31 =	vadd.s32 $0xC000, v33;
	v11 =	vld.idx.msk [tilespmem:v23+s4+$0x0], $0xffff  }
0x41f: {  	v63 =	vadd.s32 $0x14000, v35;
	v20 =	vmul.f32 v21, v21;
	v21 =	vadd.f32 v17, v18;
	v17 =	vld.idx.msk [tilespmem:v61+s4+$0x0], $0xffff  }
0x420: {  	v23 =	vadd.f32 v30, v0;
	v24 =	vld.idx.msk [tilespmem:v24+s4+$0x0], $0xffff;
	v0 =	vsub.f32 v27, v29;
	v29 =	vadd.s32 $0x10000, v40  }
0x421: {  	v27 =	vld.idx.msk [tilespmem:v26+s4+$0x0], $0xffff;
	v26 =	vadd.s32 $0x14000, v40  }
0x422: {  	v32 =	vadd.s32 $0x10000, v10;
	v20 =	vadd.f32 v20, v19;
	v25 =	vld.idx.msk [tilespmem:v28+s4+$0x0], $0xffff;
	v0 =	vmul.f32 v0, v0  }
0x423: {  	v22 =	vadd.s32 $0xC000, v35;
	v18 =	vadd.s32 $0x14000, v10;
	v30 =	vld.idx.msk [tilespmem:v31+s4+$0x0], $0xffff  }
0x424: {  	s14 =	simm.s32 $0x0;
	v19 =	vadd.s32 $0xC000, v39;
	v31 =	vsub.f32 v62, v60;
	v28 =	vld.idx.msk [tilespmem:v63+s4+$0x0], $0xffff;
	v20 =	vadd.f32 v0, v20  }
.LBB2_20:
0x425: {  	s14 =	sadd.s32 $0x4, s14;
	v0 =	vld.idx.msk [tilespmem:v29+s4+$0x0], $0xffff;
	s13 =	sadd.s32 $0x40, s13;
	s10 =	sadd.s32 $0x40, s10  }
0x426: {  	v16 =	vsub.f32 v16, v27;
	p0 =	slt.u32 s14, $0x17C;
	v26 =	vld.idx.msk [tilespmem:v26+s4+$0x0], $0xffff  }
0x427: {  	v27 =	vld.idx.msk [tilespmem:v32+s4+$0x0], $0xffff  }
0x428: {  	v10 =	vadd.s32 $0xC000, v10;
	v15 =	vsub.f32 v15, v30;
	v16 =	vmul.f32 v16, v16;
	v22 =	vld.idx.msk [tilespmem:v22+s4+$0x0], $0xffff  }
0x429: {  	v29 =	vmul.f32 v31, v31;
	v18 =	vld.idx.msk [tilespmem:v18+s4+$0x0], $0xffff  }
0x42a: {  	v15 =	vmul.f32 v15, v15;
	v16 =	vadd.f32 v16, v23;
	v14 =	vsub.f32 v28, v14;
	v30 =	vld [tilespmem:s10+$0xFFFFFFE0]  }
0x42b: {  	v0 =	vsub.f32 v0, v25;
	v23 =	vld [tilespmem:s13+$0xFFFFFFE0]  }
0x42c: {  	v16 =	vadd.f32 v29, v16;
	v14 =	vmul.f32 v14, v14;
	v24 =	vsub.f32 v26, v24;
	v19 =	vld.idx.msk [tilespmem:v19+s4+$0x0], $0xffff  }
0x42d: {  	v15 =	vadd.f32 v15, v21;
	v0 =	vmul.f32 v0, v0;
	v13 =	vsub.f32 v27, v13;
	v21 =	vld.idx.msk [tilespmem:v10+s4+$0x0], $0xffff  }
0x42e: {  	v12 =	vsub.f32 v22, v12;
	v14 =	vadd.f32 v14, v20;
	v20 =	vmul.f32 v24, v24;
	v25 =	vld [tilespmem:s13+$0xFFFFFFF0]  }
0x42f: {  	v0 =	vadd.f32 v0, v16;
	v22 =	vadd.s32 $0x10000, v30;
	v24 =	vadd.s32 $0x14000, v30;
	v26 =	vld [tilespmem:s10+$0xFFFFFFF0]  }
0x430: {  	v11 =	vsub.f32 v18, v11;
	v28 =	vadd.s32 $0xC000, v23;
	v27 =	vadd.s32 $0x10000, v23;
	v29 =	vld [tilespmem:s13+$0x10]  }
0x431: {  	v13 =	vmul.f32 v13, v13;
	v18 =	vadd.s32 $0xC000, v30;
	v12 =	vmul.f32 v12, v12;
	v10 =	vld [tilespmem:s10+$0x10]  }
0x432: {  	v20 =	vadd.f32 v20, v14;
	v23 =	vadd.s32 $0x14000, v23;
	v11 =	vmul.f32 v11, v11;
	v30 =	vld [tilespmem:s13+$0x0]  }
0x433: {  	v9 =	vsub.f32 v21, v9;
	v31 =	vadd.s32 $0x10000, v25;
	v14 =	vadd.s32 $0x14000, v25;
	v32 =	vld [tilespmem:s10+$0x0]  }
0x434: {  	v21 =	vadd.f32 v12, v15;
	v24 =	vld.idx.msk [tilespmem:v24+s4+$0x0], $0xffff;
	v33 =	vadd.s32 $0x10000, v26;
	v34 =	vadd.s32 $0x14000, v26  }
0x435: {  	v17 =	vsub.f32 v17, v19;
	v12 =	vadd.s32 $0xC000, v25;
	v16 =	vld.idx.msk [tilespmem:v22+s4+$0x0], $0xffff;
	v22 =	vadd.s32 $0xC000, v26  }
0x436: {  	v25 =	vadd.s32 $0x10000, v29;
	v35 =	vadd.s32 $0x14000, v29;
	v15 =	vld.idx.msk [tilespmem:v18+s4+$0x0], $0xffff;
	v18 =	vadd.s32 $0x14000, v10  }
0x437: {  	v38 =	vadd.s32 $0xC000, v29;
	v36 =	vld.idx.msk [tilespmem:v23+s4+$0x0], $0xffff;
	v19 =	vadd.s32 $0xC000, v30;
	v37 =	vadd.s32 $0x10000, v30  }
0x438: {  	v17 =	vmul.f32 v17, v17;
	v14 =	vld.idx.msk [tilespmem:v14+s4+$0x0], $0xffff;
	v39 =	vadd.s32 $0xC000, v32;
	v26 =	vadd.s32 $0x14000, v32  }
0x439: {  	v40 =	vmul.f32 v9, v9;
	v30 =	vadd.s32 $0x14000, v30;
	v23 =	vadd.f32 v13, v0;
	v31 =	vld.idx.msk [tilespmem:v31+s4+$0x0], $0xffff  }
0x43a: {  	v0 =	vadd.f32 v17, v21;
	v17 =	vadd.f32 v11, v20;
	v12 =	vld.idx.msk [tilespmem:v12+s4+$0x0], $0xffff  }
0x43b: {  	v29 =	vadd.s32 $0x10000, v32;
	v13 =	vld.idx.msk [tilespmem:v25+s4+$0x0], $0xffff  }
0x43c: {  	v21 =	vadd.f32 v40, v0;
	v9 =	vld.idx.msk [tilespmem:v38+s4+$0x0], $0xffff  }
0x43d: {  	v0 =	vsub.f32 v24, v36;
	v11 =	vld.idx.msk [tilespmem:v35+s4+$0x0], $0xffff  }
0x43e: {  	v33 =	vld.idx.msk [tilespmem:v33+s4+$0x0], $0xffff  }
0x43f: {  	v0 =	vmul.f32 v0, v0;
	v24 =	vld.idx.msk [tilespmem:v30+s4+$0x0], $0xffff  }
.Ltmp9:
0x440: {  	v27 =	vld.idx.msk [tilespmem:v27+s4+$0x0], $0xffff;
	(pc) =	sbr.rel @p0 .LBB2_20-.Ltmp9, $4  }
0x441: {  	v32 =	vadd.s32 $0x10000, v10;
	v20 =	vadd.f32 v0, v17;
	v25 =	vld.idx.msk [tilespmem:v37+s4+$0x0], $0xffff  }
0x442: {  	v30 =	vld.idx.msk [tilespmem:v28+s4+$0x0], $0xffff  }
0x443: {  	v17 =	vld.idx.msk [tilespmem:v39+s4+$0x0], $0xffff  }
0x444: {  	v31 =	vsub.f32 v33, v31;
	v28 =	vld.idx.msk [tilespmem:v34+s4+$0x0], $0xffff  }
0x445: {  	_ =	sdelay $0x3  }
0x446: {  	v0 =	vld.idx.msk [tilespmem:v29+s4+$0x0], $0xffff  }
0x447: {  	v26 =	vld.idx.msk [tilespmem:v26+s4+$0x0], $0xffff  }
0x448: {  	v22 =	vld.idx.msk [tilespmem:v22+s4+$0x0], $0xffff  }
0x449: {  	v16 =	vsub.f32 v16, v27;
	v49 =	vld.idx.msk [tilespmem:v32+s4+$0x0], $0xffff  }
0x44a: {  	v10 =	vadd.s32 $0xC000, v10;
	v52 =	vld [tilespmem:$0x1FFF0];
	v3 =	vsub.f32 v3, v5  }
0x44b: {  	v19 =	vld.idx.msk [tilespmem:v19+s4+$0x0], $0xffff;
	v1 =	vsub.f32 v1, v4;
	v16 =	vmul.f32 v16, v16  }
0x44c: {  	v15 =	vsub.f32 v15, v30;
	v3 =	vnsel vm0, $0x0, v3  }
0x44d: {  	v1 =	vnsel vm0, $0x0, v1;
	v16 =	vadd.f32 v16, v23;
	v14 =	vsub.f32 v28, v14  }
0x44e: {  	v55 =	vld.idx.msk [tilespmem:v18+s4+$0x0], $0xffff;
	v3 =	vmul.f32 v3, v3;
	v0 =	vsub.f32 v0, v25;
	v51 =	vsub.f32 v26, v24  }
0x44f: {  	v15 =	vmul.f32 v15, v15;
	v10 =	vld.idx.msk [tilespmem:v10+s4+$0x0], $0xffff;
	v12 =	vsub.f32 v22, v12;
	v2 =	vsub.f32 v52, v2  }
0x450: {  	v1 =	vmul.f32 v1, v1;
	v53 =	vsub.f32 v49, v13;
	v54 =	vsub.f32 v17, v19  }
0x451: {  	v15 =	vadd.f32 v15, v21;
	v12 =	vmul.f32 v12, v12;
	v2 =	vnsel vm0, $0x0, v2  }
0x452: {  	v3 =	vadd.f32 v3, v8;
	v1 =	vadd.f32 v1, v6;
	v2 =	vmul.f32 v2, v2  }
0x453: {  	v50 =	vmul.f32 v31, v31;
	v4 =	vsub.f32 v55, v11;
	v56 =	vadd.f32 v12, v15  }
0x454: {  	v57 =	vmul.f32 v54, v54;
	v9 =	vsub.f32 v10, v9;
	v2 =	vadd.f32 v2, v7  }
0x455: {  	v16 =	vadd.f32 v50, v16;
	v14 =	vmul.f32 v14, v14;
	v0 =	vmul.f32 v0, v0  }
0x456: {  	v59 =	vadd.f32 v57, v56;
	v9 =	vmul.f32 v9, v9;
	v2 =	vadd.f32 v3, v2  }
0x457: {  	v60 =	vmul.f32 v51, v51;
	v58 =	vadd.f32 v14, v20;
	v0 =	vadd.f32 v0, v16  }
0x458: {  	v5 =	vmul.f32 v53, v53;
	v61 =	vadd.f32 v9, v59;
	v1 =	vadd.f32 v1, v2  }
0x459: {  	v62 =	vadd.f32 v60, v58  }
0x45a: {  	v63 =	vmul.f32 v4, v4;
	v0 =	vadd.f32 v5, v0;
	v1 =	vadd.f32 v61, v1;
	_ =	sdelay $0x1  }
0x45b: {  	v2 =	vadd.f32 v63, v62;
	v0 =	vadd.f32 v0, v1;
	_ =	sdelay $0x1  }
0x45c: {  	s9 =	sadd.s32 $0x1, s9;
	v0 =	vadd.f32 v2, v0  }
0x45d: {  	p0 =	sne.s32 s9, s25  }
.Ltmp10:
0x45e: {  	s10 =	simm.s32 $0x1E000;
	[tilespmem:$0x1E000] =	vst v0;
	(pc) =	sbr.rel @p0 .LBB2_1-.Ltmp10, $4  }
0x45f: {  	[hbm4b:s23+s4] =	stream.linear.scatter [tilespmem:s10], [sflag:$0x4], $0x80, $0x38;
	[tilespmem:$0x1E080] =	vst v63  }
0x460: {  	_ =	swait.ge [sflag:s8], $0x80  }
0x461: {  	[sflag:s8] =	ssyncset.done $0x0  }
0x462: {  	[sflag:s8] =	ssyncadd.s32 $0xFFFFFF80  }
0x463: {  	_ =	sfence.sel $0x180000  }
0x464: {  	[bflag:$0x0] =	sbarrier.arrive $0xFFFF  }
0x465: {  	_ =	strace $0x90000047  }
0x466: {  	s0 =	stileid.u32;
	[bflag:$0x2] =	sbarrier.arrive $0xFFFF  }
0x467: {  	p0 =	sne.s32 s0, $0x0;
	s0 =	rddreg [dreg:$0x4]  }
0x468: {  	s0 =	sadd.s32 @!p0 $0x100000, s0  }
0x469: {  	[sflag:s0] =	ssyncadd.tile.s32 @!p0 $0x1;
	_ =	shalt  }
.Lfunc_end2:
_tile_overlayer_lowered:
.L_overlay_start_2:
0x46a: {  	(tag) =	ssettag $0x2  }
0x46b: {  	s0 =	rddreg [dreg:$0x0];
	s2 =	stileid.u32  }
0x46c: {  	s1 =	rddreg [dreg:$0x1];
	p0 =	sne.s32 s2, $0x0  }
0x46d: {  	s3 =	rddreg [dreg:$0x2];
	[bflag:$0x3] =	sbarrier.arrive $0xFFFF;
	s2 =	simm.s32 @!p0 $0x1C04  }
0x46e: {  	[timem:s3], [sflag:s2] =	dma.local @!p0 [hbm:s0], s1  }
0x46f: {  	s0 =	simm.s32 @!p0 $0x4  }
0x470: {  	_ =	swait.ge @!p0 [sflag:s0], s1  }
0x471: {  	s1 =	ssub.s32 @!p0 $0x0, s1;
	[sflag:s0] =	ssyncset.done @!p0 $0x0  }
0x472: {  	[sflag:s0] =	ssyncadd.s32 @!p0 s1  }
0x473: {  	[bflag:$0x3] =	sbarrier.arrive $0xFFFF  }
0x474: {  	_ =	shalt  }

</sc_bundles>
